<compile_context>
chip_gen: v7x
topology: tpu7x:2x2x1
jax: 0.10.2.dev20260603
libtpu: 0.0.44.dev20260713+nightly
codegen_flags: <defaults>
</compile_context>

<pallas_src>
import functools

import jax
import jax.numpy as jnp
from jax import lax
from jax.experimental import pallas as pl
from jax.experimental.pallas import tpu as pltpu
from jax.experimental.pallas import tpu_sc as plsc

NUM_POIS = 1000000
EMBED_DIM = 64
BATCH = 16384
HIST = 20

_B = BATCH * HIST
_NW = 32
_G = 128
_NR = _B // _G
_PER_W = _NR // _NW
_HB = BATCH // _G
_TC = 8192
_NBLK = -(-NUM_POIS // (2 * _TC))
_P = _NBLK * _TC


def _transpose_body(a_ref, b_ref, o_ref):
    o_ref[:, 0:EMBED_DIM] = a_ref[...].T
    o_ref[:, EMBED_DIM:128] = b_ref[...].T


def _make_transpose():
    return pl.pallas_call(
        _transpose_body,
        grid=(_NBLK,),
        in_specs=[
            pl.BlockSpec((EMBED_DIM, _TC), lambda g: (0, 2 * g)),
            pl.BlockSpec(
                (EMBED_DIM, _TC),
                lambda g: (0, jnp.minimum(2 * g + 1, 2 * _NBLK - 2))),
        ],
        out_specs=pl.BlockSpec((_TC, 128), lambda g: (g, 0)),
        out_shape=jax.ShapeDtypeStruct((_P, 128), jnp.float32),
    )


def _make_gather():
    mesh = plsc.VectorSubcoreMesh(core_axis_name="c", subcore_axis_name="s")

    @functools.partial(
        pl.kernel,
        mesh=mesh,
        out_type=jax.ShapeDtypeStruct((HIST * 8 * _HB, 8, _G), jnp.float32),
        compiler_params=pltpu.CompilerParams(
            use_tc_tiling_on_sc=False, needs_layout_passes=False),
        scratch_types=(
            [pltpu.VMEM((_PER_W, _G), jnp.int32)]
            + [pltpu.VMEM((_G, EMBED_DIM), jnp.float32)] * 4
            + [pltpu.VMEM((EMBED_DIM, _G), jnp.float32)] * 4
            + [pltpu.SemaphoreType.DMA] * 8
        ),
    )
    def gather_kernel(t2_hbm, idxp_hbm, out_hbm, idxp_v, *bs):
        bufs = bs[0:4]
        slabs = bs[4:8]
        gsem = bs[8:12]
        ssem = bs[12:16]
        wid = lax.axis_index("s") * 2 + lax.axis_index("c")
        r0 = wid * _PER_W
        pltpu.sync_copy(idxp_hbm.at[pl.ds(r0, _PER_W)], idxp_v)

        rows = [lax.iota(jnp.int32, 16) + (16 * g) for g in range(8)]

        def fire_gather(k, b):
            pltpu.async_copy(
                t2_hbm.at[idxp_v.at[k]], bufs[b], gsem[b])

        def wait_gather(k, b):
            pltpu.make_async_copy(
                t2_hbm.at[idxp_v.at[k]], bufs[b], gsem[b]).wait()

        def out_blk(k):
            r = r0 + k
            h = r // _HB
            bt = r - h * _HB
            return h * (8 * _HB) + bt

        def fire_stores(k, b):
            blk = out_blk(k)
            for dt in range(8):
                pltpu.async_copy(
                    slabs[b].at[pl.ds(dt * 8, 8)], out_hbm.at[blk + dt * _HB],
                    ssem[b])

        def wait_stores(k, b):
            blk = out_blk(k)
            for dt in range(8):
                pltpu.make_async_copy(
                    slabs[b].at[pl.ds(dt * 8, 8)], out_hbm.at[blk + dt * _HB],
                    ssem[b]).wait()

        def build_slab(k, b):
            @plsc.parallel_loop(0, EMBED_DIM, unroll=16)
            def dbody(d):
                dvec = rows[0] * 0 + d
                for g in range(8):
                    v = plsc.load_gather(bufs[b], [rows[g], dvec])
                    plsc.store_scatter(slabs[b], [dvec, rows[g]], v)

        for b in range(4):
            fire_gather(b, b)

        @pl.loop(0, _PER_W, step=4)
        def outer(t):
            for b in range(4):
                k = t + b
                wait_gather(k, b)

                @pl.when(k >= 4)
                def _():
                    wait_stores(k - 4, b)

                build_slab(k, b)
                fire_stores(k, b)

                @pl.when(k + 4 < _PER_W)
                def _():
                    fire_gather(k + 4, b)

        for b in range(4):
            wait_stores(_PER_W - 4 + b, b)

    return gather_kernel


_transpose = _make_transpose()
_gather = _make_gather()


def kernel(poi_ids, table):
    table_t = table.T
    t2 = _transpose(table_t, table_t)
    idx = poi_ids.T.reshape(_NR, _G).astype(jnp.int32)
    r = idx % (2 * _TC)
    idxp = (idx // (2 * _TC)) * _TC + (r % _TC)
    offs = (r // _TC) * EMBED_DIM
    t3 = t2.reshape(2 * _P, EMBED_DIM)
    hidx = idxp * 2 + offs // EMBED_DIM
    out3 = _gather(t3, hidx)
    out5 = out3.reshape(HIST, 8, _HB, 8, _G)
    return out5.transpose(2, 4, 0, 1, 3).reshape(BATCH, HIST, EMBED_DIM)

# --- scband reference (transcript-rebuilt; emitter-appended) ---
"""Pipeline reference for scband-poi-embeddings-12979391169233 (READ-ONLY COPY).

The authoritative reference and input builder live on the scoring server;
editing this copy changes nothing except your own understanding.
"""

import jax, jax.numpy as jnp
import numpy as np

NUM_POIS = 1000000
EMBED_DIM = 64
BATCH = 16384
HIST = 20


def setup_inputs(seed: int = 0) -> dict:
    key = jax.random.key(seed)
    k1, k2 = jax.random.split(key)
    # Embedding table (learned parameter). padding_idx=0 -> row 0 is zero.
    table = jax.random.normal(k1, (NUM_POIS, EMBED_DIM), dtype=jnp.float32)
    table = table.at[0].set(0.0)
    poi_ids = jax.random.randint(k2, (BATCH, HIST), 0, NUM_POIS)
    return {"poi_ids": poi_ids, "table": table}


def reference(poi_ids, table):
    # nn.Embedding forward: gather rows of the table by index.
    embed = jnp.take(table, poi_ids, axis=0)
    return embed

if __name__ == "__main__":
    import jax
    _d = setup_inputs()
    print(jax.jit(kernel)(*tuple(_d.values())))

</pallas_src>

<mosaic_0001>
#map = affine_map<(d0, d1) -> (0, 0)>
#map1 = affine_map<(d0, d1) -> (0, 0, 0)>
module attributes {stable_mosaic.version = 14 : i64} {
  func.func @gather_kernel(%arg0: i32, %arg1: i32, %arg2: memref<1015808x64xf32, #tpu.memory_space<hbm>>, %arg3: memref<2560x128xi32, #tpu.memory_space<hbm>>, %arg4: memref<20480x8x128xf32, #tpu.memory_space<hbm>>, %arg5: memref<80x128xi32, #tpu.memory_space<vmem>>, %arg6: memref<128x64xf32, #tpu.memory_space<vmem>>, %arg7: memref<128x64xf32, #tpu.memory_space<vmem>>, %arg8: memref<128x64xf32, #tpu.memory_space<vmem>>, %arg9: memref<128x64xf32, #tpu.memory_space<vmem>>, %arg10: memref<64x128xf32, #tpu.memory_space<vmem>>, %arg11: memref<64x128xf32, #tpu.memory_space<vmem>>, %arg12: memref<64x128xf32, #tpu.memory_space<vmem>>, %arg13: memref<64x128xf32, #tpu.memory_space<vmem>>, %arg14: memref<!tpu.dma_semaphore, #tpu.memory_space<semaphore_mem>>, %arg15: memref<!tpu.dma_semaphore, #tpu.memory_space<semaphore_mem>>, %arg16: memref<!tpu.dma_semaphore, #tpu.memory_space<semaphore_mem>>, %arg17: memref<!tpu.dma_semaphore, #tpu.memory_space<semaphore_mem>>, %arg18: memref<!tpu.dma_semaphore, #tpu.memory_space<semaphore_mem>>, %arg19: memref<!tpu.dma_semaphore, #tpu.memory_space<semaphore_mem>>, %arg20: memref<!tpu.dma_semaphore, #tpu.memory_space<semaphore_mem>>, %arg21: memref<!tpu.dma_semaphore, #tpu.memory_space<semaphore_mem>>) attributes {dimension_semantics = [#tpu.dimension_semantics<core_parallel>, #tpu.dimension_semantics<subcore_parallel>], iteration_bounds = array<i64: 2, 16>, scalar_prefetch = 0 : i64, scratch_operands = 17 : i64, tpu.core_type = #tpu.core_type<sc_vector_subcore>, window_params = [{transform_indices = #map}, {transform_indices = #map}, {transform_indices = #map1}]} {
    %mul3A = arith.constant 2 : i32
    %mul3A_0 = arith.muli %arg1, %mul3A : i32
    %add3A = arith.addi %mul3A_0, %arg0 : i32
    %mul3A_1 = arith.constant 80 : i32
    %mul3A_2 = arith.muli %add3A, %mul3A_1 : i32
    "tpu.region"() ({
      %run_scoped3A = tpu.sem_alloc : memref<!tpu.dma_semaphore, #tpu.memory_space<semaphore_mem>>
      %dma_start3A_696 = arith.constant 0 : i32
      %dma_start3A_697 = tpu.memref_slice %arg3[%mul3A_2, %dma_start3A_696] : memref<2560x128xi32, #tpu.memory_space<hbm>> -> memref<80x128xi32, #tpu.memory_space<hbm>>
      %dma_start3A_698 = arith.constant 0 : i32
      %dma_start3A_699 = tpu.memref_slice %arg3[%mul3A_2, %dma_start3A_698] : memref<2560x128xi32, #tpu.memory_space<hbm>> -> memref<80x128xi32, #tpu.memory_space<hbm>>
      tpu.enqueue_dma source(%dma_start3A_699 : memref<80x128xi32, #tpu.memory_space<hbm>>) target(%arg5 : memref<80x128xi32, #tpu.memory_space<vmem>>) target_semaphore(%run_scoped3A : memref<!tpu.dma_semaphore, #tpu.memory_space<semaphore_mem>>)
      %dma_wait3A_700 = arith.constant 0 : i32
      %dma_wait3A_701 = tpu.memref_slice %arg3[%mul3A_2, %dma_wait3A_700] : memref<2560x128xi32, #tpu.memory_space<hbm>> -> memref<80x128xi32, #tpu.memory_space<hbm>>
      %dma_wait3A_702 = arith.constant 0 : i32
      %dma_wait3A_703 = tpu.memref_slice %arg3[%mul3A_2, %dma_wait3A_702] : memref<2560x128xi32, #tpu.memory_space<hbm>> -> memref<80x128xi32, #tpu.memory_space<hbm>>
      tpu.wait_dma2 semaphore(%run_scoped3A : memref<!tpu.dma_semaphore, #tpu.memory_space<semaphore_mem>>) src(%dma_wait3A_703 : memref<80x128xi32, #tpu.memory_space<hbm>>) dst(%arg5 : memref<80x128xi32, #tpu.memory_space<vmem>>)
      tpu.yield
    }) : () -> ()
    %iota3A = tpu.iota {dimensions = array<i32: 0>} : vector<16xi32>
    %add3A_3 = arith.constant 0 : i32
    %add3A_4 = vector.broadcast %add3A_3 : i32 to vector<16xi32>
    %add3A_5 = arith.addi %iota3A, %add3A_4 : vector<16xi32>
    %iota3A_6 = tpu.iota {dimensions = array<i32: 0>} : vector<16xi32>
    %add3A_7 = arith.constant 16 : i32
    %add3A_8 = vector.broadcast %add3A_7 : i32 to vector<16xi32>
    %add3A_9 = arith.addi %iota3A_6, %add3A_8 : vector<16xi32>
    %iota3A_10 = tpu.iota {dimensions = array<i32: 0>} : vector<16xi32>
    %add3A_11 = arith.constant 32 : i32
    %add3A_12 = vector.broadcast %add3A_11 : i32 to vector<16xi32>
    %add3A_13 = arith.addi %iota3A_10, %add3A_12 : vector<16xi32>
    %iota3A_14 = tpu.iota {dimensions = array<i32: 0>} : vector<16xi32>
    %add3A_15 = arith.constant 48 : i32
    %add3A_16 = vector.broadcast %add3A_15 : i32 to vector<16xi32>
    %add3A_17 = arith.addi %iota3A_14, %add3A_16 : vector<16xi32>
    %iota3A_18 = tpu.iota {dimensions = array<i32: 0>} : vector<16xi32>
    %add3A_19 = arith.constant 64 : i32
    %add3A_20 = vector.broadcast %add3A_19 : i32 to vector<16xi32>
    %add3A_21 = arith.addi %iota3A_18, %add3A_20 : vector<16xi32>
    %iota3A_22 = tpu.iota {dimensions = array<i32: 0>} : vector<16xi32>
    %add3A_23 = arith.constant 80 : i32
    %add3A_24 = vector.broadcast %add3A_23 : i32 to vector<16xi32>
    %add3A_25 = arith.addi %iota3A_22, %add3A_24 : vector<16xi32>
    %iota3A_26 = tpu.iota {dimensions = array<i32: 0>} : vector<16xi32>
    %add3A_27 = arith.constant 96 : i32
    %add3A_28 = vector.broadcast %add3A_27 : i32 to vector<16xi32>
    %add3A_29 = arith.addi %iota3A_26, %add3A_28 : vector<16xi32>
    %iota3A_30 = tpu.iota {dimensions = array<i32: 0>} : vector<16xi32>
    %add3A_31 = arith.constant 112 : i32
    %add3A_32 = vector.broadcast %add3A_31 : i32 to vector<16xi32>
    %add3A_33 = arith.addi %iota3A_30, %add3A_32 : vector<16xi32>
    %dma_start3A = arith.constant 0 : i32
    %dma_start3A_34 = arith.constant 0 : i32
    %dma_start3A_35 = tpu.memref_slice %arg5[%dma_start3A, %dma_start3A_34] : memref<80x128xi32, #tpu.memory_space<vmem>> -> memref<1x128xi32, #tpu.memory_space<vmem>>
    %dma_start3A_36 = tpu.memref_squeeze %dma_start3A_35 : memref<1x128xi32, #tpu.memory_space<vmem>> -> memref<128xi32, #tpu.memory_space<vmem>>
    %dma_start3A_37 = arith.constant 0 : i32
    %dma_start3A_38 = arith.constant 0 : i32
    %dma_start3A_39 = tpu.memref_slice %arg2[%dma_start3A_37, %dma_start3A_38] : memref<1015808x64xf32, #tpu.memory_space<hbm>> -> memref<1015808x64xf32, #tpu.memory_space<hbm>>
    tpu.enqueue_indirect_dma source(%dma_start3A_39 : memref<1015808x64xf32, #tpu.memory_space<hbm>>) target(%arg6 : memref<128x64xf32, #tpu.memory_space<vmem>>) offsets(%dma_start3A_36 : memref<128xi32, #tpu.memory_space<vmem>>) semaphore(%arg14 : memref<!tpu.dma_semaphore, #tpu.memory_space<semaphore_mem>>)
    %dma_start3A_40 = arith.constant 1 : i32
    %dma_start3A_41 = arith.constant 0 : i32
    %dma_start3A_42 = tpu.memref_slice %arg5[%dma_start3A_40, %dma_start3A_41] : memref<80x128xi32, #tpu.memory_space<vmem>> -> memref<1x128xi32, #tpu.memory_space<vmem>>
    %dma_start3A_43 = tpu.memref_squeeze %dma_start3A_42 : memref<1x128xi32, #tpu.memory_space<vmem>> -> memref<128xi32, #tpu.memory_space<vmem>>
    %dma_start3A_44 = arith.constant 0 : i32
    %dma_start3A_45 = arith.constant 0 : i32
    %dma_start3A_46 = tpu.memref_slice %arg2[%dma_start3A_44, %dma_start3A_45] : memref<1015808x64xf32, #tpu.memory_space<hbm>> -> memref<1015808x64xf32, #tpu.memory_space<hbm>>
    tpu.enqueue_indirect_dma source(%dma_start3A_46 : memref<1015808x64xf32, #tpu.memory_space<hbm>>) target(%arg7 : memref<128x64xf32, #tpu.memory_space<vmem>>) offsets(%dma_start3A_43 : memref<128xi32, #tpu.memory_space<vmem>>) semaphore(%arg15 : memref<!tpu.dma_semaphore, #tpu.memory_space<semaphore_mem>>)
    %dma_start3A_47 = arith.constant 2 : i32
    %dma_start3A_48 = arith.constant 0 : i32
    %dma_start3A_49 = tpu.memref_slice %arg5[%dma_start3A_47, %dma_start3A_48] : memref<80x128xi32, #tpu.memory_space<vmem>> -> memref<1x128xi32, #tpu.memory_space<vmem>>
    %dma_start3A_50 = tpu.memref_squeeze %dma_start3A_49 : memref<1x128xi32, #tpu.memory_space<vmem>> -> memref<128xi32, #tpu.memory_space<vmem>>
    %dma_start3A_51 = arith.constant 0 : i32
    %dma_start3A_52 = arith.constant 0 : i32
    %dma_start3A_53 = tpu.memref_slice %arg2[%dma_start3A_51, %dma_start3A_52] : memref<1015808x64xf32, #tpu.memory_space<hbm>> -> memref<1015808x64xf32, #tpu.memory_space<hbm>>
    tpu.enqueue_indirect_dma source(%dma_start3A_53 : memref<1015808x64xf32, #tpu.memory_space<hbm>>) target(%arg8 : memref<128x64xf32, #tpu.memory_space<vmem>>) offsets(%dma_start3A_50 : memref<128xi32, #tpu.memory_space<vmem>>) semaphore(%arg16 : memref<!tpu.dma_semaphore, #tpu.memory_space<semaphore_mem>>)
    %dma_start3A_54 = arith.constant 3 : i32
    %dma_start3A_55 = arith.constant 0 : i32
    %dma_start3A_56 = tpu.memref_slice %arg5[%dma_start3A_54, %dma_start3A_55] : memref<80x128xi32, #tpu.memory_space<vmem>> -> memref<1x128xi32, #tpu.memory_space<vmem>>
    %dma_start3A_57 = tpu.memref_squeeze %dma_start3A_56 : memref<1x128xi32, #tpu.memory_space<vmem>> -> memref<128xi32, #tpu.memory_space<vmem>>
    %dma_start3A_58 = arith.constant 0 : i32
    %dma_start3A_59 = arith.constant 0 : i32
    %dma_start3A_60 = tpu.memref_slice %arg2[%dma_start3A_58, %dma_start3A_59] : memref<1015808x64xf32, #tpu.memory_space<hbm>> -> memref<1015808x64xf32, #tpu.memory_space<hbm>>
    tpu.enqueue_indirect_dma source(%dma_start3A_60 : memref<1015808x64xf32, #tpu.memory_space<hbm>>) target(%arg9 : memref<128x64xf32, #tpu.memory_space<vmem>>) offsets(%dma_start3A_57 : memref<128xi32, #tpu.memory_space<vmem>>) semaphore(%arg17 : memref<!tpu.dma_semaphore, #tpu.memory_space<semaphore_mem>>)
    %scan3A = arith.constant 0 : i32
    %scan3A_61 = arith.constant 20 : i32
    %scan3A_62 = arith.addi %scan3A, %scan3A_61 : i32
    %scan3A_63 = arith.constant 1 : i32
    scf.for %scan3A_696 = %scan3A to %scan3A_62 step %scan3A_63  : i32 {
      %mul3A_697 = arith.constant 4 : i32
      %mul3A_698 = arith.muli %scan3A_696, %mul3A_697 : i32
      %add3A_699 = arith.constant 0 : i32
      %add3A_700 = arith.addi %add3A_699, %mul3A_698 : i32
      %add3A_701 = arith.constant 0 : i32
      %add3A_702 = arith.addi %add3A_700, %add3A_701 : i32
      %dma_wait3A_703 = arith.constant 0 : i32
      %dma_wait3A_704 = tpu.memref_slice %arg5[%add3A_702, %dma_wait3A_703] : memref<80x128xi32, #tpu.memory_space<vmem>> -> memref<1x128xi32, #tpu.memory_space<vmem>>
      %dma_wait3A_705 = tpu.memref_squeeze %dma_wait3A_704 : memref<1x128xi32, #tpu.memory_space<vmem>> -> memref<128xi32, #tpu.memory_space<vmem>>
      %dma_wait3A_706 = arith.constant 0 : i32
      %dma_wait3A_707 = arith.constant 0 : i32
      %dma_wait3A_708 = tpu.memref_slice %arg2[%dma_wait3A_706, %dma_wait3A_707] : memref<1015808x64xf32, #tpu.memory_space<hbm>> -> memref<1015808x64xf32, #tpu.memory_space<hbm>>
      tpu.wait_indirect_dma semaphore(%arg14 : memref<!tpu.dma_semaphore, #tpu.memory_space<semaphore_mem>>) src(%dma_wait3A_708 : memref<1015808x64xf32, #tpu.memory_space<hbm>>) dst(%arg6 : memref<128x64xf32, #tpu.memory_space<vmem>>)
      %ge3A = arith.constant 4 : i32
      %ge3A_709 = arith.cmpi sge, %add3A_702, %ge3A : i32
      %convert_element_type3A = arith.extui %ge3A_709 : i1 to i32
      %cond3A = arith.constant 0 : i32
      %cond3A_710 = arith.cmpi ne, %convert_element_type3A, %cond3A : i32
      scf.if %cond3A_710 {
        %sub3A_1424 = arith.constant 4 : i32
        %sub3A_1425 = arith.subi %add3A_702, %sub3A_1424 : i32
        %add3A_1426 = arith.addi %mul3A_2, %sub3A_1425 : i32
        %jit3A_1427 = arith.constant 128 : i32
        %div3A_1428 = arith.divsi %add3A_1426, %jit3A_1427 : i32
        %sign3A_1429 = arith.constant 0 : i32
        %sign3A_1430 = arith.cmpi sgt, %add3A_1426, %sign3A_1429 : i32
        %sign3A_1431 = arith.extui %sign3A_1430 : i1 to i32
        %sign3A_1432 = arith.constant 0 : i32
        %sign3A_1433 = arith.cmpi slt, %add3A_1426, %sign3A_1432 : i32
        %sign3A_1434 = arith.extui %sign3A_1433 : i1 to i32
        %sign3A_1435 = arith.subi %sign3A_1431, %sign3A_1434 : i32
        %sign3A_1436 = arith.constant 0 : i32
        %sign3A_1437 = arith.cmpi sgt, %jit3A_1427, %sign3A_1436 : i32
        %sign3A_1438 = arith.extui %sign3A_1437 : i1 to i32
        %sign3A_1439 = arith.constant 0 : i32
        %sign3A_1440 = arith.cmpi slt, %jit3A_1427, %sign3A_1439 : i32
        %sign3A_1441 = arith.extui %sign3A_1440 : i1 to i32
        %sign3A_1442 = arith.subi %sign3A_1438, %sign3A_1441 : i32
        %ne3A_1443 = arith.cmpi ne, %sign3A_1435, %sign3A_1442 : i32
        %rem3A_1444 = arith.remsi %add3A_1426, %jit3A_1427 : i32
        %ne3A_1445 = arith.constant 0 : i32
        %ne3A_1446 = arith.cmpi ne, %rem3A_1444, %ne3A_1445 : i32
        %and3A_1447 = arith.andi %ne3A_1443, %ne3A_1446 : i1
        %sub3A_1448 = arith.constant 1 : i32
        %sub3A_1449 = arith.subi %div3A_1428, %sub3A_1448 : i32
        %select_n3A_1450 = arith.select %and3A_1447, %sub3A_1449, %div3A_1428 : i32
        %mul3A_1451 = arith.constant 128 : i32
        %mul3A_1452 = arith.muli %select_n3A_1450, %mul3A_1451 : i32
        %sub3A_1453 = arith.subi %add3A_1426, %mul3A_1452 : i32
        %mul3A_1454 = arith.constant 1024 : i32
        %mul3A_1455 = arith.muli %select_n3A_1450, %mul3A_1454 : i32
        %add3A_1456 = arith.addi %mul3A_1455, %sub3A_1453 : i32
        %add3A_1457 = arith.constant 0 : i32
        %add3A_1458 = arith.addi %add3A_1456, %add3A_1457 : i32
        %dma_wait3A_1459 = arith.constant 0 : i32
        %dma_wait3A_1460 = arith.constant 0 : i32
        %dma_wait3A_1461 = tpu.memref_slice %arg10[%dma_wait3A_1459, %dma_wait3A_1460] : memref<64x128xf32, #tpu.memory_space<vmem>> -> memref<8x128xf32, #tpu.memory_space<vmem>>
        %dma_wait3A_1462 = arith.constant 0 : i32
        %dma_wait3A_1463 = arith.constant 0 : i32
        %dma_wait3A_1464 = tpu.memref_slice %arg4[%add3A_1458, %dma_wait3A_1462, %dma_wait3A_1463] : memref<20480x8x128xf32, #tpu.memory_space<hbm>> -> memref<1x8x128xf32, #tpu.memory_space<hbm>>
        %dma_wait3A_1465 = tpu.memref_squeeze %dma_wait3A_1464 : memref<1x8x128xf32, #tpu.memory_space<hbm>> -> memref<8x128xf32, #tpu.memory_space<hbm>>
        %dma_wait3A_1466 = arith.constant 0 : i32
        %dma_wait3A_1467 = arith.constant 0 : i32
        %dma_wait3A_1468 = tpu.memref_slice %arg4[%add3A_1458, %dma_wait3A_1466, %dma_wait3A_1467] : memref<20480x8x128xf32, #tpu.memory_space<hbm>> -> memref<1x8x128xf32, #tpu.memory_space<hbm>>
        %dma_wait3A_1469 = tpu.memref_squeeze %dma_wait3A_1468 : memref<1x8x128xf32, #tpu.memory_space<hbm>> -> memref<8x128xf32, #tpu.memory_space<hbm>>
        %dma_wait3A_1470 = arith.constant 0 : i32
        %dma_wait3A_1471 = arith.constant 0 : i32
        %dma_wait3A_1472 = tpu.memref_slice %arg10[%dma_wait3A_1470, %dma_wait3A_1471] : memref<64x128xf32, #tpu.memory_space<vmem>> -> memref<8x128xf32, #tpu.memory_space<vmem>>
        tpu.wait_dma2 semaphore(%arg18 : memref<!tpu.dma_semaphore, #tpu.memory_space<semaphore_mem>>) src(%dma_wait3A_1472 : memref<8x128xf32, #tpu.memory_space<vmem>>) dst(%dma_wait3A_1469 : memref<8x128xf32, #tpu.memory_space<hbm>>)
        %add3A_1473 = arith.constant 128 : i32
        %add3A_1474 = arith.addi %add3A_1456, %add3A_1473 : i32
        %dma_wait3A_1475 = arith.constant 8 : i32
        %dma_wait3A_1476 = arith.constant 0 : i32
        %dma_wait3A_1477 = tpu.memref_slice %arg10[%dma_wait3A_1475, %dma_wait3A_1476] : memref<64x128xf32, #tpu.memory_space<vmem>> -> memref<8x128xf32, #tpu.memory_space<vmem>>
        %dma_wait3A_1478 = arith.constant 0 : i32
        %dma_wait3A_1479 = arith.constant 0 : i32
        %dma_wait3A_1480 = tpu.memref_slice %arg4[%add3A_1474, %dma_wait3A_1478, %dma_wait3A_1479] : memref<20480x8x128xf32, #tpu.memory_space<hbm>> -> memref<1x8x128xf32, #tpu.memory_space<hbm>>
        %dma_wait3A_1481 = tpu.memref_squeeze %dma_wait3A_1480 : memref<1x8x128xf32, #tpu.memory_space<hbm>> -> memref<8x128xf32, #tpu.memory_space<hbm>>
        %dma_wait3A_1482 = arith.constant 0 : i32
        %dma_wait3A_1483 = arith.constant 0 : i32
        %dma_wait3A_1484 = tpu.memref_slice %arg4[%add3A_1474, %dma_wait3A_1482, %dma_wait3A_1483] : memref<20480x8x128xf32, #tpu.memory_space<hbm>> -> memref<1x8x128xf32, #tpu.memory_space<hbm>>
        %dma_wait3A_1485 = tpu.memref_squeeze %dma_wait3A_1484 : memref<1x8x128xf32, #tpu.memory_space<hbm>> -> memref<8x128xf32, #tpu.memory_space<hbm>>
        %dma_wait3A_1486 = arith.constant 8 : i32
        %dma_wait3A_1487 = arith.constant 0 : i32
        %dma_wait3A_1488 = tpu.memref_slice %arg10[%dma_wait3A_1486, %dma_wait3A_1487] : memref<64x128xf32, #tpu.memory_space<vmem>> -> memref<8x128xf32, #tpu.memory_space<vmem>>
        tpu.wait_dma2 semaphore(%arg18 : memref<!tpu.dma_semaphore, #tpu.memory_space<semaphore_mem>>) src(%dma_wait3A_1488 : memref<8x128xf32, #tpu.memory_space<vmem>>) dst(%dma_wait3A_1485 : memref<8x128xf32, #tpu.memory_space<hbm>>)
        %add3A_1489 = arith.constant 256 : i32
        %add3A_1490 = arith.addi %add3A_1456, %add3A_1489 : i32
        %dma_wait3A_1491 = arith.constant 16 : i32
        %dma_wait3A_1492 = arith.constant 0 : i32
        %dma_wait3A_1493 = tpu.memref_slice %arg10[%dma_wait3A_1491, %dma_wait3A_1492] : memref<64x128xf32, #tpu.memory_space<vmem>> -> memref<8x128xf32, #tpu.memory_space<vmem>>
        %dma_wait3A_1494 = arith.constant 0 : i32
        %dma_wait3A_1495 = arith.constant 0 : i32
        %dma_wait3A_1496 = tpu.memref_slice %arg4[%add3A_1490, %dma_wait3A_1494, %dma_wait3A_1495] : memref<20480x8x128xf32, #tpu.memory_space<hbm>> -> memref<1x8x128xf32, #tpu.memory_space<hbm>>
        %dma_wait3A_1497 = tpu.memref_squeeze %dma_wait3A_1496 : memref<1x8x128xf32, #tpu.memory_space<hbm>> -> memref<8x128xf32, #tpu.memory_space<hbm>>
        %dma_wait3A_1498 = arith.constant 0 : i32
        %dma_wait3A_1499 = arith.constant 0 : i32
        %dma_wait3A_1500 = tpu.memref_slice %arg4[%add3A_1490, %dma_wait3A_1498, %dma_wait3A_1499] : memref<20480x8x128xf32, #tpu.memory_space<hbm>> -> memref<1x8x128xf32, #tpu.memory_space<hbm>>
        %dma_wait3A_1501 = tpu.memref_squeeze %dma_wait3A_1500 : memref<1x8x128xf32, #tpu.memory_space<hbm>> -> memref<8x128xf32, #tpu.memory_space<hbm>>
        %dma_wait3A_1502 = arith.constant 16 : i32
        %dma_wait3A_1503 = arith.constant 0 : i32
        %dma_wait3A_1504 = tpu.memref_slice %arg10[%dma_wait3A_1502, %dma_wait3A_1503] : memref<64x128xf32, #tpu.memory_space<vmem>> -> memref<8x128xf32, #tpu.memory_space<vmem>>
        tpu.wait_dma2 semaphore(%arg18 : memref<!tpu.dma_semaphore, #tpu.memory_space<semaphore_mem>>) src(%dma_wait3A_1504 : memref<8x128xf32, #tpu.memory_space<vmem>>) dst(%dma_wait3A_1501 : memref<8x128xf32, #tpu.memory_space<hbm>>)
        %add3A_1505 = arith.constant 384 : i32
        %add3A_1506 = arith.addi %add3A_1456, %add3A_1505 : i32
        %dma_wait3A_1507 = arith.constant 24 : i32
        %dma_wait3A_1508 = arith.constant 0 : i32
        %dma_wait3A_1509 = tpu.memref_slice %arg10[%dma_wait3A_1507, %dma_wait3A_1508] : memref<64x128xf32, #tpu.memory_space<vmem>> -> memref<8x128xf32, #tpu.memory_space<vmem>>
        %dma_wait3A_1510 = arith.constant 0 : i32
        %dma_wait3A_1511 = arith.constant 0 : i32
        %dma_wait3A_1512 = tpu.memref_slice %arg4[%add3A_1506, %dma_wait3A_1510, %dma_wait3A_1511] : memref<20480x8x128xf32, #tpu.memory_space<hbm>> -> memref<1x8x128xf32, #tpu.memory_space<hbm>>
        %dma_wait3A_1513 = tpu.memref_squeeze %dma_wait3A_1512 : memref<1x8x128xf32, #tpu.memory_space<hbm>> -> memref<8x128xf32, #tpu.memory_space<hbm>>
        %dma_wait3A_1514 = arith.constant 0 : i32
        %dma_wait3A_1515 = arith.constant 0 : i32
        %dma_wait3A_1516 = tpu.memref_slice %arg4[%add3A_1506, %dma_wait3A_1514, %dma_wait3A_1515] : memref<20480x8x128xf32, #tpu.memory_space<hbm>> -> memref<1x8x128xf32, #tpu.memory_space<hbm>>
        %dma_wait3A_1517 = tpu.memref_squeeze %dma_wait3A_1516 : memref<1x8x128xf32, #tpu.memory_space<hbm>> -> memref<8x128xf32, #tpu.memory_space<hbm>>
        %dma_wait3A_1518 = arith.constant 24 : i32
        %dma_wait3A_1519 = arith.constant 0 : i32
        %dma_wait3A_1520 = tpu.memref_slice %arg10[%dma_wait3A_1518, %dma_wait3A_1519] : memref<64x128xf32, #tpu.memory_space<vmem>> -> memref<8x128xf32, #tpu.memory_space<vmem>>
        tpu.wait_dma2 semaphore(%arg18 : memref<!tpu.dma_semaphore, #tpu.memory_space<semaphore_mem>>) src(%dma_wait3A_1520 : memref<8x128xf32, #tpu.memory_space<vmem>>) dst(%dma_wait3A_1517 : memref<8x128xf32, #tpu.memory_space<hbm>>)
        %add3A_1521 = arith.constant 512 : i32
        %add3A_1522 = arith.addi %add3A_1456, %add3A_1521 : i32
        %dma_wait3A_1523 = arith.constant 32 : i32
        %dma_wait3A_1524 = arith.constant 0 : i32
        %dma_wait3A_1525 = tpu.memref_slice %arg10[%dma_wait3A_1523, %dma_wait3A_1524] : memref<64x128xf32, #tpu.memory_space<vmem>> -> memref<8x128xf32, #tpu.memory_space<vmem>>
        %dma_wait3A_1526 = arith.constant 0 : i32
        %dma_wait3A_1527 = arith.constant 0 : i32
        %dma_wait3A_1528 = tpu.memref_slice %arg4[%add3A_1522, %dma_wait3A_1526, %dma_wait3A_1527] : memref<20480x8x128xf32, #tpu.memory_space<hbm>> -> memref<1x8x128xf32, #tpu.memory_space<hbm>>
        %dma_wait3A_1529 = tpu.memref_squeeze %dma_wait3A_1528 : memref<1x8x128xf32, #tpu.memory_space<hbm>> -> memref<8x128xf32, #tpu.memory_space<hbm>>
        %dma_wait3A_1530 = arith.constant 0 : i32
        %dma_wait3A_1531 = arith.constant 0 : i32
        %dma_wait3A_1532 = tpu.memref_slice %arg4[%add3A_1522, %dma_wait3A_1530, %dma_wait3A_1531] : memref<20480x8x128xf32, #tpu.memory_space<hbm>> -> memref<1x8x128xf32, #tpu.memory_space<hbm>>
        %dma_wait3A_1533 = tpu.memref_squeeze %dma_wait3A_1532 : memref<1x8x128xf32, #tpu.memory_space<hbm>> -> memref<8x128xf32, #tpu.memory_space<hbm>>
        %dma_wait3A_1534 = arith.constant 32 : i32
        %dma_wait3A_1535 = arith.constant 0 : i32
        %dma_wait3A_1536 = tpu.memref_slice %arg10[%dma_wait3A_1534, %dma_wait3A_1535] : memref<64x128xf32, #tpu.memory_space<vmem>> -> memref<8x128xf32, #tpu.memory_space<vmem>>
        tpu.wait_dma2 semaphore(%arg18 : memref<!tpu.dma_semaphore, #tpu.memory_space<semaphore_mem>>) src(%dma_wait3A_1536 : memref<8x128xf32, #tpu.memory_space<vmem>>) dst(%dma_wait3A_1533 : memref<8x128xf32, #tpu.memory_space<hbm>>)
        %add3A_1537 = arith.constant 640 : i32
        %add3A_1538 = arith.addi %add3A_1456, %add3A_1537 : i32
        %dma_wait3A_1539 = arith.constant 40 : i32
        %dma_wait3A_1540 = arith.constant 0 : i32
        %dma_wait3A_1541 = tpu.memref_slice %arg10[%dma_wait3A_1539, %dma_wait3A_1540] : memref<64x128xf32, #tpu.memory_space<vmem>> -> memref<8x128xf32, #tpu.memory_space<vmem>>
        %dma_wait3A_1542 = arith.constant 0 : i32
        %dma_wait3A_1543 = arith.constant 0 : i32
        %dma_wait3A_1544 = tpu.memref_slice %arg4[%add3A_1538, %dma_wait3A_1542, %dma_wait3A_1543] : memref<20480x8x128xf32, #tpu.memory_space<hbm>> -> memref<1x8x128xf32, #tpu.memory_space<hbm>>
        %dma_wait3A_1545 = tpu.memref_squeeze %dma_wait3A_1544 : memref<1x8x128xf32, #tpu.memory_space<hbm>> -> memref<8x128xf32, #tpu.memory_space<hbm>>
        %dma_wait3A_1546 = arith.constant 0 : i32
        %dma_wait3A_1547 = arith.constant 0 : i32
        %dma_wait3A_1548 = tpu.memref_slice %arg4[%add3A_1538, %dma_wait3A_1546, %dma_wait3A_1547] : memref<20480x8x128xf32, #tpu.memory_space<hbm>> -> memref<1x8x128xf32, #tpu.memory_space<hbm>>
        %dma_wait3A_1549 = tpu.memref_squeeze %dma_wait3A_1548 : memref<1x8x128xf32, #tpu.memory_space<hbm>> -> memref<8x128xf32, #tpu.memory_space<hbm>>
        %dma_wait3A_1550 = arith.constant 40 : i32
        %dma_wait3A_1551 = arith.constant 0 : i32
        %dma_wait3A_1552 = tpu.memref_slice %arg10[%dma_wait3A_1550, %dma_wait3A_1551] : memref<64x128xf32, #tpu.memory_space<vmem>> -> memref<8x128xf32, #tpu.memory_space<vmem>>
        tpu.wait_dma2 semaphore(%arg18 : memref<!tpu.dma_semaphore, #tpu.memory_space<semaphore_mem>>) src(%dma_wait3A_1552 : memref<8x128xf32, #tpu.memory_space<vmem>>) dst(%dma_wait3A_1549 : memref<8x128xf32, #tpu.memory_space<hbm>>)
        %add3A_1553 = arith.constant 768 : i32
        %add3A_1554 = arith.addi %add3A_1456, %add3A_1553 : i32
        %dma_wait3A_1555 = arith.constant 48 : i32
        %dma_wait3A_1556 = arith.constant 0 : i32
        %dma_wait3A_1557 = tpu.memref_slice %arg10[%dma_wait3A_1555, %dma_wait3A_1556] : memref<64x128xf32, #tpu.memory_space<vmem>> -> memref<8x128xf32, #tpu.memory_space<vmem>>
        %dma_wait3A_1558 = arith.constant 0 : i32
        %dma_wait3A_1559 = arith.constant 0 : i32
        %dma_wait3A_1560 = tpu.memref_slice %arg4[%add3A_1554, %dma_wait3A_1558, %dma_wait3A_1559] : memref<20480x8x128xf32, #tpu.memory_space<hbm>> -> memref<1x8x128xf32, #tpu.memory_space<hbm>>
        %dma_wait3A_1561 = tpu.memref_squeeze %dma_wait3A_1560 : memref<1x8x128xf32, #tpu.memory_space<hbm>> -> memref<8x128xf32, #tpu.memory_space<hbm>>
        %dma_wait3A_1562 = arith.constant 0 : i32
        %dma_wait3A_1563 = arith.constant 0 : i32
        %dma_wait3A_1564 = tpu.memref_slice %arg4[%add3A_1554, %dma_wait3A_1562, %dma_wait3A_1563] : memref<20480x8x128xf32, #tpu.memory_space<hbm>> -> memref<1x8x128xf32, #tpu.memory_space<hbm>>
        %dma_wait3A_1565 = tpu.memref_squeeze %dma_wait3A_1564 : memref<1x8x128xf32, #tpu.memory_space<hbm>> -> memref<8x128xf32, #tpu.memory_space<hbm>>
        %dma_wait3A_1566 = arith.constant 48 : i32
        %dma_wait3A_1567 = arith.constant 0 : i32
        %dma_wait3A_1568 = tpu.memref_slice %arg10[%dma_wait3A_1566, %dma_wait3A_1567] : memref<64x128xf32, #tpu.memory_space<vmem>> -> memref<8x128xf32, #tpu.memory_space<vmem>>
        tpu.wait_dma2 semaphore(%arg18 : memref<!tpu.dma_semaphore, #tpu.memory_space<semaphore_mem>>) src(%dma_wait3A_1568 : memref<8x128xf32, #tpu.memory_space<vmem>>) dst(%dma_wait3A_1565 : memref<8x128xf32, #tpu.memory_space<hbm>>)
        %add3A_1569 = arith.constant 896 : i32
        %add3A_1570 = arith.addi %add3A_1456, %add3A_1569 : i32
        %dma_wait3A_1571 = arith.constant 56 : i32
        %dma_wait3A_1572 = arith.constant 0 : i32
        %dma_wait3A_1573 = tpu.memref_slice %arg10[%dma_wait3A_1571, %dma_wait3A_1572] : memref<64x128xf32, #tpu.memory_space<vmem>> -> memref<8x128xf32, #tpu.memory_space<vmem>>
        %dma_wait3A_1574 = arith.constant 0 : i32
        %dma_wait3A_1575 = arith.constant 0 : i32
        %dma_wait3A_1576 = tpu.memref_slice %arg4[%add3A_1570, %dma_wait3A_1574, %dma_wait3A_1575] : memref<20480x8x128xf32, #tpu.memory_space<hbm>> -> memref<1x8x128xf32, #tpu.memory_space<hbm>>
        %dma_wait3A_1577 = tpu.memref_squeeze %dma_wait3A_1576 : memref<1x8x128xf32, #tpu.memory_space<hbm>> -> memref<8x128xf32, #tpu.memory_space<hbm>>
        %dma_wait3A_1578 = arith.constant 0 : i32
        %dma_wait3A_1579 = arith.constant 0 : i32
        %dma_wait3A_1580 = tpu.memref_slice %arg4[%add3A_1570, %dma_wait3A_1578, %dma_wait3A_1579] : memref<20480x8x128xf32, #tpu.memory_space<hbm>> -> memref<1x8x128xf32, #tpu.memory_space<hbm>>
        %dma_wait3A_1581 = tpu.memref_squeeze %dma_wait3A_1580 : memref<1x8x128xf32, #tpu.memory_space<hbm>> -> memref<8x128xf32, #tpu.memory_space<hbm>>
        %dma_wait3A_1582 = arith.constant 56 : i32
        %dma_wait3A_1583 = arith.constant 0 : i32
        %dma_wait3A_1584 = tpu.memref_slice %arg10[%dma_wait3A_1582, %dma_wait3A_1583] : memref<64x128xf32, #tpu.memory_space<vmem>> -> memref<8x128xf32, #tpu.memory_space<vmem>>
        tpu.wait_dma2 semaphore(%arg18 : memref<!tpu.dma_semaphore, #tpu.memory_space<semaphore_mem>>) src(%dma_wait3A_1584 : memref<8x128xf32, #tpu.memory_space<vmem>>) dst(%dma_wait3A_1581 : memref<8x128xf32, #tpu.memory_space<hbm>>)
      } else {
      }
      %parallel_loop3A = arith.constant 0 : i32
      %parallel_loop3A_711 = arith.constant 64 : i32
      %parallel_loop3A_712 = arith.constant 1 : i32
      scf.for %parallel_loop3A_1424 = %parallel_loop3A to %parallel_loop3A_711 step %parallel_loop3A_712  : i32 {
        %parallel_loop3A_1425 = arith.constant 0 : i32
        %parallel_loop3A_1426 = vector.broadcast %parallel_loop3A_1425 : i32 to vector<16xi32>
        %parallel_loop3A_1427 = arith.muli %add3A_5, %parallel_loop3A_1426 : vector<16xi32>
        %parallel_loop3A_1428 = vector.broadcast %parallel_loop3A_1424 : i32 to vector<16xi32>
        %parallel_loop3A_1429 = arith.addi %parallel_loop3A_1427, %parallel_loop3A_1428 : vector<16xi32>
        %parallel_loop3A_1430 = tpu.vector_load_idx %arg6[%add3A_5, %parallel_loop3A_1429] : memref<128x64xf32, #tpu.memory_space<vmem>>[vector<16xi32>, vector<16xi32>], vector<16xf32>,
        tpu.vector_store_idx %arg10[%parallel_loop3A_1429, %add3A_5], %parallel_loop3A_1430 : memref<64x128xf32, #tpu.memory_space<vmem>>[vector<16xi32>, vector<16xi32>], vector<16xf32>,
        %parallel_loop3A_1431 = tpu.vector_load_idx %arg6[%add3A_9, %parallel_loop3A_1429] : memref<128x64xf32, #tpu.memory_space<vmem>>[vector<16xi32>, vector<16xi32>], vector<16xf32>,
        tpu.vector_store_idx %arg10[%parallel_loop3A_1429, %add3A_9], %parallel_loop3A_1431 : memref<64x128xf32, #tpu.memory_space<vmem>>[vector<16xi32>, vector<16xi32>], vector<16xf32>,
        %parallel_loop3A_1432 = tpu.vector_load_idx %arg6[%add3A_13, %parallel_loop3A_1429] : memref<128x64xf32, #tpu.memory_space<vmem>>[vector<16xi32>, vector<16xi32>], vector<16xf32>,
        tpu.vector_store_idx %arg10[%parallel_loop3A_1429, %add3A_13], %parallel_loop3A_1432 : memref<64x128xf32, #tpu.memory_space<vmem>>[vector<16xi32>, vector<16xi32>], vector<16xf32>,
        %parallel_loop3A_1433 = tpu.vector_load_idx %arg6[%add3A_17, %parallel_loop3A_1429] : memref<128x64xf32, #tpu.memory_space<vmem>>[vector<16xi32>, vector<16xi32>], vector<16xf32>,
        tpu.vector_store_idx %arg10[%parallel_loop3A_1429, %add3A_17], %parallel_loop3A_1433 : memref<64x128xf32, #tpu.memory_space<vmem>>[vector<16xi32>, vector<16xi32>], vector<16xf32>,
        %parallel_loop3A_1434 = tpu.vector_load_idx %arg6[%add3A_21, %parallel_loop3A_1429] : memref<128x64xf32, #tpu.memory_space<vmem>>[vector<16xi32>, vector<16xi32>], vector<16xf32>,
        tpu.vector_store_idx %arg10[%parallel_loop3A_1429, %add3A_21], %parallel_loop3A_1434 : memref<64x128xf32, #tpu.memory_space<vmem>>[vector<16xi32>, vector<16xi32>], vector<16xf32>,
        %parallel_loop3A_1435 = tpu.vector_load_idx %arg6[%add3A_25, %parallel_loop3A_1429] : memref<128x64xf32, #tpu.memory_space<vmem>>[vector<16xi32>, vector<16xi32>], vector<16xf32>,
        tpu.vector_store_idx %arg10[%parallel_loop3A_1429, %add3A_25], %parallel_loop3A_1435 : memref<64x128xf32, #tpu.memory_space<vmem>>[vector<16xi32>, vector<16xi32>], vector<16xf32>,
        %parallel_loop3A_1436 = tpu.vector_load_idx %arg6[%add3A_29, %parallel_loop3A_1429] : memref<128x64xf32, #tpu.memory_space<vmem>>[vector<16xi32>, vector<16xi32>], vector<16xf32>,
        tpu.vector_store_idx %arg10[%parallel_loop3A_1429, %add3A_29], %parallel_loop3A_1436 : memref<64x128xf32, #tpu.memory_space<vmem>>[vector<16xi32>, vector<16xi32>], vector<16xf32>,
        %parallel_loop3A_1437 = tpu.vector_load_idx %arg6[%add3A_33, %parallel_loop3A_1429] : memref<128x64xf32, #tpu.memory_space<vmem>>[vector<16xi32>, vector<16xi32>], vector<16xf32>,
        tpu.vector_store_idx %arg10[%parallel_loop3A_1429, %add3A_33], %parallel_loop3A_1437 : memref<64x128xf32, #tpu.memory_space<vmem>>[vector<16xi32>, vector<16xi32>], vector<16xf32>,
      } {sc.loop_unroll_factor = 16 : i64, sc.parallel_access}
      %add3A_713 = arith.addi %mul3A_2, %add3A_702 : i32
      %jit3A_714 = arith.constant 128 : i32
      %div3A_715 = arith.divsi %add3A_713, %jit3A_714 : i32
      %sign3A_716 = arith.constant 0 : i32
      %sign3A_717 = arith.cmpi sgt, %add3A_713, %sign3A_716 : i32
      %sign3A_718 = arith.extui %sign3A_717 : i1 to i32
      %sign3A_719 = arith.constant 0 : i32
      %sign3A_720 = arith.cmpi slt, %add3A_713, %sign3A_719 : i32
      %sign3A_721 = arith.extui %sign3A_720 : i1 to i32
      %sign3A_722 = arith.subi %sign3A_718, %sign3A_721 : i32
      %sign3A_723 = arith.constant 0 : i32
      %sign3A_724 = arith.cmpi sgt, %jit3A_714, %sign3A_723 : i32
      %sign3A_725 = arith.extui %sign3A_724 : i1 to i32
      %sign3A_726 = arith.constant 0 : i32
      %sign3A_727 = arith.cmpi slt, %jit3A_714, %sign3A_726 : i32
      %sign3A_728 = arith.extui %sign3A_727 : i1 to i32
      %sign3A_729 = arith.subi %sign3A_725, %sign3A_728 : i32
      %ne3A_730 = arith.cmpi ne, %sign3A_722, %sign3A_729 : i32
      %rem3A_731 = arith.remsi %add3A_713, %jit3A_714 : i32
      %ne3A_732 = arith.constant 0 : i32
      %ne3A_733 = arith.cmpi ne, %rem3A_731, %ne3A_732 : i32
      %and3A_734 = arith.andi %ne3A_730, %ne3A_733 : i1
      %sub3A_735 = arith.constant 1 : i32
      %sub3A_736 = arith.subi %div3A_715, %sub3A_735 : i32
      %select_n3A_737 = arith.select %and3A_734, %sub3A_736, %div3A_715 : i32
      %mul3A_738 = arith.constant 128 : i32
      %mul3A_739 = arith.muli %select_n3A_737, %mul3A_738 : i32
      %sub3A_740 = arith.subi %add3A_713, %mul3A_739 : i32
      %mul3A_741 = arith.constant 1024 : i32
      %mul3A_742 = arith.muli %select_n3A_737, %mul3A_741 : i32
      %add3A_743 = arith.addi %mul3A_742, %sub3A_740 : i32
      %add3A_744 = arith.constant 0 : i32
      %add3A_745 = arith.addi %add3A_743, %add3A_744 : i32
      %dma_start3A_746 = arith.constant 0 : i32
      %dma_start3A_747 = arith.constant 0 : i32
      %dma_start3A_748 = tpu.memref_slice %arg10[%dma_start3A_746, %dma_start3A_747] : memref<64x128xf32, #tpu.memory_space<vmem>> -> memref<8x128xf32, #tpu.memory_space<vmem>>
      %dma_start3A_749 = arith.constant 0 : i32
      %dma_start3A_750 = arith.constant 0 : i32
      %dma_start3A_751 = tpu.memref_slice %arg4[%add3A_745, %dma_start3A_749, %dma_start3A_750] : memref<20480x8x128xf32, #tpu.memory_space<hbm>> -> memref<1x8x128xf32, #tpu.memory_space<hbm>>
      %dma_start3A_752 = tpu.memref_squeeze %dma_start3A_751 : memref<1x8x128xf32, #tpu.memory_space<hbm>> -> memref<8x128xf32, #tpu.memory_space<hbm>>
      %dma_start3A_753 = arith.constant 0 : i32
      %dma_start3A_754 = arith.constant 0 : i32
      %dma_start3A_755 = tpu.memref_slice %arg4[%add3A_745, %dma_start3A_753, %dma_start3A_754] : memref<20480x8x128xf32, #tpu.memory_space<hbm>> -> memref<1x8x128xf32, #tpu.memory_space<hbm>>
      %dma_start3A_756 = tpu.memref_squeeze %dma_start3A_755 : memref<1x8x128xf32, #tpu.memory_space<hbm>> -> memref<8x128xf32, #tpu.memory_space<hbm>>
      %dma_start3A_757 = arith.constant 0 : i32
      %dma_start3A_758 = arith.constant 0 : i32
      %dma_start3A_759 = tpu.memref_slice %arg10[%dma_start3A_757, %dma_start3A_758] : memref<64x128xf32, #tpu.memory_space<vmem>> -> memref<8x128xf32, #tpu.memory_space<vmem>>
      tpu.enqueue_dma source(%dma_start3A_759 : memref<8x128xf32, #tpu.memory_space<vmem>>) target(%dma_start3A_756 : memref<8x128xf32, #tpu.memory_space<hbm>>) target_semaphore(%arg18 : memref<!tpu.dma_semaphore, #tpu.memory_space<semaphore_mem>>)
      %add3A_760 = arith.constant 128 : i32
      %add3A_761 = arith.addi %add3A_743, %add3A_760 : i32
      %dma_start3A_762 = arith.constant 8 : i32
      %dma_start3A_763 = arith.constant 0 : i32
      %dma_start3A_764 = tpu.memref_slice %arg10[%dma_start3A_762, %dma_start3A_763] : memref<64x128xf32, #tpu.memory_space<vmem>> -> memref<8x128xf32, #tpu.memory_space<vmem>>
      %dma_start3A_765 = arith.constant 0 : i32
      %dma_start3A_766 = arith.constant 0 : i32
      %dma_start3A_767 = tpu.memref_slice %arg4[%add3A_761, %dma_start3A_765, %dma_start3A_766] : memref<20480x8x128xf32, #tpu.memory_space<hbm>> -> memref<1x8x128xf32, #tpu.memory_space<hbm>>
      %dma_start3A_768 = tpu.memref_squeeze %dma_start3A_767 : memref<1x8x128xf32, #tpu.memory_space<hbm>> -> memref<8x128xf32, #tpu.memory_space<hbm>>
      %dma_start3A_769 = arith.constant 0 : i32
      %dma_start3A_770 = arith.constant 0 : i32
      %dma_start3A_771 = tpu.memref_slice %arg4[%add3A_761, %dma_start3A_769, %dma_start3A_770] : memref<20480x8x128xf32, #tpu.memory_space<hbm>> -> memref<1x8x128xf32, #tpu.memory_space<hbm>>
      %dma_start3A_772 = tpu.memref_squeeze %dma_start3A_771 : memref<1x8x128xf32, #tpu.memory_space<hbm>> -> memref<8x128xf32, #tpu.memory_space<hbm>>
      %dma_start3A_773 = arith.constant 8 : i32
      %dma_start3A_774 = arith.constant 0 : i32
      %dma_start3A_775 = tpu.memref_slice %arg10[%dma_start3A_773, %dma_start3A_774] : memref<64x128xf32, #tpu.memory_space<vmem>> -> memref<8x128xf32, #tpu.memory_space<vmem>>
      tpu.enqueue_dma source(%dma_start3A_775 : memref<8x128xf32, #tpu.memory_space<vmem>>) target(%dma_start3A_772 : memref<8x128xf32, #tpu.memory_space<hbm>>) target_semaphore(%arg18 : memref<!tpu.dma_semaphore, #tpu.memory_space<semaphore_mem>>)
      %add3A_776 = arith.constant 256 : i32
      %add3A_777 = arith.addi %add3A_743, %add3A_776 : i32
      %dma_start3A_778 = arith.constant 16 : i32
      %dma_start3A_779 = arith.constant 0 : i32
      %dma_start3A_780 = tpu.memref_slice %arg10[%dma_start3A_778, %dma_start3A_779] : memref<64x128xf32, #tpu.memory_space<vmem>> -> memref<8x128xf32, #tpu.memory_space<vmem>>
      %dma_start3A_781 = arith.constant 0 : i32
      %dma_start3A_782 = arith.constant 0 : i32
      %dma_start3A_783 = tpu.memref_slice %arg4[%add3A_777, %dma_start3A_781, %dma_start3A_782] : memref<20480x8x128xf32, #tpu.memory_space<hbm>> -> memref<1x8x128xf32, #tpu.memory_space<hbm>>
      %dma_start3A_784 = tpu.memref_squeeze %dma_start3A_783 : memref<1x8x128xf32, #tpu.memory_space<hbm>> -> memref<8x128xf32, #tpu.memory_space<hbm>>
      %dma_start3A_785 = arith.constant 0 : i32
      %dma_start3A_786 = arith.constant 0 : i32
      %dma_start3A_787 = tpu.memref_slice %arg4[%add3A_777, %dma_start3A_785, %dma_start3A_786] : memref<20480x8x128xf32, #tpu.memory_space<hbm>> -> memref<1x8x128xf32, #tpu.memory_space<hbm>>
      %dma_start3A_788 = tpu.memref_squeeze %dma_start3A_787 : memref<1x8x128xf32, #tpu.memory_space<hbm>> -> memref<8x128xf32, #tpu.memory_space<hbm>>
      %dma_start3A_789 = arith.constant 16 : i32
      %dma_start3A_790 = arith.constant 0 : i32
      %dma_start3A_791 = tpu.memref_slice %arg10[%dma_start3A_789, %dma_start3A_790] : memref<64x128xf32, #tpu.memory_space<vmem>> -> memref<8x128xf32, #tpu.memory_space<vmem>>
      tpu.enqueue_dma source(%dma_start3A_791 : memref<8x128xf32, #tpu.memory_space<vmem>>) target(%dma_start3A_788 : memref<8x128xf32, #tpu.memory_space<hbm>>) target_semaphore(%arg18 : memref<!tpu.dma_semaphore, #tpu.memory_space<semaphore_mem>>)
      %add3A_792 = arith.constant 384 : i32
      %add3A_793 = arith.addi %add3A_743, %add3A_792 : i32
      %dma_start3A_794 = arith.constant 24 : i32
      %dma_start3A_795 = arith.constant 0 : i32
      %dma_start3A_796 = tpu.memref_slice %arg10[%dma_start3A_794, %dma_start3A_795] : memref<64x128xf32, #tpu.memory_space<vmem>> -> memref<8x128xf32, #tpu.memory_space<vmem>>
      %dma_start3A_797 = arith.constant 0 : i32
      %dma_start3A_798 = arith.constant 0 : i32
      %dma_start3A_799 = tpu.memref_slice %arg4[%add3A_793, %dma_start3A_797, %dma_start3A_798] : memref<20480x8x128xf32, #tpu.memory_space<hbm>> -> memref<1x8x128xf32, #tpu.memory_space<hbm>>
      %dma_start3A_800 = tpu.memref_squeeze %dma_start3A_799 : memref<1x8x128xf32, #tpu.memory_space<hbm>> -> memref<8x128xf32, #tpu.memory_space<hbm>>
      %dma_start3A_801 = arith.constant 0 : i32
      %dma_start3A_802 = arith.constant 0 : i32
      %dma_start3A_803 = tpu.memref_slice %arg4[%add3A_793, %dma_start3A_801, %dma_start3A_802] : memref<20480x8x128xf32, #tpu.memory_space<hbm>> -> memref<1x8x128xf32, #tpu.memory_space<hbm>>
      %dma_start3A_804 = tpu.memref_squeeze %dma_start3A_803 : memref<1x8x128xf32, #tpu.memory_space<hbm>> -> memref<8x128xf32, #tpu.memory_space<hbm>>
      %dma_start3A_805 = arith.constant 24 : i32
      %dma_start3A_806 = arith.constant 0 : i32
      %dma_start3A_807 = tpu.memref_slice %arg10[%dma_start3A_805, %dma_start3A_806] : memref<64x128xf32, #tpu.memory_space<vmem>> -> memref<8x128xf32, #tpu.memory_space<vmem>>
      tpu.enqueue_dma source(%dma_start3A_807 : memref<8x128xf32, #tpu.memory_space<vmem>>) target(%dma_start3A_804 : memref<8x128xf32, #tpu.memory_space<hbm>>) target_semaphore(%arg18 : memref<!tpu.dma_semaphore, #tpu.memory_space<semaphore_mem>>)
      %add3A_808 = arith.constant 512 : i32
      %add3A_809 = arith.addi %add3A_743, %add3A_808 : i32
      %dma_start3A_810 = arith.constant 32 : i32
      %dma_start3A_811 = arith.constant 0 : i32
      %dma_start3A_812 = tpu.memref_slice %arg10[%dma_start3A_810, %dma_start3A_811] : memref<64x128xf32, #tpu.memory_space<vmem>> -> memref<8x128xf32, #tpu.memory_space<vmem>>
      %dma_start3A_813 = arith.constant 0 : i32
      %dma_start3A_814 = arith.constant 0 : i32
      %dma_start3A_815 = tpu.memref_slice %arg4[%add3A_809, %dma_start3A_813, %dma_start3A_814] : memref<20480x8x128xf32, #tpu.memory_space<hbm>> -> memref<1x8x128xf32, #tpu.memory_space<hbm>>
      %dma_start3A_816 = tpu.memref_squeeze %dma_start3A_815 : memref<1x8x128xf32, #tpu.memory_space<hbm>> -> memref<8x128xf32, #tpu.memory_space<hbm>>
      %dma_start3A_817 = arith.constant 0 : i32
      %dma_start3A_818 = arith.constant 0 : i32
      %dma_start3A_819 = tpu.memref_slice %arg4[%add3A_809, %dma_start3A_817, %dma_start3A_818] : memref<20480x8x128xf32, #tpu.memory_space<hbm>> -> memref<1x8x128xf32, #tpu.memory_space<hbm>>
      %dma_start3A_820 = tpu.memref_squeeze %dma_start3A_819 : memref<1x8x128xf32, #tpu.memory_space<hbm>> -> memref<8x128xf32, #tpu.memory_space<hbm>>
      %dma_start3A_821 = arith.constant 32 : i32
      %dma_start3A_822 = arith.constant 0 : i32
      %dma_start3A_823 = tpu.memref_slice %arg10[%dma_start3A_821, %dma_start3A_822] : memref<64x128xf32, #tpu.memory_space<vmem>> -> memref<8x128xf32, #tpu.memory_space<vmem>>
      tpu.enqueue_dma source(%dma_start3A_823 : memref<8x128xf32, #tpu.memory_space<vmem>>) target(%dma_start3A_820 : memref<8x128xf32, #tpu.memory_space<hbm>>) target_semaphore(%arg18 : memref<!tpu.dma_semaphore, #tpu.memory_space<semaphore_mem>>)
      %add3A_824 = arith.constant 640 : i32
      %add3A_825 = arith.addi %add3A_743, %add3A_824 : i32
      %dma_start3A_826 = arith.constant 40 : i32
      %dma_start3A_827 = arith.constant 0 : i32
      %dma_start3A_828 = tpu.memref_slice %arg10[%dma_start3A_826, %dma_start3A_827] : memref<64x128xf32, #tpu.memory_space<vmem>> -> memref<8x128xf32, #tpu.memory_space<vmem>>
      %dma_start3A_829 = arith.constant 0 : i32
      %dma_start3A_830 = arith.constant 0 : i32
      %dma_start3A_831 = tpu.memref_slice %arg4[%add3A_825, %dma_start3A_829, %dma_start3A_830] : memref<20480x8x128xf32, #tpu.memory_space<hbm>> -> memref<1x8x128xf32, #tpu.memory_space<hbm>>
      %dma_start3A_832 = tpu.memref_squeeze %dma_start3A_831 : memref<1x8x128xf32, #tpu.memory_space<hbm>> -> memref<8x128xf32, #tpu.memory_space<hbm>>
      %dma_start3A_833 = arith.constant 0 : i32
      %dma_start3A_834 = arith.constant 0 : i32
      %dma_start3A_835 = tpu.memref_slice %arg4[%add3A_825, %dma_start3A_833, %dma_start3A_834] : memref<20480x8x128xf32, #tpu.memory_space<hbm>> -> memref<1x8x128xf32, #tpu.memory_space<hbm>>
      %dma_start3A_836 = tpu.memref_squeeze %dma_start3A_835 : memref<1x8x128xf32, #tpu.memory_space<hbm>> -> memref<8x128xf32, #tpu.memory_space<hbm>>
      %dma_start3A_837 = arith.constant 40 : i32
      %dma_start3A_838 = arith.constant 0 : i32
      %dma_start3A_839 = tpu.memref_slice %arg10[%dma_start3A_837, %dma_start3A_838] : memref<64x128xf32, #tpu.memory_space<vmem>> -> memref<8x128xf32, #tpu.memory_space<vmem>>
      tpu.enqueue_dma source(%dma_start3A_839 : memref<8x128xf32, #tpu.memory_space<vmem>>) target(%dma_start3A_836 : memref<8x128xf32, #tpu.memory_space<hbm>>) target_semaphore(%arg18 : memref<!tpu.dma_semaphore, #tpu.memory_space<semaphore_mem>>)
      %add3A_840 = arith.constant 768 : i32
      %add3A_841 = arith.addi %add3A_743, %add3A_840 : i32
      %dma_start3A_842 = arith.constant 48 : i32
      %dma_start3A_843 = arith.constant 0 : i32
      %dma_start3A_844 = tpu.memref_slice %arg10[%dma_start3A_842, %dma_start3A_843] : memref<64x128xf32, #tpu.memory_space<vmem>> -> memref<8x128xf32, #tpu.memory_space<vmem>>
      %dma_start3A_845 = arith.constant 0 : i32
      %dma_start3A_846 = arith.constant 0 : i32
      %dma_start3A_847 = tpu.memref_slice %arg4[%add3A_841, %dma_start3A_845, %dma_start3A_846] : memref<20480x8x128xf32, #tpu.memory_space<hbm>> -> memref<1x8x128xf32, #tpu.memory_space<hbm>>
      %dma_start3A_848 = tpu.memref_squeeze %dma_start3A_847 : memref<1x8x128xf32, #tpu.memory_space<hbm>> -> memref<8x128xf32, #tpu.memory_space<hbm>>
      %dma_start3A_849 = arith.constant 0 : i32
      %dma_start3A_850 = arith.constant 0 : i32
      %dma_start3A_851 = tpu.memref_slice %arg4[%add3A_841, %dma_start3A_849, %dma_start3A_850] : memref<20480x8x128xf32, #tpu.memory_space<hbm>> -> memref<1x8x128xf32, #tpu.memory_space<hbm>>
      %dma_start3A_852 = tpu.memref_squeeze %dma_start3A_851 : memref<1x8x128xf32, #tpu.memory_space<hbm>> -> memref<8x128xf32, #tpu.memory_space<hbm>>
      %dma_start3A_853 = arith.constant 48 : i32
      %dma_start3A_854 = arith.constant 0 : i32
      %dma_start3A_855 = tpu.memref_slice %arg10[%dma_start3A_853, %dma_start3A_854] : memref<64x128xf32, #tpu.memory_space<vmem>> -> memref<8x128xf32, #tpu.memory_space<vmem>>
      tpu.enqueue_dma source(%dma_start3A_855 : memref<8x128xf32, #tpu.memory_space<vmem>>) target(%dma_start3A_852 : memref<8x128xf32, #tpu.memory_space<hbm>>) target_semaphore(%arg18 : memref<!tpu.dma_semaphore, #tpu.memory_space<semaphore_mem>>)
      %add3A_856 = arith.constant 896 : i32
      %add3A_857 = arith.addi %add3A_743, %add3A_856 : i32
      %dma_start3A_858 = arith.constant 56 : i32
      %dma_start3A_859 = arith.constant 0 : i32
      %dma_start3A_860 = tpu.memref_slice %arg10[%dma_start3A_858, %dma_start3A_859] : memref<64x128xf32, #tpu.memory_space<vmem>> -> memref<8x128xf32, #tpu.memory_space<vmem>>
      %dma_start3A_861 = arith.constant 0 : i32
      %dma_start3A_862 = arith.constant 0 : i32
      %dma_start3A_863 = tpu.memref_slice %arg4[%add3A_857, %dma_start3A_861, %dma_start3A_862] : memref<20480x8x128xf32, #tpu.memory_space<hbm>> -> memref<1x8x128xf32, #tpu.memory_space<hbm>>
      %dma_start3A_864 = tpu.memref_squeeze %dma_start3A_863 : memref<1x8x128xf32, #tpu.memory_space<hbm>> -> memref<8x128xf32, #tpu.memory_space<hbm>>
      %dma_start3A_865 = arith.constant 0 : i32
      %dma_start3A_866 = arith.constant 0 : i32
      %dma_start3A_867 = tpu.memref_slice %arg4[%add3A_857, %dma_start3A_865, %dma_start3A_866] : memref<20480x8x128xf32, #tpu.memory_space<hbm>> -> memref<1x8x128xf32, #tpu.memory_space<hbm>>
      %dma_start3A_868 = tpu.memref_squeeze %dma_start3A_867 : memref<1x8x128xf32, #tpu.memory_space<hbm>> -> memref<8x128xf32, #tpu.memory_space<hbm>>
      %dma_start3A_869 = arith.constant 56 : i32
      %dma_start3A_870 = arith.constant 0 : i32
      %dma_start3A_871 = tpu.memref_slice %arg10[%dma_start3A_869, %dma_start3A_870] : memref<64x128xf32, #tpu.memory_space<vmem>> -> memref<8x128xf32, #tpu.memory_space<vmem>>
      tpu.enqueue_dma source(%dma_start3A_871 : memref<8x128xf32, #tpu.memory_space<vmem>>) target(%dma_start3A_868 : memref<8x128xf32, #tpu.memory_space<hbm>>) target_semaphore(%arg18 : memref<!tpu.dma_semaphore, #tpu.memory_space<semaphore_mem>>)
      %add3A_872 = arith.constant 4 : i32
      %add3A_873 = arith.addi %add3A_702, %add3A_872 : i32
      %lt3A = arith.constant 80 : i32
      %lt3A_874 = arith.cmpi slt, %add3A_873, %lt3A : i32
      %convert_element_type3A_875 = arith.extui %lt3A_874 : i1 to i32
      %cond3A_876 = arith.constant 0 : i32
      %cond3A_877 = arith.cmpi ne, %convert_element_type3A_875, %cond3A_876 : i32
      scf.if %cond3A_877 {
        %add3A_1424 = arith.constant 4 : i32
        %add3A_1425 = arith.addi %add3A_702, %add3A_1424 : i32
        %dma_start3A_1426 = arith.constant 0 : i32
        %dma_start3A_1427 = tpu.memref_slice %arg5[%add3A_1425, %dma_start3A_1426] : memref<80x128xi32, #tpu.memory_space<vmem>> -> memref<1x128xi32, #tpu.memory_space<vmem>>
        %dma_start3A_1428 = tpu.memref_squeeze %dma_start3A_1427 : memref<1x128xi32, #tpu.memory_space<vmem>> -> memref<128xi32, #tpu.memory_space<vmem>>
        %dma_start3A_1429 = arith.constant 0 : i32
        %dma_start3A_1430 = arith.constant 0 : i32
        %dma_start3A_1431 = tpu.memref_slice %arg2[%dma_start3A_1429, %dma_start3A_1430] : memref<1015808x64xf32, #tpu.memory_space<hbm>> -> memref<1015808x64xf32, #tpu.memory_space<hbm>>
        tpu.enqueue_indirect_dma source(%dma_start3A_1431 : memref<1015808x64xf32, #tpu.memory_space<hbm>>) target(%arg6 : memref<128x64xf32, #tpu.memory_space<vmem>>) offsets(%dma_start3A_1428 : memref<128xi32, #tpu.memory_space<vmem>>) semaphore(%arg14 : memref<!tpu.dma_semaphore, #tpu.memory_space<semaphore_mem>>)
      } else {
      }
      %add3A_878 = arith.constant 1 : i32
      %add3A_879 = arith.addi %add3A_700, %add3A_878 : i32
      %dma_wait3A_880 = arith.constant 0 : i32
      %dma_wait3A_881 = tpu.memref_slice %arg5[%add3A_879, %dma_wait3A_880] : memref<80x128xi32, #tpu.memory_space<vmem>> -> memref<1x128xi32, #tpu.memory_space<vmem>>
      %dma_wait3A_882 = tpu.memref_squeeze %dma_wait3A_881 : memref<1x128xi32, #tpu.memory_space<vmem>> -> memref<128xi32, #tpu.memory_space<vmem>>
      %dma_wait3A_883 = arith.constant 0 : i32
      %dma_wait3A_884 = arith.constant 0 : i32
      %dma_wait3A_885 = tpu.memref_slice %arg2[%dma_wait3A_883, %dma_wait3A_884] : memref<1015808x64xf32, #tpu.memory_space<hbm>> -> memref<1015808x64xf32, #tpu.memory_space<hbm>>
      tpu.wait_indirect_dma semaphore(%arg15 : memref<!tpu.dma_semaphore, #tpu.memory_space<semaphore_mem>>) src(%dma_wait3A_885 : memref<1015808x64xf32, #tpu.memory_space<hbm>>) dst(%arg7 : memref<128x64xf32, #tpu.memory_space<vmem>>)
      %ge3A_886 = arith.constant 4 : i32
      %ge3A_887 = arith.cmpi sge, %add3A_879, %ge3A_886 : i32
      %convert_element_type3A_888 = arith.extui %ge3A_887 : i1 to i32
      %cond3A_889 = arith.constant 0 : i32
      %cond3A_890 = arith.cmpi ne, %convert_element_type3A_888, %cond3A_889 : i32
      scf.if %cond3A_890 {
        %sub3A_1424 = arith.constant 4 : i32
        %sub3A_1425 = arith.subi %add3A_879, %sub3A_1424 : i32
        %add3A_1426 = arith.addi %mul3A_2, %sub3A_1425 : i32
        %jit3A_1427 = arith.constant 128 : i32
        %div3A_1428 = arith.divsi %add3A_1426, %jit3A_1427 : i32
        %sign3A_1429 = arith.constant 0 : i32
        %sign3A_1430 = arith.cmpi sgt, %add3A_1426, %sign3A_1429 : i32
        %sign3A_1431 = arith.extui %sign3A_1430 : i1 to i32
        %sign3A_1432 = arith.constant 0 : i32
        %sign3A_1433 = arith.cmpi slt, %add3A_1426, %sign3A_1432 : i32
        %sign3A_1434 = arith.extui %sign3A_1433 : i1 to i32
        %sign3A_1435 = arith.subi %sign3A_1431, %sign3A_1434 : i32
        %sign3A_1436 = arith.constant 0 : i32
        %sign3A_1437 = arith.cmpi sgt, %jit3A_1427, %sign3A_1436 : i32
        %sign3A_1438 = arith.extui %sign3A_1437 : i1 to i32
        %sign3A_1439 = arith.constant 0 : i32
        %sign3A_1440 = arith.cmpi slt, %jit3A_1427, %sign3A_1439 : i32
        %sign3A_1441 = arith.extui %sign3A_1440 : i1 to i32
        %sign3A_1442 = arith.subi %sign3A_1438, %sign3A_1441 : i32
        %ne3A_1443 = arith.cmpi ne, %sign3A_1435, %sign3A_1442 : i32
        %rem3A_1444 = arith.remsi %add3A_1426, %jit3A_1427 : i32
        %ne3A_1445 = arith.constant 0 : i32
        %ne3A_1446 = arith.cmpi ne, %rem3A_1444, %ne3A_1445 : i32
        %and3A_1447 = arith.andi %ne3A_1443, %ne3A_1446 : i1
        %sub3A_1448 = arith.constant 1 : i32
        %sub3A_1449 = arith.subi %div3A_1428, %sub3A_1448 : i32
        %select_n3A_1450 = arith.select %and3A_1447, %sub3A_1449, %div3A_1428 : i32
        %mul3A_1451 = arith.constant 128 : i32
        %mul3A_1452 = arith.muli %select_n3A_1450, %mul3A_1451 : i32
        %sub3A_1453 = arith.subi %add3A_1426, %mul3A_1452 : i32
        %mul3A_1454 = arith.constant 1024 : i32
        %mul3A_1455 = arith.muli %select_n3A_1450, %mul3A_1454 : i32
        %add3A_1456 = arith.addi %mul3A_1455, %sub3A_1453 : i32
        %add3A_1457 = arith.constant 0 : i32
        %add3A_1458 = arith.addi %add3A_1456, %add3A_1457 : i32
        %dma_wait3A_1459 = arith.constant 0 : i32
        %dma_wait3A_1460 = arith.constant 0 : i32
        %dma_wait3A_1461 = tpu.memref_slice %arg11[%dma_wait3A_1459, %dma_wait3A_1460] : memref<64x128xf32, #tpu.memory_space<vmem>> -> memref<8x128xf32, #tpu.memory_space<vmem>>
        %dma_wait3A_1462 = arith.constant 0 : i32
        %dma_wait3A_1463 = arith.constant 0 : i32
        %dma_wait3A_1464 = tpu.memref_slice %arg4[%add3A_1458, %dma_wait3A_1462, %dma_wait3A_1463] : memref<20480x8x128xf32, #tpu.memory_space<hbm>> -> memref<1x8x128xf32, #tpu.memory_space<hbm>>
        %dma_wait3A_1465 = tpu.memref_squeeze %dma_wait3A_1464 : memref<1x8x128xf32, #tpu.memory_space<hbm>> -> memref<8x128xf32, #tpu.memory_space<hbm>>
        %dma_wait3A_1466 = arith.constant 0 : i32
        %dma_wait3A_1467 = arith.constant 0 : i32
        %dma_wait3A_1468 = tpu.memref_slice %arg4[%add3A_1458, %dma_wait3A_1466, %dma_wait3A_1467] : memref<20480x8x128xf32, #tpu.memory_space<hbm>> -> memref<1x8x128xf32, #tpu.memory_space<hbm>>
        %dma_wait3A_1469 = tpu.memref_squeeze %dma_wait3A_1468 : memref<1x8x128xf32, #tpu.memory_space<hbm>> -> memref<8x128xf32, #tpu.memory_space<hbm>>
        %dma_wait3A_1470 = arith.constant 0 : i32
        %dma_wait3A_1471 = arith.constant 0 : i32
        %dma_wait3A_1472 = tpu.memref_slice %arg11[%dma_wait3A_1470, %dma_wait3A_1471] : memref<64x128xf32, #tpu.memory_space<vmem>> -> memref<8x128xf32, #tpu.memory_space<vmem>>
        tpu.wait_dma2 semaphore(%arg19 : memref<!tpu.dma_semaphore, #tpu.memory_space<semaphore_mem>>) src(%dma_wait3A_1472 : memref<8x128xf32, #tpu.memory_space<vmem>>) dst(%dma_wait3A_1469 : memref<8x128xf32, #tpu.memory_space<hbm>>)
        %add3A_1473 = arith.constant 128 : i32
        %add3A_1474 = arith.addi %add3A_1456, %add3A_1473 : i32
        %dma_wait3A_1475 = arith.constant 8 : i32
        %dma_wait3A_1476 = arith.constant 0 : i32
        %dma_wait3A_1477 = tpu.memref_slice %arg11[%dma_wait3A_1475, %dma_wait3A_1476] : memref<64x128xf32, #tpu.memory_space<vmem>> -> memref<8x128xf32, #tpu.memory_space<vmem>>
        %dma_wait3A_1478 = arith.constant 0 : i32
        %dma_wait3A_1479 = arith.constant 0 : i32
        %dma_wait3A_1480 = tpu.memref_slice %arg4[%add3A_1474, %dma_wait3A_1478, %dma_wait3A_1479] : memref<20480x8x128xf32, #tpu.memory_space<hbm>> -> memref<1x8x128xf32, #tpu.memory_space<hbm>>
        %dma_wait3A_1481 = tpu.memref_squeeze %dma_wait3A_1480 : memref<1x8x128xf32, #tpu.memory_space<hbm>> -> memref<8x128xf32, #tpu.memory_space<hbm>>
        %dma_wait3A_1482 = arith.constant 0 : i32
        %dma_wait3A_1483 = arith.constant 0 : i32
        %dma_wait3A_1484 = tpu.memref_slice %arg4[%add3A_1474, %dma_wait3A_1482, %dma_wait3A_1483] : memref<20480x8x128xf32, #tpu.memory_space<hbm>> -> memref<1x8x128xf32, #tpu.memory_space<hbm>>
        %dma_wait3A_1485 = tpu.memref_squeeze %dma_wait3A_1484 : memref<1x8x128xf32, #tpu.memory_space<hbm>> -> memref<8x128xf32, #tpu.memory_space<hbm>>
        %dma_wait3A_1486 = arith.constant 8 : i32
        %dma_wait3A_1487 = arith.constant 0 : i32
        %dma_wait3A_1488 = tpu.memref_slice %arg11[%dma_wait3A_1486, %dma_wait3A_1487] : memref<64x128xf32, #tpu.memory_space<vmem>> -> memref<8x128xf32, #tpu.memory_space<vmem>>
        tpu.wait_dma2 semaphore(%arg19 : memref<!tpu.dma_semaphore, #tpu.memory_space<semaphore_mem>>) src(%dma_wait3A_1488 : memref<8x128xf32, #tpu.memory_space<vmem>>) dst(%dma_wait3A_1485 : memref<8x128xf32, #tpu.memory_space<hbm>>)
        %add3A_1489 = arith.constant 256 : i32
        %add3A_1490 = arith.addi %add3A_1456, %add3A_1489 : i32
        %dma_wait3A_1491 = arith.constant 16 : i32
        %dma_wait3A_1492 = arith.constant 0 : i32
        %dma_wait3A_1493 = tpu.memref_slice %arg11[%dma_wait3A_1491, %dma_wait3A_1492] : memref<64x128xf32, #tpu.memory_space<vmem>> -> memref<8x128xf32, #tpu.memory_space<vmem>>
        %dma_wait3A_1494 = arith.constant 0 : i32
        %dma_wait3A_1495 = arith.constant 0 : i32
        %dma_wait3A_1496 = tpu.memref_slice %arg4[%add3A_1490, %dma_wait3A_1494, %dma_wait3A_1495] : memref<20480x8x128xf32, #tpu.memory_space<hbm>> -> memref<1x8x128xf32, #tpu.memory_space<hbm>>
        %dma_wait3A_1497 = tpu.memref_squeeze %dma_wait3A_1496 : memref<1x8x128xf32, #tpu.memory_space<hbm>> -> memref<8x128xf32, #tpu.memory_space<hbm>>
        %dma_wait3A_1498 = arith.constant 0 : i32
        %dma_wait3A_1499 = arith.constant 0 : i32
        %dma_wait3A_1500 = tpu.memref_slice %arg4[%add3A_1490, %dma_wait3A_1498, %dma_wait3A_1499] : memref<20480x8x128xf32, #tpu.memory_space<hbm>> -> memref<1x8x128xf32, #tpu.memory_space<hbm>>
        %dma_wait3A_1501 = tpu.memref_squeeze %dma_wait3A_1500 : memref<1x8x128xf32, #tpu.memory_space<hbm>> -> memref<8x128xf32, #tpu.memory_space<hbm>>
        %dma_wait3A_1502 = arith.constant 16 : i32
        %dma_wait3A_1503 = arith.constant 0 : i32
        %dma_wait3A_1504 = tpu.memref_slice %arg11[%dma_wait3A_1502, %dma_wait3A_1503] : memref<64x128xf32, #tpu.memory_space<vmem>> -> memref<8x128xf32, #tpu.memory_space<vmem>>
        tpu.wait_dma2 semaphore(%arg19 : memref<!tpu.dma_semaphore, #tpu.memory_space<semaphore_mem>>) src(%dma_wait3A_1504 : memref<8x128xf32, #tpu.memory_space<vmem>>) dst(%dma_wait3A_1501 : memref<8x128xf32, #tpu.memory_space<hbm>>)
        %add3A_1505 = arith.constant 384 : i32
        %add3A_1506 = arith.addi %add3A_1456, %add3A_1505 : i32
        %dma_wait3A_1507 = arith.constant 24 : i32
        %dma_wait3A_1508 = arith.constant 0 : i32
        %dma_wait3A_1509 = tpu.memref_slice %arg11[%dma_wait3A_1507, %dma_wait3A_1508] : memref<64x128xf32, #tpu.memory_space<vmem>> -> memref<8x128xf32, #tpu.memory_space<vmem>>
        %dma_wait3A_1510 = arith.constant 0 : i32
        %dma_wait3A_1511 = arith.constant 0 : i32
        %dma_wait3A_1512 = tpu.memref_slice %arg4[%add3A_1506, %dma_wait3A_1510, %dma_wait3A_1511] : memref<20480x8x128xf32, #tpu.memory_space<hbm>> -> memref<1x8x128xf32, #tpu.memory_space<hbm>>
        %dma_wait3A_1513 = tpu.memref_squeeze %dma_wait3A_1512 : memref<1x8x128xf32, #tpu.memory_space<hbm>> -> memref<8x128xf32, #tpu.memory_space<hbm>>
        %dma_wait3A_1514 = arith.constant 0 : i32
        %dma_wait3A_1515 = arith.constant 0 : i32
        %dma_wait3A_1516 = tpu.memref_slice %arg4[%add3A_1506, %dma_wait3A_1514, %dma_wait3A_1515] : memref<20480x8x128xf32, #tpu.memory_space<hbm>> -> memref<1x8x128xf32, #tpu.memory_space<hbm>>
        %dma_wait3A_1517 = tpu.memref_squeeze %dma_wait3A_1516 : memref<1x8x128xf32, #tpu.memory_space<hbm>> -> memref<8x128xf32, #tpu.memory_space<hbm>>
        %dma_wait3A_1518 = arith.constant 24 : i32
        %dma_wait3A_1519 = arith.constant 0 : i32
        %dma_wait3A_1520 = tpu.memref_slice %arg11[%dma_wait3A_1518, %dma_wait3A_1519] : memref<64x128xf32, #tpu.memory_space<vmem>> -> memref<8x128xf32, #tpu.memory_space<vmem>>
        tpu.wait_dma2 semaphore(%arg19 : memref<!tpu.dma_semaphore, #tpu.memory_space<semaphore_mem>>) src(%dma_wait3A_1520 : memref<8x128xf32, #tpu.memory_space<vmem>>) dst(%dma_wait3A_1517 : memref<8x128xf32, #tpu.memory_space<hbm>>)
        %add3A_1521 = arith.constant 512 : i32
        %add3A_1522 = arith.addi %add3A_1456, %add3A_1521 : i32
        %dma_wait3A_1523 = arith.constant 32 : i32
        %dma_wait3A_1524 = arith.constant 0 : i32
        %dma_wait3A_1525 = tpu.memref_slice %arg11[%dma_wait3A_1523, %dma_wait3A_1524] : memref<64x128xf32, #tpu.memory_space<vmem>> -> memref<8x128xf32, #tpu.memory_space<vmem>>
        %dma_wait3A_1526 = arith.constant 0 : i32
        %dma_wait3A_1527 = arith.constant 0 : i32
        %dma_wait3A_1528 = tpu.memref_slice %arg4[%add3A_1522, %dma_wait3A_1526, %dma_wait3A_1527] : memref<20480x8x128xf32, #tpu.memory_space<hbm>> -> memref<1x8x128xf32, #tpu.memory_space<hbm>>
        %dma_wait3A_1529 = tpu.memref_squeeze %dma_wait3A_1528 : memref<1x8x128xf32, #tpu.memory_space<hbm>> -> memref<8x128xf32, #tpu.memory_space<hbm>>
        %dma_wait3A_1530 = arith.constant 0 : i32
        %dma_wait3A_1531 = arith.constant 0 : i32
        %dma_wait3A_1532 = tpu.memref_slice %arg4[%add3A_1522, %dma_wait3A_1530, %dma_wait3A_1531] : memref<20480x8x128xf32, #tpu.memory_space<hbm>> -> memref<1x8x128xf32, #tpu.memory_space<hbm>>
        %dma_wait3A_1533 = tpu.memref_squeeze %dma_wait3A_1532 : memref<1x8x128xf32, #tpu.memory_space<hbm>> -> memref<8x128xf32, #tpu.memory_space<hbm>>
        %dma_wait3A_1534 = arith.constant 32 : i32
        %dma_wait3A_1535 = arith.constant 0 : i32
        %dma_wait3A_1536 = tpu.memref_slice %arg11[%dma_wait3A_1534, %dma_wait3A_1535] : memref<64x128xf32, #tpu.memory_space<vmem>> -> memref<8x128xf32, #tpu.memory_space<vmem>>
        tpu.wait_dma2 semaphore(%arg19 : memref<!tpu.dma_semaphore, #tpu.memory_space<semaphore_mem>>) src(%dma_wait3A_1536 : memref<8x128xf32, #tpu.memory_space<vmem>>) dst(%dma_wait3A_1533 : memref<8x128xf32, #tpu.memory_space<hbm>>)
        %add3A_1537 = arith.constant 640 : i32
        %add3A_1538 = arith.addi %add3A_1456, %add3A_1537 : i32
        %dma_wait3A_1539 = arith.constant 40 : i32
        %dma_wait3A_1540 = arith.constant 0 : i32
        %dma_wait3A_1541 = tpu.memref_slice %arg11[%dma_wait3A_1539, %dma_wait3A_1540] : memref<64x128xf32, #tpu.memory_space<vmem>> -> memref<8x128xf32, #tpu.memory_space<vmem>>
        %dma_wait3A_1542 = arith.constant 0 : i32
        %dma_wait3A_1543 = arith.constant 0 : i32
        %dma_wait3A_1544 = tpu.memref_slice %arg4[%add3A_1538, %dma_wait3A_1542, %dma_wait3A_1543] : memref<20480x8x128xf32, #tpu.memory_space<hbm>> -> memref<1x8x128xf32, #tpu.memory_space<hbm>>
        %dma_wait3A_1545 = tpu.memref_squeeze %dma_wait3A_1544 : memref<1x8x128xf32, #tpu.memory_space<hbm>> -> memref<8x128xf32, #tpu.memory_space<hbm>>
        %dma_wait3A_1546 = arith.constant 0 : i32
        %dma_wait3A_1547 = arith.constant 0 : i32
        %dma_wait3A_1548 = tpu.memref_slice %arg4[%add3A_1538, %dma_wait3A_1546, %dma_wait3A_1547] : memref<20480x8x128xf32, #tpu.memory_space<hbm>> -> memref<1x8x128xf32, #tpu.memory_space<hbm>>
        %dma_wait3A_1549 = tpu.memref_squeeze %dma_wait3A_1548 : memref<1x8x128xf32, #tpu.memory_space<hbm>> -> memref<8x128xf32, #tpu.memory_space<hbm>>
        %dma_wait3A_1550 = arith.constant 40 : i32
        %dma_wait3A_1551 = arith.constant 0 : i32
        %dma_wait3A_1552 = tpu.memref_slice %arg11[%dma_wait3A_1550, %dma_wait3A_1551] : memref<64x128xf32, #tpu.memory_space<vmem>> -> memref<8x128xf32, #tpu.memory_space<vmem>>
        tpu.wait_dma2 semaphore(%arg19 : memref<!tpu.dma_semaphore, #tpu.memory_space<semaphore_mem>>) src(%dma_wait3A_1552 : memref<8x128xf32, #tpu.memory_space<vmem>>) dst(%dma_wait3A_1549 : memref<8x128xf32, #tpu.memory_space<hbm>>)
        %add3A_1553 = arith.constant 768 : i32
        %add3A_1554 = arith.addi %add3A_1456, %add3A_1553 : i32
        %dma_wait3A_1555 = arith.constant 48 : i32
        %dma_wait3A_1556 = arith.constant 0 : i32
        %dma_wait3A_1557 = tpu.memref_slice %arg11[%dma_wait3A_1555, %dma_wait3A_1556] : memref<64x128xf32, #tpu.memory_space<vmem>> -> memref<8x128xf32, #tpu.memory_space<vmem>>
        %dma_wait3A_1558 = arith.constant 0 : i32
        %dma_wait3A_1559 = arith.constant 0 : i32
        %dma_wait3A_1560 = tpu.memref_slice %arg4[%add3A_1554, %dma_wait3A_1558, %dma_wait3A_1559] : memref<20480x8x128xf32, #tpu.memory_space<hbm>> -> memref<1x8x128xf32, #tpu.memory_space<hbm>>
        %dma_wait3A_1561 = tpu.memref_squeeze %dma_wait3A_1560 : memref<1x8x128xf32, #tpu.memory_space<hbm>> -> memref<8x128xf32, #tpu.memory_space<hbm>>
        %dma_wait3A_1562 = arith.constant 0 : i32
        %dma_wait3A_1563 = arith.constant 0 : i32
        %dma_wait3A_1564 = tpu.memref_slice %arg4[%add3A_1554, %dma_wait3A_1562, %dma_wait3A_1563] : memref<20480x8x128xf32, #tpu.memory_space<hbm>> -> memref<1x8x128xf32, #tpu.memory_space<hbm>>
        %dma_wait3A_1565 = tpu.memref_squeeze %dma_wait3A_1564 : memref<1x8x128xf32, #tpu.memory_space<hbm>> -> memref<8x128xf32, #tpu.memory_space<hbm>>
        %dma_wait3A_1566 = arith.constant 48 : i32
        %dma_wait3A_1567 = arith.constant 0 : i32
        %dma_wait3A_1568 = tpu.memref_slice %arg11[%dma_wait3A_1566, %dma_wait3A_1567] : memref<64x128xf32, #tpu.memory_space<vmem>> -> memref<8x128xf32, #tpu.memory_space<vmem>>
        tpu.wait_dma2 semaphore(%arg19 : memref<!tpu.dma_semaphore, #tpu.memory_space<semaphore_mem>>) src(%dma_wait3A_1568 : memref<8x128xf32, #tpu.memory_space<vmem>>) dst(%dma_wait3A_1565 : memref<8x128xf32, #tpu.memory_space<hbm>>)
        %add3A_1569 = arith.constant 896 : i32
        %add3A_1570 = arith.addi %add3A_1456, %add3A_1569 : i32
        %dma_wait3A_1571 = arith.constant 56 : i32
        %dma_wait3A_1572 = arith.constant 0 : i32
        %dma_wait3A_1573 = tpu.memref_slice %arg11[%dma_wait3A_1571, %dma_wait3A_1572] : memref<64x128xf32, #tpu.memory_space<vmem>> -> memref<8x128xf32, #tpu.memory_space<vmem>>
        %dma_wait3A_1574 = arith.constant 0 : i32
        %dma_wait3A_1575 = arith.constant 0 : i32
        %dma_wait3A_1576 = tpu.memref_slice %arg4[%add3A_1570, %dma_wait3A_1574, %dma_wait3A_1575] : memref<20480x8x128xf32, #tpu.memory_space<hbm>> -> memref<1x8x128xf32, #tpu.memory_space<hbm>>
        %dma_wait3A_1577 = tpu.memref_squeeze %dma_wait3A_1576 : memref<1x8x128xf32, #tpu.memory_space<hbm>> -> memref<8x128xf32, #tpu.memory_space<hbm>>
        %dma_wait3A_1578 = arith.constant 0 : i32
        %dma_wait3A_1579 = arith.constant 0 : i32
        %dma_wait3A_1580 = tpu.memref_slice %arg4[%add3A_1570, %dma_wait3A_1578, %dma_wait3A_1579] : memref<20480x8x128xf32, #tpu.memory_space<hbm>> -> memref<1x8x128xf32, #tpu.memory_space<hbm>>
        %dma_wait3A_1581 = tpu.memref_squeeze %dma_wait3A_1580 : memref<1x8x128xf32, #tpu.memory_space<hbm>> -> memref<8x128xf32, #tpu.memory_space<hbm>>
        %dma_wait3A_1582 = arith.constant 56 : i32
        %dma_wait3A_1583 = arith.constant 0 : i32
        %dma_wait3A_1584 = tpu.memref_slice %arg11[%dma_wait3A_1582, %dma_wait3A_1583] : memref<64x128xf32, #tpu.memory_space<vmem>> -> memref<8x128xf32, #tpu.memory_space<vmem>>
        tpu.wait_dma2 semaphore(%arg19 : memref<!tpu.dma_semaphore, #tpu.memory_space<semaphore_mem>>) src(%dma_wait3A_1584 : memref<8x128xf32, #tpu.memory_space<vmem>>) dst(%dma_wait3A_1581 : memref<8x128xf32, #tpu.memory_space<hbm>>)
      } else {
      }
      %parallel_loop3A_891 = arith.constant 0 : i32
      %parallel_loop3A_892 = arith.constant 64 : i32
      %parallel_loop3A_893 = arith.constant 1 : i32
      scf.for %parallel_loop3A_1424 = %parallel_loop3A_891 to %parallel_loop3A_892 step %parallel_loop3A_893  : i32 {
        %parallel_loop3A_1425 = arith.constant 0 : i32
        %parallel_loop3A_1426 = vector.broadcast %parallel_loop3A_1425 : i32 to vector<16xi32>
        %parallel_loop3A_1427 = arith.muli %add3A_5, %parallel_loop3A_1426 : vector<16xi32>
        %parallel_loop3A_1428 = vector.broadcast %parallel_loop3A_1424 : i32 to vector<16xi32>
        %parallel_loop3A_1429 = arith.addi %parallel_loop3A_1427, %parallel_loop3A_1428 : vector<16xi32>
        %parallel_loop3A_1430 = tpu.vector_load_idx %arg7[%add3A_5, %parallel_loop3A_1429] : memref<128x64xf32, #tpu.memory_space<vmem>>[vector<16xi32>, vector<16xi32>], vector<16xf32>,
        tpu.vector_store_idx %arg11[%parallel_loop3A_1429, %add3A_5], %parallel_loop3A_1430 : memref<64x128xf32, #tpu.memory_space<vmem>>[vector<16xi32>, vector<16xi32>], vector<16xf32>,
        %parallel_loop3A_1431 = tpu.vector_load_idx %arg7[%add3A_9, %parallel_loop3A_1429] : memref<128x64xf32, #tpu.memory_space<vmem>>[vector<16xi32>, vector<16xi32>], vector<16xf32>,
        tpu.vector_store_idx %arg11[%parallel_loop3A_1429, %add3A_9], %parallel_loop3A_1431 : memref<64x128xf32, #tpu.memory_space<vmem>>[vector<16xi32>, vector<16xi32>], vector<16xf32>,
        %parallel_loop3A_1432 = tpu.vector_load_idx %arg7[%add3A_13, %parallel_loop3A_1429] : memref<128x64xf32, #tpu.memory_space<vmem>>[vector<16xi32>, vector<16xi32>], vector<16xf32>,
        tpu.vector_store_idx %arg11[%parallel_loop3A_1429, %add3A_13], %parallel_loop3A_1432 : memref<64x128xf32, #tpu.memory_space<vmem>>[vector<16xi32>, vector<16xi32>], vector<16xf32>,
        %parallel_loop3A_1433 = tpu.vector_load_idx %arg7[%add3A_17, %parallel_loop3A_1429] : memref<128x64xf32, #tpu.memory_space<vmem>>[vector<16xi32>, vector<16xi32>], vector<16xf32>,
        tpu.vector_store_idx %arg11[%parallel_loop3A_1429, %add3A_17], %parallel_loop3A_1433 : memref<64x128xf32, #tpu.memory_space<vmem>>[vector<16xi32>, vector<16xi32>], vector<16xf32>,
        %parallel_loop3A_1434 = tpu.vector_load_idx %arg7[%add3A_21, %parallel_loop3A_1429] : memref<128x64xf32, #tpu.memory_space<vmem>>[vector<16xi32>, vector<16xi32>], vector<16xf32>,
        tpu.vector_store_idx %arg11[%parallel_loop3A_1429, %add3A_21], %parallel_loop3A_1434 : memref<64x128xf32, #tpu.memory_space<vmem>>[vector<16xi32>, vector<16xi32>], vector<16xf32>,
        %parallel_loop3A_1435 = tpu.vector_load_idx %arg7[%add3A_25, %parallel_loop3A_1429] : memref<128x64xf32, #tpu.memory_space<vmem>>[vector<16xi32>, vector<16xi32>], vector<16xf32>,
        tpu.vector_store_idx %arg11[%parallel_loop3A_1429, %add3A_25], %parallel_loop3A_1435 : memref<64x128xf32, #tpu.memory_space<vmem>>[vector<16xi32>, vector<16xi32>], vector<16xf32>,
        %parallel_loop3A_1436 = tpu.vector_load_idx %arg7[%add3A_29, %parallel_loop3A_1429] : memref<128x64xf32, #tpu.memory_space<vmem>>[vector<16xi32>, vector<16xi32>], vector<16xf32>,
        tpu.vector_store_idx %arg11[%parallel_loop3A_1429, %add3A_29], %parallel_loop3A_1436 : memref<64x128xf32, #tpu.memory_space<vmem>>[vector<16xi32>, vector<16xi32>], vector<16xf32>,
        %parallel_loop3A_1437 = tpu.vector_load_idx %arg7[%add3A_33, %parallel_loop3A_1429] : memref<128x64xf32, #tpu.memory_space<vmem>>[vector<16xi32>, vector<16xi32>], vector<16xf32>,
        tpu.vector_store_idx %arg11[%parallel_loop3A_1429, %add3A_33], %parallel_loop3A_1437 : memref<64x128xf32, #tpu.memory_space<vmem>>[vector<16xi32>, vector<16xi32>], vector<16xf32>,
      } {sc.loop_unroll_factor = 16 : i64, sc.parallel_access}
      %add3A_894 = arith.addi %mul3A_2, %add3A_879 : i32
      %jit3A_895 = arith.constant 128 : i32
      %div3A_896 = arith.divsi %add3A_894, %jit3A_895 : i32
      %sign3A_897 = arith.constant 0 : i32
      %sign3A_898 = arith.cmpi sgt, %add3A_894, %sign3A_897 : i32
      %sign3A_899 = arith.extui %sign3A_898 : i1 to i32
      %sign3A_900 = arith.constant 0 : i32
      %sign3A_901 = arith.cmpi slt, %add3A_894, %sign3A_900 : i32
      %sign3A_902 = arith.extui %sign3A_901 : i1 to i32
      %sign3A_903 = arith.subi %sign3A_899, %sign3A_902 : i32
      %sign3A_904 = arith.constant 0 : i32
      %sign3A_905 = arith.cmpi sgt, %jit3A_895, %sign3A_904 : i32
      %sign3A_906 = arith.extui %sign3A_905 : i1 to i32
      %sign3A_907 = arith.constant 0 : i32
      %sign3A_908 = arith.cmpi slt, %jit3A_895, %sign3A_907 : i32
      %sign3A_909 = arith.extui %sign3A_908 : i1 to i32
      %sign3A_910 = arith.subi %sign3A_906, %sign3A_909 : i32
      %ne3A_911 = arith.cmpi ne, %sign3A_903, %sign3A_910 : i32
      %rem3A_912 = arith.remsi %add3A_894, %jit3A_895 : i32
      %ne3A_913 = arith.constant 0 : i32
      %ne3A_914 = arith.cmpi ne, %rem3A_912, %ne3A_913 : i32
      %and3A_915 = arith.andi %ne3A_911, %ne3A_914 : i1
      %sub3A_916 = arith.constant 1 : i32
      %sub3A_917 = arith.subi %div3A_896, %sub3A_916 : i32
      %select_n3A_918 = arith.select %and3A_915, %sub3A_917, %div3A_896 : i32
      %mul3A_919 = arith.constant 128 : i32
      %mul3A_920 = arith.muli %select_n3A_918, %mul3A_919 : i32
      %sub3A_921 = arith.subi %add3A_894, %mul3A_920 : i32
      %mul3A_922 = arith.constant 1024 : i32
      %mul3A_923 = arith.muli %select_n3A_918, %mul3A_922 : i32
      %add3A_924 = arith.addi %mul3A_923, %sub3A_921 : i32
      %add3A_925 = arith.constant 0 : i32
      %add3A_926 = arith.addi %add3A_924, %add3A_925 : i32
      %dma_start3A_927 = arith.constant 0 : i32
      %dma_start3A_928 = arith.constant 0 : i32
      %dma_start3A_929 = tpu.memref_slice %arg11[%dma_start3A_927, %dma_start3A_928] : memref<64x128xf32, #tpu.memory_space<vmem>> -> memref<8x128xf32, #tpu.memory_space<vmem>>
      %dma_start3A_930 = arith.constant 0 : i32
      %dma_start3A_931 = arith.constant 0 : i32
      %dma_start3A_932 = tpu.memref_slice %arg4[%add3A_926, %dma_start3A_930, %dma_start3A_931] : memref<20480x8x128xf32, #tpu.memory_space<hbm>> -> memref<1x8x128xf32, #tpu.memory_space<hbm>>
      %dma_start3A_933 = tpu.memref_squeeze %dma_start3A_932 : memref<1x8x128xf32, #tpu.memory_space<hbm>> -> memref<8x128xf32, #tpu.memory_space<hbm>>
      %dma_start3A_934 = arith.constant 0 : i32
      %dma_start3A_935 = arith.constant 0 : i32
      %dma_start3A_936 = tpu.memref_slice %arg4[%add3A_926, %dma_start3A_934, %dma_start3A_935] : memref<20480x8x128xf32, #tpu.memory_space<hbm>> -> memref<1x8x128xf32, #tpu.memory_space<hbm>>
      %dma_start3A_937 = tpu.memref_squeeze %dma_start3A_936 : memref<1x8x128xf32, #tpu.memory_space<hbm>> -> memref<8x128xf32, #tpu.memory_space<hbm>>
      %dma_start3A_938 = arith.constant 0 : i32
      %dma_start3A_939 = arith.constant 0 : i32
      %dma_start3A_940 = tpu.memref_slice %arg11[%dma_start3A_938, %dma_start3A_939] : memref<64x128xf32, #tpu.memory_space<vmem>> -> memref<8x128xf32, #tpu.memory_space<vmem>>
      tpu.enqueue_dma source(%dma_start3A_940 : memref<8x128xf32, #tpu.memory_space<vmem>>) target(%dma_start3A_937 : memref<8x128xf32, #tpu.memory_space<hbm>>) target_semaphore(%arg19 : memref<!tpu.dma_semaphore, #tpu.memory_space<semaphore_mem>>)
      %add3A_941 = arith.constant 128 : i32
      %add3A_942 = arith.addi %add3A_924, %add3A_941 : i32
      %dma_start3A_943 = arith.constant 8 : i32
      %dma_start3A_944 = arith.constant 0 : i32
      %dma_start3A_945 = tpu.memref_slice %arg11[%dma_start3A_943, %dma_start3A_944] : memref<64x128xf32, #tpu.memory_space<vmem>> -> memref<8x128xf32, #tpu.memory_space<vmem>>
      %dma_start3A_946 = arith.constant 0 : i32
      %dma_start3A_947 = arith.constant 0 : i32
      %dma_start3A_948 = tpu.memref_slice %arg4[%add3A_942, %dma_start3A_946, %dma_start3A_947] : memref<20480x8x128xf32, #tpu.memory_space<hbm>> -> memref<1x8x128xf32, #tpu.memory_space<hbm>>
      %dma_start3A_949 = tpu.memref_squeeze %dma_start3A_948 : memref<1x8x128xf32, #tpu.memory_space<hbm>> -> memref<8x128xf32, #tpu.memory_space<hbm>>
      %dma_start3A_950 = arith.constant 0 : i32
      %dma_start3A_951 = arith.constant 0 : i32
      %dma_start3A_952 = tpu.memref_slice %arg4[%add3A_942, %dma_start3A_950, %dma_start3A_951] : memref<20480x8x128xf32, #tpu.memory_space<hbm>> -> memref<1x8x128xf32, #tpu.memory_space<hbm>>
      %dma_start3A_953 = tpu.memref_squeeze %dma_start3A_952 : memref<1x8x128xf32, #tpu.memory_space<hbm>> -> memref<8x128xf32, #tpu.memory_space<hbm>>
      %dma_start3A_954 = arith.constant 8 : i32
      %dma_start3A_955 = arith.constant 0 : i32
      %dma_start3A_956 = tpu.memref_slice %arg11[%dma_start3A_954, %dma_start3A_955] : memref<64x128xf32, #tpu.memory_space<vmem>> -> memref<8x128xf32, #tpu.memory_space<vmem>>
      tpu.enqueue_dma source(%dma_start3A_956 : memref<8x128xf32, #tpu.memory_space<vmem>>) target(%dma_start3A_953 : memref<8x128xf32, #tpu.memory_space<hbm>>) target_semaphore(%arg19 : memref<!tpu.dma_semaphore, #tpu.memory_space<semaphore_mem>>)
      %add3A_957 = arith.constant 256 : i32
      %add3A_958 = arith.addi %add3A_924, %add3A_957 : i32
      %dma_start3A_959 = arith.constant 16 : i32
      %dma_start3A_960 = arith.constant 0 : i32
      %dma_start3A_961 = tpu.memref_slice %arg11[%dma_start3A_959, %dma_start3A_960] : memref<64x128xf32, #tpu.memory_space<vmem>> -> memref<8x128xf32, #tpu.memory_space<vmem>>
      %dma_start3A_962 = arith.constant 0 : i32
      %dma_start3A_963 = arith.constant 0 : i32
      %dma_start3A_964 = tpu.memref_slice %arg4[%add3A_958, %dma_start3A_962, %dma_start3A_963] : memref<20480x8x128xf32, #tpu.memory_space<hbm>> -> memref<1x8x128xf32, #tpu.memory_space<hbm>>
      %dma_start3A_965 = tpu.memref_squeeze %dma_start3A_964 : memref<1x8x128xf32, #tpu.memory_space<hbm>> -> memref<8x128xf32, #tpu.memory_space<hbm>>
      %dma_start3A_966 = arith.constant 0 : i32
      %dma_start3A_967 = arith.constant 0 : i32
      %dma_start3A_968 = tpu.memref_slice %arg4[%add3A_958, %dma_start3A_966, %dma_start3A_967] : memref<20480x8x128xf32, #tpu.memory_space<hbm>> -> memref<1x8x128xf32, #tpu.memory_space<hbm>>
      %dma_start3A_969 = tpu.memref_squeeze %dma_start3A_968 : memref<1x8x128xf32, #tpu.memory_space<hbm>> -> memref<8x128xf32, #tpu.memory_space<hbm>>
      %dma_start3A_970 = arith.constant 16 : i32
      %dma_start3A_971 = arith.constant 0 : i32
      %dma_start3A_972 = tpu.memref_slice %arg11[%dma_start3A_970, %dma_start3A_971] : memref<64x128xf32, #tpu.memory_space<vmem>> -> memref<8x128xf32, #tpu.memory_space<vmem>>
      tpu.enqueue_dma source(%dma_start3A_972 : memref<8x128xf32, #tpu.memory_space<vmem>>) target(%dma_start3A_969 : memref<8x128xf32, #tpu.memory_space<hbm>>) target_semaphore(%arg19 : memref<!tpu.dma_semaphore, #tpu.memory_space<semaphore_mem>>)
      %add3A_973 = arith.constant 384 : i32
      %add3A_974 = arith.addi %add3A_924, %add3A_973 : i32
      %dma_start3A_975 = arith.constant 24 : i32
      %dma_start3A_976 = arith.constant 0 : i32
      %dma_start3A_977 = tpu.memref_slice %arg11[%dma_start3A_975, %dma_start3A_976] : memref<64x128xf32, #tpu.memory_space<vmem>> -> memref<8x128xf32, #tpu.memory_space<vmem>>
      %dma_start3A_978 = arith.constant 0 : i32
      %dma_start3A_979 = arith.constant 0 : i32
      %dma_start3A_980 = tpu.memref_slice %arg4[%add3A_974, %dma_start3A_978, %dma_start3A_979] : memref<20480x8x128xf32, #tpu.memory_space<hbm>> -> memref<1x8x128xf32, #tpu.memory_space<hbm>>
      %dma_start3A_981 = tpu.memref_squeeze %dma_start3A_980 : memref<1x8x128xf32, #tpu.memory_space<hbm>> -> memref<8x128xf32, #tpu.memory_space<hbm>>
      %dma_start3A_982 = arith.constant 0 : i32
      %dma_start3A_983 = arith.constant 0 : i32
      %dma_start3A_984 = tpu.memref_slice %arg4[%add3A_974, %dma_start3A_982, %dma_start3A_983] : memref<20480x8x128xf32, #tpu.memory_space<hbm>> -> memref<1x8x128xf32, #tpu.memory_space<hbm>>
      %dma_start3A_985 = tpu.memref_squeeze %dma_start3A_984 : memref<1x8x128xf32, #tpu.memory_space<hbm>> -> memref<8x128xf32, #tpu.memory_space<hbm>>
      %dma_start3A_986 = arith.constant 24 : i32
      %dma_start3A_987 = arith.constant 0 : i32
      %dma_start3A_988 = tpu.memref_slice %arg11[%dma_start3A_986, %dma_start3A_987] : memref<64x128xf32, #tpu.memory_space<vmem>> -> memref<8x128xf32, #tpu.memory_space<vmem>>
      tpu.enqueue_dma source(%dma_start3A_988 : memref<8x128xf32, #tpu.memory_space<vmem>>) target(%dma_start3A_985 : memref<8x128xf32, #tpu.memory_space<hbm>>) target_semaphore(%arg19 : memref<!tpu.dma_semaphore, #tpu.memory_space<semaphore_mem>>)
      %add3A_989 = arith.constant 512 : i32
      %add3A_990 = arith.addi %add3A_924, %add3A_989 : i32
      %dma_start3A_991 = arith.constant 32 : i32
      %dma_start3A_992 = arith.constant 0 : i32
      %dma_start3A_993 = tpu.memref_slice %arg11[%dma_start3A_991, %dma_start3A_992] : memref<64x128xf32, #tpu.memory_space<vmem>> -> memref<8x128xf32, #tpu.memory_space<vmem>>
      %dma_start3A_994 = arith.constant 0 : i32
      %dma_start3A_995 = arith.constant 0 : i32
      %dma_start3A_996 = tpu.memref_slice %arg4[%add3A_990, %dma_start3A_994, %dma_start3A_995] : memref<20480x8x128xf32, #tpu.memory_space<hbm>> -> memref<1x8x128xf32, #tpu.memory_space<hbm>>
      %dma_start3A_997 = tpu.memref_squeeze %dma_start3A_996 : memref<1x8x128xf32, #tpu.memory_space<hbm>> -> memref<8x128xf32, #tpu.memory_space<hbm>>
      %dma_start3A_998 = arith.constant 0 : i32
      %dma_start3A_999 = arith.constant 0 : i32
      %dma_start3A_1000 = tpu.memref_slice %arg4[%add3A_990, %dma_start3A_998, %dma_start3A_999] : memref<20480x8x128xf32, #tpu.memory_space<hbm>> -> memref<1x8x128xf32, #tpu.memory_space<hbm>>
      %dma_start3A_1001 = tpu.memref_squeeze %dma_start3A_1000 : memref<1x8x128xf32, #tpu.memory_space<hbm>> -> memref<8x128xf32, #tpu.memory_space<hbm>>
      %dma_start3A_1002 = arith.constant 32 : i32
      %dma_start3A_1003 = arith.constant 0 : i32
      %dma_start3A_1004 = tpu.memref_slice %arg11[%dma_start3A_1002, %dma_start3A_1003] : memref<64x128xf32, #tpu.memory_space<vmem>> -> memref<8x128xf32, #tpu.memory_space<vmem>>
      tpu.enqueue_dma source(%dma_start3A_1004 : memref<8x128xf32, #tpu.memory_space<vmem>>) target(%dma_start3A_1001 : memref<8x128xf32, #tpu.memory_space<hbm>>) target_semaphore(%arg19 : memref<!tpu.dma_semaphore, #tpu.memory_space<semaphore_mem>>)
      %add3A_1005 = arith.constant 640 : i32
      %add3A_1006 = arith.addi %add3A_924, %add3A_1005 : i32
      %dma_start3A_1007 = arith.constant 40 : i32
      %dma_start3A_1008 = arith.constant 0 : i32
      %dma_start3A_1009 = tpu.memref_slice %arg11[%dma_start3A_1007, %dma_start3A_1008] : memref<64x128xf32, #tpu.memory_space<vmem>> -> memref<8x128xf32, #tpu.memory_space<vmem>>
      %dma_start3A_1010 = arith.constant 0 : i32
      %dma_start3A_1011 = arith.constant 0 : i32
      %dma_start3A_1012 = tpu.memref_slice %arg4[%add3A_1006, %dma_start3A_1010, %dma_start3A_1011] : memref<20480x8x128xf32, #tpu.memory_space<hbm>> -> memref<1x8x128xf32, #tpu.memory_space<hbm>>
      %dma_start3A_1013 = tpu.memref_squeeze %dma_start3A_1012 : memref<1x8x128xf32, #tpu.memory_space<hbm>> -> memref<8x128xf32, #tpu.memory_space<hbm>>
      %dma_start3A_1014 = arith.constant 0 : i32
      %dma_start3A_1015 = arith.constant 0 : i32
      %dma_start3A_1016 = tpu.memref_slice %arg4[%add3A_1006, %dma_start3A_1014, %dma_start3A_1015] : memref<20480x8x128xf32, #tpu.memory_space<hbm>> -> memref<1x8x128xf32, #tpu.memory_space<hbm>>
      %dma_start3A_1017 = tpu.memref_squeeze %dma_start3A_1016 : memref<1x8x128xf32, #tpu.memory_space<hbm>> -> memref<8x128xf32, #tpu.memory_space<hbm>>
      %dma_start3A_1018 = arith.constant 40 : i32
      %dma_start3A_1019 = arith.constant 0 : i32
      %dma_start3A_1020 = tpu.memref_slice %arg11[%dma_start3A_1018, %dma_start3A_1019] : memref<64x128xf32, #tpu.memory_space<vmem>> -> memref<8x128xf32, #tpu.memory_space<vmem>>
      tpu.enqueue_dma source(%dma_start3A_1020 : memref<8x128xf32, #tpu.memory_space<vmem>>) target(%dma_start3A_1017 : memref<8x128xf32, #tpu.memory_space<hbm>>) target_semaphore(%arg19 : memref<!tpu.dma_semaphore, #tpu.memory_space<semaphore_mem>>)
      %add3A_1021 = arith.constant 768 : i32
      %add3A_1022 = arith.addi %add3A_924, %add3A_1021 : i32
      %dma_start3A_1023 = arith.constant 48 : i32
      %dma_start3A_1024 = arith.constant 0 : i32
      %dma_start3A_1025 = tpu.memref_slice %arg11[%dma_start3A_1023, %dma_start3A_1024] : memref<64x128xf32, #tpu.memory_space<vmem>> -> memref<8x128xf32, #tpu.memory_space<vmem>>
      %dma_start3A_1026 = arith.constant 0 : i32
      %dma_start3A_1027 = arith.constant 0 : i32
      %dma_start3A_1028 = tpu.memref_slice %arg4[%add3A_1022, %dma_start3A_1026, %dma_start3A_1027] : memref<20480x8x128xf32, #tpu.memory_space<hbm>> -> memref<1x8x128xf32, #tpu.memory_space<hbm>>
      %dma_start3A_1029 = tpu.memref_squeeze %dma_start3A_1028 : memref<1x8x128xf32, #tpu.memory_space<hbm>> -> memref<8x128xf32, #tpu.memory_space<hbm>>
      %dma_start3A_1030 = arith.constant 0 : i32
      %dma_start3A_1031 = arith.constant 0 : i32
      %dma_start3A_1032 = tpu.memref_slice %arg4[%add3A_1022, %dma_start3A_1030, %dma_start3A_1031] : memref<20480x8x128xf32, #tpu.memory_space<hbm>> -> memref<1x8x128xf32, #tpu.memory_space<hbm>>
      %dma_start3A_1033 = tpu.memref_squeeze %dma_start3A_1032 : memref<1x8x128xf32, #tpu.memory_space<hbm>> -> memref<8x128xf32, #tpu.memory_space<hbm>>
      %dma_start3A_1034 = arith.constant 48 : i32
      %dma_start3A_1035 = arith.constant 0 : i32
      %dma_start3A_1036 = tpu.memref_slice %arg11[%dma_start3A_1034, %dma_start3A_1035] : memref<64x128xf32, #tpu.memory_space<vmem>> -> memref<8x128xf32, #tpu.memory_space<vmem>>
      tpu.enqueue_dma source(%dma_start3A_1036 : memref<8x128xf32, #tpu.memory_space<vmem>>) target(%dma_start3A_1033 : memref<8x128xf32, #tpu.memory_space<hbm>>) target_semaphore(%arg19 : memref<!tpu.dma_semaphore, #tpu.memory_space<semaphore_mem>>)
      %add3A_1037 = arith.constant 896 : i32
      %add3A_1038 = arith.addi %add3A_924, %add3A_1037 : i32
      %dma_start3A_1039 = arith.constant 56 : i32
      %dma_start3A_1040 = arith.constant 0 : i32
      %dma_start3A_1041 = tpu.memref_slice %arg11[%dma_start3A_1039, %dma_start3A_1040] : memref<64x128xf32, #tpu.memory_space<vmem>> -> memref<8x128xf32, #tpu.memory_space<vmem>>
      %dma_start3A_1042 = arith.constant 0 : i32
      %dma_start3A_1043 = arith.constant 0 : i32
      %dma_start3A_1044 = tpu.memref_slice %arg4[%add3A_1038, %dma_start3A_1042, %dma_start3A_1043] : memref<20480x8x128xf32, #tpu.memory_space<hbm>> -> memref<1x8x128xf32, #tpu.memory_space<hbm>>
      %dma_start3A_1045 = tpu.memref_squeeze %dma_start3A_1044 : memref<1x8x128xf32, #tpu.memory_space<hbm>> -> memref<8x128xf32, #tpu.memory_space<hbm>>
      %dma_start3A_1046 = arith.constant 0 : i32
      %dma_start3A_1047 = arith.constant 0 : i32
      %dma_start3A_1048 = tpu.memref_slice %arg4[%add3A_1038, %dma_start3A_1046, %dma_start3A_1047] : memref<20480x8x128xf32, #tpu.memory_space<hbm>> -> memref<1x8x128xf32, #tpu.memory_space<hbm>>
      %dma_start3A_1049 = tpu.memref_squeeze %dma_start3A_1048 : memref<1x8x128xf32, #tpu.memory_space<hbm>> -> memref<8x128xf32, #tpu.memory_space<hbm>>
      %dma_start3A_1050 = arith.constant 56 : i32
      %dma_start3A_1051 = arith.constant 0 : i32
      %dma_start3A_1052 = tpu.memref_slice %arg11[%dma_start3A_1050, %dma_start3A_1051] : memref<64x128xf32, #tpu.memory_space<vmem>> -> memref<8x128xf32, #tpu.memory_space<vmem>>
      tpu.enqueue_dma source(%dma_start3A_1052 : memref<8x128xf32, #tpu.memory_space<vmem>>) target(%dma_start3A_1049 : memref<8x128xf32, #tpu.memory_space<hbm>>) target_semaphore(%arg19 : memref<!tpu.dma_semaphore, #tpu.memory_space<semaphore_mem>>)
      %add3A_1053 = arith.constant 4 : i32
      %add3A_1054 = arith.addi %add3A_879, %add3A_1053 : i32
      %lt3A_1055 = arith.constant 80 : i32
      %lt3A_1056 = arith.cmpi slt, %add3A_1054, %lt3A_1055 : i32
      %convert_element_type3A_1057 = arith.extui %lt3A_1056 : i1 to i32
      %cond3A_1058 = arith.constant 0 : i32
      %cond3A_1059 = arith.cmpi ne, %convert_element_type3A_1057, %cond3A_1058 : i32
      scf.if %cond3A_1059 {
        %add3A_1424 = arith.constant 4 : i32
        %add3A_1425 = arith.addi %add3A_879, %add3A_1424 : i32
        %dma_start3A_1426 = arith.constant 0 : i32
        %dma_start3A_1427 = tpu.memref_slice %arg5[%add3A_1425, %dma_start3A_1426] : memref<80x128xi32, #tpu.memory_space<vmem>> -> memref<1x128xi32, #tpu.memory_space<vmem>>
        %dma_start3A_1428 = tpu.memref_squeeze %dma_start3A_1427 : memref<1x128xi32, #tpu.memory_space<vmem>> -> memref<128xi32, #tpu.memory_space<vmem>>
        %dma_start3A_1429 = arith.constant 0 : i32
        %dma_start3A_1430 = arith.constant 0 : i32
        %dma_start3A_1431 = tpu.memref_slice %arg2[%dma_start3A_1429, %dma_start3A_1430] : memref<1015808x64xf32, #tpu.memory_space<hbm>> -> memref<1015808x64xf32, #tpu.memory_space<hbm>>
        tpu.enqueue_indirect_dma source(%dma_start3A_1431 : memref<1015808x64xf32, #tpu.memory_space<hbm>>) target(%arg7 : memref<128x64xf32, #tpu.memory_space<vmem>>) offsets(%dma_start3A_1428 : memref<128xi32, #tpu.memory_space<vmem>>) semaphore(%arg15 : memref<!tpu.dma_semaphore, #tpu.memory_space<semaphore_mem>>)
      } else {
      }
      %add3A_1060 = arith.constant 2 : i32
      %add3A_1061 = arith.addi %add3A_700, %add3A_1060 : i32
      %dma_wait3A_1062 = arith.constant 0 : i32
      %dma_wait3A_1063 = tpu.memref_slice %arg5[%add3A_1061, %dma_wait3A_1062] : memref<80x128xi32, #tpu.memory_space<vmem>> -> memref<1x128xi32, #tpu.memory_space<vmem>>
      %dma_wait3A_1064 = tpu.memref_squeeze %dma_wait3A_1063 : memref<1x128xi32, #tpu.memory_space<vmem>> -> memref<128xi32, #tpu.memory_space<vmem>>
      %dma_wait3A_1065 = arith.constant 0 : i32
      %dma_wait3A_1066 = arith.constant 0 : i32
      %dma_wait3A_1067 = tpu.memref_slice %arg2[%dma_wait3A_1065, %dma_wait3A_1066] : memref<1015808x64xf32, #tpu.memory_space<hbm>> -> memref<1015808x64xf32, #tpu.memory_space<hbm>>
      tpu.wait_indirect_dma semaphore(%arg16 : memref<!tpu.dma_semaphore, #tpu.memory_space<semaphore_mem>>) src(%dma_wait3A_1067 : memref<1015808x64xf32, #tpu.memory_space<hbm>>) dst(%arg8 : memref<128x64xf32, #tpu.memory_space<vmem>>)
      %ge3A_1068 = arith.constant 4 : i32
      %ge3A_1069 = arith.cmpi sge, %add3A_1061, %ge3A_1068 : i32
      %convert_element_type3A_1070 = arith.extui %ge3A_1069 : i1 to i32
      %cond3A_1071 = arith.constant 0 : i32
      %cond3A_1072 = arith.cmpi ne, %convert_element_type3A_1070, %cond3A_1071 : i32
      scf.if %cond3A_1072 {
        %sub3A_1424 = arith.constant 4 : i32
        %sub3A_1425 = arith.subi %add3A_1061, %sub3A_1424 : i32
        %add3A_1426 = arith.addi %mul3A_2, %sub3A_1425 : i32
        %jit3A_1427 = arith.constant 128 : i32
        %div3A_1428 = arith.divsi %add3A_1426, %jit3A_1427 : i32
        %sign3A_1429 = arith.constant 0 : i32
        %sign3A_1430 = arith.cmpi sgt, %add3A_1426, %sign3A_1429 : i32
        %sign3A_1431 = arith.extui %sign3A_1430 : i1 to i32
        %sign3A_1432 = arith.constant 0 : i32
        %sign3A_1433 = arith.cmpi slt, %add3A_1426, %sign3A_1432 : i32
        %sign3A_1434 = arith.extui %sign3A_1433 : i1 to i32
        %sign3A_1435 = arith.subi %sign3A_1431, %sign3A_1434 : i32
        %sign3A_1436 = arith.constant 0 : i32
        %sign3A_1437 = arith.cmpi sgt, %jit3A_1427, %sign3A_1436 : i32
        %sign3A_1438 = arith.extui %sign3A_1437 : i1 to i32
        %sign3A_1439 = arith.constant 0 : i32
        %sign3A_1440 = arith.cmpi slt, %jit3A_1427, %sign3A_1439 : i32
        %sign3A_1441 = arith.extui %sign3A_1440 : i1 to i32
        %sign3A_1442 = arith.subi %sign3A_1438, %sign3A_1441 : i32
        %ne3A_1443 = arith.cmpi ne, %sign3A_1435, %sign3A_1442 : i32
        %rem3A_1444 = arith.remsi %add3A_1426, %jit3A_1427 : i32
        %ne3A_1445 = arith.constant 0 : i32
        %ne3A_1446 = arith.cmpi ne, %rem3A_1444, %ne3A_1445 : i32
        %and3A_1447 = arith.andi %ne3A_1443, %ne3A_1446 : i1
        %sub3A_1448 = arith.constant 1 : i32
        %sub3A_1449 = arith.subi %div3A_1428, %sub3A_1448 : i32
        %select_n3A_1450 = arith.select %and3A_1447, %sub3A_1449, %div3A_1428 : i32
        %mul3A_1451 = arith.constant 128 : i32
        %mul3A_1452 = arith.muli %select_n3A_1450, %mul3A_1451 : i32
        %sub3A_1453 = arith.subi %add3A_1426, %mul3A_1452 : i32
        %mul3A_1454 = arith.constant 1024 : i32
        %mul3A_1455 = arith.muli %select_n3A_1450, %mul3A_1454 : i32
        %add3A_1456 = arith.addi %mul3A_1455, %sub3A_1453 : i32
        %add3A_1457 = arith.constant 0 : i32
        %add3A_1458 = arith.addi %add3A_1456, %add3A_1457 : i32
        %dma_wait3A_1459 = arith.constant 0 : i32
        %dma_wait3A_1460 = arith.constant 0 : i32
        %dma_wait3A_1461 = tpu.memref_slice %arg12[%dma_wait3A_1459, %dma_wait3A_1460] : memref<64x128xf32, #tpu.memory_space<vmem>> -> memref<8x128xf32, #tpu.memory_space<vmem>>
        %dma_wait3A_1462 = arith.constant 0 : i32
        %dma_wait3A_1463 = arith.constant 0 : i32
        %dma_wait3A_1464 = tpu.memref_slice %arg4[%add3A_1458, %dma_wait3A_1462, %dma_wait3A_1463] : memref<20480x8x128xf32, #tpu.memory_space<hbm>> -> memref<1x8x128xf32, #tpu.memory_space<hbm>>
        %dma_wait3A_1465 = tpu.memref_squeeze %dma_wait3A_1464 : memref<1x8x128xf32, #tpu.memory_space<hbm>> -> memref<8x128xf32, #tpu.memory_space<hbm>>
        %dma_wait3A_1466 = arith.constant 0 : i32
        %dma_wait3A_1467 = arith.constant 0 : i32
        %dma_wait3A_1468 = tpu.memref_slice %arg4[%add3A_1458, %dma_wait3A_1466, %dma_wait3A_1467] : memref<20480x8x128xf32, #tpu.memory_space<hbm>> -> memref<1x8x128xf32, #tpu.memory_space<hbm>>
        %dma_wait3A_1469 = tpu.memref_squeeze %dma_wait3A_1468 : memref<1x8x128xf32, #tpu.memory_space<hbm>> -> memref<8x128xf32, #tpu.memory_space<hbm>>
        %dma_wait3A_1470 = arith.constant 0 : i32
        %dma_wait3A_1471 = arith.constant 0 : i32
        %dma_wait3A_1472 = tpu.memref_slice %arg12[%dma_wait3A_1470, %dma_wait3A_1471] : memref<64x128xf32, #tpu.memory_space<vmem>> -> memref<8x128xf32, #tpu.memory_space<vmem>>
        tpu.wait_dma2 semaphore(%arg20 : memref<!tpu.dma_semaphore, #tpu.memory_space<semaphore_mem>>) src(%dma_wait3A_1472 : memref<8x128xf32, #tpu.memory_space<vmem>>) dst(%dma_wait3A_1469 : memref<8x128xf32, #tpu.memory_space<hbm>>)
        %add3A_1473 = arith.constant 128 : i32
        %add3A_1474 = arith.addi %add3A_1456, %add3A_1473 : i32
        %dma_wait3A_1475 = arith.constant 8 : i32
        %dma_wait3A_1476 = arith.constant 0 : i32
        %dma_wait3A_1477 = tpu.memref_slice %arg12[%dma_wait3A_1475, %dma_wait3A_1476] : memref<64x128xf32, #tpu.memory_space<vmem>> -> memref<8x128xf32, #tpu.memory_space<vmem>>
        %dma_wait3A_1478 = arith.constant 0 : i32
        %dma_wait3A_1479 = arith.constant 0 : i32
        %dma_wait3A_1480 = tpu.memref_slice %arg4[%add3A_1474, %dma_wait3A_1478, %dma_wait3A_1479] : memref<20480x8x128xf32, #tpu.memory_space<hbm>> -> memref<1x8x128xf32, #tpu.memory_space<hbm>>
        %dma_wait3A_1481 = tpu.memref_squeeze %dma_wait3A_1480 : memref<1x8x128xf32, #tpu.memory_space<hbm>> -> memref<8x128xf32, #tpu.memory_space<hbm>>
        %dma_wait3A_1482 = arith.constant 0 : i32
        %dma_wait3A_1483 = arith.constant 0 : i32
        %dma_wait3A_1484 = tpu.memref_slice %arg4[%add3A_1474, %dma_wait3A_1482, %dma_wait3A_1483] : memref<20480x8x128xf32, #tpu.memory_space<hbm>> -> memref<1x8x128xf32, #tpu.memory_space<hbm>>
        %dma_wait3A_1485 = tpu.memref_squeeze %dma_wait3A_1484 : memref<1x8x128xf32, #tpu.memory_space<hbm>> -> memref<8x128xf32, #tpu.memory_space<hbm>>
        %dma_wait3A_1486 = arith.constant 8 : i32
        %dma_wait3A_1487 = arith.constant 0 : i32
        %dma_wait3A_1488 = tpu.memref_slice %arg12[%dma_wait3A_1486, %dma_wait3A_1487] : memref<64x128xf32, #tpu.memory_space<vmem>> -> memref<8x128xf32, #tpu.memory_space<vmem>>
        tpu.wait_dma2 semaphore(%arg20 : memref<!tpu.dma_semaphore, #tpu.memory_space<semaphore_mem>>) src(%dma_wait3A_1488 : memref<8x128xf32, #tpu.memory_space<vmem>>) dst(%dma_wait3A_1485 : memref<8x128xf32, #tpu.memory_space<hbm>>)
        %add3A_1489 = arith.constant 256 : i32
        %add3A_1490 = arith.addi %add3A_1456, %add3A_1489 : i32
        %dma_wait3A_1491 = arith.constant 16 : i32
        %dma_wait3A_1492 = arith.constant 0 : i32
        %dma_wait3A_1493 = tpu.memref_slice %arg12[%dma_wait3A_1491, %dma_wait3A_1492] : memref<64x128xf32, #tpu.memory_space<vmem>> -> memref<8x128xf32, #tpu.memory_space<vmem>>
        %dma_wait3A_1494 = arith.constant 0 : i32
        %dma_wait3A_1495 = arith.constant 0 : i32
        %dma_wait3A_1496 = tpu.memref_slice %arg4[%add3A_1490, %dma_wait3A_1494, %dma_wait3A_1495] : memref<20480x8x128xf32, #tpu.memory_space<hbm>> -> memref<1x8x128xf32, #tpu.memory_space<hbm>>
        %dma_wait3A_1497 = tpu.memref_squeeze %dma_wait3A_1496 : memref<1x8x128xf32, #tpu.memory_space<hbm>> -> memref<8x128xf32, #tpu.memory_space<hbm>>
        %dma_wait3A_1498 = arith.constant 0 : i32
        %dma_wait3A_1499 = arith.constant 0 : i32
        %dma_wait3A_1500 = tpu.memref_slice %arg4[%add3A_1490, %dma_wait3A_1498, %dma_wait3A_1499] : memref<20480x8x128xf32, #tpu.memory_space<hbm>> -> memref<1x8x128xf32, #tpu.memory_space<hbm>>
        %dma_wait3A_1501 = tpu.memref_squeeze %dma_wait3A_1500 : memref<1x8x128xf32, #tpu.memory_space<hbm>> -> memref<8x128xf32, #tpu.memory_space<hbm>>
        %dma_wait3A_1502 = arith.constant 16 : i32
        %dma_wait3A_1503 = arith.constant 0 : i32
        %dma_wait3A_1504 = tpu.memref_slice %arg12[%dma_wait3A_1502, %dma_wait3A_1503] : memref<64x128xf32, #tpu.memory_space<vmem>> -> memref<8x128xf32, #tpu.memory_space<vmem>>
        tpu.wait_dma2 semaphore(%arg20 : memref<!tpu.dma_semaphore, #tpu.memory_space<semaphore_mem>>) src(%dma_wait3A_1504 : memref<8x128xf32, #tpu.memory_space<vmem>>) dst(%dma_wait3A_1501 : memref<8x128xf32, #tpu.memory_space<hbm>>)
        %add3A_1505 = arith.constant 384 : i32
        %add3A_1506 = arith.addi %add3A_1456, %add3A_1505 : i32
        %dma_wait3A_1507 = arith.constant 24 : i32
        %dma_wait3A_1508 = arith.constant 0 : i32
        %dma_wait3A_1509 = tpu.memref_slice %arg12[%dma_wait3A_1507, %dma_wait3A_1508] : memref<64x128xf32, #tpu.memory_space<vmem>> -> memref<8x128xf32, #tpu.memory_space<vmem>>
        %dma_wait3A_1510 = arith.constant 0 : i32
        %dma_wait3A_1511 = arith.constant 0 : i32
        %dma_wait3A_1512 = tpu.memref_slice %arg4[%add3A_1506, %dma_wait3A_1510, %dma_wait3A_1511] : memref<20480x8x128xf32, #tpu.memory_space<hbm>> -> memref<1x8x128xf32, #tpu.memory_space<hbm>>
        %dma_wait3A_1513 = tpu.memref_squeeze %dma_wait3A_1512 : memref<1x8x128xf32, #tpu.memory_space<hbm>> -> memref<8x128xf32, #tpu.memory_space<hbm>>
        %dma_wait3A_1514 = arith.constant 0 : i32
        %dma_wait3A_1515 = arith.constant 0 : i32
        %dma_wait3A_1516 = tpu.memref_slice %arg4[%add3A_1506, %dma_wait3A_1514, %dma_wait3A_1515] : memref<20480x8x128xf32, #tpu.memory_space<hbm>> -> memref<1x8x128xf32, #tpu.memory_space<hbm>>
        %dma_wait3A_1517 = tpu.memref_squeeze %dma_wait3A_1516 : memref<1x8x128xf32, #tpu.memory_space<hbm>> -> memref<8x128xf32, #tpu.memory_space<hbm>>
        %dma_wait3A_1518 = arith.constant 24 : i32
        %dma_wait3A_1519 = arith.constant 0 : i32
        %dma_wait3A_1520 = tpu.memref_slice %arg12[%dma_wait3A_1518, %dma_wait3A_1519] : memref<64x128xf32, #tpu.memory_space<vmem>> -> memref<8x128xf32, #tpu.memory_space<vmem>>
        tpu.wait_dma2 semaphore(%arg20 : memref<!tpu.dma_semaphore, #tpu.memory_space<semaphore_mem>>) src(%dma_wait3A_1520 : memref<8x128xf32, #tpu.memory_space<vmem>>) dst(%dma_wait3A_1517 : memref<8x128xf32, #tpu.memory_space<hbm>>)
        %add3A_1521 = arith.constant 512 : i32
        %add3A_1522 = arith.addi %add3A_1456, %add3A_1521 : i32
        %dma_wait3A_1523 = arith.constant 32 : i32
        %dma_wait3A_1524 = arith.constant 0 : i32
        %dma_wait3A_1525 = tpu.memref_slice %arg12[%dma_wait3A_1523, %dma_wait3A_1524] : memref<64x128xf32, #tpu.memory_space<vmem>> -> memref<8x128xf32, #tpu.memory_space<vmem>>
        %dma_wait3A_1526 = arith.constant 0 : i32
        %dma_wait3A_1527 = arith.constant 0 : i32
        %dma_wait3A_1528 = tpu.memref_slice %arg4[%add3A_1522, %dma_wait3A_1526, %dma_wait3A_1527] : memref<20480x8x128xf32, #tpu.memory_space<hbm>> -> memref<1x8x128xf32, #tpu.memory_space<hbm>>
        %dma_wait3A_1529 = tpu.memref_squeeze %dma_wait3A_1528 : memref<1x8x128xf32, #tpu.memory_space<hbm>> -> memref<8x128xf32, #tpu.memory_space<hbm>>
        %dma_wait3A_1530 = arith.constant 0 : i32
        %dma_wait3A_1531 = arith.constant 0 : i32
        %dma_wait3A_1532 = tpu.memref_slice %arg4[%add3A_1522, %dma_wait3A_1530, %dma_wait3A_1531] : memref<20480x8x128xf32, #tpu.memory_space<hbm>> -> memref<1x8x128xf32, #tpu.memory_space<hbm>>
        %dma_wait3A_1533 = tpu.memref_squeeze %dma_wait3A_1532 : memref<1x8x128xf32, #tpu.memory_space<hbm>> -> memref<8x128xf32, #tpu.memory_space<hbm>>
        %dma_wait3A_1534 = arith.constant 32 : i32
        %dma_wait3A_1535 = arith.constant 0 : i32
        %dma_wait3A_1536 = tpu.memref_slice %arg12[%dma_wait3A_1534, %dma_wait3A_1535] : memref<64x128xf32, #tpu.memory_space<vmem>> -> memref<8x128xf32, #tpu.memory_space<vmem>>
        tpu.wait_dma2 semaphore(%arg20 : memref<!tpu.dma_semaphore, #tpu.memory_space<semaphore_mem>>) src(%dma_wait3A_1536 : memref<8x128xf32, #tpu.memory_space<vmem>>) dst(%dma_wait3A_1533 : memref<8x128xf32, #tpu.memory_space<hbm>>)
        %add3A_1537 = arith.constant 640 : i32
        %add3A_1538 = arith.addi %add3A_1456, %add3A_1537 : i32
        %dma_wait3A_1539 = arith.constant 40 : i32
        %dma_wait3A_1540 = arith.constant 0 : i32
        %dma_wait3A_1541 = tpu.memref_slice %arg12[%dma_wait3A_1539, %dma_wait3A_1540] : memref<64x128xf32, #tpu.memory_space<vmem>> -> memref<8x128xf32, #tpu.memory_space<vmem>>
        %dma_wait3A_1542 = arith.constant 0 : i32
        %dma_wait3A_1543 = arith.constant 0 : i32
        %dma_wait3A_1544 = tpu.memref_slice %arg4[%add3A_1538, %dma_wait3A_1542, %dma_wait3A_1543] : memref<20480x8x128xf32, #tpu.memory_space<hbm>> -> memref<1x8x128xf32, #tpu.memory_space<hbm>>
        %dma_wait3A_1545 = tpu.memref_squeeze %dma_wait3A_1544 : memref<1x8x128xf32, #tpu.memory_space<hbm>> -> memref<8x128xf32, #tpu.memory_space<hbm>>
        %dma_wait3A_1546 = arith.constant 0 : i32
        %dma_wait3A_1547 = arith.constant 0 : i32
        %dma_wait3A_1548 = tpu.memref_slice %arg4[%add3A_1538, %dma_wait3A_1546, %dma_wait3A_1547] : memref<20480x8x128xf32, #tpu.memory_space<hbm>> -> memref<1x8x128xf32, #tpu.memory_space<hbm>>
        %dma_wait3A_1549 = tpu.memref_squeeze %dma_wait3A_1548 : memref<1x8x128xf32, #tpu.memory_space<hbm>> -> memref<8x128xf32, #tpu.memory_space<hbm>>
        %dma_wait3A_1550 = arith.constant 40 : i32
        %dma_wait3A_1551 = arith.constant 0 : i32
        %dma_wait3A_1552 = tpu.memref_slice %arg12[%dma_wait3A_1550, %dma_wait3A_1551] : memref<64x128xf32, #tpu.memory_space<vmem>> -> memref<8x128xf32, #tpu.memory_space<vmem>>
        tpu.wait_dma2 semaphore(%arg20 : memref<!tpu.dma_semaphore, #tpu.memory_space<semaphore_mem>>) src(%dma_wait3A_1552 : memref<8x128xf32, #tpu.memory_space<vmem>>) dst(%dma_wait3A_1549 : memref<8x128xf32, #tpu.memory_space<hbm>>)
        %add3A_1553 = arith.constant 768 : i32
        %add3A_1554 = arith.addi %add3A_1456, %add3A_1553 : i32
        %dma_wait3A_1555 = arith.constant 48 : i32
        %dma_wait3A_1556 = arith.constant 0 : i32
        %dma_wait3A_1557 = tpu.memref_slice %arg12[%dma_wait3A_1555, %dma_wait3A_1556] : memref<64x128xf32, #tpu.memory_space<vmem>> -> memref<8x128xf32, #tpu.memory_space<vmem>>
        %dma_wait3A_1558 = arith.constant 0 : i32
        %dma_wait3A_1559 = arith.constant 0 : i32
        %dma_wait3A_1560 = tpu.memref_slice %arg4[%add3A_1554, %dma_wait3A_1558, %dma_wait3A_1559] : memref<20480x8x128xf32, #tpu.memory_space<hbm>> -> memref<1x8x128xf32, #tpu.memory_space<hbm>>
        %dma_wait3A_1561 = tpu.memref_squeeze %dma_wait3A_1560 : memref<1x8x128xf32, #tpu.memory_space<hbm>> -> memref<8x128xf32, #tpu.memory_space<hbm>>
        %dma_wait3A_1562 = arith.constant 0 : i32
        %dma_wait3A_1563 = arith.constant 0 : i32
        %dma_wait3A_1564 = tpu.memref_slice %arg4[%add3A_1554, %dma_wait3A_1562, %dma_wait3A_1563] : memref<20480x8x128xf32, #tpu.memory_space<hbm>> -> memref<1x8x128xf32, #tpu.memory_space<hbm>>
        %dma_wait3A_1565 = tpu.memref_squeeze %dma_wait3A_1564 : memref<1x8x128xf32, #tpu.memory_space<hbm>> -> memref<8x128xf32, #tpu.memory_space<hbm>>
        %dma_wait3A_1566 = arith.constant 48 : i32
        %dma_wait3A_1567 = arith.constant 0 : i32
        %dma_wait3A_1568 = tpu.memref_slice %arg12[%dma_wait3A_1566, %dma_wait3A_1567] : memref<64x128xf32, #tpu.memory_space<vmem>> -> memref<8x128xf32, #tpu.memory_space<vmem>>
        tpu.wait_dma2 semaphore(%arg20 : memref<!tpu.dma_semaphore, #tpu.memory_space<semaphore_mem>>) src(%dma_wait3A_1568 : memref<8x128xf32, #tpu.memory_space<vmem>>) dst(%dma_wait3A_1565 : memref<8x128xf32, #tpu.memory_space<hbm>>)
        %add3A_1569 = arith.constant 896 : i32
        %add3A_1570 = arith.addi %add3A_1456, %add3A_1569 : i32
        %dma_wait3A_1571 = arith.constant 56 : i32
        %dma_wait3A_1572 = arith.constant 0 : i32
        %dma_wait3A_1573 = tpu.memref_slice %arg12[%dma_wait3A_1571, %dma_wait3A_1572] : memref<64x128xf32, #tpu.memory_space<vmem>> -> memref<8x128xf32, #tpu.memory_space<vmem>>
        %dma_wait3A_1574 = arith.constant 0 : i32
        %dma_wait3A_1575 = arith.constant 0 : i32
        %dma_wait3A_1576 = tpu.memref_slice %arg4[%add3A_1570, %dma_wait3A_1574, %dma_wait3A_1575] : memref<20480x8x128xf32, #tpu.memory_space<hbm>> -> memref<1x8x128xf32, #tpu.memory_space<hbm>>
        %dma_wait3A_1577 = tpu.memref_squeeze %dma_wait3A_1576 : memref<1x8x128xf32, #tpu.memory_space<hbm>> -> memref<8x128xf32, #tpu.memory_space<hbm>>
        %dma_wait3A_1578 = arith.constant 0 : i32
        %dma_wait3A_1579 = arith.constant 0 : i32
        %dma_wait3A_1580 = tpu.memref_slice %arg4[%add3A_1570, %dma_wait3A_1578, %dma_wait3A_1579] : memref<20480x8x128xf32, #tpu.memory_space<hbm>> -> memref<1x8x128xf32, #tpu.memory_space<hbm>>
        %dma_wait3A_1581 = tpu.memref_squeeze %dma_wait3A_1580 : memref<1x8x128xf32, #tpu.memory_space<hbm>> -> memref<8x128xf32, #tpu.memory_space<hbm>>
        %dma_wait3A_1582 = arith.constant 56 : i32
        %dma_wait3A_1583 = arith.constant 0 : i32
        %dma_wait3A_1584 = tpu.memref_slice %arg12[%dma_wait3A_1582, %dma_wait3A_1583] : memref<64x128xf32, #tpu.memory_space<vmem>> -> memref<8x128xf32, #tpu.memory_space<vmem>>
        tpu.wait_dma2 semaphore(%arg20 : memref<!tpu.dma_semaphore, #tpu.memory_space<semaphore_mem>>) src(%dma_wait3A_1584 : memref<8x128xf32, #tpu.memory_space<vmem>>) dst(%dma_wait3A_1581 : memref<8x128xf32, #tpu.memory_space<hbm>>)
      } else {
      }
      %parallel_loop3A_1073 = arith.constant 0 : i32
      %parallel_loop3A_1074 = arith.constant 64 : i32
      %parallel_loop3A_1075 = arith.constant 1 : i32
      scf.for %parallel_loop3A_1424 = %parallel_loop3A_1073 to %parallel_loop3A_1074 step %parallel_loop3A_1075  : i32 {
        %parallel_loop3A_1425 = arith.constant 0 : i32
        %parallel_loop3A_1426 = vector.broadcast %parallel_loop3A_1425 : i32 to vector<16xi32>
        %parallel_loop3A_1427 = arith.muli %add3A_5, %parallel_loop3A_1426 : vector<16xi32>
        %parallel_loop3A_1428 = vector.broadcast %parallel_loop3A_1424 : i32 to vector<16xi32>
        %parallel_loop3A_1429 = arith.addi %parallel_loop3A_1427, %parallel_loop3A_1428 : vector<16xi32>
        %parallel_loop3A_1430 = tpu.vector_load_idx %arg8[%add3A_5, %parallel_loop3A_1429] : memref<128x64xf32, #tpu.memory_space<vmem>>[vector<16xi32>, vector<16xi32>], vector<16xf32>,
        tpu.vector_store_idx %arg12[%parallel_loop3A_1429, %add3A_5], %parallel_loop3A_1430 : memref<64x128xf32, #tpu.memory_space<vmem>>[vector<16xi32>, vector<16xi32>], vector<16xf32>,
        %parallel_loop3A_1431 = tpu.vector_load_idx %arg8[%add3A_9, %parallel_loop3A_1429] : memref<128x64xf32, #tpu.memory_space<vmem>>[vector<16xi32>, vector<16xi32>], vector<16xf32>,
        tpu.vector_store_idx %arg12[%parallel_loop3A_1429, %add3A_9], %parallel_loop3A_1431 : memref<64x128xf32, #tpu.memory_space<vmem>>[vector<16xi32>, vector<16xi32>], vector<16xf32>,
        %parallel_loop3A_1432 = tpu.vector_load_idx %arg8[%add3A_13, %parallel_loop3A_1429] : memref<128x64xf32, #tpu.memory_space<vmem>>[vector<16xi32>, vector<16xi32>], vector<16xf32>,
        tpu.vector_store_idx %arg12[%parallel_loop3A_1429, %add3A_13], %parallel_loop3A_1432 : memref<64x128xf32, #tpu.memory_space<vmem>>[vector<16xi32>, vector<16xi32>], vector<16xf32>,
        %parallel_loop3A_1433 = tpu.vector_load_idx %arg8[%add3A_17, %parallel_loop3A_1429] : memref<128x64xf32, #tpu.memory_space<vmem>>[vector<16xi32>, vector<16xi32>], vector<16xf32>,
        tpu.vector_store_idx %arg12[%parallel_loop3A_1429, %add3A_17], %parallel_loop3A_1433 : memref<64x128xf32, #tpu.memory_space<vmem>>[vector<16xi32>, vector<16xi32>], vector<16xf32>,
        %parallel_loop3A_1434 = tpu.vector_load_idx %arg8[%add3A_21, %parallel_loop3A_1429] : memref<128x64xf32, #tpu.memory_space<vmem>>[vector<16xi32>, vector<16xi32>], vector<16xf32>,
        tpu.vector_store_idx %arg12[%parallel_loop3A_1429, %add3A_21], %parallel_loop3A_1434 : memref<64x128xf32, #tpu.memory_space<vmem>>[vector<16xi32>, vector<16xi32>], vector<16xf32>,
        %parallel_loop3A_1435 = tpu.vector_load_idx %arg8[%add3A_25, %parallel_loop3A_1429] : memref<128x64xf32, #tpu.memory_space<vmem>>[vector<16xi32>, vector<16xi32>], vector<16xf32>,
        tpu.vector_store_idx %arg12[%parallel_loop3A_1429, %add3A_25], %parallel_loop3A_1435 : memref<64x128xf32, #tpu.memory_space<vmem>>[vector<16xi32>, vector<16xi32>], vector<16xf32>,
        %parallel_loop3A_1436 = tpu.vector_load_idx %arg8[%add3A_29, %parallel_loop3A_1429] : memref<128x64xf32, #tpu.memory_space<vmem>>[vector<16xi32>, vector<16xi32>], vector<16xf32>,
        tpu.vector_store_idx %arg12[%parallel_loop3A_1429, %add3A_29], %parallel_loop3A_1436 : memref<64x128xf32, #tpu.memory_space<vmem>>[vector<16xi32>, vector<16xi32>], vector<16xf32>,
        %parallel_loop3A_1437 = tpu.vector_load_idx %arg8[%add3A_33, %parallel_loop3A_1429] : memref<128x64xf32, #tpu.memory_space<vmem>>[vector<16xi32>, vector<16xi32>], vector<16xf32>,
        tpu.vector_store_idx %arg12[%parallel_loop3A_1429, %add3A_33], %parallel_loop3A_1437 : memref<64x128xf32, #tpu.memory_space<vmem>>[vector<16xi32>, vector<16xi32>], vector<16xf32>,
      } {sc.loop_unroll_factor = 16 : i64, sc.parallel_access}
      %add3A_1076 = arith.addi %mul3A_2, %add3A_1061 : i32
      %jit3A_1077 = arith.constant 128 : i32
      %div3A_1078 = arith.divsi %add3A_1076, %jit3A_1077 : i32
      %sign3A_1079 = arith.constant 0 : i32
      %sign3A_1080 = arith.cmpi sgt, %add3A_1076, %sign3A_1079 : i32
      %sign3A_1081 = arith.extui %sign3A_1080 : i1 to i32
      %sign3A_1082 = arith.constant 0 : i32
      %sign3A_1083 = arith.cmpi slt, %add3A_1076, %sign3A_1082 : i32
      %sign3A_1084 = arith.extui %sign3A_1083 : i1 to i32
      %sign3A_1085 = arith.subi %sign3A_1081, %sign3A_1084 : i32
      %sign3A_1086 = arith.constant 0 : i32
      %sign3A_1087 = arith.cmpi sgt, %jit3A_1077, %sign3A_1086 : i32
      %sign3A_1088 = arith.extui %sign3A_1087 : i1 to i32
      %sign3A_1089 = arith.constant 0 : i32
      %sign3A_1090 = arith.cmpi slt, %jit3A_1077, %sign3A_1089 : i32
      %sign3A_1091 = arith.extui %sign3A_1090 : i1 to i32
      %sign3A_1092 = arith.subi %sign3A_1088, %sign3A_1091 : i32
      %ne3A_1093 = arith.cmpi ne, %sign3A_1085, %sign3A_1092 : i32
      %rem3A_1094 = arith.remsi %add3A_1076, %jit3A_1077 : i32
      %ne3A_1095 = arith.constant 0 : i32
      %ne3A_1096 = arith.cmpi ne, %rem3A_1094, %ne3A_1095 : i32
      %and3A_1097 = arith.andi %ne3A_1093, %ne3A_1096 : i1
      %sub3A_1098 = arith.constant 1 : i32
      %sub3A_1099 = arith.subi %div3A_1078, %sub3A_1098 : i32
      %select_n3A_1100 = arith.select %and3A_1097, %sub3A_1099, %div3A_1078 : i32
      %mul3A_1101 = arith.constant 128 : i32
      %mul3A_1102 = arith.muli %select_n3A_1100, %mul3A_1101 : i32
      %sub3A_1103 = arith.subi %add3A_1076, %mul3A_1102 : i32
      %mul3A_1104 = arith.constant 1024 : i32
      %mul3A_1105 = arith.muli %select_n3A_1100, %mul3A_1104 : i32
      %add3A_1106 = arith.addi %mul3A_1105, %sub3A_1103 : i32
      %add3A_1107 = arith.constant 0 : i32
      %add3A_1108 = arith.addi %add3A_1106, %add3A_1107 : i32
      %dma_start3A_1109 = arith.constant 0 : i32
      %dma_start3A_1110 = arith.constant 0 : i32
      %dma_start3A_1111 = tpu.memref_slice %arg12[%dma_start3A_1109, %dma_start3A_1110] : memref<64x128xf32, #tpu.memory_space<vmem>> -> memref<8x128xf32, #tpu.memory_space<vmem>>
      %dma_start3A_1112 = arith.constant 0 : i32
      %dma_start3A_1113 = arith.constant 0 : i32
      %dma_start3A_1114 = tpu.memref_slice %arg4[%add3A_1108, %dma_start3A_1112, %dma_start3A_1113] : memref<20480x8x128xf32, #tpu.memory_space<hbm>> -> memref<1x8x128xf32, #tpu.memory_space<hbm>>
      %dma_start3A_1115 = tpu.memref_squeeze %dma_start3A_1114 : memref<1x8x128xf32, #tpu.memory_space<hbm>> -> memref<8x128xf32, #tpu.memory_space<hbm>>
      %dma_start3A_1116 = arith.constant 0 : i32
      %dma_start3A_1117 = arith.constant 0 : i32
      %dma_start3A_1118 = tpu.memref_slice %arg4[%add3A_1108, %dma_start3A_1116, %dma_start3A_1117] : memref<20480x8x128xf32, #tpu.memory_space<hbm>> -> memref<1x8x128xf32, #tpu.memory_space<hbm>>
      %dma_start3A_1119 = tpu.memref_squeeze %dma_start3A_1118 : memref<1x8x128xf32, #tpu.memory_space<hbm>> -> memref<8x128xf32, #tpu.memory_space<hbm>>
      %dma_start3A_1120 = arith.constant 0 : i32
      %dma_start3A_1121 = arith.constant 0 : i32
      %dma_start3A_1122 = tpu.memref_slice %arg12[%dma_start3A_1120, %dma_start3A_1121] : memref<64x128xf32, #tpu.memory_space<vmem>> -> memref<8x128xf32, #tpu.memory_space<vmem>>
      tpu.enqueue_dma source(%dma_start3A_1122 : memref<8x128xf32, #tpu.memory_space<vmem>>) target(%dma_start3A_1119 : memref<8x128xf32, #tpu.memory_space<hbm>>) target_semaphore(%arg20 : memref<!tpu.dma_semaphore, #tpu.memory_space<semaphore_mem>>)
      %add3A_1123 = arith.constant 128 : i32
      %add3A_1124 = arith.addi %add3A_1106, %add3A_1123 : i32
      %dma_start3A_1125 = arith.constant 8 : i32
      %dma_start3A_1126 = arith.constant 0 : i32
      %dma_start3A_1127 = tpu.memref_slice %arg12[%dma_start3A_1125, %dma_start3A_1126] : memref<64x128xf32, #tpu.memory_space<vmem>> -> memref<8x128xf32, #tpu.memory_space<vmem>>
      %dma_start3A_1128 = arith.constant 0 : i32
      %dma_start3A_1129 = arith.constant 0 : i32
      %dma_start3A_1130 = tpu.memref_slice %arg4[%add3A_1124, %dma_start3A_1128, %dma_start3A_1129] : memref<20480x8x128xf32, #tpu.memory_space<hbm>> -> memref<1x8x128xf32, #tpu.memory_space<hbm>>
      %dma_start3A_1131 = tpu.memref_squeeze %dma_start3A_1130 : memref<1x8x128xf32, #tpu.memory_space<hbm>> -> memref<8x128xf32, #tpu.memory_space<hbm>>
      %dma_start3A_1132 = arith.constant 0 : i32
      %dma_start3A_1133 = arith.constant 0 : i32
      %dma_start3A_1134 = tpu.memref_slice %arg4[%add3A_1124, %dma_start3A_1132, %dma_start3A_1133] : memref<20480x8x128xf32, #tpu.memory_space<hbm>> -> memref<1x8x128xf32, #tpu.memory_space<hbm>>
      %dma_start3A_1135 = tpu.memref_squeeze %dma_start3A_1134 : memref<1x8x128xf32, #tpu.memory_space<hbm>> -> memref<8x128xf32, #tpu.memory_space<hbm>>
      %dma_start3A_1136 = arith.constant 8 : i32
      %dma_start3A_1137 = arith.constant 0 : i32
      %dma_start3A_1138 = tpu.memref_slice %arg12[%dma_start3A_1136, %dma_start3A_1137] : memref<64x128xf32, #tpu.memory_space<vmem>> -> memref<8x128xf32, #tpu.memory_space<vmem>>
      tpu.enqueue_dma source(%dma_start3A_1138 : memref<8x128xf32, #tpu.memory_space<vmem>>) target(%dma_start3A_1135 : memref<8x128xf32, #tpu.memory_space<hbm>>) target_semaphore(%arg20 : memref<!tpu.dma_semaphore, #tpu.memory_space<semaphore_mem>>)
      %add3A_1139 = arith.constant 256 : i32
      %add3A_1140 = arith.addi %add3A_1106, %add3A_1139 : i32
      %dma_start3A_1141 = arith.constant 16 : i32
      %dma_start3A_1142 = arith.constant 0 : i32
      %dma_start3A_1143 = tpu.memref_slice %arg12[%dma_start3A_1141, %dma_start3A_1142] : memref<64x128xf32, #tpu.memory_space<vmem>> -> memref<8x128xf32, #tpu.memory_space<vmem>>
      %dma_start3A_1144 = arith.constant 0 : i32
      %dma_start3A_1145 = arith.constant 0 : i32
      %dma_start3A_1146 = tpu.memref_slice %arg4[%add3A_1140, %dma_start3A_1144, %dma_start3A_1145] : memref<20480x8x128xf32, #tpu.memory_space<hbm>> -> memref<1x8x128xf32, #tpu.memory_space<hbm>>
      %dma_start3A_1147 = tpu.memref_squeeze %dma_start3A_1146 : memref<1x8x128xf32, #tpu.memory_space<hbm>> -> memref<8x128xf32, #tpu.memory_space<hbm>>
      %dma_start3A_1148 = arith.constant 0 : i32
      %dma_start3A_1149 = arith.constant 0 : i32
      %dma_start3A_1150 = tpu.memref_slice %arg4[%add3A_1140, %dma_start3A_1148, %dma_start3A_1149] : memref<20480x8x128xf32, #tpu.memory_space<hbm>> -> memref<1x8x128xf32, #tpu.memory_space<hbm>>
      %dma_start3A_1151 = tpu.memref_squeeze %dma_start3A_1150 : memref<1x8x128xf32, #tpu.memory_space<hbm>> -> memref<8x128xf32, #tpu.memory_space<hbm>>
      %dma_start3A_1152 = arith.constant 16 : i32
      %dma_start3A_1153 = arith.constant 0 : i32
      %dma_start3A_1154 = tpu.memref_slice %arg12[%dma_start3A_1152, %dma_start3A_1153] : memref<64x128xf32, #tpu.memory_space<vmem>> -> memref<8x128xf32, #tpu.memory_space<vmem>>
      tpu.enqueue_dma source(%dma_start3A_1154 : memref<8x128xf32, #tpu.memory_space<vmem>>) target(%dma_start3A_1151 : memref<8x128xf32, #tpu.memory_space<hbm>>) target_semaphore(%arg20 : memref<!tpu.dma_semaphore, #tpu.memory_space<semaphore_mem>>)
      %add3A_1155 = arith.constant 384 : i32
      %add3A_1156 = arith.addi %add3A_1106, %add3A_1155 : i32
      %dma_start3A_1157 = arith.constant 24 : i32
      %dma_start3A_1158 = arith.constant 0 : i32
      %dma_start3A_1159 = tpu.memref_slice %arg12[%dma_start3A_1157, %dma_start3A_1158] : memref<64x128xf32, #tpu.memory_space<vmem>> -> memref<8x128xf32, #tpu.memory_space<vmem>>
      %dma_start3A_1160 = arith.constant 0 : i32
      %dma_start3A_1161 = arith.constant 0 : i32
      %dma_start3A_1162 = tpu.memref_slice %arg4[%add3A_1156, %dma_start3A_1160, %dma_start3A_1161] : memref<20480x8x128xf32, #tpu.memory_space<hbm>> -> memref<1x8x128xf32, #tpu.memory_space<hbm>>
      %dma_start3A_1163 = tpu.memref_squeeze %dma_start3A_1162 : memref<1x8x128xf32, #tpu.memory_space<hbm>> -> memref<8x128xf32, #tpu.memory_space<hbm>>
      %dma_start3A_1164 = arith.constant 0 : i32
      %dma_start3A_1165 = arith.constant 0 : i32
      %dma_start3A_1166 = tpu.memref_slice %arg4[%add3A_1156, %dma_start3A_1164, %dma_start3A_1165] : memref<20480x8x128xf32, #tpu.memory_space<hbm>> -> memref<1x8x128xf32, #tpu.memory_space<hbm>>
      %dma_start3A_1167 = tpu.memref_squeeze %dma_start3A_1166 : memref<1x8x128xf32, #tpu.memory_space<hbm>> -> memref<8x128xf32, #tpu.memory_space<hbm>>
      %dma_start3A_1168 = arith.constant 24 : i32
      %dma_start3A_1169 = arith.constant 0 : i32
      %dma_start3A_1170 = tpu.memref_slice %arg12[%dma_start3A_1168, %dma_start3A_1169] : memref<64x128xf32, #tpu.memory_space<vmem>> -> memref<8x128xf32, #tpu.memory_space<vmem>>
      tpu.enqueue_dma source(%dma_start3A_1170 : memref<8x128xf32, #tpu.memory_space<vmem>>) target(%dma_start3A_1167 : memref<8x128xf32, #tpu.memory_space<hbm>>) target_semaphore(%arg20 : memref<!tpu.dma_semaphore, #tpu.memory_space<semaphore_mem>>)
      %add3A_1171 = arith.constant 512 : i32
      %add3A_1172 = arith.addi %add3A_1106, %add3A_1171 : i32
      %dma_start3A_1173 = arith.constant 32 : i32
      %dma_start3A_1174 = arith.constant 0 : i32
      %dma_start3A_1175 = tpu.memref_slice %arg12[%dma_start3A_1173, %dma_start3A_1174] : memref<64x128xf32, #tpu.memory_space<vmem>> -> memref<8x128xf32, #tpu.memory_space<vmem>>
      %dma_start3A_1176 = arith.constant 0 : i32
      %dma_start3A_1177 = arith.constant 0 : i32
      %dma_start3A_1178 = tpu.memref_slice %arg4[%add3A_1172, %dma_start3A_1176, %dma_start3A_1177] : memref<20480x8x128xf32, #tpu.memory_space<hbm>> -> memref<1x8x128xf32, #tpu.memory_space<hbm>>
      %dma_start3A_1179 = tpu.memref_squeeze %dma_start3A_1178 : memref<1x8x128xf32, #tpu.memory_space<hbm>> -> memref<8x128xf32, #tpu.memory_space<hbm>>
      %dma_start3A_1180 = arith.constant 0 : i32
      %dma_start3A_1181 = arith.constant 0 : i32
      %dma_start3A_1182 = tpu.memref_slice %arg4[%add3A_1172, %dma_start3A_1180, %dma_start3A_1181] : memref<20480x8x128xf32, #tpu.memory_space<hbm>> -> memref<1x8x128xf32, #tpu.memory_space<hbm>>
      %dma_start3A_1183 = tpu.memref_squeeze %dma_start3A_1182 : memref<1x8x128xf32, #tpu.memory_space<hbm>> -> memref<8x128xf32, #tpu.memory_space<hbm>>
      %dma_start3A_1184 = arith.constant 32 : i32
      %dma_start3A_1185 = arith.constant 0 : i32
      %dma_start3A_1186 = tpu.memref_slice %arg12[%dma_start3A_1184, %dma_start3A_1185] : memref<64x128xf32, #tpu.memory_space<vmem>> -> memref<8x128xf32, #tpu.memory_space<vmem>>
      tpu.enqueue_dma source(%dma_start3A_1186 : memref<8x128xf32, #tpu.memory_space<vmem>>) target(%dma_start3A_1183 : memref<8x128xf32, #tpu.memory_space<hbm>>) target_semaphore(%arg20 : memref<!tpu.dma_semaphore, #tpu.memory_space<semaphore_mem>>)
      %add3A_1187 = arith.constant 640 : i32
      %add3A_1188 = arith.addi %add3A_1106, %add3A_1187 : i32
      %dma_start3A_1189 = arith.constant 40 : i32
      %dma_start3A_1190 = arith.constant 0 : i32
      %dma_start3A_1191 = tpu.memref_slice %arg12[%dma_start3A_1189, %dma_start3A_1190] : memref<64x128xf32, #tpu.memory_space<vmem>> -> memref<8x128xf32, #tpu.memory_space<vmem>>
      %dma_start3A_1192 = arith.constant 0 : i32
      %dma_start3A_1193 = arith.constant 0 : i32
      %dma_start3A_1194 = tpu.memref_slice %arg4[%add3A_1188, %dma_start3A_1192, %dma_start3A_1193] : memref<20480x8x128xf32, #tpu.memory_space<hbm>> -> memref<1x8x128xf32, #tpu.memory_space<hbm>>
      %dma_start3A_1195 = tpu.memref_squeeze %dma_start3A_1194 : memref<1x8x128xf32, #tpu.memory_space<hbm>> -> memref<8x128xf32, #tpu.memory_space<hbm>>
      %dma_start3A_1196 = arith.constant 0 : i32
      %dma_start3A_1197 = arith.constant 0 : i32
      %dma_start3A_1198 = tpu.memref_slice %arg4[%add3A_1188, %dma_start3A_1196, %dma_start3A_1197] : memref<20480x8x128xf32, #tpu.memory_space<hbm>> -> memref<1x8x128xf32, #tpu.memory_space<hbm>>
      %dma_start3A_1199 = tpu.memref_squeeze %dma_start3A_1198 : memref<1x8x128xf32, #tpu.memory_space<hbm>> -> memref<8x128xf32, #tpu.memory_space<hbm>>
      %dma_start3A_1200 = arith.constant 40 : i32
      %dma_start3A_1201 = arith.constant 0 : i32
      %dma_start3A_1202 = tpu.memref_slice %arg12[%dma_start3A_1200, %dma_start3A_1201] : memref<64x128xf32, #tpu.memory_space<vmem>> -> memref<8x128xf32, #tpu.memory_space<vmem>>
      tpu.enqueue_dma source(%dma_start3A_1202 : memref<8x128xf32, #tpu.memory_space<vmem>>) target(%dma_start3A_1199 : memref<8x128xf32, #tpu.memory_space<hbm>>) target_semaphore(%arg20 : memref<!tpu.dma_semaphore, #tpu.memory_space<semaphore_mem>>)
      %add3A_1203 = arith.constant 768 : i32
      %add3A_1204 = arith.addi %add3A_1106, %add3A_1203 : i32
      %dma_start3A_1205 = arith.constant 48 : i32
      %dma_start3A_1206 = arith.constant 0 : i32
      %dma_start3A_1207 = tpu.memref_slice %arg12[%dma_start3A_1205, %dma_start3A_1206] : memref<64x128xf32, #tpu.memory_space<vmem>> -> memref<8x128xf32, #tpu.memory_space<vmem>>
      %dma_start3A_1208 = arith.constant 0 : i32
      %dma_start3A_1209 = arith.constant 0 : i32
      %dma_start3A_1210 = tpu.memref_slice %arg4[%add3A_1204, %dma_start3A_1208, %dma_start3A_1209] : memref<20480x8x128xf32, #tpu.memory_space<hbm>> -> memref<1x8x128xf32, #tpu.memory_space<hbm>>
      %dma_start3A_1211 = tpu.memref_squeeze %dma_start3A_1210 : memref<1x8x128xf32, #tpu.memory_space<hbm>> -> memref<8x128xf32, #tpu.memory_space<hbm>>
      %dma_start3A_1212 = arith.constant 0 : i32
      %dma_start3A_1213 = arith.constant 0 : i32
      %dma_start3A_1214 = tpu.memref_slice %arg4[%add3A_1204, %dma_start3A_1212, %dma_start3A_1213] : memref<20480x8x128xf32, #tpu.memory_space<hbm>> -> memref<1x8x128xf32, #tpu.memory_space<hbm>>
      %dma_start3A_1215 = tpu.memref_squeeze %dma_start3A_1214 : memref<1x8x128xf32, #tpu.memory_space<hbm>> -> memref<8x128xf32, #tpu.memory_space<hbm>>
      %dma_start3A_1216 = arith.constant 48 : i32
      %dma_start3A_1217 = arith.constant 0 : i32
      %dma_start3A_1218 = tpu.memref_slice %arg12[%dma_start3A_1216, %dma_start3A_1217] : memref<64x128xf32, #tpu.memory_space<vmem>> -> memref<8x128xf32, #tpu.memory_space<vmem>>
      tpu.enqueue_dma source(%dma_start3A_1218 : memref<8x128xf32, #tpu.memory_space<vmem>>) target(%dma_start3A_1215 : memref<8x128xf32, #tpu.memory_space<hbm>>) target_semaphore(%arg20 : memref<!tpu.dma_semaphore, #tpu.memory_space<semaphore_mem>>)
      %add3A_1219 = arith.constant 896 : i32
      %add3A_1220 = arith.addi %add3A_1106, %add3A_1219 : i32
      %dma_start3A_1221 = arith.constant 56 : i32
      %dma_start3A_1222 = arith.constant 0 : i32
      %dma_start3A_1223 = tpu.memref_slice %arg12[%dma_start3A_1221, %dma_start3A_1222] : memref<64x128xf32, #tpu.memory_space<vmem>> -> memref<8x128xf32, #tpu.memory_space<vmem>>
      %dma_start3A_1224 = arith.constant 0 : i32
      %dma_start3A_1225 = arith.constant 0 : i32
      %dma_start3A_1226 = tpu.memref_slice %arg4[%add3A_1220, %dma_start3A_1224, %dma_start3A_1225] : memref<20480x8x128xf32, #tpu.memory_space<hbm>> -> memref<1x8x128xf32, #tpu.memory_space<hbm>>
      %dma_start3A_1227 = tpu.memref_squeeze %dma_start3A_1226 : memref<1x8x128xf32, #tpu.memory_space<hbm>> -> memref<8x128xf32, #tpu.memory_space<hbm>>
      %dma_start3A_1228 = arith.constant 0 : i32
      %dma_start3A_1229 = arith.constant 0 : i32
      %dma_start3A_1230 = tpu.memref_slice %arg4[%add3A_1220, %dma_start3A_1228, %dma_start3A_1229] : memref<20480x8x128xf32, #tpu.memory_space<hbm>> -> memref<1x8x128xf32, #tpu.memory_space<hbm>>
      %dma_start3A_1231 = tpu.memref_squeeze %dma_start3A_1230 : memref<1x8x128xf32, #tpu.memory_space<hbm>> -> memref<8x128xf32, #tpu.memory_space<hbm>>
      %dma_start3A_1232 = arith.constant 56 : i32
      %dma_start3A_1233 = arith.constant 0 : i32
      %dma_start3A_1234 = tpu.memref_slice %arg12[%dma_start3A_1232, %dma_start3A_1233] : memref<64x128xf32, #tpu.memory_space<vmem>> -> memref<8x128xf32, #tpu.memory_space<vmem>>
      tpu.enqueue_dma source(%dma_start3A_1234 : memref<8x128xf32, #tpu.memory_space<vmem>>) target(%dma_start3A_1231 : memref<8x128xf32, #tpu.memory_space<hbm>>) target_semaphore(%arg20 : memref<!tpu.dma_semaphore, #tpu.memory_space<semaphore_mem>>)
      %add3A_1235 = arith.constant 4 : i32
      %add3A_1236 = arith.addi %add3A_1061, %add3A_1235 : i32
      %lt3A_1237 = arith.constant 80 : i32
      %lt3A_1238 = arith.cmpi slt, %add3A_1236, %lt3A_1237 : i32
      %convert_element_type3A_1239 = arith.extui %lt3A_1238 : i1 to i32
      %cond3A_1240 = arith.constant 0 : i32
      %cond3A_1241 = arith.cmpi ne, %convert_element_type3A_1239, %cond3A_1240 : i32
      scf.if %cond3A_1241 {
        %add3A_1424 = arith.constant 4 : i32
        %add3A_1425 = arith.addi %add3A_1061, %add3A_1424 : i32
        %dma_start3A_1426 = arith.constant 0 : i32
        %dma_start3A_1427 = tpu.memref_slice %arg5[%add3A_1425, %dma_start3A_1426] : memref<80x128xi32, #tpu.memory_space<vmem>> -> memref<1x128xi32, #tpu.memory_space<vmem>>
        %dma_start3A_1428 = tpu.memref_squeeze %dma_start3A_1427 : memref<1x128xi32, #tpu.memory_space<vmem>> -> memref<128xi32, #tpu.memory_space<vmem>>
        %dma_start3A_1429 = arith.constant 0 : i32
        %dma_start3A_1430 = arith.constant 0 : i32
        %dma_start3A_1431 = tpu.memref_slice %arg2[%dma_start3A_1429, %dma_start3A_1430] : memref<1015808x64xf32, #tpu.memory_space<hbm>> -> memref<1015808x64xf32, #tpu.memory_space<hbm>>
        tpu.enqueue_indirect_dma source(%dma_start3A_1431 : memref<1015808x64xf32, #tpu.memory_space<hbm>>) target(%arg8 : memref<128x64xf32, #tpu.memory_space<vmem>>) offsets(%dma_start3A_1428 : memref<128xi32, #tpu.memory_space<vmem>>) semaphore(%arg16 : memref<!tpu.dma_semaphore, #tpu.memory_space<semaphore_mem>>)
      } else {
      }
      %add3A_1242 = arith.constant 3 : i32
      %add3A_1243 = arith.addi %add3A_700, %add3A_1242 : i32
      %dma_wait3A_1244 = arith.constant 0 : i32
      %dma_wait3A_1245 = tpu.memref_slice %arg5[%add3A_1243, %dma_wait3A_1244] : memref<80x128xi32, #tpu.memory_space<vmem>> -> memref<1x128xi32, #tpu.memory_space<vmem>>
      %dma_wait3A_1246 = tpu.memref_squeeze %dma_wait3A_1245 : memref<1x128xi32, #tpu.memory_space<vmem>> -> memref<128xi32, #tpu.memory_space<vmem>>
      %dma_wait3A_1247 = arith.constant 0 : i32
      %dma_wait3A_1248 = arith.constant 0 : i32
      %dma_wait3A_1249 = tpu.memref_slice %arg2[%dma_wait3A_1247, %dma_wait3A_1248] : memref<1015808x64xf32, #tpu.memory_space<hbm>> -> memref<1015808x64xf32, #tpu.memory_space<hbm>>
      tpu.wait_indirect_dma semaphore(%arg17 : memref<!tpu.dma_semaphore, #tpu.memory_space<semaphore_mem>>) src(%dma_wait3A_1249 : memref<1015808x64xf32, #tpu.memory_space<hbm>>) dst(%arg9 : memref<128x64xf32, #tpu.memory_space<vmem>>)
      %ge3A_1250 = arith.constant 4 : i32
      %ge3A_1251 = arith.cmpi sge, %add3A_1243, %ge3A_1250 : i32
      %convert_element_type3A_1252 = arith.extui %ge3A_1251 : i1 to i32
      %cond3A_1253 = arith.constant 0 : i32
      %cond3A_1254 = arith.cmpi ne, %convert_element_type3A_1252, %cond3A_1253 : i32
      scf.if %cond3A_1254 {
        %sub3A_1424 = arith.constant 4 : i32
        %sub3A_1425 = arith.subi %add3A_1243, %sub3A_1424 : i32
        %add3A_1426 = arith.addi %mul3A_2, %sub3A_1425 : i32
        %jit3A_1427 = arith.constant 128 : i32
        %div3A_1428 = arith.divsi %add3A_1426, %jit3A_1427 : i32
        %sign3A_1429 = arith.constant 0 : i32
        %sign3A_1430 = arith.cmpi sgt, %add3A_1426, %sign3A_1429 : i32
        %sign3A_1431 = arith.extui %sign3A_1430 : i1 to i32
        %sign3A_1432 = arith.constant 0 : i32
        %sign3A_1433 = arith.cmpi slt, %add3A_1426, %sign3A_1432 : i32
        %sign3A_1434 = arith.extui %sign3A_1433 : i1 to i32
        %sign3A_1435 = arith.subi %sign3A_1431, %sign3A_1434 : i32
        %sign3A_1436 = arith.constant 0 : i32
        %sign3A_1437 = arith.cmpi sgt, %jit3A_1427, %sign3A_1436 : i32
        %sign3A_1438 = arith.extui %sign3A_1437 : i1 to i32
        %sign3A_1439 = arith.constant 0 : i32
        %sign3A_1440 = arith.cmpi slt, %jit3A_1427, %sign3A_1439 : i32
        %sign3A_1441 = arith.extui %sign3A_1440 : i1 to i32
        %sign3A_1442 = arith.subi %sign3A_1438, %sign3A_1441 : i32
        %ne3A_1443 = arith.cmpi ne, %sign3A_1435, %sign3A_1442 : i32
        %rem3A_1444 = arith.remsi %add3A_1426, %jit3A_1427 : i32
        %ne3A_1445 = arith.constant 0 : i32
        %ne3A_1446 = arith.cmpi ne, %rem3A_1444, %ne3A_1445 : i32
        %and3A_1447 = arith.andi %ne3A_1443, %ne3A_1446 : i1
        %sub3A_1448 = arith.constant 1 : i32
        %sub3A_1449 = arith.subi %div3A_1428, %sub3A_1448 : i32
        %select_n3A_1450 = arith.select %and3A_1447, %sub3A_1449, %div3A_1428 : i32
        %mul3A_1451 = arith.constant 128 : i32
        %mul3A_1452 = arith.muli %select_n3A_1450, %mul3A_1451 : i32
        %sub3A_1453 = arith.subi %add3A_1426, %mul3A_1452 : i32
        %mul3A_1454 = arith.constant 1024 : i32
        %mul3A_1455 = arith.muli %select_n3A_1450, %mul3A_1454 : i32
        %add3A_1456 = arith.addi %mul3A_1455, %sub3A_1453 : i32
        %add3A_1457 = arith.constant 0 : i32
        %add3A_1458 = arith.addi %add3A_1456, %add3A_1457 : i32
        %dma_wait3A_1459 = arith.constant 0 : i32
        %dma_wait3A_1460 = arith.constant 0 : i32
        %dma_wait3A_1461 = tpu.memref_slice %arg13[%dma_wait3A_1459, %dma_wait3A_1460] : memref<64x128xf32, #tpu.memory_space<vmem>> -> memref<8x128xf32, #tpu.memory_space<vmem>>
        %dma_wait3A_1462 = arith.constant 0 : i32
        %dma_wait3A_1463 = arith.constant 0 : i32
        %dma_wait3A_1464 = tpu.memref_slice %arg4[%add3A_1458, %dma_wait3A_1462, %dma_wait3A_1463] : memref<20480x8x128xf32, #tpu.memory_space<hbm>> -> memref<1x8x128xf32, #tpu.memory_space<hbm>>
        %dma_wait3A_1465 = tpu.memref_squeeze %dma_wait3A_1464 : memref<1x8x128xf32, #tpu.memory_space<hbm>> -> memref<8x128xf32, #tpu.memory_space<hbm>>
        %dma_wait3A_1466 = arith.constant 0 : i32
        %dma_wait3A_1467 = arith.constant 0 : i32
        %dma_wait3A_1468 = tpu.memref_slice %arg4[%add3A_1458, %dma_wait3A_1466, %dma_wait3A_1467] : memref<20480x8x128xf32, #tpu.memory_space<hbm>> -> memref<1x8x128xf32, #tpu.memory_space<hbm>>
        %dma_wait3A_1469 = tpu.memref_squeeze %dma_wait3A_1468 : memref<1x8x128xf32, #tpu.memory_space<hbm>> -> memref<8x128xf32, #tpu.memory_space<hbm>>
        %dma_wait3A_1470 = arith.constant 0 : i32
        %dma_wait3A_1471 = arith.constant 0 : i32
        %dma_wait3A_1472 = tpu.memref_slice %arg13[%dma_wait3A_1470, %dma_wait3A_1471] : memref<64x128xf32, #tpu.memory_space<vmem>> -> memref<8x128xf32, #tpu.memory_space<vmem>>
        tpu.wait_dma2 semaphore(%arg21 : memref<!tpu.dma_semaphore, #tpu.memory_space<semaphore_mem>>) src(%dma_wait3A_1472 : memref<8x128xf32, #tpu.memory_space<vmem>>) dst(%dma_wait3A_1469 : memref<8x128xf32, #tpu.memory_space<hbm>>)
        %add3A_1473 = arith.constant 128 : i32
        %add3A_1474 = arith.addi %add3A_1456, %add3A_1473 : i32
        %dma_wait3A_1475 = arith.constant 8 : i32
        %dma_wait3A_1476 = arith.constant 0 : i32
        %dma_wait3A_1477 = tpu.memref_slice %arg13[%dma_wait3A_1475, %dma_wait3A_1476] : memref<64x128xf32, #tpu.memory_space<vmem>> -> memref<8x128xf32, #tpu.memory_space<vmem>>
        %dma_wait3A_1478 = arith.constant 0 : i32
        %dma_wait3A_1479 = arith.constant 0 : i32
        %dma_wait3A_1480 = tpu.memref_slice %arg4[%add3A_1474, %dma_wait3A_1478, %dma_wait3A_1479] : memref<20480x8x128xf32, #tpu.memory_space<hbm>> -> memref<1x8x128xf32, #tpu.memory_space<hbm>>
        %dma_wait3A_1481 = tpu.memref_squeeze %dma_wait3A_1480 : memref<1x8x128xf32, #tpu.memory_space<hbm>> -> memref<8x128xf32, #tpu.memory_space<hbm>>
        %dma_wait3A_1482 = arith.constant 0 : i32
        %dma_wait3A_1483 = arith.constant 0 : i32
        %dma_wait3A_1484 = tpu.memref_slice %arg4[%add3A_1474, %dma_wait3A_1482, %dma_wait3A_1483] : memref<20480x8x128xf32, #tpu.memory_space<hbm>> -> memref<1x8x128xf32, #tpu.memory_space<hbm>>
        %dma_wait3A_1485 = tpu.memref_squeeze %dma_wait3A_1484 : memref<1x8x128xf32, #tpu.memory_space<hbm>> -> memref<8x128xf32, #tpu.memory_space<hbm>>
        %dma_wait3A_1486 = arith.constant 8 : i32
        %dma_wait3A_1487 = arith.constant 0 : i32
        %dma_wait3A_1488 = tpu.memref_slice %arg13[%dma_wait3A_1486, %dma_wait3A_1487] : memref<64x128xf32, #tpu.memory_space<vmem>> -> memref<8x128xf32, #tpu.memory_space<vmem>>
        tpu.wait_dma2 semaphore(%arg21 : memref<!tpu.dma_semaphore, #tpu.memory_space<semaphore_mem>>) src(%dma_wait3A_1488 : memref<8x128xf32, #tpu.memory_space<vmem>>) dst(%dma_wait3A_1485 : memref<8x128xf32, #tpu.memory_space<hbm>>)
        %add3A_1489 = arith.constant 256 : i32
        %add3A_1490 = arith.addi %add3A_1456, %add3A_1489 : i32
        %dma_wait3A_1491 = arith.constant 16 : i32
        %dma_wait3A_1492 = arith.constant 0 : i32
        %dma_wait3A_1493 = tpu.memref_slice %arg13[%dma_wait3A_1491, %dma_wait3A_1492] : memref<64x128xf32, #tpu.memory_space<vmem>> -> memref<8x128xf32, #tpu.memory_space<vmem>>
        %dma_wait3A_1494 = arith.constant 0 : i32
        %dma_wait3A_1495 = arith.constant 0 : i32
        %dma_wait3A_1496 = tpu.memref_slice %arg4[%add3A_1490, %dma_wait3A_1494, %dma_wait3A_1495] : memref<20480x8x128xf32, #tpu.memory_space<hbm>> -> memref<1x8x128xf32, #tpu.memory_space<hbm>>
        %dma_wait3A_1497 = tpu.memref_squeeze %dma_wait3A_1496 : memref<1x8x128xf32, #tpu.memory_space<hbm>> -> memref<8x128xf32, #tpu.memory_space<hbm>>
        %dma_wait3A_1498 = arith.constant 0 : i32
        %dma_wait3A_1499 = arith.constant 0 : i32
        %dma_wait3A_1500 = tpu.memref_slice %arg4[%add3A_1490, %dma_wait3A_1498, %dma_wait3A_1499] : memref<20480x8x128xf32, #tpu.memory_space<hbm>> -> memref<1x8x128xf32, #tpu.memory_space<hbm>>
        %dma_wait3A_1501 = tpu.memref_squeeze %dma_wait3A_1500 : memref<1x8x128xf32, #tpu.memory_space<hbm>> -> memref<8x128xf32, #tpu.memory_space<hbm>>
        %dma_wait3A_1502 = arith.constant 16 : i32
        %dma_wait3A_1503 = arith.constant 0 : i32
        %dma_wait3A_1504 = tpu.memref_slice %arg13[%dma_wait3A_1502, %dma_wait3A_1503] : memref<64x128xf32, #tpu.memory_space<vmem>> -> memref<8x128xf32, #tpu.memory_space<vmem>>
        tpu.wait_dma2 semaphore(%arg21 : memref<!tpu.dma_semaphore, #tpu.memory_space<semaphore_mem>>) src(%dma_wait3A_1504 : memref<8x128xf32, #tpu.memory_space<vmem>>) dst(%dma_wait3A_1501 : memref<8x128xf32, #tpu.memory_space<hbm>>)
        %add3A_1505 = arith.constant 384 : i32
        %add3A_1506 = arith.addi %add3A_1456, %add3A_1505 : i32
        %dma_wait3A_1507 = arith.constant 24 : i32
        %dma_wait3A_1508 = arith.constant 0 : i32
        %dma_wait3A_1509 = tpu.memref_slice %arg13[%dma_wait3A_1507, %dma_wait3A_1508] : memref<64x128xf32, #tpu.memory_space<vmem>> -> memref<8x128xf32, #tpu.memory_space<vmem>>
        %dma_wait3A_1510 = arith.constant 0 : i32
        %dma_wait3A_1511 = arith.constant 0 : i32
        %dma_wait3A_1512 = tpu.memref_slice %arg4[%add3A_1506, %dma_wait3A_1510, %dma_wait3A_1511] : memref<20480x8x128xf32, #tpu.memory_space<hbm>> -> memref<1x8x128xf32, #tpu.memory_space<hbm>>
        %dma_wait3A_1513 = tpu.memref_squeeze %dma_wait3A_1512 : memref<1x8x128xf32, #tpu.memory_space<hbm>> -> memref<8x128xf32, #tpu.memory_space<hbm>>
        %dma_wait3A_1514 = arith.constant 0 : i32
        %dma_wait3A_1515 = arith.constant 0 : i32
        %dma_wait3A_1516 = tpu.memref_slice %arg4[%add3A_1506, %dma_wait3A_1514, %dma_wait3A_1515] : memref<20480x8x128xf32, #tpu.memory_space<hbm>> -> memref<1x8x128xf32, #tpu.memory_space<hbm>>
        %dma_wait3A_1517 = tpu.memref_squeeze %dma_wait3A_1516 : memref<1x8x128xf32, #tpu.memory_space<hbm>> -> memref<8x128xf32, #tpu.memory_space<hbm>>
        %dma_wait3A_1518 = arith.constant 24 : i32
        %dma_wait3A_1519 = arith.constant 0 : i32
        %dma_wait3A_1520 = tpu.memref_slice %arg13[%dma_wait3A_1518, %dma_wait3A_1519] : memref<64x128xf32, #tpu.memory_space<vmem>> -> memref<8x128xf32, #tpu.memory_space<vmem>>
        tpu.wait_dma2 semaphore(%arg21 : memref<!tpu.dma_semaphore, #tpu.memory_space<semaphore_mem>>) src(%dma_wait3A_1520 : memref<8x128xf32, #tpu.memory_space<vmem>>) dst(%dma_wait3A_1517 : memref<8x128xf32, #tpu.memory_space<hbm>>)
        %add3A_1521 = arith.constant 512 : i32
        %add3A_1522 = arith.addi %add3A_1456, %add3A_1521 : i32
        %dma_wait3A_1523 = arith.constant 32 : i32
        %dma_wait3A_1524 = arith.constant 0 : i32
        %dma_wait3A_1525 = tpu.memref_slice %arg13[%dma_wait3A_1523, %dma_wait3A_1524] : memref<64x128xf32, #tpu.memory_space<vmem>> -> memref<8x128xf32, #tpu.memory_space<vmem>>
        %dma_wait3A_1526 = arith.constant 0 : i32
        %dma_wait3A_1527 = arith.constant 0 : i32
        %dma_wait3A_1528 = tpu.memref_slice %arg4[%add3A_1522, %dma_wait3A_1526, %dma_wait3A_1527] : memref<20480x8x128xf32, #tpu.memory_space<hbm>> -> memref<1x8x128xf32, #tpu.memory_space<hbm>>
        %dma_wait3A_1529 = tpu.memref_squeeze %dma_wait3A_1528 : memref<1x8x128xf32, #tpu.memory_space<hbm>> -> memref<8x128xf32, #tpu.memory_space<hbm>>
        %dma_wait3A_1530 = arith.constant 0 : i32
        %dma_wait3A_1531 = arith.constant 0 : i32
        %dma_wait3A_1532 = tpu.memref_slice %arg4[%add3A_1522, %dma_wait3A_1530, %dma_wait3A_1531] : memref<20480x8x128xf32, #tpu.memory_space<hbm>> -> memref<1x8x128xf32, #tpu.memory_space<hbm>>
        %dma_wait3A_1533 = tpu.memref_squeeze %dma_wait3A_1532 : memref<1x8x128xf32, #tpu.memory_space<hbm>> -> memref<8x128xf32, #tpu.memory_space<hbm>>
        %dma_wait3A_1534 = arith.constant 32 : i32
        %dma_wait3A_1535 = arith.constant 0 : i32
        %dma_wait3A_1536 = tpu.memref_slice %arg13[%dma_wait3A_1534, %dma_wait3A_1535] : memref<64x128xf32, #tpu.memory_space<vmem>> -> memref<8x128xf32, #tpu.memory_space<vmem>>
        tpu.wait_dma2 semaphore(%arg21 : memref<!tpu.dma_semaphore, #tpu.memory_space<semaphore_mem>>) src(%dma_wait3A_1536 : memref<8x128xf32, #tpu.memory_space<vmem>>) dst(%dma_wait3A_1533 : memref<8x128xf32, #tpu.memory_space<hbm>>)
        %add3A_1537 = arith.constant 640 : i32
        %add3A_1538 = arith.addi %add3A_1456, %add3A_1537 : i32
        %dma_wait3A_1539 = arith.constant 40 : i32
        %dma_wait3A_1540 = arith.constant 0 : i32
        %dma_wait3A_1541 = tpu.memref_slice %arg13[%dma_wait3A_1539, %dma_wait3A_1540] : memref<64x128xf32, #tpu.memory_space<vmem>> -> memref<8x128xf32, #tpu.memory_space<vmem>>
        %dma_wait3A_1542 = arith.constant 0 : i32
        %dma_wait3A_1543 = arith.constant 0 : i32
        %dma_wait3A_1544 = tpu.memref_slice %arg4[%add3A_1538, %dma_wait3A_1542, %dma_wait3A_1543] : memref<20480x8x128xf32, #tpu.memory_space<hbm>> -> memref<1x8x128xf32, #tpu.memory_space<hbm>>
        %dma_wait3A_1545 = tpu.memref_squeeze %dma_wait3A_1544 : memref<1x8x128xf32, #tpu.memory_space<hbm>> -> memref<8x128xf32, #tpu.memory_space<hbm>>
        %dma_wait3A_1546 = arith.constant 0 : i32
        %dma_wait3A_1547 = arith.constant 0 : i32
        %dma_wait3A_1548 = tpu.memref_slice %arg4[%add3A_1538, %dma_wait3A_1546, %dma_wait3A_1547] : memref<20480x8x128xf32, #tpu.memory_space<hbm>> -> memref<1x8x128xf32, #tpu.memory_space<hbm>>
        %dma_wait3A_1549 = tpu.memref_squeeze %dma_wait3A_1548 : memref<1x8x128xf32, #tpu.memory_space<hbm>> -> memref<8x128xf32, #tpu.memory_space<hbm>>
        %dma_wait3A_1550 = arith.constant 40 : i32
        %dma_wait3A_1551 = arith.constant 0 : i32
        %dma_wait3A_1552 = tpu.memref_slice %arg13[%dma_wait3A_1550, %dma_wait3A_1551] : memref<64x128xf32, #tpu.memory_space<vmem>> -> memref<8x128xf32, #tpu.memory_space<vmem>>
        tpu.wait_dma2 semaphore(%arg21 : memref<!tpu.dma_semaphore, #tpu.memory_space<semaphore_mem>>) src(%dma_wait3A_1552 : memref<8x128xf32, #tpu.memory_space<vmem>>) dst(%dma_wait3A_1549 : memref<8x128xf32, #tpu.memory_space<hbm>>)
        %add3A_1553 = arith.constant 768 : i32
        %add3A_1554 = arith.addi %add3A_1456, %add3A_1553 : i32
        %dma_wait3A_1555 = arith.constant 48 : i32
        %dma_wait3A_1556 = arith.constant 0 : i32
        %dma_wait3A_1557 = tpu.memref_slice %arg13[%dma_wait3A_1555, %dma_wait3A_1556] : memref<64x128xf32, #tpu.memory_space<vmem>> -> memref<8x128xf32, #tpu.memory_space<vmem>>
        %dma_wait3A_1558 = arith.constant 0 : i32
        %dma_wait3A_1559 = arith.constant 0 : i32
        %dma_wait3A_1560 = tpu.memref_slice %arg4[%add3A_1554, %dma_wait3A_1558, %dma_wait3A_1559] : memref<20480x8x128xf32, #tpu.memory_space<hbm>> -> memref<1x8x128xf32, #tpu.memory_space<hbm>>
        %dma_wait3A_1561 = tpu.memref_squeeze %dma_wait3A_1560 : memref<1x8x128xf32, #tpu.memory_space<hbm>> -> memref<8x128xf32, #tpu.memory_space<hbm>>
        %dma_wait3A_1562 = arith.constant 0 : i32
        %dma_wait3A_1563 = arith.constant 0 : i32
        %dma_wait3A_1564 = tpu.memref_slice %arg4[%add3A_1554, %dma_wait3A_1562, %dma_wait3A_1563] : memref<20480x8x128xf32, #tpu.memory_space<hbm>> -> memref<1x8x128xf32, #tpu.memory_space<hbm>>
        %dma_wait3A_1565 = tpu.memref_squeeze %dma_wait3A_1564 : memref<1x8x128xf32, #tpu.memory_space<hbm>> -> memref<8x128xf32, #tpu.memory_space<hbm>>
        %dma_wait3A_1566 = arith.constant 48 : i32
        %dma_wait3A_1567 = arith.constant 0 : i32
        %dma_wait3A_1568 = tpu.memref_slice %arg13[%dma_wait3A_1566, %dma_wait3A_1567] : memref<64x128xf32, #tpu.memory_space<vmem>> -> memref<8x128xf32, #tpu.memory_space<vmem>>
        tpu.wait_dma2 semaphore(%arg21 : memref<!tpu.dma_semaphore, #tpu.memory_space<semaphore_mem>>) src(%dma_wait3A_1568 : memref<8x128xf32, #tpu.memory_space<vmem>>) dst(%dma_wait3A_1565 : memref<8x128xf32, #tpu.memory_space<hbm>>)
        %add3A_1569 = arith.constant 896 : i32
        %add3A_1570 = arith.addi %add3A_1456, %add3A_1569 : i32
        %dma_wait3A_1571 = arith.constant 56 : i32
        %dma_wait3A_1572 = arith.constant 0 : i32
        %dma_wait3A_1573 = tpu.memref_slice %arg13[%dma_wait3A_1571, %dma_wait3A_1572] : memref<64x128xf32, #tpu.memory_space<vmem>> -> memref<8x128xf32, #tpu.memory_space<vmem>>
        %dma_wait3A_1574 = arith.constant 0 : i32
        %dma_wait3A_1575 = arith.constant 0 : i32
        %dma_wait3A_1576 = tpu.memref_slice %arg4[%add3A_1570, %dma_wait3A_1574, %dma_wait3A_1575] : memref<20480x8x128xf32, #tpu.memory_space<hbm>> -> memref<1x8x128xf32, #tpu.memory_space<hbm>>
        %dma_wait3A_1577 = tpu.memref_squeeze %dma_wait3A_1576 : memref<1x8x128xf32, #tpu.memory_space<hbm>> -> memref<8x128xf32, #tpu.memory_space<hbm>>
        %dma_wait3A_1578 = arith.constant 0 : i32
        %dma_wait3A_1579 = arith.constant 0 : i32
        %dma_wait3A_1580 = tpu.memref_slice %arg4[%add3A_1570, %dma_wait3A_1578, %dma_wait3A_1579] : memref<20480x8x128xf32, #tpu.memory_space<hbm>> -> memref<1x8x128xf32, #tpu.memory_space<hbm>>
        %dma_wait3A_1581 = tpu.memref_squeeze %dma_wait3A_1580 : memref<1x8x128xf32, #tpu.memory_space<hbm>> -> memref<8x128xf32, #tpu.memory_space<hbm>>
        %dma_wait3A_1582 = arith.constant 56 : i32
        %dma_wait3A_1583 = arith.constant 0 : i32
        %dma_wait3A_1584 = tpu.memref_slice %arg13[%dma_wait3A_1582, %dma_wait3A_1583] : memref<64x128xf32, #tpu.memory_space<vmem>> -> memref<8x128xf32, #tpu.memory_space<vmem>>
        tpu.wait_dma2 semaphore(%arg21 : memref<!tpu.dma_semaphore, #tpu.memory_space<semaphore_mem>>) src(%dma_wait3A_1584 : memref<8x128xf32, #tpu.memory_space<vmem>>) dst(%dma_wait3A_1581 : memref<8x128xf32, #tpu.memory_space<hbm>>)
      } else {
      }
      %parallel_loop3A_1255 = arith.constant 0 : i32
      %parallel_loop3A_1256 = arith.constant 64 : i32
      %parallel_loop3A_1257 = arith.constant 1 : i32
      scf.for %parallel_loop3A_1424 = %parallel_loop3A_1255 to %parallel_loop3A_1256 step %parallel_loop3A_1257  : i32 {
        %parallel_loop3A_1425 = arith.constant 0 : i32
        %parallel_loop3A_1426 = vector.broadcast %parallel_loop3A_1425 : i32 to vector<16xi32>
        %parallel_loop3A_1427 = arith.muli %add3A_5, %parallel_loop3A_1426 : vector<16xi32>
        %parallel_loop3A_1428 = vector.broadcast %parallel_loop3A_1424 : i32 to vector<16xi32>
        %parallel_loop3A_1429 = arith.addi %parallel_loop3A_1427, %parallel_loop3A_1428 : vector<16xi32>
        %parallel_loop3A_1430 = tpu.vector_load_idx %arg9[%add3A_5, %parallel_loop3A_1429] : memref<128x64xf32, #tpu.memory_space<vmem>>[vector<16xi32>, vector<16xi32>], vector<16xf32>,
        tpu.vector_store_idx %arg13[%parallel_loop3A_1429, %add3A_5], %parallel_loop3A_1430 : memref<64x128xf32, #tpu.memory_space<vmem>>[vector<16xi32>, vector<16xi32>], vector<16xf32>,
        %parallel_loop3A_1431 = tpu.vector_load_idx %arg9[%add3A_9, %parallel_loop3A_1429] : memref<128x64xf32, #tpu.memory_space<vmem>>[vector<16xi32>, vector<16xi32>], vector<16xf32>,
        tpu.vector_store_idx %arg13[%parallel_loop3A_1429, %add3A_9], %parallel_loop3A_1431 : memref<64x128xf32, #tpu.memory_space<vmem>>[vector<16xi32>, vector<16xi32>], vector<16xf32>,
        %parallel_loop3A_1432 = tpu.vector_load_idx %arg9[%add3A_13, %parallel_loop3A_1429] : memref<128x64xf32, #tpu.memory_space<vmem>>[vector<16xi32>, vector<16xi32>], vector<16xf32>,
        tpu.vector_store_idx %arg13[%parallel_loop3A_1429, %add3A_13], %parallel_loop3A_1432 : memref<64x128xf32, #tpu.memory_space<vmem>>[vector<16xi32>, vector<16xi32>], vector<16xf32>,
        %parallel_loop3A_1433 = tpu.vector_load_idx %arg9[%add3A_17, %parallel_loop3A_1429] : memref<128x64xf32, #tpu.memory_space<vmem>>[vector<16xi32>, vector<16xi32>], vector<16xf32>,
        tpu.vector_store_idx %arg13[%parallel_loop3A_1429, %add3A_17], %parallel_loop3A_1433 : memref<64x128xf32, #tpu.memory_space<vmem>>[vector<16xi32>, vector<16xi32>], vector<16xf32>,
        %parallel_loop3A_1434 = tpu.vector_load_idx %arg9[%add3A_21, %parallel_loop3A_1429] : memref<128x64xf32, #tpu.memory_space<vmem>>[vector<16xi32>, vector<16xi32>], vector<16xf32>,
        tpu.vector_store_idx %arg13[%parallel_loop3A_1429, %add3A_21], %parallel_loop3A_1434 : memref<64x128xf32, #tpu.memory_space<vmem>>[vector<16xi32>, vector<16xi32>], vector<16xf32>,
        %parallel_loop3A_1435 = tpu.vector_load_idx %arg9[%add3A_25, %parallel_loop3A_1429] : memref<128x64xf32, #tpu.memory_space<vmem>>[vector<16xi32>, vector<16xi32>], vector<16xf32>,
        tpu.vector_store_idx %arg13[%parallel_loop3A_1429, %add3A_25], %parallel_loop3A_1435 : memref<64x128xf32, #tpu.memory_space<vmem>>[vector<16xi32>, vector<16xi32>], vector<16xf32>,
        %parallel_loop3A_1436 = tpu.vector_load_idx %arg9[%add3A_29, %parallel_loop3A_1429] : memref<128x64xf32, #tpu.memory_space<vmem>>[vector<16xi32>, vector<16xi32>], vector<16xf32>,
        tpu.vector_store_idx %arg13[%parallel_loop3A_1429, %add3A_29], %parallel_loop3A_1436 : memref<64x128xf32, #tpu.memory_space<vmem>>[vector<16xi32>, vector<16xi32>], vector<16xf32>,
        %parallel_loop3A_1437 = tpu.vector_load_idx %arg9[%add3A_33, %parallel_loop3A_1429] : memref<128x64xf32, #tpu.memory_space<vmem>>[vector<16xi32>, vector<16xi32>], vector<16xf32>,
        tpu.vector_store_idx %arg13[%parallel_loop3A_1429, %add3A_33], %parallel_loop3A_1437 : memref<64x128xf32, #tpu.memory_space<vmem>>[vector<16xi32>, vector<16xi32>], vector<16xf32>,
      } {sc.loop_unroll_factor = 16 : i64, sc.parallel_access}
      %add3A_1258 = arith.addi %mul3A_2, %add3A_1243 : i32
      %jit3A_1259 = arith.constant 128 : i32
      %div3A_1260 = arith.divsi %add3A_1258, %jit3A_1259 : i32
      %sign3A_1261 = arith.constant 0 : i32
      %sign3A_1262 = arith.cmpi sgt, %add3A_1258, %sign3A_1261 : i32
      %sign3A_1263 = arith.extui %sign3A_1262 : i1 to i32
      %sign3A_1264 = arith.constant 0 : i32
      %sign3A_1265 = arith.cmpi slt, %add3A_1258, %sign3A_1264 : i32
      %sign3A_1266 = arith.extui %sign3A_1265 : i1 to i32
      %sign3A_1267 = arith.subi %sign3A_1263, %sign3A_1266 : i32
      %sign3A_1268 = arith.constant 0 : i32
      %sign3A_1269 = arith.cmpi sgt, %jit3A_1259, %sign3A_1268 : i32
      %sign3A_1270 = arith.extui %sign3A_1269 : i1 to i32
      %sign3A_1271 = arith.constant 0 : i32
      %sign3A_1272 = arith.cmpi slt, %jit3A_1259, %sign3A_1271 : i32
      %sign3A_1273 = arith.extui %sign3A_1272 : i1 to i32
      %sign3A_1274 = arith.subi %sign3A_1270, %sign3A_1273 : i32
      %ne3A_1275 = arith.cmpi ne, %sign3A_1267, %sign3A_1274 : i32
      %rem3A_1276 = arith.remsi %add3A_1258, %jit3A_1259 : i32
      %ne3A_1277 = arith.constant 0 : i32
      %ne3A_1278 = arith.cmpi ne, %rem3A_1276, %ne3A_1277 : i32
      %and3A_1279 = arith.andi %ne3A_1275, %ne3A_1278 : i1
      %sub3A_1280 = arith.constant 1 : i32
      %sub3A_1281 = arith.subi %div3A_1260, %sub3A_1280 : i32
      %select_n3A_1282 = arith.select %and3A_1279, %sub3A_1281, %div3A_1260 : i32
      %mul3A_1283 = arith.constant 128 : i32
      %mul3A_1284 = arith.muli %select_n3A_1282, %mul3A_1283 : i32
      %sub3A_1285 = arith.subi %add3A_1258, %mul3A_1284 : i32
      %mul3A_1286 = arith.constant 1024 : i32
      %mul3A_1287 = arith.muli %select_n3A_1282, %mul3A_1286 : i32
      %add3A_1288 = arith.addi %mul3A_1287, %sub3A_1285 : i32
      %add3A_1289 = arith.constant 0 : i32
      %add3A_1290 = arith.addi %add3A_1288, %add3A_1289 : i32
      %dma_start3A_1291 = arith.constant 0 : i32
      %dma_start3A_1292 = arith.constant 0 : i32
      %dma_start3A_1293 = tpu.memref_slice %arg13[%dma_start3A_1291, %dma_start3A_1292] : memref<64x128xf32, #tpu.memory_space<vmem>> -> memref<8x128xf32, #tpu.memory_space<vmem>>
      %dma_start3A_1294 = arith.constant 0 : i32
      %dma_start3A_1295 = arith.constant 0 : i32
      %dma_start3A_1296 = tpu.memref_slice %arg4[%add3A_1290, %dma_start3A_1294, %dma_start3A_1295] : memref<20480x8x128xf32, #tpu.memory_space<hbm>> -> memref<1x8x128xf32, #tpu.memory_space<hbm>>
      %dma_start3A_1297 = tpu.memref_squeeze %dma_start3A_1296 : memref<1x8x128xf32, #tpu.memory_space<hbm>> -> memref<8x128xf32, #tpu.memory_space<hbm>>
      %dma_start3A_1298 = arith.constant 0 : i32
      %dma_start3A_1299 = arith.constant 0 : i32
      %dma_start3A_1300 = tpu.memref_slice %arg4[%add3A_1290, %dma_start3A_1298, %dma_start3A_1299] : memref<20480x8x128xf32, #tpu.memory_space<hbm>> -> memref<1x8x128xf32, #tpu.memory_space<hbm>>
      %dma_start3A_1301 = tpu.memref_squeeze %dma_start3A_1300 : memref<1x8x128xf32, #tpu.memory_space<hbm>> -> memref<8x128xf32, #tpu.memory_space<hbm>>
      %dma_start3A_1302 = arith.constant 0 : i32
      %dma_start3A_1303 = arith.constant 0 : i32
      %dma_start3A_1304 = tpu.memref_slice %arg13[%dma_start3A_1302, %dma_start3A_1303] : memref<64x128xf32, #tpu.memory_space<vmem>> -> memref<8x128xf32, #tpu.memory_space<vmem>>
      tpu.enqueue_dma source(%dma_start3A_1304 : memref<8x128xf32, #tpu.memory_space<vmem>>) target(%dma_start3A_1301 : memref<8x128xf32, #tpu.memory_space<hbm>>) target_semaphore(%arg21 : memref<!tpu.dma_semaphore, #tpu.memory_space<semaphore_mem>>)
      %add3A_1305 = arith.constant 128 : i32
      %add3A_1306 = arith.addi %add3A_1288, %add3A_1305 : i32
      %dma_start3A_1307 = arith.constant 8 : i32
      %dma_start3A_1308 = arith.constant 0 : i32
      %dma_start3A_1309 = tpu.memref_slice %arg13[%dma_start3A_1307, %dma_start3A_1308] : memref<64x128xf32, #tpu.memory_space<vmem>> -> memref<8x128xf32, #tpu.memory_space<vmem>>
      %dma_start3A_1310 = arith.constant 0 : i32
      %dma_start3A_1311 = arith.constant 0 : i32
      %dma_start3A_1312 = tpu.memref_slice %arg4[%add3A_1306, %dma_start3A_1310, %dma_start3A_1311] : memref<20480x8x128xf32, #tpu.memory_space<hbm>> -> memref<1x8x128xf32, #tpu.memory_space<hbm>>
      %dma_start3A_1313 = tpu.memref_squeeze %dma_start3A_1312 : memref<1x8x128xf32, #tpu.memory_space<hbm>> -> memref<8x128xf32, #tpu.memory_space<hbm>>
      %dma_start3A_1314 = arith.constant 0 : i32
      %dma_start3A_1315 = arith.constant 0 : i32
      %dma_start3A_1316 = tpu.memref_slice %arg4[%add3A_1306, %dma_start3A_1314, %dma_start3A_1315] : memref<20480x8x128xf32, #tpu.memory_space<hbm>> -> memref<1x8x128xf32, #tpu.memory_space<hbm>>
      %dma_start3A_1317 = tpu.memref_squeeze %dma_start3A_1316 : memref<1x8x128xf32, #tpu.memory_space<hbm>> -> memref<8x128xf32, #tpu.memory_space<hbm>>
      %dma_start3A_1318 = arith.constant 8 : i32
      %dma_start3A_1319 = arith.constant 0 : i32
      %dma_start3A_1320 = tpu.memref_slice %arg13[%dma_start3A_1318, %dma_start3A_1319] : memref<64x128xf32, #tpu.memory_space<vmem>> -> memref<8x128xf32, #tpu.memory_space<vmem>>
      tpu.enqueue_dma source(%dma_start3A_1320 : memref<8x128xf32, #tpu.memory_space<vmem>>) target(%dma_start3A_1317 : memref<8x128xf32, #tpu.memory_space<hbm>>) target_semaphore(%arg21 : memref<!tpu.dma_semaphore, #tpu.memory_space<semaphore_mem>>)
      %add3A_1321 = arith.constant 256 : i32
      %add3A_1322 = arith.addi %add3A_1288, %add3A_1321 : i32
      %dma_start3A_1323 = arith.constant 16 : i32
      %dma_start3A_1324 = arith.constant 0 : i32
      %dma_start3A_1325 = tpu.memref_slice %arg13[%dma_start3A_1323, %dma_start3A_1324] : memref<64x128xf32, #tpu.memory_space<vmem>> -> memref<8x128xf32, #tpu.memory_space<vmem>>
      %dma_start3A_1326 = arith.constant 0 : i32
      %dma_start3A_1327 = arith.constant 0 : i32
      %dma_start3A_1328 = tpu.memref_slice %arg4[%add3A_1322, %dma_start3A_1326, %dma_start3A_1327] : memref<20480x8x128xf32, #tpu.memory_space<hbm>> -> memref<1x8x128xf32, #tpu.memory_space<hbm>>
      %dma_start3A_1329 = tpu.memref_squeeze %dma_start3A_1328 : memref<1x8x128xf32, #tpu.memory_space<hbm>> -> memref<8x128xf32, #tpu.memory_space<hbm>>
      %dma_start3A_1330 = arith.constant 0 : i32
      %dma_start3A_1331 = arith.constant 0 : i32
      %dma_start3A_1332 = tpu.memref_slice %arg4[%add3A_1322, %dma_start3A_1330, %dma_start3A_1331] : memref<20480x8x128xf32, #tpu.memory_space<hbm>> -> memref<1x8x128xf32, #tpu.memory_space<hbm>>
      %dma_start3A_1333 = tpu.memref_squeeze %dma_start3A_1332 : memref<1x8x128xf32, #tpu.memory_space<hbm>> -> memref<8x128xf32, #tpu.memory_space<hbm>>
      %dma_start3A_1334 = arith.constant 16 : i32
      %dma_start3A_1335 = arith.constant 0 : i32
      %dma_start3A_1336 = tpu.memref_slice %arg13[%dma_start3A_1334, %dma_start3A_1335] : memref<64x128xf32, #tpu.memory_space<vmem>> -> memref<8x128xf32, #tpu.memory_space<vmem>>
      tpu.enqueue_dma source(%dma_start3A_1336 : memref<8x128xf32, #tpu.memory_space<vmem>>) target(%dma_start3A_1333 : memref<8x128xf32, #tpu.memory_space<hbm>>) target_semaphore(%arg21 : memref<!tpu.dma_semaphore, #tpu.memory_space<semaphore_mem>>)
      %add3A_1337 = arith.constant 384 : i32
      %add3A_1338 = arith.addi %add3A_1288, %add3A_1337 : i32
      %dma_start3A_1339 = arith.constant 24 : i32
      %dma_start3A_1340 = arith.constant 0 : i32
      %dma_start3A_1341 = tpu.memref_slice %arg13[%dma_start3A_1339, %dma_start3A_1340] : memref<64x128xf32, #tpu.memory_space<vmem>> -> memref<8x128xf32, #tpu.memory_space<vmem>>
      %dma_start3A_1342 = arith.constant 0 : i32
      %dma_start3A_1343 = arith.constant 0 : i32
      %dma_start3A_1344 = tpu.memref_slice %arg4[%add3A_1338, %dma_start3A_1342, %dma_start3A_1343] : memref<20480x8x128xf32, #tpu.memory_space<hbm>> -> memref<1x8x128xf32, #tpu.memory_space<hbm>>
      %dma_start3A_1345 = tpu.memref_squeeze %dma_start3A_1344 : memref<1x8x128xf32, #tpu.memory_space<hbm>> -> memref<8x128xf32, #tpu.memory_space<hbm>>
      %dma_start3A_1346 = arith.constant 0 : i32
      %dma_start3A_1347 = arith.constant 0 : i32
      %dma_start3A_1348 = tpu.memref_slice %arg4[%add3A_1338, %dma_start3A_1346, %dma_start3A_1347] : memref<20480x8x128xf32, #tpu.memory_space<hbm>> -> memref<1x8x128xf32, #tpu.memory_space<hbm>>
      %dma_start3A_1349 = tpu.memref_squeeze %dma_start3A_1348 : memref<1x8x128xf32, #tpu.memory_space<hbm>> -> memref<8x128xf32, #tpu.memory_space<hbm>>
      %dma_start3A_1350 = arith.constant 24 : i32
      %dma_start3A_1351 = arith.constant 0 : i32
      %dma_start3A_1352 = tpu.memref_slice %arg13[%dma_start3A_1350, %dma_start3A_1351] : memref<64x128xf32, #tpu.memory_space<vmem>> -> memref<8x128xf32, #tpu.memory_space<vmem>>
      tpu.enqueue_dma source(%dma_start3A_1352 : memref<8x128xf32, #tpu.memory_space<vmem>>) target(%dma_start3A_1349 : memref<8x128xf32, #tpu.memory_space<hbm>>) target_semaphore(%arg21 : memref<!tpu.dma_semaphore, #tpu.memory_space<semaphore_mem>>)
      %add3A_1353 = arith.constant 512 : i32
      %add3A_1354 = arith.addi %add3A_1288, %add3A_1353 : i32
      %dma_start3A_1355 = arith.constant 32 : i32
      %dma_start3A_1356 = arith.constant 0 : i32
      %dma_start3A_1357 = tpu.memref_slice %arg13[%dma_start3A_1355, %dma_start3A_1356] : memref<64x128xf32, #tpu.memory_space<vmem>> -> memref<8x128xf32, #tpu.memory_space<vmem>>
      %dma_start3A_1358 = arith.constant 0 : i32
      %dma_start3A_1359 = arith.constant 0 : i32
      %dma_start3A_1360 = tpu.memref_slice %arg4[%add3A_1354, %dma_start3A_1358, %dma_start3A_1359] : memref<20480x8x128xf32, #tpu.memory_space<hbm>> -> memref<1x8x128xf32, #tpu.memory_space<hbm>>
      %dma_start3A_1361 = tpu.memref_squeeze %dma_start3A_1360 : memref<1x8x128xf32, #tpu.memory_space<hbm>> -> memref<8x128xf32, #tpu.memory_space<hbm>>
      %dma_start3A_1362 = arith.constant 0 : i32
      %dma_start3A_1363 = arith.constant 0 : i32
      %dma_start3A_1364 = tpu.memref_slice %arg4[%add3A_1354, %dma_start3A_1362, %dma_start3A_1363] : memref<20480x8x128xf32, #tpu.memory_space<hbm>> -> memref<1x8x128xf32, #tpu.memory_space<hbm>>
      %dma_start3A_1365 = tpu.memref_squeeze %dma_start3A_1364 : memref<1x8x128xf32, #tpu.memory_space<hbm>> -> memref<8x128xf32, #tpu.memory_space<hbm>>
      %dma_start3A_1366 = arith.constant 32 : i32
      %dma_start3A_1367 = arith.constant 0 : i32
      %dma_start3A_1368 = tpu.memref_slice %arg13[%dma_start3A_1366, %dma_start3A_1367] : memref<64x128xf32, #tpu.memory_space<vmem>> -> memref<8x128xf32, #tpu.memory_space<vmem>>
      tpu.enqueue_dma source(%dma_start3A_1368 : memref<8x128xf32, #tpu.memory_space<vmem>>) target(%dma_start3A_1365 : memref<8x128xf32, #tpu.memory_space<hbm>>) target_semaphore(%arg21 : memref<!tpu.dma_semaphore, #tpu.memory_space<semaphore_mem>>)
      %add3A_1369 = arith.constant 640 : i32
      %add3A_1370 = arith.addi %add3A_1288, %add3A_1369 : i32
      %dma_start3A_1371 = arith.constant 40 : i32
      %dma_start3A_1372 = arith.constant 0 : i32
      %dma_start3A_1373 = tpu.memref_slice %arg13[%dma_start3A_1371, %dma_start3A_1372] : memref<64x128xf32, #tpu.memory_space<vmem>> -> memref<8x128xf32, #tpu.memory_space<vmem>>
      %dma_start3A_1374 = arith.constant 0 : i32
      %dma_start3A_1375 = arith.constant 0 : i32
      %dma_start3A_1376 = tpu.memref_slice %arg4[%add3A_1370, %dma_start3A_1374, %dma_start3A_1375] : memref<20480x8x128xf32, #tpu.memory_space<hbm>> -> memref<1x8x128xf32, #tpu.memory_space<hbm>>
      %dma_start3A_1377 = tpu.memref_squeeze %dma_start3A_1376 : memref<1x8x128xf32, #tpu.memory_space<hbm>> -> memref<8x128xf32, #tpu.memory_space<hbm>>
      %dma_start3A_1378 = arith.constant 0 : i32
      %dma_start3A_1379 = arith.constant 0 : i32
      %dma_start3A_1380 = tpu.memref_slice %arg4[%add3A_1370, %dma_start3A_1378, %dma_start3A_1379] : memref<20480x8x128xf32, #tpu.memory_space<hbm>> -> memref<1x8x128xf32, #tpu.memory_space<hbm>>
      %dma_start3A_1381 = tpu.memref_squeeze %dma_start3A_1380 : memref<1x8x128xf32, #tpu.memory_space<hbm>> -> memref<8x128xf32, #tpu.memory_space<hbm>>
      %dma_start3A_1382 = arith.constant 40 : i32
      %dma_start3A_1383 = arith.constant 0 : i32
      %dma_start3A_1384 = tpu.memref_slice %arg13[%dma_start3A_1382, %dma_start3A_1383] : memref<64x128xf32, #tpu.memory_space<vmem>> -> memref<8x128xf32, #tpu.memory_space<vmem>>
      tpu.enqueue_dma source(%dma_start3A_1384 : memref<8x128xf32, #tpu.memory_space<vmem>>) target(%dma_start3A_1381 : memref<8x128xf32, #tpu.memory_space<hbm>>) target_semaphore(%arg21 : memref<!tpu.dma_semaphore, #tpu.memory_space<semaphore_mem>>)
      %add3A_1385 = arith.constant 768 : i32
      %add3A_1386 = arith.addi %add3A_1288, %add3A_1385 : i32
      %dma_start3A_1387 = arith.constant 48 : i32
      %dma_start3A_1388 = arith.constant 0 : i32
      %dma_start3A_1389 = tpu.memref_slice %arg13[%dma_start3A_1387, %dma_start3A_1388] : memref<64x128xf32, #tpu.memory_space<vmem>> -> memref<8x128xf32, #tpu.memory_space<vmem>>
      %dma_start3A_1390 = arith.constant 0 : i32
      %dma_start3A_1391 = arith.constant 0 : i32
      %dma_start3A_1392 = tpu.memref_slice %arg4[%add3A_1386, %dma_start3A_1390, %dma_start3A_1391] : memref<20480x8x128xf32, #tpu.memory_space<hbm>> -> memref<1x8x128xf32, #tpu.memory_space<hbm>>
      %dma_start3A_1393 = tpu.memref_squeeze %dma_start3A_1392 : memref<1x8x128xf32, #tpu.memory_space<hbm>> -> memref<8x128xf32, #tpu.memory_space<hbm>>
      %dma_start3A_1394 = arith.constant 0 : i32
      %dma_start3A_1395 = arith.constant 0 : i32
      %dma_start3A_1396 = tpu.memref_slice %arg4[%add3A_1386, %dma_start3A_1394, %dma_start3A_1395] : memref<20480x8x128xf32, #tpu.memory_space<hbm>> -> memref<1x8x128xf32, #tpu.memory_space<hbm>>
      %dma_start3A_1397 = tpu.memref_squeeze %dma_start3A_1396 : memref<1x8x128xf32, #tpu.memory_space<hbm>> -> memref<8x128xf32, #tpu.memory_space<hbm>>
      %dma_start3A_1398 = arith.constant 48 : i32
      %dma_start3A_1399 = arith.constant 0 : i32
      %dma_start3A_1400 = tpu.memref_slice %arg13[%dma_start3A_1398, %dma_start3A_1399] : memref<64x128xf32, #tpu.memory_space<vmem>> -> memref<8x128xf32, #tpu.memory_space<vmem>>
      tpu.enqueue_dma source(%dma_start3A_1400 : memref<8x128xf32, #tpu.memory_space<vmem>>) target(%dma_start3A_1397 : memref<8x128xf32, #tpu.memory_space<hbm>>) target_semaphore(%arg21 : memref<!tpu.dma_semaphore, #tpu.memory_space<semaphore_mem>>)
      %add3A_1401 = arith.constant 896 : i32
      %add3A_1402 = arith.addi %add3A_1288, %add3A_1401 : i32
      %dma_start3A_1403 = arith.constant 56 : i32
      %dma_start3A_1404 = arith.constant 0 : i32
      %dma_start3A_1405 = tpu.memref_slice %arg13[%dma_start3A_1403, %dma_start3A_1404] : memref<64x128xf32, #tpu.memory_space<vmem>> -> memref<8x128xf32, #tpu.memory_space<vmem>>
      %dma_start3A_1406 = arith.constant 0 : i32
      %dma_start3A_1407 = arith.constant 0 : i32
      %dma_start3A_1408 = tpu.memref_slice %arg4[%add3A_1402, %dma_start3A_1406, %dma_start3A_1407] : memref<20480x8x128xf32, #tpu.memory_space<hbm>> -> memref<1x8x128xf32, #tpu.memory_space<hbm>>
      %dma_start3A_1409 = tpu.memref_squeeze %dma_start3A_1408 : memref<1x8x128xf32, #tpu.memory_space<hbm>> -> memref<8x128xf32, #tpu.memory_space<hbm>>
      %dma_start3A_1410 = arith.constant 0 : i32
      %dma_start3A_1411 = arith.constant 0 : i32
      %dma_start3A_1412 = tpu.memref_slice %arg4[%add3A_1402, %dma_start3A_1410, %dma_start3A_1411] : memref<20480x8x128xf32, #tpu.memory_space<hbm>> -> memref<1x8x128xf32, #tpu.memory_space<hbm>>
      %dma_start3A_1413 = tpu.memref_squeeze %dma_start3A_1412 : memref<1x8x128xf32, #tpu.memory_space<hbm>> -> memref<8x128xf32, #tpu.memory_space<hbm>>
      %dma_start3A_1414 = arith.constant 56 : i32
      %dma_start3A_1415 = arith.constant 0 : i32
      %dma_start3A_1416 = tpu.memref_slice %arg13[%dma_start3A_1414, %dma_start3A_1415] : memref<64x128xf32, #tpu.memory_space<vmem>> -> memref<8x128xf32, #tpu.memory_space<vmem>>
      tpu.enqueue_dma source(%dma_start3A_1416 : memref<8x128xf32, #tpu.memory_space<vmem>>) target(%dma_start3A_1413 : memref<8x128xf32, #tpu.memory_space<hbm>>) target_semaphore(%arg21 : memref<!tpu.dma_semaphore, #tpu.memory_space<semaphore_mem>>)
      %add3A_1417 = arith.constant 4 : i32
      %add3A_1418 = arith.addi %add3A_1243, %add3A_1417 : i32
      %lt3A_1419 = arith.constant 80 : i32
      %lt3A_1420 = arith.cmpi slt, %add3A_1418, %lt3A_1419 : i32
      %convert_element_type3A_1421 = arith.extui %lt3A_1420 : i1 to i32
      %cond3A_1422 = arith.constant 0 : i32
      %cond3A_1423 = arith.cmpi ne, %convert_element_type3A_1421, %cond3A_1422 : i32
      scf.if %cond3A_1423 {
        %add3A_1424 = arith.constant 4 : i32
        %add3A_1425 = arith.addi %add3A_1243, %add3A_1424 : i32
        %dma_start3A_1426 = arith.constant 0 : i32
        %dma_start3A_1427 = tpu.memref_slice %arg5[%add3A_1425, %dma_start3A_1426] : memref<80x128xi32, #tpu.memory_space<vmem>> -> memref<1x128xi32, #tpu.memory_space<vmem>>
        %dma_start3A_1428 = tpu.memref_squeeze %dma_start3A_1427 : memref<1x128xi32, #tpu.memory_space<vmem>> -> memref<128xi32, #tpu.memory_space<vmem>>
        %dma_start3A_1429 = arith.constant 0 : i32
        %dma_start3A_1430 = arith.constant 0 : i32
        %dma_start3A_1431 = tpu.memref_slice %arg2[%dma_start3A_1429, %dma_start3A_1430] : memref<1015808x64xf32, #tpu.memory_space<hbm>> -> memref<1015808x64xf32, #tpu.memory_space<hbm>>
        tpu.enqueue_indirect_dma source(%dma_start3A_1431 : memref<1015808x64xf32, #tpu.memory_space<hbm>>) target(%arg9 : memref<128x64xf32, #tpu.memory_space<vmem>>) offsets(%dma_start3A_1428 : memref<128xi32, #tpu.memory_space<vmem>>) semaphore(%arg17 : memref<!tpu.dma_semaphore, #tpu.memory_space<semaphore_mem>>)
      } else {
      }
    }
    %scan3A_64 = arith.constant 20 : i32
    %add3A_65 = arith.constant 76 : i32
    %add3A_66 = arith.addi %mul3A_2, %add3A_65 : i32
    %jit3A = arith.constant 128 : i32
    %div3A = arith.divsi %add3A_66, %jit3A : i32
    %sign3A = arith.constant 0 : i32
    %sign3A_67 = arith.cmpi sgt, %add3A_66, %sign3A : i32
    %sign3A_68 = arith.extui %sign3A_67 : i1 to i32
    %sign3A_69 = arith.constant 0 : i32
    %sign3A_70 = arith.cmpi slt, %add3A_66, %sign3A_69 : i32
    %sign3A_71 = arith.extui %sign3A_70 : i1 to i32
    %sign3A_72 = arith.subi %sign3A_68, %sign3A_71 : i32
    %sign3A_73 = arith.constant 0 : i32
    %sign3A_74 = arith.cmpi sgt, %jit3A, %sign3A_73 : i32
    %sign3A_75 = arith.extui %sign3A_74 : i1 to i32
    %sign3A_76 = arith.constant 0 : i32
    %sign3A_77 = arith.cmpi slt, %jit3A, %sign3A_76 : i32
    %sign3A_78 = arith.extui %sign3A_77 : i1 to i32
    %sign3A_79 = arith.subi %sign3A_75, %sign3A_78 : i32
    %ne3A = arith.cmpi ne, %sign3A_72, %sign3A_79 : i32
    %rem3A = arith.remsi %add3A_66, %jit3A : i32
    %ne3A_80 = arith.constant 0 : i32
    %ne3A_81 = arith.cmpi ne, %rem3A, %ne3A_80 : i32
    %and3A = arith.andi %ne3A, %ne3A_81 : i1
    %sub3A = arith.constant 1 : i32
    %sub3A_82 = arith.subi %div3A, %sub3A : i32
    %select_n3A = arith.select %and3A, %sub3A_82, %div3A : i32
    %mul3A_83 = arith.constant 128 : i32
    %mul3A_84 = arith.muli %select_n3A, %mul3A_83 : i32
    %sub3A_85 = arith.subi %add3A_66, %mul3A_84 : i32
    %mul3A_86 = arith.constant 1024 : i32
    %mul3A_87 = arith.muli %select_n3A, %mul3A_86 : i32
    %add3A_88 = arith.addi %mul3A_87, %sub3A_85 : i32
    %add3A_89 = arith.constant 0 : i32
    %add3A_90 = arith.addi %add3A_88, %add3A_89 : i32
    %dma_wait3A = arith.constant 0 : i32
    %dma_wait3A_91 = arith.constant 0 : i32
    %dma_wait3A_92 = tpu.memref_slice %arg10[%dma_wait3A, %dma_wait3A_91] : memref<64x128xf32, #tpu.memory_space<vmem>> -> memref<8x128xf32, #tpu.memory_space<vmem>>
    %dma_wait3A_93 = arith.constant 0 : i32
    %dma_wait3A_94 = arith.constant 0 : i32
    %dma_wait3A_95 = tpu.memref_slice %arg4[%add3A_90, %dma_wait3A_93, %dma_wait3A_94] : memref<20480x8x128xf32, #tpu.memory_space<hbm>> -> memref<1x8x128xf32, #tpu.memory_space<hbm>>
    %dma_wait3A_96 = tpu.memref_squeeze %dma_wait3A_95 : memref<1x8x128xf32, #tpu.memory_space<hbm>> -> memref<8x128xf32, #tpu.memory_space<hbm>>
    %dma_wait3A_97 = arith.constant 0 : i32
    %dma_wait3A_98 = arith.constant 0 : i32
    %dma_wait3A_99 = tpu.memref_slice %arg4[%add3A_90, %dma_wait3A_97, %dma_wait3A_98] : memref<20480x8x128xf32, #tpu.memory_space<hbm>> -> memref<1x8x128xf32, #tpu.memory_space<hbm>>
    %dma_wait3A_100 = tpu.memref_squeeze %dma_wait3A_99 : memref<1x8x128xf32, #tpu.memory_space<hbm>> -> memref<8x128xf32, #tpu.memory_space<hbm>>
    %dma_wait3A_101 = arith.constant 0 : i32
    %dma_wait3A_102 = arith.constant 0 : i32
    %dma_wait3A_103 = tpu.memref_slice %arg10[%dma_wait3A_101, %dma_wait3A_102] : memref<64x128xf32, #tpu.memory_space<vmem>> -> memref<8x128xf32, #tpu.memory_space<vmem>>
    tpu.wait_dma2 semaphore(%arg18 : memref<!tpu.dma_semaphore, #tpu.memory_space<semaphore_mem>>) src(%dma_wait3A_103 : memref<8x128xf32, #tpu.memory_space<vmem>>) dst(%dma_wait3A_100 : memref<8x128xf32, #tpu.memory_space<hbm>>)
    %add3A_104 = arith.constant 128 : i32
    %add3A_105 = arith.addi %add3A_88, %add3A_104 : i32
    %dma_wait3A_106 = arith.constant 8 : i32
    %dma_wait3A_107 = arith.constant 0 : i32
    %dma_wait3A_108 = tpu.memref_slice %arg10[%dma_wait3A_106, %dma_wait3A_107] : memref<64x128xf32, #tpu.memory_space<vmem>> -> memref<8x128xf32, #tpu.memory_space<vmem>>
    %dma_wait3A_109 = arith.constant 0 : i32
    %dma_wait3A_110 = arith.constant 0 : i32
    %dma_wait3A_111 = tpu.memref_slice %arg4[%add3A_105, %dma_wait3A_109, %dma_wait3A_110] : memref<20480x8x128xf32, #tpu.memory_space<hbm>> -> memref<1x8x128xf32, #tpu.memory_space<hbm>>
    %dma_wait3A_112 = tpu.memref_squeeze %dma_wait3A_111 : memref<1x8x128xf32, #tpu.memory_space<hbm>> -> memref<8x128xf32, #tpu.memory_space<hbm>>
    %dma_wait3A_113 = arith.constant 0 : i32
    %dma_wait3A_114 = arith.constant 0 : i32
    %dma_wait3A_115 = tpu.memref_slice %arg4[%add3A_105, %dma_wait3A_113, %dma_wait3A_114] : memref<20480x8x128xf32, #tpu.memory_space<hbm>> -> memref<1x8x128xf32, #tpu.memory_space<hbm>>
    %dma_wait3A_116 = tpu.memref_squeeze %dma_wait3A_115 : memref<1x8x128xf32, #tpu.memory_space<hbm>> -> memref<8x128xf32, #tpu.memory_space<hbm>>
    %dma_wait3A_117 = arith.constant 8 : i32
    %dma_wait3A_118 = arith.constant 0 : i32
    %dma_wait3A_119 = tpu.memref_slice %arg10[%dma_wait3A_117, %dma_wait3A_118] : memref<64x128xf32, #tpu.memory_space<vmem>> -> memref<8x128xf32, #tpu.memory_space<vmem>>
    tpu.wait_dma2 semaphore(%arg18 : memref<!tpu.dma_semaphore, #tpu.memory_space<semaphore_mem>>) src(%dma_wait3A_119 : memref<8x128xf32, #tpu.memory_space<vmem>>) dst(%dma_wait3A_116 : memref<8x128xf32, #tpu.memory_space<hbm>>)
    %add3A_120 = arith.constant 256 : i32
    %add3A_121 = arith.addi %add3A_88, %add3A_120 : i32
    %dma_wait3A_122 = arith.constant 16 : i32
    %dma_wait3A_123 = arith.constant 0 : i32
    %dma_wait3A_124 = tpu.memref_slice %arg10[%dma_wait3A_122, %dma_wait3A_123] : memref<64x128xf32, #tpu.memory_space<vmem>> -> memref<8x128xf32, #tpu.memory_space<vmem>>
    %dma_wait3A_125 = arith.constant 0 : i32
    %dma_wait3A_126 = arith.constant 0 : i32
    %dma_wait3A_127 = tpu.memref_slice %arg4[%add3A_121, %dma_wait3A_125, %dma_wait3A_126] : memref<20480x8x128xf32, #tpu.memory_space<hbm>> -> memref<1x8x128xf32, #tpu.memory_space<hbm>>
    %dma_wait3A_128 = tpu.memref_squeeze %dma_wait3A_127 : memref<1x8x128xf32, #tpu.memory_space<hbm>> -> memref<8x128xf32, #tpu.memory_space<hbm>>
    %dma_wait3A_129 = arith.constant 0 : i32
    %dma_wait3A_130 = arith.constant 0 : i32
    %dma_wait3A_131 = tpu.memref_slice %arg4[%add3A_121, %dma_wait3A_129, %dma_wait3A_130] : memref<20480x8x128xf32, #tpu.memory_space<hbm>> -> memref<1x8x128xf32, #tpu.memory_space<hbm>>
    %dma_wait3A_132 = tpu.memref_squeeze %dma_wait3A_131 : memref<1x8x128xf32, #tpu.memory_space<hbm>> -> memref<8x128xf32, #tpu.memory_space<hbm>>
    %dma_wait3A_133 = arith.constant 16 : i32
    %dma_wait3A_134 = arith.constant 0 : i32
    %dma_wait3A_135 = tpu.memref_slice %arg10[%dma_wait3A_133, %dma_wait3A_134] : memref<64x128xf32, #tpu.memory_space<vmem>> -> memref<8x128xf32, #tpu.memory_space<vmem>>
    tpu.wait_dma2 semaphore(%arg18 : memref<!tpu.dma_semaphore, #tpu.memory_space<semaphore_mem>>) src(%dma_wait3A_135 : memref<8x128xf32, #tpu.memory_space<vmem>>) dst(%dma_wait3A_132 : memref<8x128xf32, #tpu.memory_space<hbm>>)
    %add3A_136 = arith.constant 384 : i32
    %add3A_137 = arith.addi %add3A_88, %add3A_136 : i32
    %dma_wait3A_138 = arith.constant 24 : i32
    %dma_wait3A_139 = arith.constant 0 : i32
    %dma_wait3A_140 = tpu.memref_slice %arg10[%dma_wait3A_138, %dma_wait3A_139] : memref<64x128xf32, #tpu.memory_space<vmem>> -> memref<8x128xf32, #tpu.memory_space<vmem>>
    %dma_wait3A_141 = arith.constant 0 : i32
    %dma_wait3A_142 = arith.constant 0 : i32
    %dma_wait3A_143 = tpu.memref_slice %arg4[%add3A_137, %dma_wait3A_141, %dma_wait3A_142] : memref<20480x8x128xf32, #tpu.memory_space<hbm>> -> memref<1x8x128xf32, #tpu.memory_space<hbm>>
    %dma_wait3A_144 = tpu.memref_squeeze %dma_wait3A_143 : memref<1x8x128xf32, #tpu.memory_space<hbm>> -> memref<8x128xf32, #tpu.memory_space<hbm>>
    %dma_wait3A_145 = arith.constant 0 : i32
    %dma_wait3A_146 = arith.constant 0 : i32
    %dma_wait3A_147 = tpu.memref_slice %arg4[%add3A_137, %dma_wait3A_145, %dma_wait3A_146] : memref<20480x8x128xf32, #tpu.memory_space<hbm>> -> memref<1x8x128xf32, #tpu.memory_space<hbm>>
    %dma_wait3A_148 = tpu.memref_squeeze %dma_wait3A_147 : memref<1x8x128xf32, #tpu.memory_space<hbm>> -> memref<8x128xf32, #tpu.memory_space<hbm>>
    %dma_wait3A_149 = arith.constant 24 : i32
    %dma_wait3A_150 = arith.constant 0 : i32
    %dma_wait3A_151 = tpu.memref_slice %arg10[%dma_wait3A_149, %dma_wait3A_150] : memref<64x128xf32, #tpu.memory_space<vmem>> -> memref<8x128xf32, #tpu.memory_space<vmem>>
    tpu.wait_dma2 semaphore(%arg18 : memref<!tpu.dma_semaphore, #tpu.memory_space<semaphore_mem>>) src(%dma_wait3A_151 : memref<8x128xf32, #tpu.memory_space<vmem>>) dst(%dma_wait3A_148 : memref<8x128xf32, #tpu.memory_space<hbm>>)
    %add3A_152 = arith.constant 512 : i32
    %add3A_153 = arith.addi %add3A_88, %add3A_152 : i32
    %dma_wait3A_154 = arith.constant 32 : i32
    %dma_wait3A_155 = arith.constant 0 : i32
    %dma_wait3A_156 = tpu.memref_slice %arg10[%dma_wait3A_154, %dma_wait3A_155] : memref<64x128xf32, #tpu.memory_space<vmem>> -> memref<8x128xf32, #tpu.memory_space<vmem>>
    %dma_wait3A_157 = arith.constant 0 : i32
    %dma_wait3A_158 = arith.constant 0 : i32
    %dma_wait3A_159 = tpu.memref_slice %arg4[%add3A_153, %dma_wait3A_157, %dma_wait3A_158] : memref<20480x8x128xf32, #tpu.memory_space<hbm>> -> memref<1x8x128xf32, #tpu.memory_space<hbm>>
    %dma_wait3A_160 = tpu.memref_squeeze %dma_wait3A_159 : memref<1x8x128xf32, #tpu.memory_space<hbm>> -> memref<8x128xf32, #tpu.memory_space<hbm>>
    %dma_wait3A_161 = arith.constant 0 : i32
    %dma_wait3A_162 = arith.constant 0 : i32
    %dma_wait3A_163 = tpu.memref_slice %arg4[%add3A_153, %dma_wait3A_161, %dma_wait3A_162] : memref<20480x8x128xf32, #tpu.memory_space<hbm>> -> memref<1x8x128xf32, #tpu.memory_space<hbm>>
    %dma_wait3A_164 = tpu.memref_squeeze %dma_wait3A_163 : memref<1x8x128xf32, #tpu.memory_space<hbm>> -> memref<8x128xf32, #tpu.memory_space<hbm>>
    %dma_wait3A_165 = arith.constant 32 : i32
    %dma_wait3A_166 = arith.constant 0 : i32
    %dma_wait3A_167 = tpu.memref_slice %arg10[%dma_wait3A_165, %dma_wait3A_166] : memref<64x128xf32, #tpu.memory_space<vmem>> -> memref<8x128xf32, #tpu.memory_space<vmem>>
    tpu.wait_dma2 semaphore(%arg18 : memref<!tpu.dma_semaphore, #tpu.memory_space<semaphore_mem>>) src(%dma_wait3A_167 : memref<8x128xf32, #tpu.memory_space<vmem>>) dst(%dma_wait3A_164 : memref<8x128xf32, #tpu.memory_space<hbm>>)
    %add3A_168 = arith.constant 640 : i32
    %add3A_169 = arith.addi %add3A_88, %add3A_168 : i32
    %dma_wait3A_170 = arith.constant 40 : i32
    %dma_wait3A_171 = arith.constant 0 : i32
    %dma_wait3A_172 = tpu.memref_slice %arg10[%dma_wait3A_170, %dma_wait3A_171] : memref<64x128xf32, #tpu.memory_space<vmem>> -> memref<8x128xf32, #tpu.memory_space<vmem>>
    %dma_wait3A_173 = arith.constant 0 : i32
    %dma_wait3A_174 = arith.constant 0 : i32
    %dma_wait3A_175 = tpu.memref_slice %arg4[%add3A_169, %dma_wait3A_173, %dma_wait3A_174] : memref<20480x8x128xf32, #tpu.memory_space<hbm>> -> memref<1x8x128xf32, #tpu.memory_space<hbm>>
    %dma_wait3A_176 = tpu.memref_squeeze %dma_wait3A_175 : memref<1x8x128xf32, #tpu.memory_space<hbm>> -> memref<8x128xf32, #tpu.memory_space<hbm>>
    %dma_wait3A_177 = arith.constant 0 : i32
    %dma_wait3A_178 = arith.constant 0 : i32
    %dma_wait3A_179 = tpu.memref_slice %arg4[%add3A_169, %dma_wait3A_177, %dma_wait3A_178] : memref<20480x8x128xf32, #tpu.memory_space<hbm>> -> memref<1x8x128xf32, #tpu.memory_space<hbm>>
    %dma_wait3A_180 = tpu.memref_squeeze %dma_wait3A_179 : memref<1x8x128xf32, #tpu.memory_space<hbm>> -> memref<8x128xf32, #tpu.memory_space<hbm>>
    %dma_wait3A_181 = arith.constant 40 : i32
    %dma_wait3A_182 = arith.constant 0 : i32
    %dma_wait3A_183 = tpu.memref_slice %arg10[%dma_wait3A_181, %dma_wait3A_182] : memref<64x128xf32, #tpu.memory_space<vmem>> -> memref<8x128xf32, #tpu.memory_space<vmem>>
    tpu.wait_dma2 semaphore(%arg18 : memref<!tpu.dma_semaphore, #tpu.memory_space<semaphore_mem>>) src(%dma_wait3A_183 : memref<8x128xf32, #tpu.memory_space<vmem>>) dst(%dma_wait3A_180 : memref<8x128xf32, #tpu.memory_space<hbm>>)
    %add3A_184 = arith.constant 768 : i32
    %add3A_185 = arith.addi %add3A_88, %add3A_184 : i32
    %dma_wait3A_186 = arith.constant 48 : i32
    %dma_wait3A_187 = arith.constant 0 : i32
    %dma_wait3A_188 = tpu.memref_slice %arg10[%dma_wait3A_186, %dma_wait3A_187] : memref<64x128xf32, #tpu.memory_space<vmem>> -> memref<8x128xf32, #tpu.memory_space<vmem>>
    %dma_wait3A_189 = arith.constant 0 : i32
    %dma_wait3A_190 = arith.constant 0 : i32
    %dma_wait3A_191 = tpu.memref_slice %arg4[%add3A_185, %dma_wait3A_189, %dma_wait3A_190] : memref<20480x8x128xf32, #tpu.memory_space<hbm>> -> memref<1x8x128xf32, #tpu.memory_space<hbm>>
    %dma_wait3A_192 = tpu.memref_squeeze %dma_wait3A_191 : memref<1x8x128xf32, #tpu.memory_space<hbm>> -> memref<8x128xf32, #tpu.memory_space<hbm>>
    %dma_wait3A_193 = arith.constant 0 : i32
    %dma_wait3A_194 = arith.constant 0 : i32
    %dma_wait3A_195 = tpu.memref_slice %arg4[%add3A_185, %dma_wait3A_193, %dma_wait3A_194] : memref<20480x8x128xf32, #tpu.memory_space<hbm>> -> memref<1x8x128xf32, #tpu.memory_space<hbm>>
    %dma_wait3A_196 = tpu.memref_squeeze %dma_wait3A_195 : memref<1x8x128xf32, #tpu.memory_space<hbm>> -> memref<8x128xf32, #tpu.memory_space<hbm>>
    %dma_wait3A_197 = arith.constant 48 : i32
    %dma_wait3A_198 = arith.constant 0 : i32
    %dma_wait3A_199 = tpu.memref_slice %arg10[%dma_wait3A_197, %dma_wait3A_198] : memref<64x128xf32, #tpu.memory_space<vmem>> -> memref<8x128xf32, #tpu.memory_space<vmem>>
    tpu.wait_dma2 semaphore(%arg18 : memref<!tpu.dma_semaphore, #tpu.memory_space<semaphore_mem>>) src(%dma_wait3A_199 : memref<8x128xf32, #tpu.memory_space<vmem>>) dst(%dma_wait3A_196 : memref<8x128xf32, #tpu.memory_space<hbm>>)
    %add3A_200 = arith.constant 896 : i32
    %add3A_201 = arith.addi %add3A_88, %add3A_200 : i32
    %dma_wait3A_202 = arith.constant 56 : i32
    %dma_wait3A_203 = arith.constant 0 : i32
    %dma_wait3A_204 = tpu.memref_slice %arg10[%dma_wait3A_202, %dma_wait3A_203] : memref<64x128xf32, #tpu.memory_space<vmem>> -> memref<8x128xf32, #tpu.memory_space<vmem>>
    %dma_wait3A_205 = arith.constant 0 : i32
    %dma_wait3A_206 = arith.constant 0 : i32
    %dma_wait3A_207 = tpu.memref_slice %arg4[%add3A_201, %dma_wait3A_205, %dma_wait3A_206] : memref<20480x8x128xf32, #tpu.memory_space<hbm>> -> memref<1x8x128xf32, #tpu.memory_space<hbm>>
    %dma_wait3A_208 = tpu.memref_squeeze %dma_wait3A_207 : memref<1x8x128xf32, #tpu.memory_space<hbm>> -> memref<8x128xf32, #tpu.memory_space<hbm>>
    %dma_wait3A_209 = arith.constant 0 : i32
    %dma_wait3A_210 = arith.constant 0 : i32
    %dma_wait3A_211 = tpu.memref_slice %arg4[%add3A_201, %dma_wait3A_209, %dma_wait3A_210] : memref<20480x8x128xf32, #tpu.memory_space<hbm>> -> memref<1x8x128xf32, #tpu.memory_space<hbm>>
    %dma_wait3A_212 = tpu.memref_squeeze %dma_wait3A_211 : memref<1x8x128xf32, #tpu.memory_space<hbm>> -> memref<8x128xf32, #tpu.memory_space<hbm>>
    %dma_wait3A_213 = arith.constant 56 : i32
    %dma_wait3A_214 = arith.constant 0 : i32
    %dma_wait3A_215 = tpu.memref_slice %arg10[%dma_wait3A_213, %dma_wait3A_214] : memref<64x128xf32, #tpu.memory_space<vmem>> -> memref<8x128xf32, #tpu.memory_space<vmem>>
    tpu.wait_dma2 semaphore(%arg18 : memref<!tpu.dma_semaphore, #tpu.memory_space<semaphore_mem>>) src(%dma_wait3A_215 : memref<8x128xf32, #tpu.memory_space<vmem>>) dst(%dma_wait3A_212 : memref<8x128xf32, #tpu.memory_space<hbm>>)
    %add3A_216 = arith.constant 77 : i32
    %add3A_217 = arith.addi %mul3A_2, %add3A_216 : i32
    %jit3A_218 = arith.constant 128 : i32
    %div3A_219 = arith.divsi %add3A_217, %jit3A_218 : i32
    %sign3A_220 = arith.constant 0 : i32
    %sign3A_221 = arith.cmpi sgt, %add3A_217, %sign3A_220 : i32
    %sign3A_222 = arith.extui %sign3A_221 : i1 to i32
    %sign3A_223 = arith.constant 0 : i32
    %sign3A_224 = arith.cmpi slt, %add3A_217, %sign3A_223 : i32
    %sign3A_225 = arith.extui %sign3A_224 : i1 to i32
    %sign3A_226 = arith.subi %sign3A_222, %sign3A_225 : i32
    %sign3A_227 = arith.constant 0 : i32
    %sign3A_228 = arith.cmpi sgt, %jit3A_218, %sign3A_227 : i32
    %sign3A_229 = arith.extui %sign3A_228 : i1 to i32
    %sign3A_230 = arith.constant 0 : i32
    %sign3A_231 = arith.cmpi slt, %jit3A_218, %sign3A_230 : i32
    %sign3A_232 = arith.extui %sign3A_231 : i1 to i32
    %sign3A_233 = arith.subi %sign3A_229, %sign3A_232 : i32
    %ne3A_234 = arith.cmpi ne, %sign3A_226, %sign3A_233 : i32
    %rem3A_235 = arith.remsi %add3A_217, %jit3A_218 : i32
    %ne3A_236 = arith.constant 0 : i32
    %ne3A_237 = arith.cmpi ne, %rem3A_235, %ne3A_236 : i32
    %and3A_238 = arith.andi %ne3A_234, %ne3A_237 : i1
    %sub3A_239 = arith.constant 1 : i32
    %sub3A_240 = arith.subi %div3A_219, %sub3A_239 : i32
    %select_n3A_241 = arith.select %and3A_238, %sub3A_240, %div3A_219 : i32
    %mul3A_242 = arith.constant 128 : i32
    %mul3A_243 = arith.muli %select_n3A_241, %mul3A_242 : i32
    %sub3A_244 = arith.subi %add3A_217, %mul3A_243 : i32
    %mul3A_245 = arith.constant 1024 : i32
    %mul3A_246 = arith.muli %select_n3A_241, %mul3A_245 : i32
    %add3A_247 = arith.addi %mul3A_246, %sub3A_244 : i32
    %add3A_248 = arith.constant 0 : i32
    %add3A_249 = arith.addi %add3A_247, %add3A_248 : i32
    %dma_wait3A_250 = arith.constant 0 : i32
    %dma_wait3A_251 = arith.constant 0 : i32
    %dma_wait3A_252 = tpu.memref_slice %arg11[%dma_wait3A_250, %dma_wait3A_251] : memref<64x128xf32, #tpu.memory_space<vmem>> -> memref<8x128xf32, #tpu.memory_space<vmem>>
    %dma_wait3A_253 = arith.constant 0 : i32
    %dma_wait3A_254 = arith.constant 0 : i32
    %dma_wait3A_255 = tpu.memref_slice %arg4[%add3A_249, %dma_wait3A_253, %dma_wait3A_254] : memref<20480x8x128xf32, #tpu.memory_space<hbm>> -> memref<1x8x128xf32, #tpu.memory_space<hbm>>
    %dma_wait3A_256 = tpu.memref_squeeze %dma_wait3A_255 : memref<1x8x128xf32, #tpu.memory_space<hbm>> -> memref<8x128xf32, #tpu.memory_space<hbm>>
    %dma_wait3A_257 = arith.constant 0 : i32
    %dma_wait3A_258 = arith.constant 0 : i32
    %dma_wait3A_259 = tpu.memref_slice %arg4[%add3A_249, %dma_wait3A_257, %dma_wait3A_258] : memref<20480x8x128xf32, #tpu.memory_space<hbm>> -> memref<1x8x128xf32, #tpu.memory_space<hbm>>
    %dma_wait3A_260 = tpu.memref_squeeze %dma_wait3A_259 : memref<1x8x128xf32, #tpu.memory_space<hbm>> -> memref<8x128xf32, #tpu.memory_space<hbm>>
    %dma_wait3A_261 = arith.constant 0 : i32
    %dma_wait3A_262 = arith.constant 0 : i32
    %dma_wait3A_263 = tpu.memref_slice %arg11[%dma_wait3A_261, %dma_wait3A_262] : memref<64x128xf32, #tpu.memory_space<vmem>> -> memref<8x128xf32, #tpu.memory_space<vmem>>
    tpu.wait_dma2 semaphore(%arg19 : memref<!tpu.dma_semaphore, #tpu.memory_space<semaphore_mem>>) src(%dma_wait3A_263 : memref<8x128xf32, #tpu.memory_space<vmem>>) dst(%dma_wait3A_260 : memref<8x128xf32, #tpu.memory_space<hbm>>)
    %add3A_264 = arith.constant 128 : i32
    %add3A_265 = arith.addi %add3A_247, %add3A_264 : i32
    %dma_wait3A_266 = arith.constant 8 : i32
    %dma_wait3A_267 = arith.constant 0 : i32
    %dma_wait3A_268 = tpu.memref_slice %arg11[%dma_wait3A_266, %dma_wait3A_267] : memref<64x128xf32, #tpu.memory_space<vmem>> -> memref<8x128xf32, #tpu.memory_space<vmem>>
    %dma_wait3A_269 = arith.constant 0 : i32
    %dma_wait3A_270 = arith.constant 0 : i32
    %dma_wait3A_271 = tpu.memref_slice %arg4[%add3A_265, %dma_wait3A_269, %dma_wait3A_270] : memref<20480x8x128xf32, #tpu.memory_space<hbm>> -> memref<1x8x128xf32, #tpu.memory_space<hbm>>
    %dma_wait3A_272 = tpu.memref_squeeze %dma_wait3A_271 : memref<1x8x128xf32, #tpu.memory_space<hbm>> -> memref<8x128xf32, #tpu.memory_space<hbm>>
    %dma_wait3A_273 = arith.constant 0 : i32
    %dma_wait3A_274 = arith.constant 0 : i32
    %dma_wait3A_275 = tpu.memref_slice %arg4[%add3A_265, %dma_wait3A_273, %dma_wait3A_274] : memref<20480x8x128xf32, #tpu.memory_space<hbm>> -> memref<1x8x128xf32, #tpu.memory_space<hbm>>
    %dma_wait3A_276 = tpu.memref_squeeze %dma_wait3A_275 : memref<1x8x128xf32, #tpu.memory_space<hbm>> -> memref<8x128xf32, #tpu.memory_space<hbm>>
    %dma_wait3A_277 = arith.constant 8 : i32
    %dma_wait3A_278 = arith.constant 0 : i32
    %dma_wait3A_279 = tpu.memref_slice %arg11[%dma_wait3A_277, %dma_wait3A_278] : memref<64x128xf32, #tpu.memory_space<vmem>> -> memref<8x128xf32, #tpu.memory_space<vmem>>
    tpu.wait_dma2 semaphore(%arg19 : memref<!tpu.dma_semaphore, #tpu.memory_space<semaphore_mem>>) src(%dma_wait3A_279 : memref<8x128xf32, #tpu.memory_space<vmem>>) dst(%dma_wait3A_276 : memref<8x128xf32, #tpu.memory_space<hbm>>)
    %add3A_280 = arith.constant 256 : i32
    %add3A_281 = arith.addi %add3A_247, %add3A_280 : i32
    %dma_wait3A_282 = arith.constant 16 : i32
    %dma_wait3A_283 = arith.constant 0 : i32
    %dma_wait3A_284 = tpu.memref_slice %arg11[%dma_wait3A_282, %dma_wait3A_283] : memref<64x128xf32, #tpu.memory_space<vmem>> -> memref<8x128xf32, #tpu.memory_space<vmem>>
    %dma_wait3A_285 = arith.constant 0 : i32
    %dma_wait3A_286 = arith.constant 0 : i32
    %dma_wait3A_287 = tpu.memref_slice %arg4[%add3A_281, %dma_wait3A_285, %dma_wait3A_286] : memref<20480x8x128xf32, #tpu.memory_space<hbm>> -> memref<1x8x128xf32, #tpu.memory_space<hbm>>
    %dma_wait3A_288 = tpu.memref_squeeze %dma_wait3A_287 : memref<1x8x128xf32, #tpu.memory_space<hbm>> -> memref<8x128xf32, #tpu.memory_space<hbm>>
    %dma_wait3A_289 = arith.constant 0 : i32
    %dma_wait3A_290 = arith.constant 0 : i32
    %dma_wait3A_291 = tpu.memref_slice %arg4[%add3A_281, %dma_wait3A_289, %dma_wait3A_290] : memref<20480x8x128xf32, #tpu.memory_space<hbm>> -> memref<1x8x128xf32, #tpu.memory_space<hbm>>
    %dma_wait3A_292 = tpu.memref_squeeze %dma_wait3A_291 : memref<1x8x128xf32, #tpu.memory_space<hbm>> -> memref<8x128xf32, #tpu.memory_space<hbm>>
    %dma_wait3A_293 = arith.constant 16 : i32
    %dma_wait3A_294 = arith.constant 0 : i32
    %dma_wait3A_295 = tpu.memref_slice %arg11[%dma_wait3A_293, %dma_wait3A_294] : memref<64x128xf32, #tpu.memory_space<vmem>> -> memref<8x128xf32, #tpu.memory_space<vmem>>
    tpu.wait_dma2 semaphore(%arg19 : memref<!tpu.dma_semaphore, #tpu.memory_space<semaphore_mem>>) src(%dma_wait3A_295 : memref<8x128xf32, #tpu.memory_space<vmem>>) dst(%dma_wait3A_292 : memref<8x128xf32, #tpu.memory_space<hbm>>)
    %add3A_296 = arith.constant 384 : i32
    %add3A_297 = arith.addi %add3A_247, %add3A_296 : i32
    %dma_wait3A_298 = arith.constant 24 : i32
    %dma_wait3A_299 = arith.constant 0 : i32
    %dma_wait3A_300 = tpu.memref_slice %arg11[%dma_wait3A_298, %dma_wait3A_299] : memref<64x128xf32, #tpu.memory_space<vmem>> -> memref<8x128xf32, #tpu.memory_space<vmem>>
    %dma_wait3A_301 = arith.constant 0 : i32
    %dma_wait3A_302 = arith.constant 0 : i32
    %dma_wait3A_303 = tpu.memref_slice %arg4[%add3A_297, %dma_wait3A_301, %dma_wait3A_302] : memref<20480x8x128xf32, #tpu.memory_space<hbm>> -> memref<1x8x128xf32, #tpu.memory_space<hbm>>
    %dma_wait3A_304 = tpu.memref_squeeze %dma_wait3A_303 : memref<1x8x128xf32, #tpu.memory_space<hbm>> -> memref<8x128xf32, #tpu.memory_space<hbm>>
    %dma_wait3A_305 = arith.constant 0 : i32
    %dma_wait3A_306 = arith.constant 0 : i32
    %dma_wait3A_307 = tpu.memref_slice %arg4[%add3A_297, %dma_wait3A_305, %dma_wait3A_306] : memref<20480x8x128xf32, #tpu.memory_space<hbm>> -> memref<1x8x128xf32, #tpu.memory_space<hbm>>
    %dma_wait3A_308 = tpu.memref_squeeze %dma_wait3A_307 : memref<1x8x128xf32, #tpu.memory_space<hbm>> -> memref<8x128xf32, #tpu.memory_space<hbm>>
    %dma_wait3A_309 = arith.constant 24 : i32
    %dma_wait3A_310 = arith.constant 0 : i32
    %dma_wait3A_311 = tpu.memref_slice %arg11[%dma_wait3A_309, %dma_wait3A_310] : memref<64x128xf32, #tpu.memory_space<vmem>> -> memref<8x128xf32, #tpu.memory_space<vmem>>
    tpu.wait_dma2 semaphore(%arg19 : memref<!tpu.dma_semaphore, #tpu.memory_space<semaphore_mem>>) src(%dma_wait3A_311 : memref<8x128xf32, #tpu.memory_space<vmem>>) dst(%dma_wait3A_308 : memref<8x128xf32, #tpu.memory_space<hbm>>)
    %add3A_312 = arith.constant 512 : i32
    %add3A_313 = arith.addi %add3A_247, %add3A_312 : i32
    %dma_wait3A_314 = arith.constant 32 : i32
    %dma_wait3A_315 = arith.constant 0 : i32
    %dma_wait3A_316 = tpu.memref_slice %arg11[%dma_wait3A_314, %dma_wait3A_315] : memref<64x128xf32, #tpu.memory_space<vmem>> -> memref<8x128xf32, #tpu.memory_space<vmem>>
    %dma_wait3A_317 = arith.constant 0 : i32
    %dma_wait3A_318 = arith.constant 0 : i32
    %dma_wait3A_319 = tpu.memref_slice %arg4[%add3A_313, %dma_wait3A_317, %dma_wait3A_318] : memref<20480x8x128xf32, #tpu.memory_space<hbm>> -> memref<1x8x128xf32, #tpu.memory_space<hbm>>
    %dma_wait3A_320 = tpu.memref_squeeze %dma_wait3A_319 : memref<1x8x128xf32, #tpu.memory_space<hbm>> -> memref<8x128xf32, #tpu.memory_space<hbm>>
    %dma_wait3A_321 = arith.constant 0 : i32
    %dma_wait3A_322 = arith.constant 0 : i32
    %dma_wait3A_323 = tpu.memref_slice %arg4[%add3A_313, %dma_wait3A_321, %dma_wait3A_322] : memref<20480x8x128xf32, #tpu.memory_space<hbm>> -> memref<1x8x128xf32, #tpu.memory_space<hbm>>
    %dma_wait3A_324 = tpu.memref_squeeze %dma_wait3A_323 : memref<1x8x128xf32, #tpu.memory_space<hbm>> -> memref<8x128xf32, #tpu.memory_space<hbm>>
    %dma_wait3A_325 = arith.constant 32 : i32
    %dma_wait3A_326 = arith.constant 0 : i32
    %dma_wait3A_327 = tpu.memref_slice %arg11[%dma_wait3A_325, %dma_wait3A_326] : memref<64x128xf32, #tpu.memory_space<vmem>> -> memref<8x128xf32, #tpu.memory_space<vmem>>
    tpu.wait_dma2 semaphore(%arg19 : memref<!tpu.dma_semaphore, #tpu.memory_space<semaphore_mem>>) src(%dma_wait3A_327 : memref<8x128xf32, #tpu.memory_space<vmem>>) dst(%dma_wait3A_324 : memref<8x128xf32, #tpu.memory_space<hbm>>)
    %add3A_328 = arith.constant 640 : i32
    %add3A_329 = arith.addi %add3A_247, %add3A_328 : i32
    %dma_wait3A_330 = arith.constant 40 : i32
    %dma_wait3A_331 = arith.constant 0 : i32
    %dma_wait3A_332 = tpu.memref_slice %arg11[%dma_wait3A_330, %dma_wait3A_331] : memref<64x128xf32, #tpu.memory_space<vmem>> -> memref<8x128xf32, #tpu.memory_space<vmem>>
    %dma_wait3A_333 = arith.constant 0 : i32
    %dma_wait3A_334 = arith.constant 0 : i32
    %dma_wait3A_335 = tpu.memref_slice %arg4[%add3A_329, %dma_wait3A_333, %dma_wait3A_334] : memref<20480x8x128xf32, #tpu.memory_space<hbm>> -> memref<1x8x128xf32, #tpu.memory_space<hbm>>
    %dma_wait3A_336 = tpu.memref_squeeze %dma_wait3A_335 : memref<1x8x128xf32, #tpu.memory_space<hbm>> -> memref<8x128xf32, #tpu.memory_space<hbm>>
    %dma_wait3A_337 = arith.constant 0 : i32
    %dma_wait3A_338 = arith.constant 0 : i32
    %dma_wait3A_339 = tpu.memref_slice %arg4[%add3A_329, %dma_wait3A_337, %dma_wait3A_338] : memref<20480x8x128xf32, #tpu.memory_space<hbm>> -> memref<1x8x128xf32, #tpu.memory_space<hbm>>
    %dma_wait3A_340 = tpu.memref_squeeze %dma_wait3A_339 : memref<1x8x128xf32, #tpu.memory_space<hbm>> -> memref<8x128xf32, #tpu.memory_space<hbm>>
    %dma_wait3A_341 = arith.constant 40 : i32
    %dma_wait3A_342 = arith.constant 0 : i32
    %dma_wait3A_343 = tpu.memref_slice %arg11[%dma_wait3A_341, %dma_wait3A_342] : memref<64x128xf32, #tpu.memory_space<vmem>> -> memref<8x128xf32, #tpu.memory_space<vmem>>
    tpu.wait_dma2 semaphore(%arg19 : memref<!tpu.dma_semaphore, #tpu.memory_space<semaphore_mem>>) src(%dma_wait3A_343 : memref<8x128xf32, #tpu.memory_space<vmem>>) dst(%dma_wait3A_340 : memref<8x128xf32, #tpu.memory_space<hbm>>)
    %add3A_344 = arith.constant 768 : i32
    %add3A_345 = arith.addi %add3A_247, %add3A_344 : i32
    %dma_wait3A_346 = arith.constant 48 : i32
    %dma_wait3A_347 = arith.constant 0 : i32
    %dma_wait3A_348 = tpu.memref_slice %arg11[%dma_wait3A_346, %dma_wait3A_347] : memref<64x128xf32, #tpu.memory_space<vmem>> -> memref<8x128xf32, #tpu.memory_space<vmem>>
    %dma_wait3A_349 = arith.constant 0 : i32
    %dma_wait3A_350 = arith.constant 0 : i32
    %dma_wait3A_351 = tpu.memref_slice %arg4[%add3A_345, %dma_wait3A_349, %dma_wait3A_350] : memref<20480x8x128xf32, #tpu.memory_space<hbm>> -> memref<1x8x128xf32, #tpu.memory_space<hbm>>
    %dma_wait3A_352 = tpu.memref_squeeze %dma_wait3A_351 : memref<1x8x128xf32, #tpu.memory_space<hbm>> -> memref<8x128xf32, #tpu.memory_space<hbm>>
    %dma_wait3A_353 = arith.constant 0 : i32
    %dma_wait3A_354 = arith.constant 0 : i32
    %dma_wait3A_355 = tpu.memref_slice %arg4[%add3A_345, %dma_wait3A_353, %dma_wait3A_354] : memref<20480x8x128xf32, #tpu.memory_space<hbm>> -> memref<1x8x128xf32, #tpu.memory_space<hbm>>
    %dma_wait3A_356 = tpu.memref_squeeze %dma_wait3A_355 : memref<1x8x128xf32, #tpu.memory_space<hbm>> -> memref<8x128xf32, #tpu.memory_space<hbm>>
    %dma_wait3A_357 = arith.constant 48 : i32
    %dma_wait3A_358 = arith.constant 0 : i32
    %dma_wait3A_359 = tpu.memref_slice %arg11[%dma_wait3A_357, %dma_wait3A_358] : memref<64x128xf32, #tpu.memory_space<vmem>> -> memref<8x128xf32, #tpu.memory_space<vmem>>
    tpu.wait_dma2 semaphore(%arg19 : memref<!tpu.dma_semaphore, #tpu.memory_space<semaphore_mem>>) src(%dma_wait3A_359 : memref<8x128xf32, #tpu.memory_space<vmem>>) dst(%dma_wait3A_356 : memref<8x128xf32, #tpu.memory_space<hbm>>)
    %add3A_360 = arith.constant 896 : i32
    %add3A_361 = arith.addi %add3A_247, %add3A_360 : i32
    %dma_wait3A_362 = arith.constant 56 : i32
    %dma_wait3A_363 = arith.constant 0 : i32
    %dma_wait3A_364 = tpu.memref_slice %arg11[%dma_wait3A_362, %dma_wait3A_363] : memref<64x128xf32, #tpu.memory_space<vmem>> -> memref<8x128xf32, #tpu.memory_space<vmem>>
    %dma_wait3A_365 = arith.constant 0 : i32
    %dma_wait3A_366 = arith.constant 0 : i32
    %dma_wait3A_367 = tpu.memref_slice %arg4[%add3A_361, %dma_wait3A_365, %dma_wait3A_366] : memref<20480x8x128xf32, #tpu.memory_space<hbm>> -> memref<1x8x128xf32, #tpu.memory_space<hbm>>
    %dma_wait3A_368 = tpu.memref_squeeze %dma_wait3A_367 : memref<1x8x128xf32, #tpu.memory_space<hbm>> -> memref<8x128xf32, #tpu.memory_space<hbm>>
    %dma_wait3A_369 = arith.constant 0 : i32
    %dma_wait3A_370 = arith.constant 0 : i32
    %dma_wait3A_371 = tpu.memref_slice %arg4[%add3A_361, %dma_wait3A_369, %dma_wait3A_370] : memref<20480x8x128xf32, #tpu.memory_space<hbm>> -> memref<1x8x128xf32, #tpu.memory_space<hbm>>
    %dma_wait3A_372 = tpu.memref_squeeze %dma_wait3A_371 : memref<1x8x128xf32, #tpu.memory_space<hbm>> -> memref<8x128xf32, #tpu.memory_space<hbm>>
    %dma_wait3A_373 = arith.constant 56 : i32
    %dma_wait3A_374 = arith.constant 0 : i32
    %dma_wait3A_375 = tpu.memref_slice %arg11[%dma_wait3A_373, %dma_wait3A_374] : memref<64x128xf32, #tpu.memory_space<vmem>> -> memref<8x128xf32, #tpu.memory_space<vmem>>
    tpu.wait_dma2 semaphore(%arg19 : memref<!tpu.dma_semaphore, #tpu.memory_space<semaphore_mem>>) src(%dma_wait3A_375 : memref<8x128xf32, #tpu.memory_space<vmem>>) dst(%dma_wait3A_372 : memref<8x128xf32, #tpu.memory_space<hbm>>)
    %add3A_376 = arith.constant 78 : i32
    %add3A_377 = arith.addi %mul3A_2, %add3A_376 : i32
    %jit3A_378 = arith.constant 128 : i32
    %div3A_379 = arith.divsi %add3A_377, %jit3A_378 : i32
    %sign3A_380 = arith.constant 0 : i32
    %sign3A_381 = arith.cmpi sgt, %add3A_377, %sign3A_380 : i32
    %sign3A_382 = arith.extui %sign3A_381 : i1 to i32
    %sign3A_383 = arith.constant 0 : i32
    %sign3A_384 = arith.cmpi slt, %add3A_377, %sign3A_383 : i32
    %sign3A_385 = arith.extui %sign3A_384 : i1 to i32
    %sign3A_386 = arith.subi %sign3A_382, %sign3A_385 : i32
    %sign3A_387 = arith.constant 0 : i32
    %sign3A_388 = arith.cmpi sgt, %jit3A_378, %sign3A_387 : i32
    %sign3A_389 = arith.extui %sign3A_388 : i1 to i32
    %sign3A_390 = arith.constant 0 : i32
    %sign3A_391 = arith.cmpi slt, %jit3A_378, %sign3A_390 : i32
    %sign3A_392 = arith.extui %sign3A_391 : i1 to i32
    %sign3A_393 = arith.subi %sign3A_389, %sign3A_392 : i32
    %ne3A_394 = arith.cmpi ne, %sign3A_386, %sign3A_393 : i32
    %rem3A_395 = arith.remsi %add3A_377, %jit3A_378 : i32
    %ne3A_396 = arith.constant 0 : i32
    %ne3A_397 = arith.cmpi ne, %rem3A_395, %ne3A_396 : i32
    %and3A_398 = arith.andi %ne3A_394, %ne3A_397 : i1
    %sub3A_399 = arith.constant 1 : i32
    %sub3A_400 = arith.subi %div3A_379, %sub3A_399 : i32
    %select_n3A_401 = arith.select %and3A_398, %sub3A_400, %div3A_379 : i32
    %mul3A_402 = arith.constant 128 : i32
    %mul3A_403 = arith.muli %select_n3A_401, %mul3A_402 : i32
    %sub3A_404 = arith.subi %add3A_377, %mul3A_403 : i32
    %mul3A_405 = arith.constant 1024 : i32
    %mul3A_406 = arith.muli %select_n3A_401, %mul3A_405 : i32
    %add3A_407 = arith.addi %mul3A_406, %sub3A_404 : i32
    %add3A_408 = arith.constant 0 : i32
    %add3A_409 = arith.addi %add3A_407, %add3A_408 : i32
    %dma_wait3A_410 = arith.constant 0 : i32
    %dma_wait3A_411 = arith.constant 0 : i32
    %dma_wait3A_412 = tpu.memref_slice %arg12[%dma_wait3A_410, %dma_wait3A_411] : memref<64x128xf32, #tpu.memory_space<vmem>> -> memref<8x128xf32, #tpu.memory_space<vmem>>
    %dma_wait3A_413 = arith.constant 0 : i32
    %dma_wait3A_414 = arith.constant 0 : i32
    %dma_wait3A_415 = tpu.memref_slice %arg4[%add3A_409, %dma_wait3A_413, %dma_wait3A_414] : memref<20480x8x128xf32, #tpu.memory_space<hbm>> -> memref<1x8x128xf32, #tpu.memory_space<hbm>>
    %dma_wait3A_416 = tpu.memref_squeeze %dma_wait3A_415 : memref<1x8x128xf32, #tpu.memory_space<hbm>> -> memref<8x128xf32, #tpu.memory_space<hbm>>
    %dma_wait3A_417 = arith.constant 0 : i32
    %dma_wait3A_418 = arith.constant 0 : i32
    %dma_wait3A_419 = tpu.memref_slice %arg4[%add3A_409, %dma_wait3A_417, %dma_wait3A_418] : memref<20480x8x128xf32, #tpu.memory_space<hbm>> -> memref<1x8x128xf32, #tpu.memory_space<hbm>>
    %dma_wait3A_420 = tpu.memref_squeeze %dma_wait3A_419 : memref<1x8x128xf32, #tpu.memory_space<hbm>> -> memref<8x128xf32, #tpu.memory_space<hbm>>
    %dma_wait3A_421 = arith.constant 0 : i32
    %dma_wait3A_422 = arith.constant 0 : i32
    %dma_wait3A_423 = tpu.memref_slice %arg12[%dma_wait3A_421, %dma_wait3A_422] : memref<64x128xf32, #tpu.memory_space<vmem>> -> memref<8x128xf32, #tpu.memory_space<vmem>>
    tpu.wait_dma2 semaphore(%arg20 : memref<!tpu.dma_semaphore, #tpu.memory_space<semaphore_mem>>) src(%dma_wait3A_423 : memref<8x128xf32, #tpu.memory_space<vmem>>) dst(%dma_wait3A_420 : memref<8x128xf32, #tpu.memory_space<hbm>>)
    %add3A_424 = arith.constant 128 : i32
    %add3A_425 = arith.addi %add3A_407, %add3A_424 : i32
    %dma_wait3A_426 = arith.constant 8 : i32
    %dma_wait3A_427 = arith.constant 0 : i32
    %dma_wait3A_428 = tpu.memref_slice %arg12[%dma_wait3A_426, %dma_wait3A_427] : memref<64x128xf32, #tpu.memory_space<vmem>> -> memref<8x128xf32, #tpu.memory_space<vmem>>
    %dma_wait3A_429 = arith.constant 0 : i32
    %dma_wait3A_430 = arith.constant 0 : i32
    %dma_wait3A_431 = tpu.memref_slice %arg4[%add3A_425, %dma_wait3A_429, %dma_wait3A_430] : memref<20480x8x128xf32, #tpu.memory_space<hbm>> -> memref<1x8x128xf32, #tpu.memory_space<hbm>>
    %dma_wait3A_432 = tpu.memref_squeeze %dma_wait3A_431 : memref<1x8x128xf32, #tpu.memory_space<hbm>> -> memref<8x128xf32, #tpu.memory_space<hbm>>
    %dma_wait3A_433 = arith.constant 0 : i32
    %dma_wait3A_434 = arith.constant 0 : i32
    %dma_wait3A_435 = tpu.memref_slice %arg4[%add3A_425, %dma_wait3A_433, %dma_wait3A_434] : memref<20480x8x128xf32, #tpu.memory_space<hbm>> -> memref<1x8x128xf32, #tpu.memory_space<hbm>>
    %dma_wait3A_436 = tpu.memref_squeeze %dma_wait3A_435 : memref<1x8x128xf32, #tpu.memory_space<hbm>> -> memref<8x128xf32, #tpu.memory_space<hbm>>
    %dma_wait3A_437 = arith.constant 8 : i32
    %dma_wait3A_438 = arith.constant 0 : i32
    %dma_wait3A_439 = tpu.memref_slice %arg12[%dma_wait3A_437, %dma_wait3A_438] : memref<64x128xf32, #tpu.memory_space<vmem>> -> memref<8x128xf32, #tpu.memory_space<vmem>>
    tpu.wait_dma2 semaphore(%arg20 : memref<!tpu.dma_semaphore, #tpu.memory_space<semaphore_mem>>) src(%dma_wait3A_439 : memref<8x128xf32, #tpu.memory_space<vmem>>) dst(%dma_wait3A_436 : memref<8x128xf32, #tpu.memory_space<hbm>>)
    %add3A_440 = arith.constant 256 : i32
    %add3A_441 = arith.addi %add3A_407, %add3A_440 : i32
    %dma_wait3A_442 = arith.constant 16 : i32
    %dma_wait3A_443 = arith.constant 0 : i32
    %dma_wait3A_444 = tpu.memref_slice %arg12[%dma_wait3A_442, %dma_wait3A_443] : memref<64x128xf32, #tpu.memory_space<vmem>> -> memref<8x128xf32, #tpu.memory_space<vmem>>
    %dma_wait3A_445 = arith.constant 0 : i32
    %dma_wait3A_446 = arith.constant 0 : i32
    %dma_wait3A_447 = tpu.memref_slice %arg4[%add3A_441, %dma_wait3A_445, %dma_wait3A_446] : memref<20480x8x128xf32, #tpu.memory_space<hbm>> -> memref<1x8x128xf32, #tpu.memory_space<hbm>>
    %dma_wait3A_448 = tpu.memref_squeeze %dma_wait3A_447 : memref<1x8x128xf32, #tpu.memory_space<hbm>> -> memref<8x128xf32, #tpu.memory_space<hbm>>
    %dma_wait3A_449 = arith.constant 0 : i32
    %dma_wait3A_450 = arith.constant 0 : i32
    %dma_wait3A_451 = tpu.memref_slice %arg4[%add3A_441, %dma_wait3A_449, %dma_wait3A_450] : memref<20480x8x128xf32, #tpu.memory_space<hbm>> -> memref<1x8x128xf32, #tpu.memory_space<hbm>>
    %dma_wait3A_452 = tpu.memref_squeeze %dma_wait3A_451 : memref<1x8x128xf32, #tpu.memory_space<hbm>> -> memref<8x128xf32, #tpu.memory_space<hbm>>
    %dma_wait3A_453 = arith.constant 16 : i32
    %dma_wait3A_454 = arith.constant 0 : i32
    %dma_wait3A_455 = tpu.memref_slice %arg12[%dma_wait3A_453, %dma_wait3A_454] : memref<64x128xf32, #tpu.memory_space<vmem>> -> memref<8x128xf32, #tpu.memory_space<vmem>>
    tpu.wait_dma2 semaphore(%arg20 : memref<!tpu.dma_semaphore, #tpu.memory_space<semaphore_mem>>) src(%dma_wait3A_455 : memref<8x128xf32, #tpu.memory_space<vmem>>) dst(%dma_wait3A_452 : memref<8x128xf32, #tpu.memory_space<hbm>>)
    %add3A_456 = arith.constant 384 : i32
    %add3A_457 = arith.addi %add3A_407, %add3A_456 : i32
    %dma_wait3A_458 = arith.constant 24 : i32
    %dma_wait3A_459 = arith.constant 0 : i32
    %dma_wait3A_460 = tpu.memref_slice %arg12[%dma_wait3A_458, %dma_wait3A_459] : memref<64x128xf32, #tpu.memory_space<vmem>> -> memref<8x128xf32, #tpu.memory_space<vmem>>
    %dma_wait3A_461 = arith.constant 0 : i32
    %dma_wait3A_462 = arith.constant 0 : i32
    %dma_wait3A_463 = tpu.memref_slice %arg4[%add3A_457, %dma_wait3A_461, %dma_wait3A_462] : memref<20480x8x128xf32, #tpu.memory_space<hbm>> -> memref<1x8x128xf32, #tpu.memory_space<hbm>>
    %dma_wait3A_464 = tpu.memref_squeeze %dma_wait3A_463 : memref<1x8x128xf32, #tpu.memory_space<hbm>> -> memref<8x128xf32, #tpu.memory_space<hbm>>
    %dma_wait3A_465 = arith.constant 0 : i32
    %dma_wait3A_466 = arith.constant 0 : i32
    %dma_wait3A_467 = tpu.memref_slice %arg4[%add3A_457, %dma_wait3A_465, %dma_wait3A_466] : memref<20480x8x128xf32, #tpu.memory_space<hbm>> -> memref<1x8x128xf32, #tpu.memory_space<hbm>>
    %dma_wait3A_468 = tpu.memref_squeeze %dma_wait3A_467 : memref<1x8x128xf32, #tpu.memory_space<hbm>> -> memref<8x128xf32, #tpu.memory_space<hbm>>
    %dma_wait3A_469 = arith.constant 24 : i32
    %dma_wait3A_470 = arith.constant 0 : i32
    %dma_wait3A_471 = tpu.memref_slice %arg12[%dma_wait3A_469, %dma_wait3A_470] : memref<64x128xf32, #tpu.memory_space<vmem>> -> memref<8x128xf32, #tpu.memory_space<vmem>>
    tpu.wait_dma2 semaphore(%arg20 : memref<!tpu.dma_semaphore, #tpu.memory_space<semaphore_mem>>) src(%dma_wait3A_471 : memref<8x128xf32, #tpu.memory_space<vmem>>) dst(%dma_wait3A_468 : memref<8x128xf32, #tpu.memory_space<hbm>>)
    %add3A_472 = arith.constant 512 : i32
    %add3A_473 = arith.addi %add3A_407, %add3A_472 : i32
    %dma_wait3A_474 = arith.constant 32 : i32
    %dma_wait3A_475 = arith.constant 0 : i32
    %dma_wait3A_476 = tpu.memref_slice %arg12[%dma_wait3A_474, %dma_wait3A_475] : memref<64x128xf32, #tpu.memory_space<vmem>> -> memref<8x128xf32, #tpu.memory_space<vmem>>
    %dma_wait3A_477 = arith.constant 0 : i32
    %dma_wait3A_478 = arith.constant 0 : i32
    %dma_wait3A_479 = tpu.memref_slice %arg4[%add3A_473, %dma_wait3A_477, %dma_wait3A_478] : memref<20480x8x128xf32, #tpu.memory_space<hbm>> -> memref<1x8x128xf32, #tpu.memory_space<hbm>>
    %dma_wait3A_480 = tpu.memref_squeeze %dma_wait3A_479 : memref<1x8x128xf32, #tpu.memory_space<hbm>> -> memref<8x128xf32, #tpu.memory_space<hbm>>
    %dma_wait3A_481 = arith.constant 0 : i32
    %dma_wait3A_482 = arith.constant 0 : i32
    %dma_wait3A_483 = tpu.memref_slice %arg4[%add3A_473, %dma_wait3A_481, %dma_wait3A_482] : memref<20480x8x128xf32, #tpu.memory_space<hbm>> -> memref<1x8x128xf32, #tpu.memory_space<hbm>>
    %dma_wait3A_484 = tpu.memref_squeeze %dma_wait3A_483 : memref<1x8x128xf32, #tpu.memory_space<hbm>> -> memref<8x128xf32, #tpu.memory_space<hbm>>
    %dma_wait3A_485 = arith.constant 32 : i32
    %dma_wait3A_486 = arith.constant 0 : i32
    %dma_wait3A_487 = tpu.memref_slice %arg12[%dma_wait3A_485, %dma_wait3A_486] : memref<64x128xf32, #tpu.memory_space<vmem>> -> memref<8x128xf32, #tpu.memory_space<vmem>>
    tpu.wait_dma2 semaphore(%arg20 : memref<!tpu.dma_semaphore, #tpu.memory_space<semaphore_mem>>) src(%dma_wait3A_487 : memref<8x128xf32, #tpu.memory_space<vmem>>) dst(%dma_wait3A_484 : memref<8x128xf32, #tpu.memory_space<hbm>>)
    %add3A_488 = arith.constant 640 : i32
    %add3A_489 = arith.addi %add3A_407, %add3A_488 : i32
    %dma_wait3A_490 = arith.constant 40 : i32
    %dma_wait3A_491 = arith.constant 0 : i32
    %dma_wait3A_492 = tpu.memref_slice %arg12[%dma_wait3A_490, %dma_wait3A_491] : memref<64x128xf32, #tpu.memory_space<vmem>> -> memref<8x128xf32, #tpu.memory_space<vmem>>
    %dma_wait3A_493 = arith.constant 0 : i32
    %dma_wait3A_494 = arith.constant 0 : i32
    %dma_wait3A_495 = tpu.memref_slice %arg4[%add3A_489, %dma_wait3A_493, %dma_wait3A_494] : memref<20480x8x128xf32, #tpu.memory_space<hbm>> -> memref<1x8x128xf32, #tpu.memory_space<hbm>>
    %dma_wait3A_496 = tpu.memref_squeeze %dma_wait3A_495 : memref<1x8x128xf32, #tpu.memory_space<hbm>> -> memref<8x128xf32, #tpu.memory_space<hbm>>
    %dma_wait3A_497 = arith.constant 0 : i32
    %dma_wait3A_498 = arith.constant 0 : i32
    %dma_wait3A_499 = tpu.memref_slice %arg4[%add3A_489, %dma_wait3A_497, %dma_wait3A_498] : memref<20480x8x128xf32, #tpu.memory_space<hbm>> -> memref<1x8x128xf32, #tpu.memory_space<hbm>>
    %dma_wait3A_500 = tpu.memref_squeeze %dma_wait3A_499 : memref<1x8x128xf32, #tpu.memory_space<hbm>> -> memref<8x128xf32, #tpu.memory_space<hbm>>
    %dma_wait3A_501 = arith.constant 40 : i32
    %dma_wait3A_502 = arith.constant 0 : i32
    %dma_wait3A_503 = tpu.memref_slice %arg12[%dma_wait3A_501, %dma_wait3A_502] : memref<64x128xf32, #tpu.memory_space<vmem>> -> memref<8x128xf32, #tpu.memory_space<vmem>>
    tpu.wait_dma2 semaphore(%arg20 : memref<!tpu.dma_semaphore, #tpu.memory_space<semaphore_mem>>) src(%dma_wait3A_503 : memref<8x128xf32, #tpu.memory_space<vmem>>) dst(%dma_wait3A_500 : memref<8x128xf32, #tpu.memory_space<hbm>>)
    %add3A_504 = arith.constant 768 : i32
    %add3A_505 = arith.addi %add3A_407, %add3A_504 : i32
    %dma_wait3A_506 = arith.constant 48 : i32
    %dma_wait3A_507 = arith.constant 0 : i32
    %dma_wait3A_508 = tpu.memref_slice %arg12[%dma_wait3A_506, %dma_wait3A_507] : memref<64x128xf32, #tpu.memory_space<vmem>> -> memref<8x128xf32, #tpu.memory_space<vmem>>
    %dma_wait3A_509 = arith.constant 0 : i32
    %dma_wait3A_510 = arith.constant 0 : i32
    %dma_wait3A_511 = tpu.memref_slice %arg4[%add3A_505, %dma_wait3A_509, %dma_wait3A_510] : memref<20480x8x128xf32, #tpu.memory_space<hbm>> -> memref<1x8x128xf32, #tpu.memory_space<hbm>>
    %dma_wait3A_512 = tpu.memref_squeeze %dma_wait3A_511 : memref<1x8x128xf32, #tpu.memory_space<hbm>> -> memref<8x128xf32, #tpu.memory_space<hbm>>
    %dma_wait3A_513 = arith.constant 0 : i32
    %dma_wait3A_514 = arith.constant 0 : i32
    %dma_wait3A_515 = tpu.memref_slice %arg4[%add3A_505, %dma_wait3A_513, %dma_wait3A_514] : memref<20480x8x128xf32, #tpu.memory_space<hbm>> -> memref<1x8x128xf32, #tpu.memory_space<hbm>>
    %dma_wait3A_516 = tpu.memref_squeeze %dma_wait3A_515 : memref<1x8x128xf32, #tpu.memory_space<hbm>> -> memref<8x128xf32, #tpu.memory_space<hbm>>
    %dma_wait3A_517 = arith.constant 48 : i32
    %dma_wait3A_518 = arith.constant 0 : i32
    %dma_wait3A_519 = tpu.memref_slice %arg12[%dma_wait3A_517, %dma_wait3A_518] : memref<64x128xf32, #tpu.memory_space<vmem>> -> memref<8x128xf32, #tpu.memory_space<vmem>>
    tpu.wait_dma2 semaphore(%arg20 : memref<!tpu.dma_semaphore, #tpu.memory_space<semaphore_mem>>) src(%dma_wait3A_519 : memref<8x128xf32, #tpu.memory_space<vmem>>) dst(%dma_wait3A_516 : memref<8x128xf32, #tpu.memory_space<hbm>>)
    %add3A_520 = arith.constant 896 : i32
    %add3A_521 = arith.addi %add3A_407, %add3A_520 : i32
    %dma_wait3A_522 = arith.constant 56 : i32
    %dma_wait3A_523 = arith.constant 0 : i32
    %dma_wait3A_524 = tpu.memref_slice %arg12[%dma_wait3A_522, %dma_wait3A_523] : memref<64x128xf32, #tpu.memory_space<vmem>> -> memref<8x128xf32, #tpu.memory_space<vmem>>
    %dma_wait3A_525 = arith.constant 0 : i32
    %dma_wait3A_526 = arith.constant 0 : i32
    %dma_wait3A_527 = tpu.memref_slice %arg4[%add3A_521, %dma_wait3A_525, %dma_wait3A_526] : memref<20480x8x128xf32, #tpu.memory_space<hbm>> -> memref<1x8x128xf32, #tpu.memory_space<hbm>>
    %dma_wait3A_528 = tpu.memref_squeeze %dma_wait3A_527 : memref<1x8x128xf32, #tpu.memory_space<hbm>> -> memref<8x128xf32, #tpu.memory_space<hbm>>
    %dma_wait3A_529 = arith.constant 0 : i32
    %dma_wait3A_530 = arith.constant 0 : i32
    %dma_wait3A_531 = tpu.memref_slice %arg4[%add3A_521, %dma_wait3A_529, %dma_wait3A_530] : memref<20480x8x128xf32, #tpu.memory_space<hbm>> -> memref<1x8x128xf32, #tpu.memory_space<hbm>>
    %dma_wait3A_532 = tpu.memref_squeeze %dma_wait3A_531 : memref<1x8x128xf32, #tpu.memory_space<hbm>> -> memref<8x128xf32, #tpu.memory_space<hbm>>
    %dma_wait3A_533 = arith.constant 56 : i32
    %dma_wait3A_534 = arith.constant 0 : i32
    %dma_wait3A_535 = tpu.memref_slice %arg12[%dma_wait3A_533, %dma_wait3A_534] : memref<64x128xf32, #tpu.memory_space<vmem>> -> memref<8x128xf32, #tpu.memory_space<vmem>>
    tpu.wait_dma2 semaphore(%arg20 : memref<!tpu.dma_semaphore, #tpu.memory_space<semaphore_mem>>) src(%dma_wait3A_535 : memref<8x128xf32, #tpu.memory_space<vmem>>) dst(%dma_wait3A_532 : memref<8x128xf32, #tpu.memory_space<hbm>>)
    %add3A_536 = arith.constant 79 : i32
    %add3A_537 = arith.addi %mul3A_2, %add3A_536 : i32
    %jit3A_538 = arith.constant 128 : i32
    %div3A_539 = arith.divsi %add3A_537, %jit3A_538 : i32
    %sign3A_540 = arith.constant 0 : i32
    %sign3A_541 = arith.cmpi sgt, %add3A_537, %sign3A_540 : i32
    %sign3A_542 = arith.extui %sign3A_541 : i1 to i32
    %sign3A_543 = arith.constant 0 : i32
    %sign3A_544 = arith.cmpi slt, %add3A_537, %sign3A_543 : i32
    %sign3A_545 = arith.extui %sign3A_544 : i1 to i32
    %sign3A_546 = arith.subi %sign3A_542, %sign3A_545 : i32
    %sign3A_547 = arith.constant 0 : i32
    %sign3A_548 = arith.cmpi sgt, %jit3A_538, %sign3A_547 : i32
    %sign3A_549 = arith.extui %sign3A_548 : i1 to i32
    %sign3A_550 = arith.constant 0 : i32
    %sign3A_551 = arith.cmpi slt, %jit3A_538, %sign3A_550 : i32
    %sign3A_552 = arith.extui %sign3A_551 : i1 to i32
    %sign3A_553 = arith.subi %sign3A_549, %sign3A_552 : i32
    %ne3A_554 = arith.cmpi ne, %sign3A_546, %sign3A_553 : i32
    %rem3A_555 = arith.remsi %add3A_537, %jit3A_538 : i32
    %ne3A_556 = arith.constant 0 : i32
    %ne3A_557 = arith.cmpi ne, %rem3A_555, %ne3A_556 : i32
    %and3A_558 = arith.andi %ne3A_554, %ne3A_557 : i1
    %sub3A_559 = arith.constant 1 : i32
    %sub3A_560 = arith.subi %div3A_539, %sub3A_559 : i32
    %select_n3A_561 = arith.select %and3A_558, %sub3A_560, %div3A_539 : i32
    %mul3A_562 = arith.constant 128 : i32
    %mul3A_563 = arith.muli %select_n3A_561, %mul3A_562 : i32
    %sub3A_564 = arith.subi %add3A_537, %mul3A_563 : i32
    %mul3A_565 = arith.constant 1024 : i32
    %mul3A_566 = arith.muli %select_n3A_561, %mul3A_565 : i32
    %add3A_567 = arith.addi %mul3A_566, %sub3A_564 : i32
    %add3A_568 = arith.constant 0 : i32
    %add3A_569 = arith.addi %add3A_567, %add3A_568 : i32
    %dma_wait3A_570 = arith.constant 0 : i32
    %dma_wait3A_571 = arith.constant 0 : i32
    %dma_wait3A_572 = tpu.memref_slice %arg13[%dma_wait3A_570, %dma_wait3A_571] : memref<64x128xf32, #tpu.memory_space<vmem>> -> memref<8x128xf32, #tpu.memory_space<vmem>>
    %dma_wait3A_573 = arith.constant 0 : i32
    %dma_wait3A_574 = arith.constant 0 : i32
    %dma_wait3A_575 = tpu.memref_slice %arg4[%add3A_569, %dma_wait3A_573, %dma_wait3A_574] : memref<20480x8x128xf32, #tpu.memory_space<hbm>> -> memref<1x8x128xf32, #tpu.memory_space<hbm>>
    %dma_wait3A_576 = tpu.memref_squeeze %dma_wait3A_575 : memref<1x8x128xf32, #tpu.memory_space<hbm>> -> memref<8x128xf32, #tpu.memory_space<hbm>>
    %dma_wait3A_577 = arith.constant 0 : i32
    %dma_wait3A_578 = arith.constant 0 : i32
    %dma_wait3A_579 = tpu.memref_slice %arg4[%add3A_569, %dma_wait3A_577, %dma_wait3A_578] : memref<20480x8x128xf32, #tpu.memory_space<hbm>> -> memref<1x8x128xf32, #tpu.memory_space<hbm>>
    %dma_wait3A_580 = tpu.memref_squeeze %dma_wait3A_579 : memref<1x8x128xf32, #tpu.memory_space<hbm>> -> memref<8x128xf32, #tpu.memory_space<hbm>>
    %dma_wait3A_581 = arith.constant 0 : i32
    %dma_wait3A_582 = arith.constant 0 : i32
    %dma_wait3A_583 = tpu.memref_slice %arg13[%dma_wait3A_581, %dma_wait3A_582] : memref<64x128xf32, #tpu.memory_space<vmem>> -> memref<8x128xf32, #tpu.memory_space<vmem>>
    tpu.wait_dma2 semaphore(%arg21 : memref<!tpu.dma_semaphore, #tpu.memory_space<semaphore_mem>>) src(%dma_wait3A_583 : memref<8x128xf32, #tpu.memory_space<vmem>>) dst(%dma_wait3A_580 : memref<8x128xf32, #tpu.memory_space<hbm>>)
    %add3A_584 = arith.constant 128 : i32
    %add3A_585 = arith.addi %add3A_567, %add3A_584 : i32
    %dma_wait3A_586 = arith.constant 8 : i32
    %dma_wait3A_587 = arith.constant 0 : i32
    %dma_wait3A_588 = tpu.memref_slice %arg13[%dma_wait3A_586, %dma_wait3A_587] : memref<64x128xf32, #tpu.memory_space<vmem>> -> memref<8x128xf32, #tpu.memory_space<vmem>>
    %dma_wait3A_589 = arith.constant 0 : i32
    %dma_wait3A_590 = arith.constant 0 : i32
    %dma_wait3A_591 = tpu.memref_slice %arg4[%add3A_585, %dma_wait3A_589, %dma_wait3A_590] : memref<20480x8x128xf32, #tpu.memory_space<hbm>> -> memref<1x8x128xf32, #tpu.memory_space<hbm>>
    %dma_wait3A_592 = tpu.memref_squeeze %dma_wait3A_591 : memref<1x8x128xf32, #tpu.memory_space<hbm>> -> memref<8x128xf32, #tpu.memory_space<hbm>>
    %dma_wait3A_593 = arith.constant 0 : i32
    %dma_wait3A_594 = arith.constant 0 : i32
    %dma_wait3A_595 = tpu.memref_slice %arg4[%add3A_585, %dma_wait3A_593, %dma_wait3A_594] : memref<20480x8x128xf32, #tpu.memory_space<hbm>> -> memref<1x8x128xf32, #tpu.memory_space<hbm>>
    %dma_wait3A_596 = tpu.memref_squeeze %dma_wait3A_595 : memref<1x8x128xf32, #tpu.memory_space<hbm>> -> memref<8x128xf32, #tpu.memory_space<hbm>>
    %dma_wait3A_597 = arith.constant 8 : i32
    %dma_wait3A_598 = arith.constant 0 : i32
    %dma_wait3A_599 = tpu.memref_slice %arg13[%dma_wait3A_597, %dma_wait3A_598] : memref<64x128xf32, #tpu.memory_space<vmem>> -> memref<8x128xf32, #tpu.memory_space<vmem>>
    tpu.wait_dma2 semaphore(%arg21 : memref<!tpu.dma_semaphore, #tpu.memory_space<semaphore_mem>>) src(%dma_wait3A_599 : memref<8x128xf32, #tpu.memory_space<vmem>>) dst(%dma_wait3A_596 : memref<8x128xf32, #tpu.memory_space<hbm>>)
    %add3A_600 = arith.constant 256 : i32
    %add3A_601 = arith.addi %add3A_567, %add3A_600 : i32
    %dma_wait3A_602 = arith.constant 16 : i32
    %dma_wait3A_603 = arith.constant 0 : i32
    %dma_wait3A_604 = tpu.memref_slice %arg13[%dma_wait3A_602, %dma_wait3A_603] : memref<64x128xf32, #tpu.memory_space<vmem>> -> memref<8x128xf32, #tpu.memory_space<vmem>>
    %dma_wait3A_605 = arith.constant 0 : i32
    %dma_wait3A_606 = arith.constant 0 : i32
    %dma_wait3A_607 = tpu.memref_slice %arg4[%add3A_601, %dma_wait3A_605, %dma_wait3A_606] : memref<20480x8x128xf32, #tpu.memory_space<hbm>> -> memref<1x8x128xf32, #tpu.memory_space<hbm>>
    %dma_wait3A_608 = tpu.memref_squeeze %dma_wait3A_607 : memref<1x8x128xf32, #tpu.memory_space<hbm>> -> memref<8x128xf32, #tpu.memory_space<hbm>>
    %dma_wait3A_609 = arith.constant 0 : i32
    %dma_wait3A_610 = arith.constant 0 : i32
    %dma_wait3A_611 = tpu.memref_slice %arg4[%add3A_601, %dma_wait3A_609, %dma_wait3A_610] : memref<20480x8x128xf32, #tpu.memory_space<hbm>> -> memref<1x8x128xf32, #tpu.memory_space<hbm>>
    %dma_wait3A_612 = tpu.memref_squeeze %dma_wait3A_611 : memref<1x8x128xf32, #tpu.memory_space<hbm>> -> memref<8x128xf32, #tpu.memory_space<hbm>>
    %dma_wait3A_613 = arith.constant 16 : i32
    %dma_wait3A_614 = arith.constant 0 : i32
    %dma_wait3A_615 = tpu.memref_slice %arg13[%dma_wait3A_613, %dma_wait3A_614] : memref<64x128xf32, #tpu.memory_space<vmem>> -> memref<8x128xf32, #tpu.memory_space<vmem>>
    tpu.wait_dma2 semaphore(%arg21 : memref<!tpu.dma_semaphore, #tpu.memory_space<semaphore_mem>>) src(%dma_wait3A_615 : memref<8x128xf32, #tpu.memory_space<vmem>>) dst(%dma_wait3A_612 : memref<8x128xf32, #tpu.memory_space<hbm>>)
    %add3A_616 = arith.constant 384 : i32
    %add3A_617 = arith.addi %add3A_567, %add3A_616 : i32
    %dma_wait3A_618 = arith.constant 24 : i32
    %dma_wait3A_619 = arith.constant 0 : i32
    %dma_wait3A_620 = tpu.memref_slice %arg13[%dma_wait3A_618, %dma_wait3A_619] : memref<64x128xf32, #tpu.memory_space<vmem>> -> memref<8x128xf32, #tpu.memory_space<vmem>>
    %dma_wait3A_621 = arith.constant 0 : i32
    %dma_wait3A_622 = arith.constant 0 : i32
    %dma_wait3A_623 = tpu.memref_slice %arg4[%add3A_617, %dma_wait3A_621, %dma_wait3A_622] : memref<20480x8x128xf32, #tpu.memory_space<hbm>> -> memref<1x8x128xf32, #tpu.memory_space<hbm>>
    %dma_wait3A_624 = tpu.memref_squeeze %dma_wait3A_623 : memref<1x8x128xf32, #tpu.memory_space<hbm>> -> memref<8x128xf32, #tpu.memory_space<hbm>>
    %dma_wait3A_625 = arith.constant 0 : i32
    %dma_wait3A_626 = arith.constant 0 : i32
    %dma_wait3A_627 = tpu.memref_slice %arg4[%add3A_617, %dma_wait3A_625, %dma_wait3A_626] : memref<20480x8x128xf32, #tpu.memory_space<hbm>> -> memref<1x8x128xf32, #tpu.memory_space<hbm>>
    %dma_wait3A_628 = tpu.memref_squeeze %dma_wait3A_627 : memref<1x8x128xf32, #tpu.memory_space<hbm>> -> memref<8x128xf32, #tpu.memory_space<hbm>>
    %dma_wait3A_629 = arith.constant 24 : i32
    %dma_wait3A_630 = arith.constant 0 : i32
    %dma_wait3A_631 = tpu.memref_slice %arg13[%dma_wait3A_629, %dma_wait3A_630] : memref<64x128xf32, #tpu.memory_space<vmem>> -> memref<8x128xf32, #tpu.memory_space<vmem>>
    tpu.wait_dma2 semaphore(%arg21 : memref<!tpu.dma_semaphore, #tpu.memory_space<semaphore_mem>>) src(%dma_wait3A_631 : memref<8x128xf32, #tpu.memory_space<vmem>>) dst(%dma_wait3A_628 : memref<8x128xf32, #tpu.memory_space<hbm>>)
    %add3A_632 = arith.constant 512 : i32
    %add3A_633 = arith.addi %add3A_567, %add3A_632 : i32
    %dma_wait3A_634 = arith.constant 32 : i32
    %dma_wait3A_635 = arith.constant 0 : i32
    %dma_wait3A_636 = tpu.memref_slice %arg13[%dma_wait3A_634, %dma_wait3A_635] : memref<64x128xf32, #tpu.memory_space<vmem>> -> memref<8x128xf32, #tpu.memory_space<vmem>>
    %dma_wait3A_637 = arith.constant 0 : i32
    %dma_wait3A_638 = arith.constant 0 : i32
    %dma_wait3A_639 = tpu.memref_slice %arg4[%add3A_633, %dma_wait3A_637, %dma_wait3A_638] : memref<20480x8x128xf32, #tpu.memory_space<hbm>> -> memref<1x8x128xf32, #tpu.memory_space<hbm>>
    %dma_wait3A_640 = tpu.memref_squeeze %dma_wait3A_639 : memref<1x8x128xf32, #tpu.memory_space<hbm>> -> memref<8x128xf32, #tpu.memory_space<hbm>>
    %dma_wait3A_641 = arith.constant 0 : i32
    %dma_wait3A_642 = arith.constant 0 : i32
    %dma_wait3A_643 = tpu.memref_slice %arg4[%add3A_633, %dma_wait3A_641, %dma_wait3A_642] : memref<20480x8x128xf32, #tpu.memory_space<hbm>> -> memref<1x8x128xf32, #tpu.memory_space<hbm>>
    %dma_wait3A_644 = tpu.memref_squeeze %dma_wait3A_643 : memref<1x8x128xf32, #tpu.memory_space<hbm>> -> memref<8x128xf32, #tpu.memory_space<hbm>>
    %dma_wait3A_645 = arith.constant 32 : i32
    %dma_wait3A_646 = arith.constant 0 : i32
    %dma_wait3A_647 = tpu.memref_slice %arg13[%dma_wait3A_645, %dma_wait3A_646] : memref<64x128xf32, #tpu.memory_space<vmem>> -> memref<8x128xf32, #tpu.memory_space<vmem>>
    tpu.wait_dma2 semaphore(%arg21 : memref<!tpu.dma_semaphore, #tpu.memory_space<semaphore_mem>>) src(%dma_wait3A_647 : memref<8x128xf32, #tpu.memory_space<vmem>>) dst(%dma_wait3A_644 : memref<8x128xf32, #tpu.memory_space<hbm>>)
    %add3A_648 = arith.constant 640 : i32
    %add3A_649 = arith.addi %add3A_567, %add3A_648 : i32
    %dma_wait3A_650 = arith.constant 40 : i32
    %dma_wait3A_651 = arith.constant 0 : i32
    %dma_wait3A_652 = tpu.memref_slice %arg13[%dma_wait3A_650, %dma_wait3A_651] : memref<64x128xf32, #tpu.memory_space<vmem>> -> memref<8x128xf32, #tpu.memory_space<vmem>>
    %dma_wait3A_653 = arith.constant 0 : i32
    %dma_wait3A_654 = arith.constant 0 : i32
    %dma_wait3A_655 = tpu.memref_slice %arg4[%add3A_649, %dma_wait3A_653, %dma_wait3A_654] : memref<20480x8x128xf32, #tpu.memory_space<hbm>> -> memref<1x8x128xf32, #tpu.memory_space<hbm>>
    %dma_wait3A_656 = tpu.memref_squeeze %dma_wait3A_655 : memref<1x8x128xf32, #tpu.memory_space<hbm>> -> memref<8x128xf32, #tpu.memory_space<hbm>>
    %dma_wait3A_657 = arith.constant 0 : i32
    %dma_wait3A_658 = arith.constant 0 : i32
    %dma_wait3A_659 = tpu.memref_slice %arg4[%add3A_649, %dma_wait3A_657, %dma_wait3A_658] : memref<20480x8x128xf32, #tpu.memory_space<hbm>> -> memref<1x8x128xf32, #tpu.memory_space<hbm>>
    %dma_wait3A_660 = tpu.memref_squeeze %dma_wait3A_659 : memref<1x8x128xf32, #tpu.memory_space<hbm>> -> memref<8x128xf32, #tpu.memory_space<hbm>>
    %dma_wait3A_661 = arith.constant 40 : i32
    %dma_wait3A_662 = arith.constant 0 : i32
    %dma_wait3A_663 = tpu.memref_slice %arg13[%dma_wait3A_661, %dma_wait3A_662] : memref<64x128xf32, #tpu.memory_space<vmem>> -> memref<8x128xf32, #tpu.memory_space<vmem>>
    tpu.wait_dma2 semaphore(%arg21 : memref<!tpu.dma_semaphore, #tpu.memory_space<semaphore_mem>>) src(%dma_wait3A_663 : memref<8x128xf32, #tpu.memory_space<vmem>>) dst(%dma_wait3A_660 : memref<8x128xf32, #tpu.memory_space<hbm>>)
    %add3A_664 = arith.constant 768 : i32
    %add3A_665 = arith.addi %add3A_567, %add3A_664 : i32
    %dma_wait3A_666 = arith.constant 48 : i32
    %dma_wait3A_667 = arith.constant 0 : i32
    %dma_wait3A_668 = tpu.memref_slice %arg13[%dma_wait3A_666, %dma_wait3A_667] : memref<64x128xf32, #tpu.memory_space<vmem>> -> memref<8x128xf32, #tpu.memory_space<vmem>>
    %dma_wait3A_669 = arith.constant 0 : i32
    %dma_wait3A_670 = arith.constant 0 : i32
    %dma_wait3A_671 = tpu.memref_slice %arg4[%add3A_665, %dma_wait3A_669, %dma_wait3A_670] : memref<20480x8x128xf32, #tpu.memory_space<hbm>> -> memref<1x8x128xf32, #tpu.memory_space<hbm>>
    %dma_wait3A_672 = tpu.memref_squeeze %dma_wait3A_671 : memref<1x8x128xf32, #tpu.memory_space<hbm>> -> memref<8x128xf32, #tpu.memory_space<hbm>>
    %dma_wait3A_673 = arith.constant 0 : i32
    %dma_wait3A_674 = arith.constant 0 : i32
    %dma_wait3A_675 = tpu.memref_slice %arg4[%add3A_665, %dma_wait3A_673, %dma_wait3A_674] : memref<20480x8x128xf32, #tpu.memory_space<hbm>> -> memref<1x8x128xf32, #tpu.memory_space<hbm>>
    %dma_wait3A_676 = tpu.memref_squeeze %dma_wait3A_675 : memref<1x8x128xf32, #tpu.memory_space<hbm>> -> memref<8x128xf32, #tpu.memory_space<hbm>>
    %dma_wait3A_677 = arith.constant 48 : i32
    %dma_wait3A_678 = arith.constant 0 : i32
    %dma_wait3A_679 = tpu.memref_slice %arg13[%dma_wait3A_677, %dma_wait3A_678] : memref<64x128xf32, #tpu.memory_space<vmem>> -> memref<8x128xf32, #tpu.memory_space<vmem>>
    tpu.wait_dma2 semaphore(%arg21 : memref<!tpu.dma_semaphore, #tpu.memory_space<semaphore_mem>>) src(%dma_wait3A_679 : memref<8x128xf32, #tpu.memory_space<vmem>>) dst(%dma_wait3A_676 : memref<8x128xf32, #tpu.memory_space<hbm>>)
    %add3A_680 = arith.constant 896 : i32
    %add3A_681 = arith.addi %add3A_567, %add3A_680 : i32
    %dma_wait3A_682 = arith.constant 56 : i32
    %dma_wait3A_683 = arith.constant 0 : i32
    %dma_wait3A_684 = tpu.memref_slice %arg13[%dma_wait3A_682, %dma_wait3A_683] : memref<64x128xf32, #tpu.memory_space<vmem>> -> memref<8x128xf32, #tpu.memory_space<vmem>>
    %dma_wait3A_685 = arith.constant 0 : i32
    %dma_wait3A_686 = arith.constant 0 : i32
    %dma_wait3A_687 = tpu.memref_slice %arg4[%add3A_681, %dma_wait3A_685, %dma_wait3A_686] : memref<20480x8x128xf32, #tpu.memory_space<hbm>> -> memref<1x8x128xf32, #tpu.memory_space<hbm>>
    %dma_wait3A_688 = tpu.memref_squeeze %dma_wait3A_687 : memref<1x8x128xf32, #tpu.memory_space<hbm>> -> memref<8x128xf32, #tpu.memory_space<hbm>>
    %dma_wait3A_689 = arith.constant 0 : i32
    %dma_wait3A_690 = arith.constant 0 : i32
    %dma_wait3A_691 = tpu.memref_slice %arg4[%add3A_681, %dma_wait3A_689, %dma_wait3A_690] : memref<20480x8x128xf32, #tpu.memory_space<hbm>> -> memref<1x8x128xf32, #tpu.memory_space<hbm>>
    %dma_wait3A_692 = tpu.memref_squeeze %dma_wait3A_691 : memref<1x8x128xf32, #tpu.memory_space<hbm>> -> memref<8x128xf32, #tpu.memory_space<hbm>>
    %dma_wait3A_693 = arith.constant 56 : i32
    %dma_wait3A_694 = arith.constant 0 : i32
    %dma_wait3A_695 = tpu.memref_slice %arg13[%dma_wait3A_693, %dma_wait3A_694] : memref<64x128xf32, #tpu.memory_space<vmem>> -> memref<8x128xf32, #tpu.memory_space<vmem>>
    tpu.wait_dma2 semaphore(%arg21 : memref<!tpu.dma_semaphore, #tpu.memory_space<semaphore_mem>>) src(%dma_wait3A_695 : memref<8x128xf32, #tpu.memory_space<vmem>>) dst(%dma_wait3A_692 : memref<8x128xf32, #tpu.memory_space<hbm>>)
    return
  }
}

module attributes {stable_mosaic.version = 14 : i64} {
  func.func @_transpose_body(%arg0: i32, %arg1: memref<64x8192xf32, #tpu.memory_space<vmem>>, %arg2: memref<64x8192xf32, #tpu.memory_space<vmem>>, %arg3: memref<8192x128xf32, #tpu.memory_space<vmem>>) attributes {dimension_semantics = [#tpu.dimension_semantics<arbitrary>], iteration_bounds = array<i64: 62>, scalar_prefetch = 0 : i64, scratch_operands = 0 : i64, tpu.core_type = #tpu.core_type<tc>, window_params = [{transform_indices = @transform_0, window_bounds = array<i64: 64, 8192>}, {transform_indices = @transform_1, window_bounds = array<i64: 64, 8192>}, {transform_indices = @transform_2, window_bounds = array<i64: 8192, 128>}]} {
    %get3A = arith.constant 0 : index
    %get3A_0 = arith.constant 0 : index
    %get3A_1 = vector.load %arg1[%get3A, %get3A_0] : memref<64x8192xf32, #tpu.memory_space<vmem>>, vector<64x8192xf32>
    %transpose3A = tpu.transpose %get3A_1, [1, 0] : vector<64x8192xf32> -> vector<8192x64xf32>
    %swap3A = arith.constant 0 : index
    %swap3A_2 = arith.constant 0 : index
    %swap3A_3 = vector.load %arg3[%swap3A, %swap3A_2] : memref<8192x128xf32, #tpu.memory_space<vmem>>, vector<8192x64xf32>
    tpu.vector_store %arg3[%swap3A, %swap3A_2], %transpose3A {strides = array<i32>} : memref<8192x128xf32, #tpu.memory_space<vmem>>, vector<8192x64xf32>,
    %get3A_4 = arith.constant 0 : index
    %get3A_5 = arith.constant 0 : index
    %get3A_6 = vector.load %arg2[%get3A_4, %get3A_5] : memref<64x8192xf32, #tpu.memory_space<vmem>>, vector<64x8192xf32>
    %transpose3A_7 = tpu.transpose %get3A_6, [1, 0] : vector<64x8192xf32> -> vector<8192x64xf32>
    %swap3A_8 = arith.constant 0 : index
    %swap3A_9 = arith.constant 64 : index
    %swap3A_10 = vector.load %arg3[%swap3A_8, %swap3A_9] : memref<8192x128xf32, #tpu.memory_space<vmem>>, vector<8192x64xf32>
    tpu.vector_store %arg3[%swap3A_8, %swap3A_9], %transpose3A_7 {strides = array<i32>} : memref<8192x128xf32, #tpu.memory_space<vmem>>, vector<8192x64xf32>,
    return
  }
  func.func @transform_0(%arg0: i32) -> (i32, i32) {
    %mul3A = arith.constant 2 : i32
    %mul3A_0 = arith.muli %mul3A, %arg0 : i32
    %c0_i32 = arith.constant 0 : i32
    %c0_i32_1 = arith.constant 0 : i32
    return %c0_i32, %mul3A_0 : i32, i32
  }
  func.func @transform_1(%arg0: i32) -> (i32, i32) {
    %mul3A = arith.constant 2 : i32
    %mul3A_0 = arith.muli %mul3A, %arg0 : i32
    %add3A = arith.constant 1 : i32
    %add3A_1 = arith.addi %mul3A_0, %add3A : i32
    %min3A = arith.constant 122 : i32
    %min3A_2 = arith.minsi %add3A_1, %min3A : i32
    %c0_i32 = arith.constant 0 : i32
    %c0_i32_3 = arith.constant 0 : i32
    return %c0_i32, %min3A_2 : i32, i32
  }
  func.func @transform_2(%arg0: i32) -> (i32, i32) {
    %c0_i32 = arith.constant 0 : i32
    %c0_i32_0 = arith.constant 0 : i32
    return %arg0, %c0_i32 : i32, i32
  }
}

</mosaic_0001>

<sc_bundles>
// kernel: kernel.4.cloned.1.call-start
scs
__scs_entry_jumppad:
0x0: {  	(pc) =	sbr.rel $0x88, $3  }
0x1: {  	(tag) =	ssettag $0x0;
	lr =	simm.s32 $0x1  }
0x2: {  	[smem:$0x3F9F] =	sst lr;
	_ =	strace $0xD0000000  }
0x3: {  	_ = 	snop  }
0x4: {  	_ = 	snop  }
0x5: {  	_ = 	snop  }
0x6: {  	_ = 	snop  }
0x7: {  	_ = 	snop  }
__scs_overlays_trampoline_lowered:
0x8: {  	[smem:$0x3FAE] =	sst s0  }
0x9: {  	[smem:$0x3FAF] =	sst s1  }
0xa: {  	[smem:$0x3FB0] =	sst s2  }
0xb: {  	[smem:$0x3FB1] =	sst s3  }
0xc: {  	[smem:$0x3FB2] =	sst s4  }
0xd: {  	[smem:$0x3FB3] =	sst s5  }
0xe: {  	[smem:$0x3FB4] =	sst s6  }
0xf: {  	[smem:$0x3FB5] =	sst s7  }
0x10: {  	[smem:$0x3FB6] =	sst s8  }
0x11: {  	[smem:$0x3FB7] =	sst s9;
	s0 =	simm.s32 @!p0 $0x0  }
0x12: {  	s1 =	sld [smem:$0x3F9D];
	s0 =	simm.s32 @p0 $0x1  }
0x13: {  	[smem:$0x3FB8] =	sst s0;
	s0 =	simm.s32 @!p1 $0x0  }
0x14: {  	s2 =	sld [smem:$0x3F9C];
	s0 =	simm.s32 @p1 $0x1  }
0x15: {  	[smem:$0x3FB9] =	sst s0;
	s0 =	simm.s32 @!p2 $0x0  }
0x16: {  	s3 =	sld [smem:$0x3FDB];
	s0 =	simm.s32 @p2 $0x1  }
0x17: {  	s4 =	simm.s32 $0x1BF5;
	[smem:$0x3FBB] =	sst s0  }
0x18: {  	s0 =	sld [smem:$0x3F9E];
	_ =	swait.ge [sflag:s4], $0x0  }
0x19: {  	s7 =	sld [smem:$0x3F9F]  }
0x1a: {  	s8 =	sadd.s32 $0xFFFFE003, lr  }
0x1b: {  	s9 =	sadd.s32 $0xFFFFFEF7, lr;
	s5 =	simm.s32 $0xFFFFFFFF;
	p2 =	slt.u32 s8, $0xFFFFF086  }
0x1c: {  	p1 =	slt.u32 s9, $0xF7A;
	s5 =	simm.s32 @!p2 $0x0  }
0x1d: {  	s5 =	simm.s32 @p1 $0x1;
	p0 =	seq.s32 s7, s2  }
0x1e: {  	s7 =	smul.u32 @!p0 $0xF7A, s2;
	p2 =	seq.s32 @!p0 s5, $0x0  }
0x1f: {  	s9 =	smul.u32 $0xF7A, s1;
	s8 =	simm.s32 @!p0 $0x1BF5;
	p2 =	por !p2, p0  }
0x20: {  	[sflag:s8] =	ssyncset.s32 @!p0 $0xFFFFF086;
	s6 =	sadd.s32 @!p0 s3, s7;
	s7 =	simm.s32 @!p0 $0x108  }
0x21: {  	s3 =	sadd.s32 s3, s9;
	s6 =	sadd.s32 @!p0 $0x88, s6;
	s7 =	simm.s32 @p2 $0x1082  }
0x22: {  	[simem:s7], [sflag:s8] =	dma.local @!p0 [hbm:s6], $0xF7A  }
0x23: {  	s9 =	sor.u32 $0xD0000000, s2;
	s6 =	simm.s32 $0x108;
	_ =	swait.ge @!p0 [sflag:s8], $0x0  }
0x24: {  	s3 =	sadd.s32 $0x88, s3;
	s6 =	simm.s32 @!p1 $0x1082;
	[sflag:s4] =	ssyncset.s32 $0xFFFFF086  }
0x25: {  	[simem:s6], [sflag:s4] =	dma.local [hbm:s3], $0xF7A  }
0x26: {  	[smem:$0x3F9F] =	sst s1;
	(tag) =	ssettag s2;
	_ =	strace s9  }
0x27: {  	s1 =	sld [smem:$0x3FAF]  }
0x28: {  	s2 =	sld [smem:$0x3FB0]  }
0x29: {  	s4 =	sld [smem:$0x3FB2]  }
0x2a: {  	p0 =	seq.s32 s5, $0x0;
	s5 =	sld [smem:$0x3FB3]  }
0x2b: {  	s6 =	sld [smem:$0x3FB4]  }
0x2c: {  	s7 =	sld [smem:$0x3FB5]  }
0x2d: {  	s3 =	simm.s32 $0x108;
	s8 =	sld [smem:$0x3FB6]  }
0x2e: {  	s3 =	simm.s32 @!p0 $0x1082;
	s9 =	sld [smem:$0x3FB7]  }
0x2f: {  	lr =	sadd.s32 s0, s3;
	s0 =	sld [smem:$0x3FAE]  }
0x30: {  	s3 =	sld [smem:$0x3FB1]  }
0x31: {  	[smem:$0x3FBA] =	sst s10  }
0x32: {  	s10 =	sld [smem:$0x3FB8];
	_ =	sdelay $0x3  }
0x33: {  	p0 =	seq.s32 s10, $0x1;
	s10 =	sld [smem:$0x3FBA];
	_ =	sdelay $0x3  }
0x34: {  	[smem:$0x3FBA] =	sst s10  }
0x35: {  	s10 =	sld [smem:$0x3FB9];
	_ =	sdelay $0x3  }
0x36: {  	p1 =	seq.s32 s10, $0x1;
	s10 =	sld [smem:$0x3FBA];
	_ =	sdelay $0x3  }
0x37: {  	[smem:$0x3FBA] =	sst s10  }
0x38: {  	s10 =	sld [smem:$0x3FBB]  }
0x39: {  	_ = 	snop;
	(pc) =	sbr.ind lr, $3  }
0x3a: {  	_ = 	snop  }
0x3b: {  	_ = 	snop  }
0x3c: {  	p2 =	seq.s32 s10, $0x1;
	s10 =	sld [smem:$0x3FBA]  }
0x3d: {  	_ =	shalt  }
0x3e: {  	_ =	shalt  }
0x3f: {  	_ =	shalt  }
0x40: {  	_ =	shalt  }
0x41: {  	_ =	shalt  }
0x42: {  	_ =	shalt  }
0x43: {  	_ =	shalt  }
0x44: {  	_ =	shalt  }
0x45: {  	_ =	shalt  }
0x46: {  	_ =	shalt  }
0x47: {  	_ =	shalt  }
0x48: {  	_ =	shalt  }
0x49: {  	_ =	shalt  }
0x4a: {  	_ =	shalt  }
0x4b: {  	_ =	shalt  }
0x4c: {  	_ =	shalt  }
0x4d: {  	_ =	shalt  }
0x4e: {  	_ =	shalt  }
0x4f: {  	_ =	shalt  }
0x50: {  	_ =	shalt  }
0x51: {  	_ =	shalt  }
0x52: {  	_ =	shalt  }
0x53: {  	_ =	shalt  }
0x54: {  	_ =	shalt  }
0x55: {  	_ =	shalt  }
0x56: {  	_ =	shalt  }
0x57: {  	_ =	shalt  }
0x58: {  	_ =	shalt  }
0x59: {  	_ =	shalt  }
0x5a: {  	_ =	shalt  }
0x5b: {  	_ =	shalt  }
0x5c: {  	_ =	shalt  }
0x5d: {  	_ =	shalt  }
0x5e: {  	_ =	shalt  }
0x5f: {  	_ =	shalt  }
0x60: {  	_ =	shalt  }
0x61: {  	_ =	shalt  }
0x62: {  	_ =	shalt  }
0x63: {  	_ =	shalt  }
0x64: {  	_ =	shalt  }
0x65: {  	_ =	shalt  }
0x66: {  	_ =	shalt  }
0x67: {  	_ =	shalt  }
0x68: {  	_ =	shalt  }
0x69: {  	_ =	shalt  }
0x6a: {  	_ =	shalt  }
0x6b: {  	_ =	shalt  }
0x6c: {  	_ =	shalt  }
0x6d: {  	_ =	shalt  }
0x6e: {  	_ =	shalt  }
0x6f: {  	_ =	shalt  }
0x70: {  	_ =	shalt  }
0x71: {  	_ =	shalt  }
0x72: {  	_ =	shalt  }
0x73: {  	_ =	shalt  }
0x74: {  	_ =	shalt  }
0x75: {  	_ =	shalt  }
0x76: {  	_ =	shalt  }
0x77: {  	_ =	shalt  }
0x78: {  	_ =	shalt  }
0x79: {  	_ =	shalt  }
0x7a: {  	_ =	shalt  }
0x7b: {  	_ =	shalt  }
0x7c: {  	_ =	shalt  }
0x7d: {  	_ =	shalt  }
0x7e: {  	_ =	shalt  }
0x7f: {  	_ =	shalt  }
0x80: {  	_ =	shalt  }
0x81: {  	_ =	shalt  }
0x82: {  	_ =	shalt  }
0x83: {  	_ =	shalt  }
0x84: {  	_ =	shalt  }
0x85: {  	_ =	shalt  }
0x86: {  	_ =	shalt  }
0x87: {  	_ =	shalt  }
.Lfunc_end0:
.L_simem_size_0:
called_computation_lowered:
.L_overlay_start_0:
0x88: {  	s2 =	sld [smem:$0x3FD9]  }
0x89: {  	s3 =	sld [smem:$0x3FFE];
	_ =	sdelay $0x1  }
0x8a: {  	s1 =	srdreg.scid  }
0x8b: {  	s0 =	sand.u32 $0x1, s1  }
0x8c: {  	s17 =	sshll.u32 s0, $0xA;
	s2 =	sadd.s32 s3, s2  }
0x8d: {  	s2 =	sadd.s32 s2, s17  }
0x8e: {  	[smem:$0x3FC6] =	sst s2  }
0x8f: {  	_ = 	snop  }
0x90: {  	s2 =	sld [smem:$0x3FD0];
	(tm) =	ssettm $0x1  }
0x91: {  	s18 =	sld [smem:$0x3FFB];
	_ =	sdelay $0x3  }
0x92: {  	_ =	strace s18  }
0x93: {  	s3 =	sld [smem:$0x3FFC];
	_ =	sdelay $0x3  }
0x94: {  	_ =	strace s3  }
0x95: {  	s3 =	sld [smem:$0x3FFD];
	_ =	sdelay $0x3  }
0x96: {  	_ =	strace s3  }
0x97: {  	_ =	strace $0x8FFFFFFF  }
0x98: {  	s19 =	sld [smem:$0x3FDB];
	_ =	sdelay $0x1  }
0x99: {  	s4 =	simm.s32 $_scs_section_size  }
0x9a: {  	s5 =	simm.s32 $_size__tile_overlayer_lowered;
	s6 =	simm.s32 $_tile_overlayer_lowered  }
0x9b: {  	s22 =	simm.s32 $0x1BFF;
	s21 =	sshll.u32 s6, $0x1;
	s3 =	sadd.s32 s4, s19  }
0x9c: {  	s7 =	simm.s32 $0x0;
	s20 =	sshll.u32 s5, $0x1;
	s5 =	sadd.s32 s21, s3  }
0x9d: {  	[timem:s7], [sflag:s22] =	dma.local [hbm:s5], s20  }
0x9e: {  	_ =	swait.ge [sflag:s22], s20  }
0x9f: {  	s4 =	ssub.s32 $0x0, s20;
	[sflag:s22] =	ssyncset.done $0x0  }
0xa0: {  	[sflag:s22] =	ssyncadd.s32 s4;
	_ =	sdelay $0x1  }
0xa1: {  	s23 =	simm.s32 $0x1B8B  }
0xa2: {  	_ =	swait.ge [sflag:s23], $0x1  }
0xa3: {  	[sflag:s23] =	ssyncset.done $0x0  }
0xa4: {  	s25 =	simm.s32 $0x1B8E;
	s24 =	sld [smem:$0x3FFE];
	[sflag:s23] =	ssyncadd.s32 $0xFFFFFFFF  }
0xa5: {  	s26 =	simm.s32 $execute0_lowered;
	[smem:$0x3FD2] =	sst s25  }
0xa6: {  	s5 =	sshll.u32 s26, $0x1;
	_ =	strace $0x80000046;
	[dreg:$0x1] =	wrdreg $0xFFFFFFFF  }
0xa7: {  	s28 =	simm.s32 $_size_execute0_lowered;
	s3 =	sadd.s32 s3, s5;
	[dreg:$0x0] =	wrdreg $0x0  }
0xa8: {  	s5 =	sshll.u32 s28, $0x1;
	[dreg:$0x2] =	wrdreg s3  }
0xa9: {  	[dreg:$0x3] =	wrdreg s5  }
0xaa: {  	[dreg:$0x4] =	wrdreg $0xC0  }
0xab: {  	_ =	task [dreg:s7], $0x5FFFF  }
0xac: {  	[dreg:$0x1] =	wrdreg $0xFFFFFFFF  }
0xad: {  	[dreg:$0x0] =	wrdreg $0x60  }
0xae: {  	[dreg:$0x2] =	wrdreg s24  }
0xaf: {  	[dreg:$0x3] =	wrdreg s2  }
0xb0: {  	[dreg:$0x4] =	wrdreg $0x9  }
0xb1: {  	_ =	task.clear_ibuf [dreg:s7], $0x5FFFF;
	_ =	strace $0x90000046  }
0xb2: {  	s29 =	simm.s32 $0x9;
	_ =	strace $0x80000048  }
0xb3: {  	_ =	swait.ge [sflag:s29], $0x1  }
0xb4: {  	[sflag:s29] =	ssyncadd.s32 $0xFFFFFFFF  }
0xb5: {  	_ =	strace $0x90000048  }
0xb6: {  	_ =	sfence  }
0xb7: {  	s30 =	sld [smem:$0x0];
	_ =	sdelay $0x2  }
0xb8: {  	s31 =	sshll.u32 s1, $0xD;
	s1 =	sshrl.u32 s1, $0x2  }
0xb9: {  	s3 =	sand.u32 $0x4000, s31;
	s1 =	sadd.s32 s1, s30  }
0xba: {  	s0 =	sor.u32 s3, s0;
	s1 =	sshll.u32 s1, $0x11  }
0xbb: {  	s0 =	sor.u32 s1, s0  }
0xbc: {  	s0 =	sadd.s32 $0x8F2B, s0  }
0xbd: {  	[sflag:s0] =	ssyncadd.remote.s32 $0x1  }
0xbe: {  	_ =	sfence.sel $0xFFFF  }
0xbf: {  	[dreg:$0x0] =	wrdreg $0xFFFFFFFF;
	(pc) =	sbr.abs _section_cstart, $3  }
0xc0: {  	[dreg:$0x1] =	wrdreg $0xFFFFFFFF  }
0xc1: {  	_ =	task.clear_ibuf [dreg:s7], $0x2FFFF;
	_ =	strace $0x9FFFFFFF  }
0xc2: {  	(tm) =	ssettm $0x7FFFFFFF  }
0xc3: {  	_ =	shalt  }
tec
execute0_lowered:
.L_overlay_start_1:
0x0: {  	(tag) =	ssettag $0x1  }
0x1: {  	s3 =	stileid.u32;
	v45 =	vlaneseq.u32  }
0x2: {  	s0 =	rddreg [dreg:$0x0];
	s4 =	sshll.u32 s3, $0x1;
	s3 =	simm.s32 $0x0;
	v1 =	vmul.u32 $0x40, v45  }
0x3: {  	[smem:$0x7FF] =	sst s3  }
0x4: {  	s2 =	rddreg [dreg:$0x1];
	_ =	strace $0x80000047;
	v19 =	vor.u32 $0x1404, v1;
	[tilespmem:$0x1FD30] =	vst v1  }
0x5: {  	v23 =	vor.u32 $0x1005, v1;
	[tilespmem:$0x1FC90] =	vst v19  }
0x6: {  	v27 =	vor.u32 $0x1006, v1;
	[tilespmem:$0x1FCC0] =	vst v23  }
0x7: {  	v35 =	vor.u32 $0x1406, v1;
	[tilespmem:$0x1FD00] =	vst v27  }
0x8: {  	v36 =	vor.u32 $0x1806, v1;
	[tilespmem:$0x1FD10] =	vst v35  }
0x9: {  	v37 =	vor.u32 $0x1C06, v1;
	[tilespmem:$0x1FD20] =	vst v36  }
0xa: {  	v38 =	vor.u32 $0x802, v1;
	[tilespmem:$0x1FD40] =	vst v37  }
0xb: {  	v39 =	vor.u32 $0x1C00, v1;
	[tilespmem:$0x1FD50] =	vst v38  }
0xc: {  	v0 =	vor.u32 $0x1800, v1;
	[tilespmem:$0x1FD60] =	vst v39  }
0xd: {  	v54 =	vor.u32 $0x1C01, v1;
	[tilespmem:$0x1FD70] =	vst v0  }
0xe: {  	v53 =	vor.u32 $0x1801, v1;
	[tilespmem:$0x1FD80] =	vst v54  }
0xf: {  	v51 =	vor.u32 $0x1001, v1;
	[tilespmem:$0x1FD90] =	vst v53  }
0x10: {  	v56 =	vor.u32 $0x402, v1;
	[tilespmem:$0x1FDA0] =	vst v51  }
0x11: {  	v61 =	vor.u32 $0x1802, v1;
	[tilespmem:$0x1FDB0] =	vst v56  }
0x12: {  	v59 =	vor.u32 $0x1002, v1;
	[tilespmem:$0x1FDC0] =	vst v61  }
0x13: {  	v58 =	vor.u32 $0xC02, v1;
	[tilespmem:$0x1FDD0] =	vst v59  }
0x14: {  	v46 =	vor.u32 $0x803, v1;
	[tilespmem:$0x1FDE0] =	vst v58  }
0x15: {  	v4 =	vor.u32 $0x1003, v1;
	[tilespmem:$0x1FDF0] =	vst v46  }
0x16: {  	v40 =	vor.u32 $0x400, v1;
	[tilespmem:$0x1FE00] =	vst v4  }
0x17: {  	v41 =	vor.u32 $0x800, v1;
	[tilespmem:$0x1FE10] =	vst v40  }
0x18: {  	v8 =	vor.u32 $0x1803, v1;
	[tilespmem:$0x1FE20] =	vst v41  }
0x19: {  	v2 =	vor.u32 $0xC03, v1;
	[tilespmem:$0x1FE30] =	vst v8  }
0x1a: {  	v57 =	vor.u32 $0x403, v1;
	[tilespmem:$0x1FE40] =	vst v2  }
0x1b: {  	v12 =	vor.u32 $0x4, v1;
	[tilespmem:$0x1FE50] =	vst v57  }
0x1c: {  	v60 =	vor.u32 $0x1402, v1;
	[tilespmem:$0x1FE60] =	vst v12  }
0x1d: {  	v6 =	vor.u32 $0x1403, v1;
	[tilespmem:$0x1FE70] =	vst v60  }
0x1e: {  	v17 =	vor.u32 $0xC04, v1;
	[tilespmem:$0x1FE80] =	vst v6  }
0x1f: {  	v49 =	vor.u32 $0x801, v1;
	[tilespmem:$0x1FE90] =	vst v17  }
0x20: {  	v50 =	vor.u32 $0xC01, v1;
	[tilespmem:$0x1FEA0] =	vst v49  }
0x21: {  	v62 =	vor.u32 $0x1C02, v1;
	[tilespmem:$0x1FEB0] =	vst v50  }
0x22: {  	v10 =	vor.u32 $0x1C03, v1;
	[tilespmem:$0x1FEC0] =	vst v62  }
0x23: {  	v52 =	vor.u32 $0x1401, v1;
	[tilespmem:$0x1FED0] =	vst v10  }
0x24: {  	v55 =	vor.u32 $0x2, v1;
	[tilespmem:$0x1FEE0] =	vst v52  }
0x25: {  	v63 =	vor.u32 $0x3, v1;
	[tilespmem:$0x1FEF0] =	vst v55  }
0x26: {  	v25 =	vor.u32 $0x806, v1;
	[tilespmem:$0x1FF00] =	vst v63  }
0x27: {  	v47 =	vor.u32 $0x1, v1;
	[tilespmem:$0x1FF10] =	vst v25  }
0x28: {  	v42 =	vor.u32 $0xC00, v1;
	[tilespmem:$0x1FF20] =	vst v47  }
0x29: {  	v43 =	vor.u32 $0x1000, v1;
	[tilespmem:$0x1FF30] =	vst v42  }
0x2a: {  	v44 =	vor.u32 $0x1400, v1;
	[tilespmem:$0x1FF40] =	vst v43  }
0x2b: {  	v48 =	vor.u32 $0x401, v1;
	[tilespmem:$0x1FF50] =	vst v44  }
0x2c: {  	v22 =	vor.u32 $0xC05, v1;
	[tilespmem:$0x1FF60] =	vst v48  }
0x2d: {  	v18 =	vor.u32 $0x1004, v1;
	[tilespmem:$0x1FF70] =	vst v22  }
0x2e: {  	v26 =	vor.u32 $0xC06, v1;
	[tilespmem:$0x1FF90] =	vst v18  }
0x2f: {  	v16 =	vor.u32 $0x804, v1;
	[tilespmem:$0x1FFB0] =	vst v26  }
0x30: {  	s1 =	srdreg.scid;
	s17 =	simm.s32 $0x2800;
	v20 =	vor.u32 $0x405, v1;
	[tilespmem:$0x1FFC0] =	vst v16  }
0x31: {  	s18 =	simm.s32 $0x4800;
	s20 =	simm.s32 $0x6800;
	s22 =	simm.s32 $0x8800;
	v24 =	vor.u32 $0x406, v1;
	[tilespmem:$0x1FFD0] =	vst v20  }
0x32: {  	s24 =	simm.s32 $0xA800;
	s19 =	simm.s32 $0xC800;
	s30 =	simm.s32 $0xE800;
	v14 =	vor.u32 $0x404, v1;
	[tilespmem:$0x1FFE0] =	vst v24  }
0x33: {  	s26 =	simm.s32 $0x4;
	s28 =	simm.s32 $0x10800;
	s1 =	sand.u32 $0x1, s1;
	v19 =	vor.u32 $0x1804, v1;
	[tilespmem:$0x1FFF0] =	vst v14  }
0x34: {  	s7 =	sadd.s32 $0x4000, s2;
	s8 =	sadd.s32 $0x8000, s2;
	s5 =	sor.u32 s1, s4;
	v23 =	vor.u32 $0x1405, v1;
	[tilespmem:$0x1FCA0] =	vst v19  }
0x35: {  	s9 =	sadd.s32 $0xC000, s2;
	s1 =	ssub.s32 $0x2, s1;
	s6 =	smul.u32 $0x500, s5;
	v19 =	vor.u32 $0x1C04, v1;
	[tilespmem:$0x1FCD0] =	vst v23  }
.Ltmp0:
0x36: {  	s10 =	sadd.s32 $0x10000, s2;
	s29 =	sshrl.u32 s1, $0x1;
	v23 =	vor.u32 $0x1805, v1;
	[tilespmem:$0x1FCB0] =	vst v19;
	(pc) =	sbr.rel .LBB2_1-.Ltmp0, $4  }
0x37: {  	v3 =	vor.u32 $0x10, v45;
	s11 =	sadd.s32 $0x14000, s2;
	s12 =	sadd.s32 $0x18000, s2;
	s1 =	ssub.s32 s1, s29;
	[tilespmem:$0x1FCE0] =	vst v23;
	v23 =	vor.u32 $0x1C05, v1  }
0x38: {  	v5 =	vor.u32 $0x20, v45;
	v7 =	vor.u32 $0x30, v45;
	s4 =	sadd.s32 $0xA400, s0;
	s0 =	sadd.s32 s6, s0;
	s31 =	smax.u32 s1, $0x1;
	v19 =	vor.u32 $0x5, v1;
	[tilespmem:$0x1FCF0] =	vst v23  }
0x39: {  	v9 =	vor.u32 $0x40, v45;
	v11 =	vor.u32 $0x50, v45;
	s13 =	sadd.s32 $0x1C000, s2;
	s0 =	sadd.s32 $0x400, s0;
	[dreg:$0x4] =	wrdreg s31;
	v23 =	vor.u32 $0x6, v1;
	[tilespmem:$0x1FFA0] =	vst v19  }
0x3a: {  	v13 =	vor.u32 $0x60, v45;
	v15 =	vor.u32 $0x70, v45;
	s5 =	smul.u32 $0x50, s5;
	v21 =	vor.u32 $0x805, v1;
	s6 =	simm.s32 $0x0;
	[dreg:$0x3] =	wrdreg s0;
	[tilespmem:$0x1FF80] =	vst v23  }
.LBB2_12:
0x3b: {  	s0 =	simm.s32 $0x5  }
0x3c: {  	_ =	swait.ge [sflag:s0], $0x400  }
0x3d: {  	[sflag:s0] =	ssyncset.done $0x0  }
0x3e: {  	[sflag:s0] =	ssyncadd.s32 $0xFFFFFC00  }
0x3f: {  	_ =	swait.ge [sflag:s0], $0x400  }
0x40: {  	[sflag:s0] =	ssyncset.done $0x0  }
0x41: {  	[sflag:s0] =	ssyncadd.s32 $0xFFFFFC00  }
0x42: {  	_ =	swait.ge [sflag:s0], $0x400  }
0x43: {  	[sflag:s0] =	ssyncset.done $0x0  }
0x44: {  	[sflag:s0] =	ssyncadd.s32 $0xFFFFFC00  }
0x45: {  	_ =	swait.ge [sflag:s0], $0x400  }
0x46: {  	[sflag:s0] =	ssyncset.done $0x0  }
0x47: {  	[sflag:s0] =	ssyncadd.s32 $0xFFFFFC00  }
0x48: {  	_ =	swait.ge [sflag:s0], $0x400  }
0x49: {  	[sflag:s0] =	ssyncset.done $0x0  }
0x4a: {  	[sflag:s0] =	ssyncadd.s32 $0xFFFFFC00  }
0x4b: {  	_ =	swait.ge [sflag:s0], $0x400  }
0x4c: {  	[sflag:s0] =	ssyncset.done $0x0  }
0x4d: {  	[sflag:s0] =	ssyncadd.s32 $0xFFFFFC00  }
0x4e: {  	_ =	swait.ge [sflag:s0], $0x400  }
0x4f: {  	[sflag:s0] =	ssyncset.done $0x0  }
0x50: {  	[sflag:s0] =	ssyncadd.s32 $0xFFFFFC00  }
0x51: {  	_ =	swait.ge [sflag:s0], $0x400  }
0x52: {  	[sflag:s0] =	ssyncset.done $0x0  }
0x53: {  	s25 =	simm.s32 $0x6;
	[sflag:s0] =	ssyncadd.s32 $0xFFFFFC00  }
0x54: {  	_ =	swait.ge [sflag:s25], $0x400  }
0x55: {  	[sflag:s25] =	ssyncset.done $0x0  }
0x56: {  	[sflag:s25] =	ssyncadd.s32 $0xFFFFFC00  }
0x57: {  	_ =	swait.ge [sflag:s25], $0x400  }
0x58: {  	[sflag:s25] =	ssyncset.done $0x0  }
0x59: {  	[sflag:s25] =	ssyncadd.s32 $0xFFFFFC00  }
0x5a: {  	_ =	swait.ge [sflag:s25], $0x400  }
0x5b: {  	[sflag:s25] =	ssyncset.done $0x0  }
0x5c: {  	[sflag:s25] =	ssyncadd.s32 $0xFFFFFC00  }
0x5d: {  	_ =	swait.ge [sflag:s25], $0x400  }
0x5e: {  	[sflag:s25] =	ssyncset.done $0x0  }
0x5f: {  	[sflag:s25] =	ssyncadd.s32 $0xFFFFFC00  }
0x60: {  	_ =	swait.ge [sflag:s25], $0x400  }
0x61: {  	[sflag:s25] =	ssyncset.done $0x0  }
0x62: {  	[sflag:s25] =	ssyncadd.s32 $0xFFFFFC00  }
0x63: {  	_ =	swait.ge [sflag:s25], $0x400  }
0x64: {  	[sflag:s25] =	ssyncset.done $0x0  }
0x65: {  	[sflag:s25] =	ssyncadd.s32 $0xFFFFFC00  }
0x66: {  	_ =	swait.ge [sflag:s25], $0x400  }
0x67: {  	[sflag:s25] =	ssyncset.done $0x0  }
0x68: {  	[sflag:s25] =	ssyncadd.s32 $0xFFFFFC00  }
0x69: {  	_ =	swait.ge [sflag:s25], $0x400  }
0x6a: {  	[sflag:s25] =	ssyncset.done $0x0  }
0x6b: {  	s29 =	simm.s32 $0x7;
	[sflag:s25] =	ssyncadd.s32 $0xFFFFFC00  }
0x6c: {  	_ =	swait.ge [sflag:s29], $0x400  }
0x6d: {  	[sflag:s29] =	ssyncset.done $0x0  }
0x6e: {  	[sflag:s29] =	ssyncadd.s32 $0xFFFFFC00  }
0x6f: {  	_ =	swait.ge [sflag:s29], $0x400  }
0x70: {  	[sflag:s29] =	ssyncset.done $0x0  }
0x71: {  	[sflag:s29] =	ssyncadd.s32 $0xFFFFFC00  }
0x72: {  	_ =	swait.ge [sflag:s29], $0x400  }
0x73: {  	[sflag:s29] =	ssyncset.done $0x0  }
0x74: {  	[sflag:s29] =	ssyncadd.s32 $0xFFFFFC00  }
0x75: {  	_ =	swait.ge [sflag:s29], $0x400  }
0x76: {  	[sflag:s29] =	ssyncset.done $0x0  }
0x77: {  	[sflag:s29] =	ssyncadd.s32 $0xFFFFFC00  }
0x78: {  	_ =	swait.ge [sflag:s29], $0x400  }
0x79: {  	[sflag:s29] =	ssyncset.done $0x0  }
0x7a: {  	[sflag:s29] =	ssyncadd.s32 $0xFFFFFC00  }
0x7b: {  	_ =	swait.ge [sflag:s29], $0x400  }
0x7c: {  	[sflag:s29] =	ssyncset.done $0x0  }
0x7d: {  	[sflag:s29] =	ssyncadd.s32 $0xFFFFFC00  }
0x7e: {  	_ =	swait.ge [sflag:s29], $0x400  }
0x7f: {  	[sflag:s29] =	ssyncset.done $0x0  }
0x80: {  	[sflag:s29] =	ssyncadd.s32 $0xFFFFFC00  }
0x81: {  	_ =	swait.ge [sflag:s29], $0x400  }
0x82: {  	[sflag:s29] =	ssyncset.done $0x0  }
0x83: {  	s1 =	simm.s32 $0x8;
	[sflag:s29] =	ssyncadd.s32 $0xFFFFFC00  }
0x84: {  	_ =	swait.ge [sflag:s1], $0x400  }
0x85: {  	[sflag:s1] =	ssyncset.done $0x0  }
0x86: {  	[sflag:s1] =	ssyncadd.s32 $0xFFFFFC00  }
0x87: {  	_ =	swait.ge [sflag:s1], $0x400  }
0x88: {  	[sflag:s1] =	ssyncset.done $0x0  }
0x89: {  	[sflag:s1] =	ssyncadd.s32 $0xFFFFFC00  }
0x8a: {  	_ =	swait.ge [sflag:s1], $0x400  }
0x8b: {  	[sflag:s1] =	ssyncset.done $0x0  }
0x8c: {  	[sflag:s1] =	ssyncadd.s32 $0xFFFFFC00  }
0x8d: {  	_ =	swait.ge [sflag:s1], $0x400  }
0x8e: {  	[sflag:s1] =	ssyncset.done $0x0  }
0x8f: {  	[sflag:s1] =	ssyncadd.s32 $0xFFFFFC00  }
0x90: {  	_ =	swait.ge [sflag:s1], $0x400  }
0x91: {  	[sflag:s1] =	ssyncset.done $0x0  }
0x92: {  	[sflag:s1] =	ssyncadd.s32 $0xFFFFFC00  }
0x93: {  	_ =	swait.ge [sflag:s1], $0x400  }
0x94: {  	[sflag:s1] =	ssyncset.done $0x0  }
0x95: {  	[sflag:s1] =	ssyncadd.s32 $0xFFFFFC00  }
0x96: {  	_ =	swait.ge [sflag:s1], $0x400  }
0x97: {  	[sflag:s1] =	ssyncset.done $0x0  }
0x98: {  	[sflag:s1] =	ssyncadd.s32 $0xFFFFFC00  }
0x99: {  	_ =	swait.ge [sflag:s1], $0x400  }
0x9a: {  	s6 =	rddreg [dreg:$0x5]  }
0x9b: {  	s31 =	rddreg [dreg:$0x4];
	s6 =	sadd.s32 $0x1, s6  }
0x9c: {  	p0 =	sne.s32 s6, s31  }
.Ltmp1:
0x9d: {  	_ = 	snop;
	(pc) =	sbr.rel @!p0 .LBB2_13-.Ltmp1, $3  }
0x9e: {  	_ =	sdelay $0x1  }
0x9f: {  	[sflag:s1] =	ssyncset.done $0x0  }
0xa0: {  	[sflag:s1] =	ssyncadd.s32 $0xFFFFFC00  }
.LBB2_1:
0xa1: {  	[dreg:$0x5] =	wrdreg s6  }
0xa2: {  	s0 =	rddreg [dreg:$0x3];
	s23 =	simm.s32 $0x9  }
0xa3: {  	[tilespmem:s3], [sflag:$0x9] =	stream.linear.gather [hbm4b:s0+s3], $0x2800, $0x38;
	[tilespmem:$0x12800] =	vst v63  }
0xa4: {  	_ =	swait.ge [sflag:s23], $0x2800  }
0xa5: {  	[sflag:s23] =	ssyncset.done $0x0  }
0xa6: {  	s25 =	simm.s32 $0x80;
	[sflag:s23] =	ssyncadd.s32 $0xFFFFD800  }
0xa7: {  	[tilespmem:s17], [sflag:$0x1] =	stream.indirect.gather [hbm4b:s4+s25], $0x40, s3, s25, $0xb8;
	[tilespmem:$0x12800] =	vst v63  }
0xa8: {  	_ = 	snop  }
0xa9: {  	[tilespmem:s18], [sflag:$0x2] =	stream.indirect.gather [hbm4b:s4+s25], $0x40, s25, s25, $0xb8;
	[tilespmem:$0x12800] =	vst v63  }
0xaa: {  	s1 =	simm.s32 $0x100  }
0xab: {  	[tilespmem:s20], [sflag:$0x3] =	stream.indirect.gather [hbm4b:s4+s25], $0x40, s1, s25, $0xb8;
	[tilespmem:$0x12800] =	vst v63  }
0xac: {  	s29 =	simm.s32 $0x180;
	s31 =	simm.s32 $0x0  }
0xad: {  	[tilespmem:s22], [sflag:$0x4] =	stream.indirect.gather [hbm4b:s4+s25], $0x40, s29, s25, $0xb8;
	[tilespmem:$0x12800] =	vst v63  }
.LBB2_2:
0xae: {  	s0 =	simm.s32 $0x1  }
0xaf: {  	_ =	swait.ge [sflag:s0], $0x2000  }
0xb0: {  	p0 =	seq.s32 s31, $0x0;
	[sflag:s0] =	ssyncset.done $0x0  }
0xb1: {  	[sflag:s0] =	ssyncadd.s32 $0xFFFFE000;
	s0 =	simm.s32 @!p0 $0x5  }
0xb2: {  	_ =	swait.ge @!p0 [sflag:s0], $0x400  }
0xb3: {  	[sflag:s0] =	ssyncset.done @!p0 $0x0  }
0xb4: {  	[sflag:s0] =	ssyncadd.s32 @!p0 $0xFFFFFC00  }
0xb5: {  	_ =	swait.ge @!p0 [sflag:s0], $0x400  }
0xb6: {  	[sflag:s0] =	ssyncset.done @!p0 $0x0  }
0xb7: {  	[sflag:s0] =	ssyncadd.s32 @!p0 $0xFFFFFC00  }
0xb8: {  	_ =	swait.ge @!p0 [sflag:s0], $0x400  }
0xb9: {  	[sflag:s0] =	ssyncset.done @!p0 $0x0  }
0xba: {  	[sflag:s0] =	ssyncadd.s32 @!p0 $0xFFFFFC00  }
0xbb: {  	_ =	swait.ge @!p0 [sflag:s0], $0x400  }
0xbc: {  	[sflag:s0] =	ssyncset.done @!p0 $0x0  }
0xbd: {  	[sflag:s0] =	ssyncadd.s32 @!p0 $0xFFFFFC00  }
0xbe: {  	_ =	swait.ge @!p0 [sflag:s0], $0x400  }
0xbf: {  	[sflag:s0] =	ssyncset.done @!p0 $0x0  }
0xc0: {  	[sflag:s0] =	ssyncadd.s32 @!p0 $0xFFFFFC00  }
0xc1: {  	_ =	swait.ge @!p0 [sflag:s0], $0x400  }
0xc2: {  	[sflag:s0] =	ssyncset.done @!p0 $0x0  }
0xc3: {  	[sflag:s0] =	ssyncadd.s32 @!p0 $0xFFFFFC00  }
0xc4: {  	_ =	swait.ge @!p0 [sflag:s0], $0x400  }
0xc5: {  	[sflag:s0] =	ssyncset.done @!p0 $0x0  }
0xc6: {  	v34 =	vmov v40;
	v37 =	vmov v41;
	v33 =	vmov v42;
	[sflag:s0] =	ssyncadd.s32 @!p0 $0xFFFFFC00  }
0xc7: {  	v35 =	vmovc v43;
	v36 =	vmovc v44;
	v30 =	vmov v47;
	v25 =	vmov v48;
	v41 =	vmov v49;
	_ =	swait.ge @!p0 [sflag:s0], $0x400  }
0xc8: {  	v44 =	vmovc v50;
	v43 =	vmovc v52;
	v27 =	vmov v55;
	v47 =	vmov v56;
	v29 =	vmov v63;
	[sflag:s0] =	ssyncset.done @!p0 $0x0  }
0xc9: {  	s1 =	sshll.u32 s31, $0x2;
	s21 =	simm.s32 $0x0;
	v55 =	vmovc v57;
	v48 =	vmovc v16;
	v59 =	vmov v19;
	v57 =	vmov v20;
	v42 =	vmov v21;
	[sflag:s0] =	ssyncadd.s32 @!p0 $0xFFFFFC00  }
.LBB2_3:
0xca: {  	v1 =	vld [tilespmem:$0x1FD30];
	_ =	sdelay $0x4  }
0xcb: {  	s0 =	sadd.s32 $0x3, s21;
	v2 =	vor.u32 s21, v1  }
0xcc: {  	v17 =	vor.u32 s0, v29  }
0xcd: {  	v4 =	vmov s21;
	s6 =	sadd.s32 $0x2, s21  }
0xce: {  	s14 =	sadd.s32 $0x1, s21;
	v4 =	vshll.u32 v4, $0x7;
	v16 =	vmov s6  }
0xcf: {  	v19 =	vshll.u32 v16, $0x7;
	v16 =	vmov s0;
	v6 =	vor.u32 s14, v30  }
0xd0: {  	v8 =	vor.u32 v45, v4;
	v16 =	vshll.u32 v16, $0x7;
	v10 =	vor.u32 s6, v27;
	v2 =	vld.idx.msk [tilespmem:v2+s17+$0x0], $0xffff  }
0xd1: {  	v12 =	vor.u32 s21, v34;
	v23 =	vor.u32 v45, v16;
	v17 =	vld.idx.msk [tilespmem:v17+s17+$0x0], $0xffff  }
0xd2: {  	v60 =	vld [tilespmem:$0x1FDF0];
	v14 =	vmov s14;
	v24 =	vor.u32 s0, v55  }
0xd3: {  	v53 =	vld [tilespmem:$0x1FDD0];
	v14 =	vshll.u32 v14, $0x7  }
0xd4: {  	v18 =	vor.u32 v45, v14;
	v6 =	vld.idx.msk [tilespmem:v6+s17+$0x0], $0xffff  }
0xd5: {  	[tilespmem:v8+s24+$0x0] =	vst.idx.msk $0xffff, v2;
	v2 =	vor.u32 s14, v25;
	v8 =	vld.idx.msk [tilespmem:v10+s17+$0x0], $0xffff;
	v10 =	vor.u32 v45, v19  }
0xd6: {  	v21 =	vor.u32 s6, v47;
	v20 =	vor.u32 v3, v4;
	[tilespmem:v23+s24+$0x0] =	vst.idx.msk $0xffff, v17;
	v12 =	vld.idx.msk [tilespmem:v12+s17+$0x0], $0xffff  }
0xd7: {  	v32 =	vor.u32 s6, v38;
	v22 =	vor.u32 s21, v37;
	v40 =	vor.u32 v3, v16;
	v38 =	vld.idx.msk [tilespmem:v24+s17+$0x0], $0xffff  }
0xd8: {  	v63 =	vld [tilespmem:$0x1FE00];
	v24 =	vor.u32 s0, v60  }
0xd9: {  	v0 =	vld [tilespmem:$0x1FDC0];
	[tilespmem:v18+s24+$0x0] =	vst.idx.msk $0xffff, v6  }
0xda: {  	v2 =	vld.idx.msk [tilespmem:v2+s17+$0x0], $0xffff;
	[tilespmem:v10+s24+$0x0] =	vst.idx.msk $0xffff, v8  }
0xdb: {  	v6 =	vor.u32 v3, v14;
	[tilespmem:v20+s24+$0x0] =	vst.idx.msk $0xffff, v12;
	v10 =	vld.idx.msk [tilespmem:v21+s17+$0x0], $0xffff  }
0xdc: {  	v8 =	vor.u32 s14, v41;
	[tilespmem:v40+s24+$0x0] =	vst.idx.msk $0xffff, v38;
	v18 =	vld.idx.msk [tilespmem:v22+s17+$0x0], $0xffff  }
0xdd: {  	v22 =	vld.idx.msk [tilespmem:v24+s17+$0x0], $0xffff  }
0xde: {  	v12 =	vor.u32 v3, v19;
	v24 =	vld [tilespmem:$0x1FE40]  }
0xdf: {  	v51 =	vld [tilespmem:$0x1FC90]  }
0xe0: {  	v58 =	vor.u32 v5, v4;
	v55 =	vld [tilespmem:$0x1FDE0];
	[tilespmem:v6+s24+$0x0] =	vst.idx.msk $0xffff, v2  }
0xe1: {  	v17 =	vor.u32 s21, v33;
	v6 =	vor.u32 v5, v14;
	v2 =	vld.idx.msk [tilespmem:v8+s17+$0x0], $0xffff  }
0xe2: {  	v47 =	vld [tilespmem:$0x1FDA0];
	v50 =	vor.u32 v5, v16;
	v8 =	vor.u32 s14, v44  }
0xe3: {  	v25 =	vld [tilespmem:$0x1FED0];
	[tilespmem:v12+s24+$0x0] =	vst.idx.msk $0xffff, v10;
	v24 =	vor.u32 s0, v24  }
0xe4: {  	v12 =	vor.u32 v5, v19;
	v10 =	vld.idx.msk [tilespmem:v32+s17+$0x0], $0xffff  }
0xe5: {  	v41 =	vor.u32 s6, v55;
	v44 =	vld [tilespmem:$0x1FD90];
	[tilespmem:v58+s24+$0x0] =	vst.idx.msk $0xffff, v18  }
0xe6: {  	v18 =	vor.u32 v7, v4;
	v17 =	vld.idx.msk [tilespmem:v17+s17+$0x0], $0xffff;
	[tilespmem:v6+s24+$0x0] =	vst.idx.msk $0xffff, v2  }
0xe7: {  	v49 =	vor.u32 s21, v35;
	[tilespmem:v50+s24+$0x0] =	vst.idx.msk $0xffff, v22;
	v6 =	vor.u32 v7, v14;
	v2 =	vld.idx.msk [tilespmem:v8+s17+$0x0], $0xffff  }
0xe8: {  	v58 =	vor.u32 v7, v16;
	v8 =	vor.u32 s14, v47;
	v22 =	vld.idx.msk [tilespmem:v24+s17+$0x0], $0xffff  }
0xe9: {  	v32 =	vld [tilespmem:$0x1FE70];
	[tilespmem:v12+s24+$0x0] =	vst.idx.msk $0xffff, v10;
	v24 =	vor.u32 s0, v63  }
0xea: {  	v12 =	vor.u32 v7, v19;
	v10 =	vld.idx.msk [tilespmem:v41+s17+$0x0], $0xffff  }
0xeb: {  	v54 =	vor.u32 s6, v53;
	[tilespmem:v18+s24+$0x0] =	vst.idx.msk $0xffff, v17;
	v41 =	vld [tilespmem:$0x1FD70]  }
0xec: {  	v17 =	vld.idx.msk [tilespmem:v49+s17+$0x0], $0xffff;
	[tilespmem:v6+s24+$0x0] =	vst.idx.msk $0xffff, v2  }
0xed: {  	v18 =	vor.u32 v9, v4;
	[tilespmem:v58+s24+$0x0] =	vst.idx.msk $0xffff, v22;
	v2 =	vld.idx.msk [tilespmem:v8+s17+$0x0], $0xffff  }
0xee: {  	v56 =	vor.u32 s21, v36;
	v22 =	vld.idx.msk [tilespmem:v24+s17+$0x0], $0xffff  }
0xef: {  	[tilespmem:v12+s24+$0x0] =	vst.idx.msk $0xffff, v10;
	v24 =	vld [tilespmem:$0x1FE80]  }
0xf0: {  	v6 =	vor.u32 v9, v14;
	v10 =	vld.idx.msk [tilespmem:v54+s17+$0x0], $0xffff  }
0xf1: {  	v8 =	vor.u32 s14, v43;
	v12 =	vor.u32 v9, v19;
	v54 =	vld [tilespmem:$0x1FF80]  }
0xf2: {  	v50 =	vld [tilespmem:$0x1FE60];
	v20 =	vor.u32 s6, v32;
	[tilespmem:v18+s24+$0x0] =	vst.idx.msk $0xffff, v17  }
0xf3: {  	v18 =	vor.u32 v11, v4;
	v17 =	vld.idx.msk [tilespmem:v56+s17+$0x0], $0xffff  }
0xf4: {  	v35 =	vor.u32 v9, v16;
	v49 =	vld [tilespmem:$0x1FFF0];
	v33 =	vor.u32 s21, v41  }
0xf5: {  	s15 =	sadd.s32 $0x6, s21;
	v56 =	vld [tilespmem:$0x1FE30];
	v24 =	vor.u32 s0, v24;
	[tilespmem:v6+s24+$0x0] =	vst.idx.msk $0xffff, v2  }
0xf6: {  	v6 =	vor.u32 v11, v14;
	v2 =	vld.idx.msk [tilespmem:v8+s17+$0x0], $0xffff;
	[tilespmem:v12+s24+$0x0] =	vst.idx.msk $0xffff, v10;
	v28 =	vor.u32 s15, v54  }
0xf7: {  	v8 =	vor.u32 s14, v44;
	v12 =	vor.u32 v11, v19;
	v10 =	vld.idx.msk [tilespmem:v20+s17+$0x0], $0xffff  }
0xf8: {  	v36 =	vor.u32 s6, v0;
	v43 =	vld [tilespmem:$0x1FD80];
	[tilespmem:v18+s24+$0x0] =	vst.idx.msk $0xffff, v17  }
0xf9: {  	[tilespmem:v35+s24+$0x0] =	vst.idx.msk $0xffff, v22;
	v18 =	vor.u32 v13, v4;
	v17 =	vld.idx.msk [tilespmem:v33+s17+$0x0], $0xffff  }
0xfa: {  	v38 =	vor.u32 s21, v39;
	v39 =	vor.u32 v11, v16;
	v22 =	vld.idx.msk [tilespmem:v24+s17+$0x0], $0xffff  }
0xfb: {  	s16 =	sadd.s32 $0x4, s21;
	v24 =	vor.u32 s0, v56;
	[tilespmem:v6+s24+$0x0] =	vst.idx.msk $0xffff, v2;
	v28 =	vld.idx.msk [tilespmem:v28+s17+$0x0], $0xffff  }
0xfc: {  	v2 =	vor.u32 s16, v50;
	v6 =	vld.idx.msk [tilespmem:v8+s17+$0x0], $0xffff;
	[tilespmem:v12+s24+$0x0] =	vst.idx.msk $0xffff, v10  }
0xfd: {  	v8 =	vor.u32 v13, v14;
	v12 =	vld.idx.msk [tilespmem:v36+s17+$0x0], $0xffff  }
0xfe: {  	[tilespmem:v18+s24+$0x0] =	vst.idx.msk $0xffff, v17;
	v18 =	vor.u32 v13, v19;
	v17 =	vld [tilespmem:$0x1FEC0]  }
0xff: {  	v10 =	vor.u32 s14, v43;
	v21 =	vld.idx.msk [tilespmem:v38+s17+$0x0], $0xffff;
	[tilespmem:v39+s24+$0x0] =	vst.idx.msk $0xffff, v22  }
0x100: {  	s29 =	sadd.s32 $0x5, s21;
	v4 =	vor.u32 v15, v4;
	v22 =	vld.idx.msk [tilespmem:v24+s17+$0x0], $0xffff  }
0x101: {  	v25 =	vor.u32 s0, v25;
	v24 =	vor.u32 s29, v59;
	v26 =	vld.idx.msk [tilespmem:v2+s17+$0x0], $0xffff  }
0x102: {  	v40 =	vor.u32 $0x7, v1;
	v58 =	vor.u32 v13, v16;
	v2 =	vld [tilespmem:$0x1FF20];
	[tilespmem:v8+s24+$0x0] =	vst.idx.msk $0xffff, v6;
	v6 =	vor.u32 v15, v14  }
0x103: {  	v0 =	vld [tilespmem:$0x1FFE0];
	s0 =	sadd.s32 $0x7, s21;
	v46 =	vor.u32 s6, v17;
	v17 =	vmov s16;
	[tilespmem:v18+s24+$0x0] =	vst.idx.msk $0xffff, v12;
	v12 =	vmov s29  }
0x104: {  	v10 =	vld.idx.msk [tilespmem:v10+s17+$0x0], $0xffff;
	v17 =	vshll.u32 v17, $0x7;
	v18 =	vshll.u32 v12, $0x7;
	v12 =	vor.u32 s0, v40  }
0x105: {  	s25 =	sadd.s32 $0x8, s21;
	[tilespmem:v4+s24+$0x0] =	vst.idx.msk $0xffff, v21;
	v4 =	vld [tilespmem:$0x1FF10];
	v27 =	vor.u32 v45, v17  }
0x106: {  	s23 =	sadd.s32 $0x9, s21;
	v31 =	vor.u32 s25, v1;
	v14 =	vor.u32 s16, v49;
	v59 =	vld.idx.msk [tilespmem:v24+s17+$0x0], $0xffff  }
0x107: {  	v62 =	vmov s0;
	[tilespmem:v58+s24+$0x0] =	vst.idx.msk $0xffff, v22;
	v24 =	vor.u32 v45, v18;
	v32 =	vor.u32 s23, v2;
	v2 =	vld [tilespmem:$0x1FF60]  }
0x108: {  	v21 =	vshll.u32 v62, $0x7;
	v20 =	vld.idx.msk [tilespmem:v25+s17+$0x0], $0xffff  }
0x109: {  	v8 =	vor.u32 v15, v19;
	v19 =	vmov s15;
	[tilespmem:v6+s24+$0x0] =	vst.idx.msk $0xffff, v10;
	v10 =	vor.u32 v45, v21;
	v6 =	vld.idx.msk [tilespmem:v12+s17+$0x0], $0xffff  }
0x10a: {  	v19 =	vshll.u32 v19, $0x7;
	v29 =	vld.idx.msk [tilespmem:v46+s17+$0x0], $0xffff;
	[tilespmem:v27+s24+$0x0] =	vst.idx.msk $0xffff, v26;
	v26 =	vor.u32 s29, v57  }
0x10b: {  	v61 =	vor.u32 $0x407, v1;
	v27 =	vor.u32 v45, v19;
	v14 =	vld.idx.msk [tilespmem:v14+s17+$0x0], $0xffff  }
0x10c: {  	v12 =	vor.u32 s0, v61;
	[tilespmem:v24+s24+$0x0] =	vst.idx.msk $0xffff, v59;
	v24 =	vld.idx.msk [tilespmem:v31+s17+$0x0], $0xffff  }
0x10d: {  	v30 =	vor.u32 v3, v17;
	v59 =	vld [tilespmem:$0x1FF70]  }
0x10e: {  	v36 =	vor.u32 s15, v0;
	v38 =	vmov s25;
	[tilespmem:v10+s24+$0x0] =	vst.idx.msk $0xffff, v6;
	v6 =	vld [tilespmem:$0x1FF90]  }
0x10f: {  	v22 =	vshll.u32 v38, $0x7;
	[tilespmem:v8+s24+$0x0] =	vst.idx.msk $0xffff, v29;
	v8 =	vld.idx.msk [tilespmem:v26+s17+$0x0], $0xffff  }
0x110: {  	v25 =	vor.u32 s16, v48;
	v31 =	vor.u32 v45, v22;
	[tilespmem:v27+s24+$0x0] =	vst.idx.msk $0xffff, v28;
	v27 =	vor.u32 s23, v2;
	v2 =	vmovc v57;
	v57 =	vld [tilespmem:$0x1FE90]  }
0x111: {  	v39 =	vmov s23;
	v29 =	vor.u32 s25, v34;
	v12 =	vld.idx.msk [tilespmem:v12+s17+$0x0], $0xffff  }
0x112: {  	v23 =	vshll.u32 v39, $0x7;
	v26 =	vor.u32 v3, v18;
	[tilespmem:v30+s24+$0x0] =	vst.idx.msk $0xffff, v14;
	v30 =	vld.idx.msk [tilespmem:v32+s17+$0x0], $0xffff  }
0x113: {  	v14 =	vor.u32 s29, v42;
	v32 =	vor.u32 v45, v23;
	v33 =	vld.idx.msk [tilespmem:v36+s17+$0x0], $0xffff  }
0x114: {  	v52 =	vmov v42;
	v48 =	vor.u32 v3, v19;
	v42 =	vld [tilespmem:$0x1FEA0]  }
0x115: {  	[tilespmem:v31+s24+$0x0] =	vst.idx.msk $0xffff, v24;
	v25 =	vld.idx.msk [tilespmem:v25+s17+$0x0], $0xffff  }
0x116: {  	v62 =	vor.u32 $0x807, v1;
	v46 =	vor.u32 v5, v17;
	v10 =	vor.u32 s15, v4;
	v24 =	vld.idx.msk [tilespmem:v29+s17+$0x0], $0xffff  }
0x117: {  	v58 =	vor.u32 v3, v21;
	v34 =	vor.u32 s16, v6;
	v6 =	vld [tilespmem:$0x1FCC0];
	v28 =	vor.u32 s16, v57;
	[tilespmem:v26+s24+$0x0] =	vst.idx.msk $0xffff, v8  }
0x118: {  	v8 =	vor.u32 s0, v62;
	v14 =	vld.idx.msk [tilespmem:v14+s17+$0x0], $0xffff;
	[tilespmem:v32+s24+$0x0] =	vst.idx.msk $0xffff, v30  }
0x119: {  	v26 =	vor.u32 v3, v22;
	[tilespmem:v48+s24+$0x0] =	vst.idx.msk $0xffff, v33;
	v48 =	vld [tilespmem:$0x1FFB0]  }
0x11a: {  	v31 =	vor.u32 s25, v37;
	v27 =	vld.idx.msk [tilespmem:v27+s17+$0x0], $0xffff  }
0x11b: {  	v29 =	vor.u32 v5, v18;
	[tilespmem:v46+s24+$0x0] =	vst.idx.msk $0xffff, v25;
	v10 =	vld.idx.msk [tilespmem:v10+s17+$0x0], $0xffff  }
0x11c: {  	[tilespmem:v58+s24+$0x0] =	vst.idx.msk $0xffff, v12;
	v25 =	vor.u32 s29, v59;
	v28 =	vld.idx.msk [tilespmem:v28+s17+$0x0], $0xffff  }
0x11d: {  	v46 =	vor.u32 v5, v19;
	v36 =	vld.idx.msk [tilespmem:v8+s17+$0x0], $0xffff  }
0x11e: {  	v30 =	vor.u32 v3, v23;
	[tilespmem:v26+s24+$0x0] =	vst.idx.msk $0xffff, v24;
	v8 =	vld [tilespmem:$0x1FD20]  }
0x11f: {  	v32 =	vor.u32 v7, v17;
	v33 =	vor.u32 s23, v42;
	v24 =	vld.idx.msk [tilespmem:v31+s17+$0x0], $0xffff  }
0x120: {  	v58 =	vor.u32 v5, v21;
	[tilespmem:v29+s24+$0x0] =	vst.idx.msk $0xffff, v14;
	v31 =	vld [tilespmem:$0x1FF30]  }
0x121: {  	v25 =	vld.idx.msk [tilespmem:v25+s17+$0x0], $0xffff  }
0x122: {  	v42 =	vor.u32 $0xC07, v1;
	v12 =	vor.u32 s15, v48;
	[tilespmem:v46+s24+$0x0] =	vst.idx.msk $0xffff, v10;
	v10 =	vld [tilespmem:$0x1FEB0]  }
0x123: {  	v14 =	vor.u32 s0, v42;
	v29 =	vor.u32 v7, v18;
	[tilespmem:v30+s24+$0x0] =	vst.idx.msk $0xffff, v27;
	v27 =	vor.u32 s29, v6;
	v6 =	vld [tilespmem:$0x1FF40]  }
0x124: {  	v26 =	vor.u32 v5, v22;
	[tilespmem:v32+s24+$0x0] =	vst.idx.msk $0xffff, v28;
	v28 =	vld.idx.msk [tilespmem:v33+s17+$0x0], $0xffff  }
0x125: {  	[tilespmem:v58+s24+$0x0] =	vst.idx.msk $0xffff, v36;
	v58 =	vld [tilespmem:$0x1FD00];
	v31 =	vor.u32 s25, v31  }
0x126: {  	v32 =	vld.idx.msk [tilespmem:v34+s17+$0x0], $0xffff  }
0x127: {  	v30 =	vor.u32 v5, v23;
	v12 =	vld.idx.msk [tilespmem:v12+s17+$0x0], $0xffff  }
0x128: {  	v46 =	vor.u32 v7, v19;
	v14 =	vld.idx.msk [tilespmem:v14+s17+$0x0], $0xffff;
	[tilespmem:v29+s24+$0x0] =	vst.idx.msk $0xffff, v25  }
0x129: {  	[tilespmem:v26+s24+$0x0] =	vst.idx.msk $0xffff, v24;
	v34 =	vor.u32 s23, v10;
	v27 =	vld.idx.msk [tilespmem:v27+s17+$0x0], $0xffff  }
0x12a: {  	v36 =	vor.u32 s15, v58;
	v25 =	vld.idx.msk [tilespmem:v31+s17+$0x0], $0xffff  }
0x12b: {  	v33 =	vor.u32 v9, v17;
	v31 =	vor.u32 s25, v6;
	v6 =	vld [tilespmem:$0x1FCA0]  }
0x12c: {  	v35 =	vor.u32 s16, v51;
	[tilespmem:v30+s24+$0x0] =	vst.idx.msk $0xffff, v28;
	v28 =	vld [tilespmem:$0x1FCD0]  }
0x12d: {  	v37 =	vor.u32 v7, v21;
	v10 =	vor.u32 $0x1007, v1;
	[tilespmem:v46+s24+$0x0] =	vst.idx.msk $0xffff, v12;
	v46 =	vld [tilespmem:$0x1FCE0]  }
0x12e: {  	v26 =	vor.u32 v7, v22;
	v24 =	vor.u32 s0, v10;
	v30 =	vld.idx.msk [tilespmem:v34+s17+$0x0], $0xffff  }
0x12f: {  	v39 =	vor.u32 v9, v19;
	v36 =	vld.idx.msk [tilespmem:v36+s17+$0x0], $0xffff  }
0x130: {  	[tilespmem:v33+s24+$0x0] =	vst.idx.msk $0xffff, v32;
	v32 =	vor.u32 v7, v23;
	v38 =	vor.u32 s16, v6;
	v6 =	vld [tilespmem:$0x1FD10]  }
0x131: {  	v33 =	vld.idx.msk [tilespmem:v35+s17+$0x0], $0xffff;
	v34 =	vor.u32 v11, v17;
	v35 =	vor.u32 s23, v47  }
0x132: {  	v29 =	vor.u32 v9, v18;
	[tilespmem:v37+s24+$0x0] =	vst.idx.msk $0xffff, v14;
	v47 =	vld [tilespmem:$0x1FDB0]  }
0x133: {  	v24 =	vld.idx.msk [tilespmem:v24+s17+$0x0], $0xffff;
	v28 =	vor.u32 s29, v28;
	[tilespmem:v26+s24+$0x0] =	vst.idx.msk $0xffff, v25  }
0x134: {  	v37 =	vor.u32 v9, v21;
	v12 =	vor.u32 $0x1407, v1;
	[tilespmem:v39+s24+$0x0] =	vst.idx.msk $0xffff, v36;
	v36 =	vld [tilespmem:$0x1FEE0]  }
0x135: {  	v25 =	vor.u32 s0, v12;
	[tilespmem:v32+s24+$0x0] =	vst.idx.msk $0xffff, v30;
	v14 =	vor.u32 s15, v6;
	v6 =	vld [tilespmem:$0x1FF50]  }
0x136: {  	[tilespmem:v34+s24+$0x0] =	vst.idx.msk $0xffff, v33;
	v33 =	vor.u32 v9, v23;
	v32 =	vld.idx.msk [tilespmem:v35+s17+$0x0], $0xffff  }
0x137: {  	[tilespmem:v29+s24+$0x0] =	vst.idx.msk $0xffff, v27;
	v26 =	vld.idx.msk [tilespmem:v31+s17+$0x0], $0xffff  }
0x138: {  	v27 =	vor.u32 v9, v22;
	v28 =	vld.idx.msk [tilespmem:v28+s17+$0x0], $0xffff  }
0x139: {  	v35 =	vor.u32 v13, v17;
	[tilespmem:v37+s24+$0x0] =	vst.idx.msk $0xffff, v24;
	v34 =	vld.idx.msk [tilespmem:v38+s17+$0x0], $0xffff;
	v36 =	vor.u32 s23, v36  }
0x13a: {  	v29 =	vor.u32 v11, v18;
	v25 =	vld.idx.msk [tilespmem:v25+s17+$0x0], $0xffff;
	v30 =	vor.u32 s25, v6  }
0x13b: {  	v31 =	vor.u32 s29, v46;
	[tilespmem:v33+s24+$0x0] =	vst.idx.msk $0xffff, v32;
	v32 =	vor.u32 s25, v41;
	v41 =	vld [tilespmem:$0x1FEA0]  }
0x13c: {  	v6 =	vld [tilespmem:$0x1FCB0]  }
0x13d: {  	v24 =	vor.u32 v11, v19;
	[tilespmem:v27+s24+$0x0] =	vst.idx.msk $0xffff, v26;
	v39 =	vld.idx.msk [tilespmem:v14+s17+$0x0], $0xffff  }
0x13e: {  	[tilespmem:v35+s24+$0x0] =	vst.idx.msk $0xffff, v34;
	v34 =	vld.idx.msk [tilespmem:v36+s17+$0x0], $0xffff  }
0x13f: {  	v37 =	vor.u32 s15, v8;
	v26 =	vor.u32 v11, v21;
	[tilespmem:v29+s24+$0x0] =	vst.idx.msk $0xffff, v28;
	v14 =	vor.u32 $0x1807, v1;
	v28 =	vld.idx.msk [tilespmem:v30+s17+$0x0], $0xffff  }
0x140: {  	v27 =	vor.u32 s0, v14;
	v30 =	vld.idx.msk [tilespmem:v31+s17+$0x0], $0xffff  }
0x141: {  	v35 =	vor.u32 v11, v23;
	v38 =	vor.u32 s16, v6;
	v6 =	vld [tilespmem:$0x1FCF0]  }
0x142: {  	[tilespmem:v24+s24+$0x0] =	vst.idx.msk $0xffff, v39;
	v39 =	vld [tilespmem:$0x1FD60]  }
0x143: {  	v24 =	vor.u32 v15, v16;
	v16 =	vld [tilespmem:$0x1FD40]  }
0x144: {  	[tilespmem:v26+s24+$0x0] =	vst.idx.msk $0xffff, v25;
	v37 =	vld.idx.msk [tilespmem:v37+s17+$0x0], $0xffff  }
0x145: {  	v29 =	vor.u32 v11, v22;
	v27 =	vld.idx.msk [tilespmem:v27+s17+$0x0], $0xffff  }
0x146: {  	v31 =	vor.u32 v13, v18;
	[tilespmem:v35+s24+$0x0] =	vst.idx.msk $0xffff, v34;
	v35 =	vor.u32 v15, v18;
	v18 =	vor.u32 s23, v43;
	v43 =	vld [tilespmem:$0x1FEE0]  }
0x147: {  	v25 =	vor.u32 v13, v19;
	v36 =	vld.idx.msk [tilespmem:v38+s17+$0x0], $0xffff  }
0x148: {  	v38 =	vor.u32 s23, v44;
	v44 =	vld [tilespmem:$0x1FEB0]  }
0x149: {  	v33 =	vor.u32 s29, v6;
	v26 =	vor.u32 s15, v16;
	v16 =	vor.u32 $0x1C07, v1;
	v1 =	vld [tilespmem:$0x1FFA0]  }
0x14a: {  	[tilespmem:v29+s24+$0x0] =	vst.idx.msk $0xffff, v28;
	v6 =	vld [tilespmem:$0x1FDC0]  }
0x14b: {  	[tilespmem:v31+s24+$0x0] =	vst.idx.msk $0xffff, v30;
	v30 =	vld.idx.msk [tilespmem:v32+s17+$0x0], $0xffff  }
0x14c: {  	v28 =	vor.u32 v13, v21;
	s29 =	sadd.s32 $0xF, s21;
	[tilespmem:v25+s24+$0x0] =	vst.idx.msk $0xffff, v37;
	v25 =	vor.u32 v15, v19;
	v19 =	vld [tilespmem:$0x1FEF0]  }
0x14d: {  	[tilespmem:$0x1FC70] =	vst v40;
	v37 =	vor.u32 s29, v40;
	v40 =	vmovc v61;
	v61 =	vmov v10;
	v10 =	vmov v59;
	v59 =	vld [tilespmem:$0x1FFA0]  }
0x14e: {  	v31 =	vor.u32 v13, v22;
	v29 =	vor.u32 s0, v16;
	v32 =	vld.idx.msk [tilespmem:v33+s17+$0x0], $0xffff  }
0x14f: {  	[tilespmem:v24+s24+$0x0] =	vst.idx.msk $0xffff, v20;
	v33 =	vor.u32 s25, v39;
	v24 =	vld.idx.msk [tilespmem:v38+s17+$0x0], $0xffff  }
0x150: {  	v34 =	vor.u32 v13, v23;
	v38 =	vld [tilespmem:$0x1FD50]  }
0x151: {  	[tilespmem:v28+s24+$0x0] =	vst.idx.msk $0xffff, v27;
	v28 =	vld [tilespmem:$0x1FF00]  }
0x152: {  	s14 =	sadd.s32 $0xA, s21;
	v20 =	vor.u32 v15, v17;
	v26 =	vld.idx.msk [tilespmem:v26+s17+$0x0], $0xffff  }
0x153: {  	s16 =	sadd.s32 $0xC, s21;
	v19 =	vor.u32 s14, v19;
	v27 =	vld.idx.msk [tilespmem:v29+s17+$0x0], $0xffff;
	[tilespmem:v31+s24+$0x0] =	vst.idx.msk $0xffff, v30  }
0x154: {  	v21 =	vor.u32 v15, v21;
	s23 =	sadd.s32 $0xD, s21;
	s25 =	sadd.s32 $0xE, s21;
	v31 =	vor.u32 s16, v50;
	v29 =	vld.idx.msk [tilespmem:v33+s17+$0x0], $0xffff  }
0x155: {  	s15 =	sadd.s32 $0xB, s21;
	v22 =	vor.u32 v15, v22;
	[tilespmem:v34+s24+$0x0] =	vst.idx.msk $0xffff, v24;
	v34 =	vor.u32 s23, v1;
	v33 =	vor.u32 s25, v54;
	v54 =	vld [tilespmem:$0x1FE50]  }
0x156: {  	v17 =	vmov s14;
	v50 =	vmov s15;
	v28 =	vor.u32 s15, v28;
	v1 =	vld [tilespmem:$0x1FFC0]  }
0x157: {  	v17 =	vshll.u32 v17, $0x7;
	[tilespmem:v20+s24+$0x0] =	vst.idx.msk $0xffff, v36;
	v36 =	vld.idx.msk [tilespmem:v18+s17+$0x0], $0xffff;
	v18 =	vshll.u32 v50, $0x7;
	v50 =	vmov s16  }
0x158: {  	v30 =	vor.u32 v45, v17;
	[tilespmem:v35+s24+$0x0] =	vst.idx.msk $0xffff, v32;
	v32 =	vld.idx.msk [tilespmem:v19+s17+$0x0], $0xffff;
	v19 =	vshll.u32 v50, $0x7;
	v50 =	vmov s23  }
0x159: {  	v23 =	vor.u32 v15, v23;
	v24 =	vor.u32 s14, v47;
	[tilespmem:v21+s24+$0x0] =	vst.idx.msk $0xffff, v27;
	v27 =	vld.idx.msk [tilespmem:v31+s17+$0x0], $0xffff;
	v20 =	vshll.u32 v50, $0x7  }
0x15a: {  	[tilespmem:v22+s24+$0x0] =	vst.idx.msk $0xffff, v29;
	v29 =	vld.idx.msk [tilespmem:v34+s17+$0x0], $0xffff;
	v34 =	vor.u32 v45, v20  }
0x15b: {  	[tilespmem:v25+s24+$0x0] =	vst.idx.msk $0xffff, v26;
	v35 =	vor.u32 v45, v18;
	v25 =	vld.idx.msk [tilespmem:v28+s17+$0x0], $0xffff  }
0x15c: {  	v26 =	vor.u32 s15, v54;
	v28 =	vor.u32 v45, v19;
	v33 =	vld.idx.msk [tilespmem:v33+s17+$0x0], $0xffff  }
0x15d: {  	v31 =	vor.u32 s16, v49;
	v54 =	vmov s25;
	[tilespmem:v30+s24+$0x0] =	vst.idx.msk $0xffff, v32;
	v32 =	vld.idx.msk [tilespmem:v37+s17+$0x0], $0xffff  }
0x15e: {  	v49 =	vmov s29;
	v21 =	vshll.u32 v54, $0x7;
	[tilespmem:v23+s24+$0x0] =	vst.idx.msk $0xffff, v36;
	v23 =	vor.u32 s23, v2;
	v24 =	vld.idx.msk [tilespmem:v24+s17+$0x0], $0xffff  }
0x15f: {  	v22 =	vshll.u32 v49, $0x7;
	v50 =	vor.u32 v45, v21;
	[tilespmem:v34+s24+$0x0] =	vst.idx.msk $0xffff, v29;
	v29 =	vor.u32 s15, v60;
	v60 =	vld [tilespmem:$0x1FE40]  }
0x160: {  	v30 =	vor.u32 s25, v0;
	v0 =	vmov v42;
	v42 =	vor.u32 v45, v22;
	[tilespmem:v35+s24+$0x0] =	vst.idx.msk $0xffff, v25;
	v34 =	vld [tilespmem:$0x1FE10]  }
0x161: {  	v25 =	vor.u32 v3, v17;
	[tilespmem:v28+s24+$0x0] =	vst.idx.msk $0xffff, v27;
	v26 =	vld.idx.msk [tilespmem:v26+s17+$0x0], $0xffff  }
0x162: {  	v54 =	vor.u32 s29, v40;
	v31 =	vld.idx.msk [tilespmem:v31+s17+$0x0], $0xffff  }
0x163: {  	v27 =	vor.u32 s14, v38;
	v28 =	vor.u32 v3, v18;
	v23 =	vld.idx.msk [tilespmem:v23+s17+$0x0], $0xffff  }
0x164: {  	v49 =	vor.u32 v3, v19;
	[tilespmem:v50+s24+$0x0] =	vst.idx.msk $0xffff, v33;
	v33 =	vor.u32 s16, v1;
	v1 =	vld [tilespmem:$0x1FCA0]  }
0x165: {  	[tilespmem:v42+s24+$0x0] =	vst.idx.msk $0xffff, v32;
	v30 =	vld.idx.msk [tilespmem:v30+s17+$0x0], $0xffff  }
0x166: {  	[tilespmem:v25+s24+$0x0] =	vst.idx.msk $0xffff, v24;
	v24 =	vor.u32 s25, v4;
	v4 =	vld [tilespmem:$0x1FCD0]  }
0x167: {  	v42 =	vor.u32 v3, v21;
	v25 =	vld.idx.msk [tilespmem:v54+s17+$0x0], $0xffff  }
0x168: {  	v50 =	vor.u32 v3, v20;
	v27 =	vld.idx.msk [tilespmem:v27+s17+$0x0], $0xffff;
	[tilespmem:v28+s24+$0x0] =	vst.idx.msk $0xffff, v26  }
0x169: {  	v32 =	vor.u32 s23, v52;
	[tilespmem:v49+s24+$0x0] =	vst.idx.msk $0xffff, v31;
	v31 =	vor.u32 s14, v55;
	v55 =	vld [tilespmem:$0x1FE50]  }
0x16a: {  	v29 =	vld.idx.msk [tilespmem:v29+s17+$0x0], $0xffff  }
0x16b: {  	v35 =	vor.u32 v3, v22;
	v33 =	vld.idx.msk [tilespmem:v33+s17+$0x0], $0xffff  }
0x16c: {  	[tilespmem:v42+s24+$0x0] =	vst.idx.msk $0xffff, v30;
	v42 =	vmov v52;
	v52 =	vld [tilespmem:$0x1FF90]  }
0x16d: {  	v26 =	vor.u32 v5, v17;
	v28 =	vor.u32 s29, v62;
	[tilespmem:v50+s24+$0x0] =	vst.idx.msk $0xffff, v23;
	v30 =	vor.u32 s16, v57;
	v57 =	vmovc v2;
	v2 =	vld [tilespmem:$0x1FCB0]  }
0x16e: {  	v32 =	vld.idx.msk [tilespmem:v32+s17+$0x0], $0xffff  }
0x16f: {  	v24 =	vld.idx.msk [tilespmem:v24+s17+$0x0], $0xffff  }
0x170: {  	v50 =	vor.u32 v5, v19;
	[tilespmem:v35+s24+$0x0] =	vst.idx.msk $0xffff, v25;
	v25 =	vor.u32 s23, v10;
	v10 =	vld [tilespmem:$0x1FD10]  }
0x171: {  	v49 =	vor.u32 v5, v18;
	v35 =	vld [tilespmem:$0x1FF40]  }
0x172: {  	v23 =	vor.u32 s15, v60;
	[tilespmem:v26+s24+$0x0] =	vst.idx.msk $0xffff, v27;
	v27 =	vld.idx.msk [tilespmem:v28+s17+$0x0], $0xffff  }
0x173: {  	v54 =	vor.u32 v5, v20;
	v26 =	vor.u32 s25, v48;
	v48 =	vld [tilespmem:$0x1FFC0]  }
0x174: {  	v31 =	vld.idx.msk [tilespmem:v31+s17+$0x0], $0xffff  }
0x175: {  	v60 =	vor.u32 v5, v21;
	[tilespmem:v50+s24+$0x0] =	vst.idx.msk $0xffff, v33;
	v50 =	vld [tilespmem:$0x1FE70]  }
0x176: {  	v28 =	vor.u32 v5, v22;
	[tilespmem:v49+s24+$0x0] =	vst.idx.msk $0xffff, v29;
	v33 =	vor.u32 s14, v53;
	v53 =	vld [tilespmem:$0x1FE80]  }
0x177: {  	[tilespmem:$0x1FC80] =	vst v62;
	v62 =	vor.u32 s29, v0;
	v29 =	vor.u32 v7, v17;
	v23 =	vld.idx.msk [tilespmem:v23+s17+$0x0], $0xffff  }
0x178: {  	[tilespmem:v54+s24+$0x0] =	vst.idx.msk $0xffff, v32;
	v32 =	vor.u32 s15, v63;
	v63 =	vld [tilespmem:$0x1FCC0]  }
0x179: {  	v36 =	vor.u32 v7, v18;
	v30 =	vld.idx.msk [tilespmem:v30+s17+$0x0], $0xffff  }
0x17a: {  	v54 =	vor.u32 v7, v19;
	[tilespmem:v60+s24+$0x0] =	vst.idx.msk $0xffff, v24;
	v25 =	vld.idx.msk [tilespmem:v25+s17+$0x0], $0xffff  }
0x17b: {  	v24 =	vor.u32 s16, v52;
	v60 =	vor.u32 v7, v20;
	[tilespmem:v28+s24+$0x0] =	vst.idx.msk $0xffff, v27;
	v26 =	vld.idx.msk [tilespmem:v26+s17+$0x0], $0xffff  }
0x17c: {  	v28 =	vor.u32 v7, v21;
	[tilespmem:v29+s24+$0x0] =	vst.idx.msk $0xffff, v31;
	v31 =	vld.idx.msk [tilespmem:v62+s17+$0x0], $0xffff  }
0x17d: {  	v29 =	vor.u32 s25, v58;
	v33 =	vld.idx.msk [tilespmem:v33+s17+$0x0], $0xffff  }
0x17e: {  	v62 =	vor.u32 v7, v22;
	v27 =	vor.u32 s23, v63;
	[tilespmem:v36+s24+$0x0] =	vst.idx.msk $0xffff, v23;
	v36 =	vld [tilespmem:$0x1FF50]  }
0x17f: {  	v49 =	vor.u32 s29, v61;
	v63 =	vor.u32 v9, v17;
	[tilespmem:v54+s24+$0x0] =	vst.idx.msk $0xffff, v30;
	v32 =	vld.idx.msk [tilespmem:v32+s17+$0x0], $0xffff  }
0x180: {  	v30 =	vor.u32 s14, v50;
	v54 =	vor.u32 v9, v18;
	[tilespmem:v60+s24+$0x0] =	vst.idx.msk $0xffff, v25;
	v24 =	vld.idx.msk [tilespmem:v24+s17+$0x0], $0xffff  }
0x181: {  	v58 =	vor.u32 v9, v19;
	v25 =	vor.u32 s15, v53;
	[tilespmem:v28+s24+$0x0] =	vst.idx.msk $0xffff, v26;
	v26 =	vor.u32 s16, v51;
	v51 =	vld [tilespmem:$0x1FEC0]  }
0x182: {  	v60 =	vor.u32 v9, v21;
	v29 =	vld.idx.msk [tilespmem:v29+s17+$0x0], $0xffff  }
0x183: {  	v28 =	vor.u32 v9, v20;
	[tilespmem:v62+s24+$0x0] =	vst.idx.msk $0xffff, v31;
	v27 =	vld.idx.msk [tilespmem:v27+s17+$0x0], $0xffff  }
0x184: {  	[tilespmem:v63+s24+$0x0] =	vst.idx.msk $0xffff, v33;
	v62 =	vld.idx.msk [tilespmem:v49+s17+$0x0], $0xffff;
	v63 =	vor.u32 v9, v22  }
0x185: {  	v23 =	vor.u32 s25, v10;
	v30 =	vld.idx.msk [tilespmem:v30+s17+$0x0], $0xffff;
	[tilespmem:v54+s24+$0x0] =	vst.idx.msk $0xffff, v32  }
0x186: {  	v31 =	vor.u32 s23, v4;
	[tilespmem:v58+s24+$0x0] =	vst.idx.msk $0xffff, v24;
	v25 =	vld.idx.msk [tilespmem:v25+s17+$0x0], $0xffff  }
0x187: {  	v32 =	vor.u32 v11, v17;
	v26 =	vld.idx.msk [tilespmem:v26+s17+$0x0], $0xffff;
	[tilespmem:v60+s24+$0x0] =	vst.idx.msk $0xffff, v29  }
0x188: {  	v37 =	vor.u32 s29, v12;
	[tilespmem:v28+s24+$0x0] =	vst.idx.msk $0xffff, v27;
	v27 =	vor.u32 s15, v56;
	v56 =	vld [tilespmem:$0x1FED0]  }
0x189: {  	[tilespmem:v63+s24+$0x0] =	vst.idx.msk $0xffff, v62;
	v62 =	vld [tilespmem:$0x1FCF0]  }
0x18a: {  	v53 =	vor.u32 v11, v18;
	v24 =	vor.u32 s14, v6;
	v23 =	vld.idx.msk [tilespmem:v23+s17+$0x0], $0xffff  }
0x18b: {  	v28 =	vor.u32 v11, v19;
	v31 =	vld.idx.msk [tilespmem:v31+s17+$0x0], $0xffff  }
0x18c: {  	v58 =	vor.u32 v11, v20;
	v29 =	vor.u32 s16, v1;
	[tilespmem:v32+s24+$0x0] =	vst.idx.msk $0xffff, v30;
	v30 =	vor.u32 s25, v8;
	v8 =	vld [tilespmem:$0x1FD40]  }
0x18d: {  	v60 =	vor.u32 s23, v46;
	v63 =	vor.u32 v11, v21;
	v49 =	vld.idx.msk [tilespmem:v37+s17+$0x0], $0xffff  }
0x18e: {  	v50 =	vor.u32 v11, v22;
	v37 =	vld [tilespmem:$0x1FE20]  }
0x18f: {  	v24 =	vld.idx.msk [tilespmem:v24+s17+$0x0], $0xffff;
	[tilespmem:v53+s24+$0x0] =	vst.idx.msk $0xffff, v25;
	v25 =	vor.u32 v13, v17;
	v53 =	vor.u32 s29, v14  }
0x190: {  	[tilespmem:v28+s24+$0x0] =	vst.idx.msk $0xffff, v26;
	v26 =	vor.u32 s14, v51;
	v27 =	vld.idx.msk [tilespmem:v27+s17+$0x0], $0xffff;
	v28 =	vor.u32 v13, v18  }
0x191: {  	v54 =	vor.u32 v13, v19;
	[tilespmem:v58+s24+$0x0] =	vst.idx.msk $0xffff, v31;
	v31 =	vor.u32 s15, v56;
	v29 =	vld.idx.msk [tilespmem:v29+s17+$0x0], $0xffff  }
0x192: {  	[tilespmem:v63+s24+$0x0] =	vst.idx.msk $0xffff, v23;
	v56 =	vor.u32 s16, v2;
	v58 =	vor.u32 v13, v20;
	v33 =	vld.idx.msk [tilespmem:v60+s17+$0x0], $0xffff  }
0x193: {  	[tilespmem:v50+s24+$0x0] =	vst.idx.msk $0xffff, v49;
	v30 =	vld.idx.msk [tilespmem:v30+s17+$0x0], $0xffff;
	v60 =	vor.u32 s23, v62;
	v62 =	vor.u32 v13, v21  }
0x194: {  	v63 =	vor.u32 v13, v22;
	[tilespmem:v25+s24+$0x0] =	vst.idx.msk $0xffff, v24;
	v24 =	vor.u32 s25, v8;
	v25 =	vld.idx.msk [tilespmem:v53+s17+$0x0], $0xffff  }
0x195: {  	v17 =	vor.u32 v15, v17;
	[tilespmem:v28+s24+$0x0] =	vst.idx.msk $0xffff, v27;
	v26 =	vld.idx.msk [tilespmem:v26+s17+$0x0], $0xffff;
	v27 =	vor.u32 s29, v16  }
0x196: {  	v18 =	vor.u32 v15, v18;
	[tilespmem:v54+s24+$0x0] =	vst.idx.msk $0xffff, v29;
	v28 =	vld.idx.msk [tilespmem:v31+s17+$0x0], $0xffff  }
0x197: {  	v19 =	vor.u32 v15, v19;
	[tilespmem:v58+s24+$0x0] =	vst.idx.msk $0xffff, v33;
	v23 =	vld.idx.msk [tilespmem:v56+s17+$0x0], $0xffff  }
0x198: {  	v20 =	vor.u32 v15, v20;
	[tilespmem:v62+s24+$0x0] =	vst.idx.msk $0xffff, v30;
	v29 =	vld.idx.msk [tilespmem:v60+s17+$0x0], $0xffff  }
0x199: {  	v21 =	vor.u32 v15, v21;
	[tilespmem:v63+s24+$0x0] =	vst.idx.msk $0xffff, v25;
	v24 =	vld.idx.msk [tilespmem:v24+s17+$0x0], $0xffff  }
0x19a: {  	p1 =	slt.u32 s21, $0x30;
	v22 =	vor.u32 v15, v22;
	[tilespmem:v17+s24+$0x0] =	vst.idx.msk $0xffff, v26;
	v17 =	vld.idx.msk [tilespmem:v27+s17+$0x0], $0xffff  }
.Ltmp2:
0x19b: {  	v33 =	vld [tilespmem:$0x1FF30];
	[tilespmem:v18+s24+$0x0] =	vst.idx.msk $0xffff, v28;
	(pc) =	sbr.rel @p1 .LBB2_3-.Ltmp2, $4  }
0x19c: {  	v30 =	vld [tilespmem:$0x1FF20];
	[tilespmem:v19+s24+$0x0] =	vst.idx.msk $0xffff, v23  }
0x19d: {  	v25 =	vld [tilespmem:$0x1FF60];
	[tilespmem:v20+s24+$0x0] =	vst.idx.msk $0xffff, v29  }
0x19e: {  	v27 =	vld [tilespmem:$0x1FEF0];
	[tilespmem:v21+s24+$0x0] =	vst.idx.msk $0xffff, v24  }
0x19f: {  	s21 =	sadd.s32 $0x10, s21;
	v29 =	vld [tilespmem:$0x1FF00];
	[tilespmem:v22+s24+$0x0] =	vst.idx.msk $0xffff, v17  }
0x1a0: {  	s0 =	sadd.s32 s5, s1  }
0x1a1: {  	s6 =	sshll.u32 s0, $0x3  }
0x1a2: {  	s0 =	sand.u32 $0x7C, s0;
	s6 =	sand.u32 $0x3FFC00, s6  }
0x1a3: {  	s0 =	sor.u32 s0, s6  }
0x1a4: {  	s0 =	sshll.u32 s0, $0x7  }
0x1a5: {  	s25 =	sadd.s32 s2, s0  }
0x1a6: {  	[hbm4b:s25+s3] =	stream.linear.scatter [tilespmem:s24], [sflag:$0x5], $0x400, $0x38;
	[tilespmem:$0x12800] =	vst v63  }
0x1a7: {  	s14 =	simm.s32 $0xAC00;
	s29 =	sadd.s32 s0, s7  }
0x1a8: {  	[hbm4b:s29+s3] =	stream.linear.scatter [tilespmem:s14], [sflag:$0x5], $0x400, $0x38;
	[tilespmem:$0x12800] =	vst v63  }
0x1a9: {  	s16 =	simm.s32 $0xB000;
	s15 =	sadd.s32 s0, s8  }
0x1aa: {  	[hbm4b:s15+s3] =	stream.linear.scatter [tilespmem:s16], [sflag:$0x5], $0x400, $0x38;
	[tilespmem:$0x12800] =	vst v63  }
0x1ab: {  	s23 =	simm.s32 $0xB400;
	s21 =	sadd.s32 s0, s9  }
0x1ac: {  	[hbm4b:s21+s3] =	stream.linear.scatter [tilespmem:s23], [sflag:$0x5], $0x400, $0x38;
	[tilespmem:$0x12800] =	vst v63  }
0x1ad: {  	s25 =	sadd.s32 s0, s10;
	s29 =	simm.s32 $0xB800  }
0x1ae: {  	[hbm4b:s25+s3] =	stream.linear.scatter [tilespmem:s29], [sflag:$0x5], $0x400, $0x38;
	[tilespmem:$0x12800] =	vst v63  }
0x1af: {  	s15 =	sadd.s32 s0, s11;
	s16 =	simm.s32 $0xBC00  }
0x1b0: {  	[hbm4b:s15+s3] =	stream.linear.scatter [tilespmem:s16], [sflag:$0x5], $0x400, $0x38;
	[tilespmem:$0x12800] =	vst v63  }
0x1b1: {  	s21 =	sadd.s32 s0, s12;
	s23 =	simm.s32 $0xC000  }
0x1b2: {  	[hbm4b:s21+s3] =	stream.linear.scatter [tilespmem:s23], [sflag:$0x5], $0x400, $0x38;
	[tilespmem:$0x12800] =	vst v63  }
0x1b3: {  	p1 =	seq.s32 s31, $0x13;
	s0 =	sadd.s32 s0, s13;
	s25 =	simm.s32 $0xC400  }
0x1b4: {  	[hbm4b:s0+s3] =	stream.linear.scatter [tilespmem:s25], [sflag:$0x5], $0x400, $0x38;
	[tilespmem:$0x12800] =	vst v63  }
0x1b5: {  	s0 =	sshll.u32 @!p1 s31, $0x9  }
0x1b6: {  	s6 =	simm.s32 @!p1 $0x80;
	s21 =	sand.u32 @!p1 $0x3FFFFE00, s0  }
0x1b7: {  	s14 =	simm.s32 @!p1 $0x2800;
	s29 =	simm.s32 $0x2;
	s0 =	sadd.s32 @!p1 $0x200, s21  }
0x1b8: {  	[tilespmem:s14], [sflag:$0x1] =	stream.indirect.gather @!p1 [hbm4b:s4+s6], $0x40, s0, s6, $0xb8;
	[tilespmem:$0x12800] =	vst v63  }
0x1b9: {  	_ =	swait.ge [sflag:s29], $0x2000  }
0x1ba: {  	[sflag:s29] =	ssyncset.done $0x0  }
0x1bb: {  	s0 =	simm.s32 @!p0 $0x6;
	[sflag:s29] =	ssyncadd.s32 $0xFFFFE000  }
0x1bc: {  	_ =	swait.ge @!p0 [sflag:s0], $0x400  }
0x1bd: {  	[sflag:s0] =	ssyncset.done @!p0 $0x0  }
0x1be: {  	[sflag:s0] =	ssyncadd.s32 @!p0 $0xFFFFFC00  }
0x1bf: {  	_ =	swait.ge @!p0 [sflag:s0], $0x400  }
0x1c0: {  	[sflag:s0] =	ssyncset.done @!p0 $0x0  }
0x1c1: {  	[sflag:s0] =	ssyncadd.s32 @!p0 $0xFFFFFC00  }
0x1c2: {  	_ =	swait.ge @!p0 [sflag:s0], $0x400  }
0x1c3: {  	[sflag:s0] =	ssyncset.done @!p0 $0x0  }
0x1c4: {  	[sflag:s0] =	ssyncadd.s32 @!p0 $0xFFFFFC00  }
0x1c5: {  	_ =	swait.ge @!p0 [sflag:s0], $0x400  }
0x1c6: {  	[sflag:s0] =	ssyncset.done @!p0 $0x0  }
0x1c7: {  	[sflag:s0] =	ssyncadd.s32 @!p0 $0xFFFFFC00  }
0x1c8: {  	_ =	swait.ge @!p0 [sflag:s0], $0x400  }
0x1c9: {  	[sflag:s0] =	ssyncset.done @!p0 $0x0  }
0x1ca: {  	[sflag:s0] =	ssyncadd.s32 @!p0 $0xFFFFFC00  }
0x1cb: {  	_ =	swait.ge @!p0 [sflag:s0], $0x400  }
0x1cc: {  	[sflag:s0] =	ssyncset.done @!p0 $0x0  }
0x1cd: {  	[sflag:s0] =	ssyncadd.s32 @!p0 $0xFFFFFC00  }
0x1ce: {  	_ =	swait.ge @!p0 [sflag:s0], $0x400  }
0x1cf: {  	[sflag:s0] =	ssyncset.done @!p0 $0x0  }
0x1d0: {  	[sflag:s0] =	ssyncadd.s32 @!p0 $0xFFFFFC00  }
0x1d1: {  	_ =	swait.ge @!p0 [sflag:s0], $0x400  }
0x1d2: {  	[sflag:s0] =	ssyncset.done @!p0 $0x0;
	v46 =	vld [tilespmem:$0x1FFE0]  }
0x1d3: {  	v8 =	vmov v57;
	v10 =	vmov v14;
	v62 =	vmov v12;
	s6 =	sor.u32 $0x1, s1;
	s14 =	simm.s32 $0x0;
	v14 =	vld [tilespmem:$0x1FFF0];
	[tilespmem:$0x1FC60] =	vst v40;
	[sflag:s0] =	ssyncadd.s32 @!p0 $0xFFFFFC00  }
.LBB2_5:
0x1d4: {  	v12 =	vld [tilespmem:$0x1FD30];
	_ =	sdelay $0x4  }
0x1d5: {  	v17 =	vor.u32 s14, v12  }
0x1d6: {  	s23 =	sadd.s32 $0x1, s14  }
0x1d7: {  	v18 =	vor.u32 s23, v30  }
0x1d8: {  	v19 =	vmov s14;
	v4 =	vld [tilespmem:$0x1FF60]  }
0x1d9: {  	s16 =	sadd.s32 $0x2, s14;
	v19 =	vshll.u32 v19, $0x7  }
0x1da: {  	v23 =	vor.u32 v45, v19;
	v20 =	vor.u32 s16, v27;
	v22 =	vld.idx.msk [tilespmem:v17+s18+$0x0], $0xffff;
	v17 =	vmov s23  }
0x1db: {  	s15 =	sadd.s32 $0x3, s14;
	v24 =	vor.u32 s14, v34;
	v25 =	vshll.u32 v17, $0x7  }
0x1dc: {  	v21 =	vor.u32 s15, v29;
	v18 =	vld.idx.msk [tilespmem:v18+s18+$0x0], $0xffff;
	v26 =	vor.u32 v45, v25  }
0x1dd: {  	v28 =	vor.u32 s23, v4;
	v17 =	vmov s16  }
0x1de: {  	v27 =	vshll.u32 v17, $0x7  }
0x1df: {  	v20 =	vld.idx.msk [tilespmem:v20+s18+$0x0], $0xffff;
	v17 =	vmov s15;
	v29 =	vor.u32 v45, v27;
	[tilespmem:v23+s19+$0x0] =	vst.idx.msk $0xffff, v22  }
0x1e0: {  	v17 =	vshll.u32 v17, $0x7;
	v23 =	vld.idx.msk [tilespmem:v24+s18+$0x0], $0xffff;
	v24 =	vor.u32 v3, v19  }
0x1e1: {  	v32 =	vor.u32 s14, v37;
	v21 =	vld.idx.msk [tilespmem:v21+s18+$0x0], $0xffff;
	v31 =	vor.u32 v45, v17;
	[tilespmem:v26+s19+$0x0] =	vst.idx.msk $0xffff, v18  }
0x1e2: {  	v30 =	vor.u32 s16, v47;
	v26 =	vor.u32 v3, v25;
	v18 =	vld.idx.msk [tilespmem:v28+s18+$0x0], $0xffff  }
0x1e3: {  	v57 =	vor.u32 s23, v41  }
0x1e4: {  	v56 =	vor.u32 s15, v55;
	[tilespmem:v29+s19+$0x0] =	vst.idx.msk $0xffff, v20  }
0x1e5: {  	v60 =	vld [tilespmem:$0x1FDF0];
	[tilespmem:v24+s19+$0x0] =	vst.idx.msk $0xffff, v23  }
0x1e6: {  	[tilespmem:v31+s19+$0x0] =	vst.idx.msk $0xffff, v21;
	v31 =	vor.u32 v5, v19;
	v24 =	vld.idx.msk [tilespmem:v32+s18+$0x0], $0xffff  }
0x1e7: {  	v28 =	vld.idx.msk [tilespmem:v30+s18+$0x0], $0xffff;
	[tilespmem:v26+s19+$0x0] =	vst.idx.msk $0xffff, v18  }
0x1e8: {  	v58 =	vor.u32 s16, v38;
	v38 =	vor.u32 v5, v25;
	v18 =	vld.idx.msk [tilespmem:v57+s18+$0x0], $0xffff  }
0x1e9: {  	v30 =	vor.u32 v3, v17;
	v22 =	vld.idx.msk [tilespmem:v56+s18+$0x0], $0xffff;
	v26 =	vor.u32 s23, v44  }
0x1ea: {  	v47 =	vld [tilespmem:$0x1FDA0];
	v63 =	vor.u32 s15, v60;
	v29 =	vor.u32 v3, v27  }
0x1eb: {  	[tilespmem:v31+s19+$0x0] =	vst.idx.msk $0xffff, v24;
	v24 =	vld [tilespmem:$0x1FE40]  }
0x1ec: {  	v53 =	vld [tilespmem:$0x1FDD0]  }
0x1ed: {  	v37 =	vor.u32 s14, v33;
	v55 =	vld [tilespmem:$0x1FDE0];
	[tilespmem:v38+s19+$0x0] =	vst.idx.msk $0xffff, v18  }
0x1ee: {  	v49 =	vor.u32 v7, v25;
	[tilespmem:v30+s19+$0x0] =	vst.idx.msk $0xffff, v22;
	v18 =	vld.idx.msk [tilespmem:v26+s18+$0x0], $0xffff  }
0x1ef: {  	v50 =	vor.u32 s23, v47;
	[tilespmem:v29+s19+$0x0] =	vst.idx.msk $0xffff, v28;
	v29 =	vor.u32 v5, v17;
	v23 =	vld.idx.msk [tilespmem:v63+s18+$0x0], $0xffff  }
0x1f0: {  	v28 =	vor.u32 v5, v27;
	v21 =	vld.idx.msk [tilespmem:v58+s18+$0x0], $0xffff;
	v24 =	vor.u32 s15, v24  }
0x1f1: {  	v63 =	vld [tilespmem:$0x1FE00]  }
0x1f2: {  	v40 =	vor.u32 s16, v55;
	v31 =	vor.u32 v7, v19;
	v30 =	vld.idx.msk [tilespmem:v37+s18+$0x0], $0xffff  }
0x1f3: {  	v51 =	vld [tilespmem:$0x1FDC0];
	v41 =	vor.u32 s14, v35;
	[tilespmem:v49+s19+$0x0] =	vst.idx.msk $0xffff, v18  }
0x1f4: {  	v58 =	vor.u32 v9, v25;
	[tilespmem:v29+s19+$0x0] =	vst.idx.msk $0xffff, v23;
	v18 =	vld.idx.msk [tilespmem:v50+s18+$0x0], $0xffff  }
0x1f5: {  	[tilespmem:v28+s19+$0x0] =	vst.idx.msk $0xffff, v21;
	v28 =	vor.u32 v7, v17;
	v24 =	vld.idx.msk [tilespmem:v24+s18+$0x0], $0xffff  }
0x1f6: {  	v44 =	vld [tilespmem:$0x1FD90];
	v57 =	vor.u32 s14, v36;
	v36 =	vor.u32 s23, v43  }
0x1f7: {  	v26 =	vor.u32 v7, v27;
	v22 =	vld.idx.msk [tilespmem:v40+s18+$0x0], $0xffff;
	v29 =	vor.u32 s15, v63;
	[tilespmem:v31+s19+$0x0] =	vst.idx.msk $0xffff, v30  }
0x1f8: {  	v31 =	vor.u32 v9, v19;
	v30 =	vld.idx.msk [tilespmem:v41+s18+$0x0], $0xffff  }
0x1f9: {  	v41 =	vld [tilespmem:$0x1FD70];
	[tilespmem:v58+s19+$0x0] =	vst.idx.msk $0xffff, v18  }
0x1fa: {  	v56 =	vor.u32 s16, v53;
	[tilespmem:v28+s19+$0x0] =	vst.idx.msk $0xffff, v24;
	v24 =	vld [tilespmem:$0x1FE70]  }
0x1fb: {  	v18 =	vld.idx.msk [tilespmem:v36+s18+$0x0], $0xffff  }
0x1fc: {  	v40 =	vor.u32 v11, v25;
	[tilespmem:v26+s19+$0x0] =	vst.idx.msk $0xffff, v22;
	v26 =	vld.idx.msk [tilespmem:v29+s18+$0x0], $0xffff  }
0x1fd: {  	v43 =	vor.u32 s23, v44;
	[tilespmem:v31+s19+$0x0] =	vst.idx.msk $0xffff, v30;
	v29 =	vld [tilespmem:$0x1FE80]  }
0x1fe: {  	v31 =	vor.u32 v11, v19;
	v30 =	vld.idx.msk [tilespmem:v57+s18+$0x0], $0xffff  }
0x1ff: {  	v37 =	vor.u32 v9, v27;
	v22 =	vld.idx.msk [tilespmem:v56+s18+$0x0], $0xffff;
	v38 =	vor.u32 s14, v41  }
0x200: {  	v50 =	vld [tilespmem:$0x1FE60];
	v24 =	vor.u32 s16, v24  }
0x201: {  	v56 =	vld [tilespmem:$0x1FE30];
	v28 =	vor.u32 v9, v17;
	[tilespmem:v40+s19+$0x0] =	vst.idx.msk $0xffff, v18  }
0x202: {  	v29 =	vor.u32 s15, v29;
	v20 =	vld.idx.msk [tilespmem:v43+s18+$0x0], $0xffff  }
0x203: {  	[tilespmem:v31+s19+$0x0] =	vst.idx.msk $0xffff, v30;
	v43 =	vld [tilespmem:$0x1FD80]  }
0x204: {  	[tilespmem:v37+s19+$0x0] =	vst.idx.msk $0xffff, v22;
	v30 =	vld.idx.msk [tilespmem:v38+s18+$0x0], $0xffff  }
0x205: {  	v36 =	vor.u32 v11, v27;
	v22 =	vld.idx.msk [tilespmem:v24+s18+$0x0], $0xffff  }
0x206: {  	v38 =	vor.u32 v13, v25;
	v18 =	vld [tilespmem:$0x1FEC0];
	[tilespmem:v28+s19+$0x0] =	vst.idx.msk $0xffff, v26;
	v24 =	vor.u32 s16, v51  }
0x207: {  	v28 =	vor.u32 v11, v17;
	v26 =	vld.idx.msk [tilespmem:v29+s18+$0x0], $0xffff  }
0x208: {  	v1 =	vld [tilespmem:$0x1FCA0];
	v40 =	vor.u32 s23, v43  }
0x209: {  	v2 =	vld [tilespmem:$0x1FCB0]  }
0x20a: {  	s0 =	sadd.s32 $0x4, s14;
	v4 =	vld [tilespmem:$0x1FF20];
	v29 =	vor.u32 s15, v56;
	[tilespmem:v36+s19+$0x0] =	vst.idx.msk $0xffff, v22  }
0x20b: {  	v37 =	vor.u32 s14, v39;
	v39 =	vor.u32 s0, v50;
	v31 =	vor.u32 v13, v19;
	[tilespmem:v38+s19+$0x0] =	vst.idx.msk $0xffff, v20;
	v24 =	vld.idx.msk [tilespmem:v24+s18+$0x0], $0xffff  }
0x20c: {  	[tilespmem:v28+s19+$0x0] =	vst.idx.msk $0xffff, v26;
	v26 =	vor.u32 s16, v18;
	v18 =	vld [tilespmem:$0x1FED0]  }
0x20d: {  	s25 =	sadd.s32 $0x8, s14;
	v49 =	vor.u32 v13, v27;
	v23 =	vld.idx.msk [tilespmem:v40+s18+$0x0], $0xffff  }
0x20e: {  	v35 =	vor.u32 s25, v12;
	v25 =	vor.u32 v15, v25;
	v40 =	vld [tilespmem:$0x1FC70]  }
0x20f: {  	v28 =	vld.idx.msk [tilespmem:v29+s18+$0x0], $0xffff;
	v29 =	vor.u32 v13, v17  }
0x210: {  	v57 =	vld.idx.msk [tilespmem:v39+s18+$0x0], $0xffff;
	[tilespmem:v31+s19+$0x0] =	vst.idx.msk $0xffff, v30  }
0x211: {  	v31 =	vld.idx.msk [tilespmem:v37+s18+$0x0], $0xffff  }
0x212: {  	v6 =	vmovc v14;
	s16 =	sadd.s32 $0x6, s14;
	v30 =	vor.u32 s15, v18;
	v18 =	vmov s0;
	s15 =	sadd.s32 $0x5, s14;
	[tilespmem:v49+s19+$0x0] =	vst.idx.msk $0xffff, v24;
	v24 =	vor.u32 s0, v14;
	v14 =	vld [tilespmem:$0x1FF80]  }
0x213: {  	s23 =	sadd.s32 $0x7, s14;
	[tilespmem:v25+s19+$0x0] =	vst.idx.msk $0xffff, v23;
	v25 =	vor.u32 s16, v46;
	v46 =	vld.idx.msk [tilespmem:v35+s18+$0x0], $0xffff;
	v54 =	vor.u32 s15, v59  }
0x214: {  	v49 =	vmov s16;
	v18 =	vshll.u32 v18, $0x7;
	v26 =	vld.idx.msk [tilespmem:v26+s18+$0x0], $0xffff;
	[tilespmem:v29+s19+$0x0] =	vst.idx.msk $0xffff, v28;
	v29 =	vor.u32 s23, v40  }
0x215: {  	v21 =	vshll.u32 v49, $0x7;
	v49 =	vld [tilespmem:$0x1FE10];
	v58 =	vor.u32 v45, v18  }
0x216: {  	v59 =	vor.u32 v15, v19;
	v19 =	vmov s15;
	v37 =	vor.u32 s15, v8;
	v8 =	vld [tilespmem:$0x1FCC0]  }
0x217: {  	v19 =	vshll.u32 v19, $0x7;
	v20 =	vld.idx.msk [tilespmem:v30+s18+$0x0], $0xffff  }
0x218: {  	v33 =	vor.u32 v45, v19;
	v28 =	vor.u32 s16, v14;
	v32 =	vld.idx.msk [tilespmem:v54+s18+$0x0], $0xffff  }
0x219: {  	s29 =	sadd.s32 $0x9, s14;
	v27 =	vor.u32 v15, v27;
	v29 =	vld.idx.msk [tilespmem:v29+s18+$0x0], $0xffff  }
0x21a: {  	[tilespmem:v58+s19+$0x0] =	vst.idx.msk $0xffff, v57;
	v58 =	vor.u32 s29, v4;
	v4 =	vld [tilespmem:$0x1FC60]  }
0x21b: {  	v57 =	vmov s23;
	v54 =	vld.idx.msk [tilespmem:v24+s18+$0x0], $0xffff  }
0x21c: {  	[tilespmem:v59+s19+$0x0] =	vst.idx.msk $0xffff, v31;
	v22 =	vshll.u32 v57, $0x7;
	v57 =	vld [tilespmem:$0x1FE90]  }
0x21d: {  	v30 =	vor.u32 v3, v18;
	v28 =	vld.idx.msk [tilespmem:v28+s18+$0x0], $0xffff;
	[tilespmem:v33+s19+$0x0] =	vst.idx.msk $0xffff, v32  }
0x21e: {  	v36 =	vor.u32 s0, v48;
	[tilespmem:v27+s19+$0x0] =	vst.idx.msk $0xffff, v26;
	v59 =	vor.u32 v45, v22;
	v26 =	vld.idx.msk [tilespmem:v37+s18+$0x0], $0xffff  }
0x21f: {  	v31 =	vor.u32 v45, v21;
	v38 =	vld.idx.msk [tilespmem:v58+s18+$0x0], $0xffff  }
0x220: {  	v24 =	vmov s25;
	v32 =	vor.u32 s23, v4;
	v4 =	vld [tilespmem:$0x1FF60]  }
0x221: {  	v23 =	vshll.u32 v24, $0x7;
	v37 =	vor.u32 s25, v49;
	v49 =	vld [tilespmem:$0x1FC80]  }
0x222: {  	v24 =	vmov s29;
	v48 =	vor.u32 v45, v23;
	v58 =	vld [tilespmem:$0x1FEA0];
	[tilespmem:v30+s19+$0x0] =	vst.idx.msk $0xffff, v54  }
0x223: {  	v27 =	vor.u32 v3, v19;
	v24 =	vshll.u32 v24, $0x7;
	v36 =	vld.idx.msk [tilespmem:v36+s18+$0x0], $0xffff;
	[tilespmem:v59+s19+$0x0] =	vst.idx.msk $0xffff, v29  }
0x224: {  	v30 =	vor.u32 s15, v42;
	v54 =	vor.u32 v45, v24;
	v59 =	vld [tilespmem:$0x1FF70];
	[tilespmem:v31+s19+$0x0] =	vst.idx.msk $0xffff, v28  }
0x225: {  	v28 =	vor.u32 v5, v18;
	v25 =	vld.idx.msk [tilespmem:v25+s18+$0x0], $0xffff  }
0x226: {  	v29 =	vor.u32 s0, v57;
	v31 =	vor.u32 s29, v4;
	v4 =	vld [tilespmem:$0x1FF10]  }
0x227: {  	v34 =	vor.u32 v3, v21;
	[tilespmem:v48+s19+$0x0] =	vst.idx.msk $0xffff, v46;
	v32 =	vld.idx.msk [tilespmem:v32+s18+$0x0], $0xffff  }
0x228: {  	v46 =	vor.u32 v3, v22;
	[tilespmem:v27+s19+$0x0] =	vst.idx.msk $0xffff, v26;
	v27 =	vld.idx.msk [tilespmem:v37+s18+$0x0], $0xffff  }
0x229: {  	v48 =	vor.u32 v3, v23;
	v30 =	vld.idx.msk [tilespmem:v30+s18+$0x0], $0xffff;
	[tilespmem:v54+s19+$0x0] =	vst.idx.msk $0xffff, v38  }
0x22a: {  	v26 =	vor.u32 s23, v49;
	v38 =	vor.u32 v5, v19;
	v54 =	vld [tilespmem:$0x1FE20];
	[tilespmem:v28+s19+$0x0] =	vst.idx.msk $0xffff, v36  }
0x22b: {  	v28 =	vor.u32 s15, v59;
	v29 =	vld.idx.msk [tilespmem:v29+s18+$0x0], $0xffff  }
0x22c: {  	[tilespmem:v34+s19+$0x0] =	vst.idx.msk $0xffff, v25;
	v25 =	vor.u32 v7, v18;
	v34 =	vor.u32 s29, v58;
	v58 =	vld [tilespmem:$0x1FF30]  }
0x22d: {  	v33 =	vor.u32 s16, v4;
	v31 =	vld.idx.msk [tilespmem:v31+s18+$0x0], $0xffff;
	[tilespmem:v46+s19+$0x0] =	vst.idx.msk $0xffff, v32  }
0x22e: {  	v46 =	vor.u32 s0, v52;
	[tilespmem:v48+s19+$0x0] =	vst.idx.msk $0xffff, v27;
	v48 =	vld [tilespmem:$0x1FFB0]  }
0x22f: {  	v36 =	vor.u32 v3, v24;
	v26 =	vld.idx.msk [tilespmem:v26+s18+$0x0], $0xffff;
	[tilespmem:v38+s19+$0x0] =	vst.idx.msk $0xffff, v30  }
0x230: {  	v39 =	vor.u32 s25, v54;
	v28 =	vld.idx.msk [tilespmem:v28+s18+$0x0], $0xffff  }
0x231: {  	[tilespmem:v25+s19+$0x0] =	vst.idx.msk $0xffff, v29;
	v25 =	vor.u32 s15, v8;
	v8 =	vld [tilespmem:$0x1FD10]  }
0x232: {  	v54 =	vor.u32 v5, v22;
	v33 =	vld.idx.msk [tilespmem:v33+s18+$0x0], $0xffff  }
0x233: {  	v52 =	vor.u32 v5, v21;
	v32 =	vld.idx.msk [tilespmem:v46+s18+$0x0], $0xffff  }
0x234: {  	[tilespmem:v36+s19+$0x0] =	vst.idx.msk $0xffff, v31;
	v36 =	vor.u32 s25, v58;
	v46 =	vor.u32 v9, v18;
	v58 =	vld [tilespmem:$0x1FD00]  }
0x235: {  	v27 =	vor.u32 s16, v48;
	v38 =	vld.idx.msk [tilespmem:v39+s18+$0x0], $0xffff  }
0x236: {  	v30 =	vor.u32 s23, v0;
	v39 =	vor.u32 v5, v23;
	v29 =	vld.idx.msk [tilespmem:v34+s18+$0x0], $0xffff  }
0x237: {  	v31 =	vor.u32 v7, v19;
	[tilespmem:v54+s19+$0x0] =	vst.idx.msk $0xffff, v26;
	v54 =	vld [tilespmem:$0x1FF40]  }
0x238: {  	v34 =	vor.u32 v5, v24;
	[tilespmem:v52+s19+$0x0] =	vst.idx.msk $0xffff, v33;
	v52 =	vld [tilespmem:$0x1FEB0]  }
0x239: {  	[tilespmem:v46+s19+$0x0] =	vst.idx.msk $0xffff, v32;
	v46 =	vld [tilespmem:$0x1FCD0]  }
0x23a: {  	v37 =	vor.u32 v7, v21;
	v27 =	vld.idx.msk [tilespmem:v27+s18+$0x0], $0xffff  }
0x23b: {  	v30 =	vld.idx.msk [tilespmem:v30+s18+$0x0], $0xffff;
	[tilespmem:v39+s19+$0x0] =	vst.idx.msk $0xffff, v38;
	v38 =	vor.u32 s16, v58;
	v39 =	vor.u32 v7, v22  }
0x23c: {  	[tilespmem:v31+s19+$0x0] =	vst.idx.msk $0xffff, v28;
	v28 =	vor.u32 s23, v61;
	v31 =	vld.idx.msk [tilespmem:v36+s18+$0x0], $0xffff;
	v36 =	vor.u32 v7, v23  }
0x23d: {  	v25 =	vld.idx.msk [tilespmem:v25+s18+$0x0], $0xffff;
	[tilespmem:v34+s19+$0x0] =	vst.idx.msk $0xffff, v29;
	v29 =	vor.u32 v9, v19  }
0x23e: {  	v34 =	vor.u32 s25, v54;
	v35 =	vor.u32 s29, v52;
	v52 =	vld [tilespmem:$0x1FC90]  }
0x23f: {  	v32 =	vor.u32 s15, v46;
	v46 =	vld [tilespmem:$0x1FF50];
	[tilespmem:v37+s19+$0x0] =	vst.idx.msk $0xffff, v27  }
0x240: {  	v54 =	vor.u32 v9, v21;
	[tilespmem:v39+s19+$0x0] =	vst.idx.msk $0xffff, v30;
	v38 =	vld.idx.msk [tilespmem:v38+s18+$0x0], $0xffff  }
0x241: {  	[tilespmem:v36+s19+$0x0] =	vst.idx.msk $0xffff, v31;
	v31 =	vor.u32 s16, v8;
	v28 =	vld.idx.msk [tilespmem:v28+s18+$0x0], $0xffff;
	v36 =	vor.u32 v9, v22  }
0x242: {  	[tilespmem:v29+s19+$0x0] =	vst.idx.msk $0xffff, v25;
	v25 =	vor.u32 s23, v62;
	v8 =	vld [tilespmem:$0x1FD20]  }
0x243: {  	v29 =	vld.idx.msk [tilespmem:v34+s18+$0x0], $0xffff;
	v34 =	vor.u32 v9, v23;
	v26 =	vor.u32 s0, v52  }
0x244: {  	v33 =	vld.idx.msk [tilespmem:v35+s18+$0x0], $0xffff;
	v35 =	vor.u32 v7, v24  }
0x245: {  	v37 =	vor.u32 s29, v47;
	v47 =	vld [tilespmem:$0x1FDB0];
	[tilespmem:v54+s19+$0x0] =	vst.idx.msk $0xffff, v38  }
0x246: {  	[tilespmem:v36+s19+$0x0] =	vst.idx.msk $0xffff, v28;
	v31 =	vld.idx.msk [tilespmem:v31+s18+$0x0], $0xffff  }
0x247: {  	v36 =	vor.u32 v11, v21;
	v25 =	vld.idx.msk [tilespmem:v25+s18+$0x0], $0xffff  }
0x248: {  	[tilespmem:v34+s19+$0x0] =	vst.idx.msk $0xffff, v29;
	v29 =	vor.u32 s16, v8;
	v34 =	vor.u32 v11, v22;
	v26 =	vld.idx.msk [tilespmem:v26+s18+$0x0], $0xffff  }
0x249: {  	v27 =	vor.u32 v11, v18;
	[tilespmem:v35+s19+$0x0] =	vst.idx.msk $0xffff, v33;
	v35 =	vor.u32 s25, v46;
	v46 =	vld [tilespmem:$0x1FCE0]  }
0x24a: {  	v32 =	vld.idx.msk [tilespmem:v32+s18+$0x0], $0xffff  }
0x24b: {  	v30 =	vor.u32 s0, v1;
	v54 =	vld [tilespmem:$0x1FEE0]  }
0x24c: {  	v33 =	vor.u32 v11, v19;
	[tilespmem:v36+s19+$0x0] =	vst.idx.msk $0xffff, v31;
	v31 =	vor.u32 s29, v44;
	v44 =	vld [tilespmem:$0x1FEB0]  }
0x24d: {  	[tilespmem:v34+s19+$0x0] =	vst.idx.msk $0xffff, v25;
	v25 =	vld.idx.msk [tilespmem:v29+s18+$0x0], $0xffff;
	v29 =	vor.u32 v13, v21  }
0x24e: {  	v36 =	vld [tilespmem:$0x1FD40];
	[tilespmem:v27+s19+$0x0] =	vst.idx.msk $0xffff, v26;
	v26 =	vor.u32 s15, v46  }
0x24f: {  	v27 =	vld.idx.msk [tilespmem:v37+s18+$0x0], $0xffff;
	v37 =	vor.u32 v9, v24  }
0x250: {  	v38 =	vor.u32 v13, v18;
	v30 =	vld.idx.msk [tilespmem:v30+s18+$0x0], $0xffff  }
0x251: {  	v39 =	vor.u32 s29, v54;
	[tilespmem:v33+s19+$0x0] =	vst.idx.msk $0xffff, v32;
	v33 =	vld.idx.msk [tilespmem:v35+s18+$0x0], $0xffff;
	v35 =	vor.u32 v11, v23  }
0x252: {  	[tilespmem:v29+s19+$0x0] =	vst.idx.msk $0xffff, v25;
	v25 =	vor.u32 s29, v43;
	v43 =	vld [tilespmem:$0x1FEE0]  }
0x253: {  	v32 =	vor.u32 s23, v10;
	v26 =	vld.idx.msk [tilespmem:v26+s18+$0x0], $0xffff  }
0x254: {  	v28 =	vor.u32 s0, v2;
	[tilespmem:v37+s19+$0x0] =	vst.idx.msk $0xffff, v27;
	v27 =	vor.u32 v13, v19;
	v37 =	vor.u32 s25, v41;
	v41 =	vld [tilespmem:$0x1FEA0]  }
0x255: {  	[tilespmem:v38+s19+$0x0] =	vst.idx.msk $0xffff, v30;
	v30 =	vld [tilespmem:$0x1FCF0]  }
0x256: {  	[tilespmem:v35+s19+$0x0] =	vst.idx.msk $0xffff, v33;
	v33 =	vor.u32 s16, v36;
	v38 =	vld.idx.msk [tilespmem:v39+s18+$0x0], $0xffff  }
0x257: {  	v54 =	vor.u32 v11, v24;
	v39 =	vld [tilespmem:$0x1FD60]  }
0x258: {  	v34 =	vor.u32 v13, v22;
	v32 =	vld.idx.msk [tilespmem:v32+s18+$0x0], $0xffff  }
0x259: {  	v28 =	vld.idx.msk [tilespmem:v28+s18+$0x0], $0xffff;
	[tilespmem:v27+s19+$0x0] =	vst.idx.msk $0xffff, v26;
	v26 =	vor.u32 s23, v16  }
0x25a: {  	v35 =	vor.u32 v13, v23;
	v27 =	vld.idx.msk [tilespmem:v37+s18+$0x0], $0xffff  }
0x25b: {  	v29 =	vld.idx.msk [tilespmem:v33+s18+$0x0], $0xffff;
	v30 =	vor.u32 s15, v30  }
0x25c: {  	[tilespmem:v54+s19+$0x0] =	vst.idx.msk $0xffff, v38;
	v54 =	vor.u32 s25, v39;
	v38 =	vld [tilespmem:$0x1FEF0]  }
0x25d: {  	v18 =	vor.u32 v15, v18;
	[tilespmem:v34+s19+$0x0] =	vst.idx.msk $0xffff, v32;
	v37 =	vld.idx.msk [tilespmem:v31+s18+$0x0], $0xffff  }
0x25e: {  	v31 =	vor.u32 v13, v24;
	v26 =	vld.idx.msk [tilespmem:v26+s18+$0x0], $0xffff  }
0x25f: {  	s23 =	sadd.s32 $0xC, s14;
	[tilespmem:v35+s19+$0x0] =	vst.idx.msk $0xffff, v27;
	v27 =	vld [tilespmem:$0x1FF00]  }
0x260: {  	v22 =	vor.u32 v15, v22;
	v35 =	vor.u32 s23, v50;
	v30 =	vld.idx.msk [tilespmem:v30+s18+$0x0], $0xffff  }
0x261: {  	v17 =	vor.u32 v15, v17;
	s16 =	sadd.s32 $0xB, s14;
	v33 =	vld.idx.msk [tilespmem:v54+s18+$0x0], $0xffff  }
0x262: {  	s15 =	sadd.s32 $0xA, s14;
	[tilespmem:v18+s19+$0x0] =	vst.idx.msk $0xffff, v28;
	v50 =	vmov s16;
	v54 =	vld [tilespmem:$0x1FFA0]  }
0x263: {  	s0 =	sadd.s32 $0xE, s14;
	v19 =	vor.u32 v15, v19;
	v32 =	vor.u32 s15, v38;
	v18 =	vshll.u32 v50, $0x7;
	v50 =	vld [tilespmem:$0x1FE50];
	[tilespmem:v31+s19+$0x0] =	vst.idx.msk $0xffff, v37  }
0x264: {  	v24 =	vor.u32 v15, v24;
	v28 =	vor.u32 s0, v14;
	v25 =	vld.idx.msk [tilespmem:v25+s18+$0x0], $0xffff  }
0x265: {  	v27 =	vor.u32 s16, v27;
	[tilespmem:v22+s19+$0x0] =	vst.idx.msk $0xffff, v26;
	v26 =	vld.idx.msk [tilespmem:v35+s18+$0x0], $0xffff  }
0x266: {  	[tilespmem:v17+s19+$0x0] =	vst.idx.msk $0xffff, v20;
	v21 =	vor.u32 v15, v21;
	s29 =	sadd.s32 $0xF, s14;
	s25 =	sadd.s32 $0xD, s14;
	v17 =	vmov s15;
	v14 =	vmovc v6;
	v35 =	vor.u32 s23, v6;
	v6 =	vld [tilespmem:$0x1FFD0]  }
0x267: {  	v17 =	vshll.u32 v17, $0x7;
	v37 =	vor.u32 s29, v40;
	v40 =	vld [tilespmem:$0x1FC60];
	v36 =	vor.u32 s25, v54  }
0x268: {  	v34 =	vor.u32 v45, v17;
	v38 =	vmov s23;
	[tilespmem:v19+s19+$0x0] =	vst.idx.msk $0xffff, v30;
	v30 =	vld.idx.msk [tilespmem:v32+s18+$0x0], $0xffff  }
0x269: {  	v31 =	vor.u32 s15, v47;
	v19 =	vshll.u32 v38, $0x7;
	[tilespmem:v24+s19+$0x0] =	vst.idx.msk $0xffff, v25;
	v25 =	vld.idx.msk [tilespmem:v28+s18+$0x0], $0xffff  }
0x26a: {  	v38 =	vor.u32 v45, v19;
	v27 =	vld.idx.msk [tilespmem:v27+s18+$0x0], $0xffff  }
0x26b: {  	v32 =	vor.u32 v45, v18;
	v54 =	vmov s25;
	v24 =	vor.u32 s25, v6;
	v6 =	vld [tilespmem:$0x1FFE0]  }
0x26c: {  	[tilespmem:v21+s19+$0x0] =	vst.idx.msk $0xffff, v29;
	v29 =	vor.u32 s16, v50;
	v20 =	vshll.u32 v54, $0x7;
	v50 =	vld.idx.msk [tilespmem:v36+s18+$0x0], $0xffff  }
0x26d: {  	v21 =	vmov s0;
	v54 =	vor.u32 v45, v20;
	[tilespmem:v34+s19+$0x0] =	vst.idx.msk $0xffff, v30;
	v34 =	vld.idx.msk [tilespmem:v37+s18+$0x0], $0xffff  }
0x26e: {  	v21 =	vshll.u32 v21, $0x7;
	v36 =	vmov s29;
	v31 =	vld.idx.msk [tilespmem:v31+s18+$0x0], $0xffff  }
0x26f: {  	v28 =	vor.u32 v45, v21;
	v22 =	vshll.u32 v36, $0x7;
	[tilespmem:v38+s19+$0x0] =	vst.idx.msk $0xffff, v26;
	v38 =	vld [tilespmem:$0x1FD50]  }
0x270: {  	v36 =	vor.u32 v45, v22;
	v30 =	vor.u32 s0, v6;
	[tilespmem:v32+s19+$0x0] =	vst.idx.msk $0xffff, v27;
	v6 =	vld [tilespmem:$0x1FFC0]  }
0x271: {  	v23 =	vor.u32 v15, v23;
	v29 =	vld.idx.msk [tilespmem:v29+s18+$0x0], $0xffff  }
0x272: {  	v40 =	vor.u32 s29, v40;
	v27 =	vor.u32 v3, v17;
	[tilespmem:v54+s19+$0x0] =	vst.idx.msk $0xffff, v50;
	v50 =	vld.idx.msk [tilespmem:v35+s18+$0x0], $0xffff  }
0x273: {  	v35 =	vld [tilespmem:$0x1FF40]  }
0x274: {  	[tilespmem:v28+s19+$0x0] =	vst.idx.msk $0xffff, v25;
	v54 =	vor.u32 v3, v19;
	v24 =	vld.idx.msk [tilespmem:v24+s18+$0x0], $0xffff  }
0x275: {  	v37 =	vor.u32 v3, v18;
	[tilespmem:v36+s19+$0x0] =	vst.idx.msk $0xffff, v34;
	v36 =	vld [tilespmem:$0x1FF50]  }
0x276: {  	[tilespmem:v23+s19+$0x0] =	vst.idx.msk $0xffff, v33;
	v26 =	vor.u32 s15, v38;
	v30 =	vld.idx.msk [tilespmem:v30+s18+$0x0], $0xffff  }
0x277: {  	v23 =	vor.u32 s16, v60;
	[tilespmem:v27+s19+$0x0] =	vst.idx.msk $0xffff, v31;
	v31 =	vld.idx.msk [tilespmem:v40+s18+$0x0], $0xffff  }
0x278: {  	v28 =	vor.u32 v3, v20;
	v27 =	vor.u32 s0, v4;
	v4 =	vld [tilespmem:$0x1FF90]  }
0x279: {  	v34 =	vor.u32 s25, v42;
	[tilespmem:v54+s19+$0x0] =	vst.idx.msk $0xffff, v50;
	v50 =	vor.u32 s15, v55;
	v55 =	vld [tilespmem:$0x1FE50]  }
0x27a: {  	v60 =	vor.u32 v3, v21;
	v25 =	vor.u32 s23, v6;
	[tilespmem:v37+s19+$0x0] =	vst.idx.msk $0xffff, v29;
	v37 =	vld [tilespmem:$0x1FE20]  }
0x27b: {  	v40 =	vor.u32 v3, v22;
	v26 =	vld.idx.msk [tilespmem:v26+s18+$0x0], $0xffff  }
0x27c: {  	v23 =	vld.idx.msk [tilespmem:v23+s18+$0x0], $0xffff  }
0x27d: {  	v49 =	vor.u32 s29, v49;
	v29 =	vor.u32 v5, v17;
	[tilespmem:v28+s19+$0x0] =	vst.idx.msk $0xffff, v24;
	v24 =	vld [tilespmem:$0x1FE40]  }
0x27e: {  	v34 =	vld.idx.msk [tilespmem:v34+s18+$0x0], $0xffff  }
0x27f: {  	v54 =	vor.u32 v5, v18;
	v25 =	vld.idx.msk [tilespmem:v25+s18+$0x0], $0xffff;
	[tilespmem:v60+s19+$0x0] =	vst.idx.msk $0xffff, v30  }
0x280: {  	v28 =	vor.u32 v5, v19;
	[tilespmem:v40+s19+$0x0] =	vst.idx.msk $0xffff, v31;
	v31 =	vor.u32 s25, v59;
	v59 =	vld [tilespmem:$0x1FFA0]  }
0x281: {  	v30 =	vor.u32 s23, v57;
	v60 =	vor.u32 v5, v20;
	v27 =	vld.idx.msk [tilespmem:v27+s18+$0x0], $0xffff  }
0x282: {  	[tilespmem:v29+s19+$0x0] =	vst.idx.msk $0xffff, v26;
	v29 =	vld.idx.msk [tilespmem:v49+s18+$0x0], $0xffff  }
0x283: {  	v32 =	vor.u32 v5, v21;
	v49 =	vld [tilespmem:$0x1FCC0]  }
0x284: {  	v24 =	vor.u32 s16, v24;
	v26 =	vor.u32 s0, v48;
	[tilespmem:v54+s19+$0x0] =	vst.idx.msk $0xffff, v23;
	v48 =	vld [tilespmem:$0x1FFC0]  }
0x285: {  	v40 =	vor.u32 v5, v22;
	v33 =	vld.idx.msk [tilespmem:v50+s18+$0x0], $0xffff;
	[tilespmem:v28+s19+$0x0] =	vst.idx.msk $0xffff, v25  }
0x286: {  	v57 =	vor.u32 s29, v0;
	v23 =	vor.u32 v7, v17;
	[tilespmem:v60+s19+$0x0] =	vst.idx.msk $0xffff, v34;
	v30 =	vld.idx.msk [tilespmem:v30+s18+$0x0], $0xffff  }
0x287: {  	v25 =	vor.u32 s15, v53;
	v31 =	vld.idx.msk [tilespmem:v31+s18+$0x0], $0xffff  }
0x288: {  	v60 =	vor.u32 v7, v19;
	[tilespmem:v32+s19+$0x0] =	vst.idx.msk $0xffff, v27;
	v27 =	vor.u32 s23, v4;
	v4 =	vld [tilespmem:$0x1FCD0]  }
0x289: {  	v54 =	vor.u32 s16, v63;
	v63 =	vor.u32 v7, v20;
	v24 =	vld.idx.msk [tilespmem:v24+s18+$0x0], $0xffff  }
0x28a: {  	v28 =	vor.u32 v7, v18;
	[tilespmem:v40+s19+$0x0] =	vst.idx.msk $0xffff, v29;
	v26 =	vld.idx.msk [tilespmem:v26+s18+$0x0], $0xffff  }
0x28b: {  	v40 =	vor.u32 v7, v21;
	[tilespmem:v23+s19+$0x0] =	vst.idx.msk $0xffff, v33;
	v50 =	vld.idx.msk [tilespmem:v57+s18+$0x0], $0xffff  }
0x28c: {  	v25 =	vld.idx.msk [tilespmem:v25+s18+$0x0], $0xffff  }
0x28d: {  	v29 =	vor.u32 s25, v49;
	[tilespmem:v60+s19+$0x0] =	vst.idx.msk $0xffff, v30;
	v30 =	vld [tilespmem:$0x1FE70]  }
0x28e: {  	[tilespmem:v63+s19+$0x0] =	vst.idx.msk $0xffff, v31;
	v31 =	vld [tilespmem:$0x1FE80]  }
0x28f: {  	v23 =	vor.u32 s0, v58;
	v57 =	vor.u32 v7, v22;
	[tilespmem:v28+s19+$0x0] =	vst.idx.msk $0xffff, v24;
	v27 =	vld.idx.msk [tilespmem:v27+s18+$0x0], $0xffff  }
0x290: {  	v24 =	vor.u32 v9, v17;
	v28 =	vor.u32 s29, v61;
	[tilespmem:v40+s19+$0x0] =	vst.idx.msk $0xffff, v26;
	v26 =	vor.u32 s23, v52;
	v52 =	vld [tilespmem:$0x1FF90]  }
0x291: {  	v60 =	vor.u32 v9, v19;
	v40 =	vor.u32 s25, v4;
	v4 =	vld [tilespmem:$0x1FD10]  }
0x292: {  	v63 =	vor.u32 v9, v20;
	v29 =	vld.idx.msk [tilespmem:v29+s18+$0x0], $0xffff  }
0x293: {  	v34 =	vld.idx.msk [tilespmem:v54+s18+$0x0], $0xffff  }
0x294: {  	v58 =	vor.u32 v9, v18;
	[tilespmem:v57+s19+$0x0] =	vst.idx.msk $0xffff, v50;
	v23 =	vld.idx.msk [tilespmem:v23+s18+$0x0], $0xffff  }
0x295: {  	v30 =	vor.u32 s15, v30;
	[tilespmem:v24+s19+$0x0] =	vst.idx.msk $0xffff, v25;
	v25 =	vld.idx.msk [tilespmem:v28+s18+$0x0], $0xffff  }
0x296: {  	v50 =	vor.u32 v9, v21;
	v31 =	vor.u32 s16, v31;
	v24 =	vor.u32 s0, v4;
	[tilespmem:v60+s19+$0x0] =	vst.idx.msk $0xffff, v27;
	v4 =	vld [tilespmem:$0x1FCF0]  }
0x297: {  	v28 =	vor.u32 v9, v22;
	[tilespmem:v63+s19+$0x0] =	vst.idx.msk $0xffff, v29;
	v26 =	vld.idx.msk [tilespmem:v26+s18+$0x0], $0xffff  }
0x298: {  	v54 =	vor.u32 s29, v62;
	v33 =	vld.idx.msk [tilespmem:v40+s18+$0x0], $0xffff  }
0x299: {  	[tilespmem:v58+s19+$0x0] =	vst.idx.msk $0xffff, v34;
	v58 =	vor.u32 v11, v19;
	v34 =	vld [tilespmem:$0x1FE10]  }
0x29a: {  	v30 =	vld.idx.msk [tilespmem:v30+s18+$0x0], $0xffff  }
0x29b: {  	v53 =	vor.u32 v11, v17;
	v60 =	vor.u32 s23, v1;
	[tilespmem:v50+s19+$0x0] =	vst.idx.msk $0xffff, v23;
	v31 =	vld.idx.msk [tilespmem:v31+s18+$0x0], $0xffff  }
0x29c: {  	v57 =	vor.u32 v11, v18;
	[tilespmem:v28+s19+$0x0] =	vst.idx.msk $0xffff, v25;
	v24 =	vld.idx.msk [tilespmem:v24+s18+$0x0], $0xffff  }
0x29d: {  	v27 =	vor.u32 s15, v51;
	v40 =	vld.idx.msk [tilespmem:v54+s18+$0x0], $0xffff  }
0x29e: {  	v29 =	vor.u32 s16, v56;
	v63 =	vor.u32 v11, v20;
	[tilespmem:v58+s19+$0x0] =	vst.idx.msk $0xffff, v26;
	v26 =	vld [tilespmem:$0x1FEC0]  }
0x29f: {  	v28 =	vor.u32 v11, v21;
	v54 =	vld [tilespmem:$0x1FED0]  }
0x2a0: {  	v50 =	vor.u32 v11, v22;
	v25 =	vor.u32 s25, v46;
	v23 =	vld.idx.msk [tilespmem:v60+s18+$0x0], $0xffff;
	[tilespmem:v53+s19+$0x0] =	vst.idx.msk $0xffff, v30  }
0x2a1: {  	v56 =	vor.u32 v13, v19;
	v30 =	vor.u32 s0, v8;
	[tilespmem:v57+s19+$0x0] =	vst.idx.msk $0xffff, v31;
	v57 =	vor.u32 s25, v4;
	v4 =	vld [tilespmem:$0x1FD40]  }
0x2a2: {  	v51 =	vor.u32 s29, v10;
	v31 =	vor.u32 v13, v17;
	v27 =	vld.idx.msk [tilespmem:v27+s18+$0x0], $0xffff  }
0x2a3: {  	[tilespmem:v63+s19+$0x0] =	vst.idx.msk $0xffff, v33;
	v53 =	vor.u32 v13, v18;
	v29 =	vld.idx.msk [tilespmem:v29+s18+$0x0], $0xffff;
	v26 =	vor.u32 s15, v26  }
0x2a4: {  	v46 =	vld [tilespmem:$0x1FFE0];
	[tilespmem:v28+s19+$0x0] =	vst.idx.msk $0xffff, v24;
	v24 =	vor.u32 s23, v2  }
0x2a5: {  	v25 =	vld.idx.msk [tilespmem:v25+s18+$0x0], $0xffff;
	v28 =	vor.u32 v13, v20;
	v33 =	vor.u32 s16, v54;
	[tilespmem:v50+s19+$0x0] =	vst.idx.msk $0xffff, v40  }
0x2a6: {  	v58 =	vor.u32 v13, v21;
	[tilespmem:v56+s19+$0x0] =	vst.idx.msk $0xffff, v23;
	v30 =	vld.idx.msk [tilespmem:v30+s18+$0x0], $0xffff  }
0x2a7: {  	v60 =	vor.u32 v13, v22;
	[tilespmem:v31+s19+$0x0] =	vst.idx.msk $0xffff, v27;
	v27 =	vor.u32 s0, v4;
	v31 =	vld.idx.msk [tilespmem:v51+s18+$0x0], $0xffff  }
0x2a8: {  	v17 =	vor.u32 v15, v17;
	[tilespmem:v53+s19+$0x0] =	vst.idx.msk $0xffff, v29;
	v29 =	vor.u32 s29, v16;
	v26 =	vld.idx.msk [tilespmem:v26+s18+$0x0], $0xffff  }
0x2a9: {  	v19 =	vor.u32 v15, v19;
	v24 =	vld.idx.msk [tilespmem:v24+s18+$0x0], $0xffff  }
0x2aa: {  	v18 =	vor.u32 v15, v18;
	[tilespmem:v28+s19+$0x0] =	vst.idx.msk $0xffff, v25;
	v63 =	vld.idx.msk [tilespmem:v33+s18+$0x0], $0xffff  }
0x2ab: {  	v20 =	vor.u32 v15, v20;
	v25 =	vld.idx.msk [tilespmem:v57+s18+$0x0], $0xffff;
	[tilespmem:v58+s19+$0x0] =	vst.idx.msk $0xffff, v30  }
0x2ac: {  	v21 =	vor.u32 v15, v21;
	[tilespmem:v60+s19+$0x0] =	vst.idx.msk $0xffff, v31;
	v27 =	vld.idx.msk [tilespmem:v27+s18+$0x0], $0xffff  }
0x2ad: {  	p2 =	slt.u32 s14, $0x30;
	v22 =	vor.u32 v15, v22;
	[tilespmem:v17+s19+$0x0] =	vst.idx.msk $0xffff, v26;
	v17 =	vld.idx.msk [tilespmem:v29+s18+$0x0], $0xffff  }
.Ltmp3:
0x2ae: {  	v8 =	vld [tilespmem:$0x1FFD0];
	[tilespmem:v19+s19+$0x0] =	vst.idx.msk $0xffff, v24;
	(pc) =	sbr.rel @p2 .LBB2_5-.Ltmp3, $4  }
0x2af: {  	v33 =	vld [tilespmem:$0x1FF30];
	[tilespmem:v18+s19+$0x0] =	vst.idx.msk $0xffff, v63  }
0x2b0: {  	v30 =	vld [tilespmem:$0x1FF20];
	[tilespmem:v20+s19+$0x0] =	vst.idx.msk $0xffff, v25  }
0x2b1: {  	v29 =	vld [tilespmem:$0x1FF00];
	[tilespmem:v21+s19+$0x0] =	vst.idx.msk $0xffff, v27  }
0x2b2: {  	s14 =	sadd.s32 $0x10, s14;
	v27 =	vld [tilespmem:$0x1FEF0];
	[tilespmem:v22+s19+$0x0] =	vst.idx.msk $0xffff, v17  }
0x2b3: {  	s0 =	sadd.s32 s5, s6  }
0x2b4: {  	s6 =	sshll.u32 s0, $0x3  }
0x2b5: {  	s0 =	sand.u32 $0x7D, s0;
	s6 =	sand.u32 $0x3FFC00, s6  }
0x2b6: {  	s0 =	sor.u32 s0, s6  }
0x2b7: {  	s0 =	sshll.u32 s0, $0x7  }
0x2b8: {  	s25 =	sadd.s32 s2, s0  }
0x2b9: {  	[hbm4b:s25+s3] =	stream.linear.scatter [tilespmem:s19], [sflag:$0x6], $0x400, $0x38;
	[tilespmem:$0x12800] =	vst v63  }
0x2ba: {  	s14 =	simm.s32 $0xCC00;
	s29 =	sadd.s32 s0, s7  }
0x2bb: {  	[hbm4b:s29+s3] =	stream.linear.scatter [tilespmem:s14], [sflag:$0x6], $0x400, $0x38;
	[tilespmem:$0x12800] =	vst v63  }
0x2bc: {  	s15 =	simm.s32 $0xD000;
	s14 =	sadd.s32 s0, s8  }
0x2bd: {  	[hbm4b:s14+s3] =	stream.linear.scatter [tilespmem:s15], [sflag:$0x6], $0x400, $0x38;
	[tilespmem:$0x12800] =	vst v63  }
0x2be: {  	s23 =	simm.s32 $0xD400;
	s16 =	sadd.s32 s0, s9  }
0x2bf: {  	[hbm4b:s16+s3] =	stream.linear.scatter [tilespmem:s23], [sflag:$0x6], $0x400, $0x38;
	[tilespmem:$0x12800] =	vst v63  }
0x2c0: {  	s25 =	sadd.s32 s0, s10;
	s29 =	simm.s32 $0xD800  }
0x2c1: {  	[hbm4b:s25+s3] =	stream.linear.scatter [tilespmem:s29], [sflag:$0x6], $0x400, $0x38;
	[tilespmem:$0x12800] =	vst v63  }
0x2c2: {  	s14 =	sadd.s32 s0, s11;
	s15 =	simm.s32 $0xDC00  }
0x2c3: {  	[hbm4b:s14+s3] =	stream.linear.scatter [tilespmem:s15], [sflag:$0x6], $0x400, $0x38;
	[tilespmem:$0x12800] =	vst v63  }
0x2c4: {  	s16 =	sadd.s32 s0, s12;
	s23 =	simm.s32 $0xE000  }
0x2c5: {  	[hbm4b:s16+s3] =	stream.linear.scatter [tilespmem:s23], [sflag:$0x6], $0x400, $0x38;
	[tilespmem:$0x12800] =	vst v63  }
0x2c6: {  	s6 =	simm.s32 @!p1 $0x80;
	s0 =	sadd.s32 s0, s13;
	s25 =	simm.s32 $0xE400  }
0x2c7: {  	[hbm4b:s0+s3] =	stream.linear.scatter [tilespmem:s25], [sflag:$0x6], $0x400, $0x38;
	[tilespmem:$0x12800] =	vst v63  }
0x2c8: {  	s29 =	simm.s32 $0x3;
	s14 =	simm.s32 @!p1 $0x4800;
	s0 =	sadd.s32 @!p1 $0x280, s21  }
0x2c9: {  	[tilespmem:s14], [sflag:$0x2] =	stream.indirect.gather @!p1 [hbm4b:s4+s6], $0x40, s0, s6, $0xb8;
	[tilespmem:$0x12800] =	vst v63  }
0x2ca: {  	_ =	swait.ge [sflag:s29], $0x2000  }
0x2cb: {  	[sflag:s29] =	ssyncset.done $0x0  }
0x2cc: {  	s0 =	simm.s32 @!p0 $0x7;
	[sflag:s29] =	ssyncadd.s32 $0xFFFFE000  }
0x2cd: {  	_ =	swait.ge @!p0 [sflag:s0], $0x400  }
0x2ce: {  	[sflag:s0] =	ssyncset.done @!p0 $0x0  }
0x2cf: {  	[sflag:s0] =	ssyncadd.s32 @!p0 $0xFFFFFC00  }
0x2d0: {  	_ =	swait.ge @!p0 [sflag:s0], $0x400  }
0x2d1: {  	[sflag:s0] =	ssyncset.done @!p0 $0x0  }
0x2d2: {  	[sflag:s0] =	ssyncadd.s32 @!p0 $0xFFFFFC00  }
0x2d3: {  	_ =	swait.ge @!p0 [sflag:s0], $0x400  }
0x2d4: {  	[sflag:s0] =	ssyncset.done @!p0 $0x0  }
0x2d5: {  	[sflag:s0] =	ssyncadd.s32 @!p0 $0xFFFFFC00  }
0x2d6: {  	_ =	swait.ge @!p0 [sflag:s0], $0x400  }
0x2d7: {  	[sflag:s0] =	ssyncset.done @!p0 $0x0  }
0x2d8: {  	[sflag:s0] =	ssyncadd.s32 @!p0 $0xFFFFFC00  }
0x2d9: {  	_ =	swait.ge @!p0 [sflag:s0], $0x400  }
0x2da: {  	[sflag:s0] =	ssyncset.done @!p0 $0x0  }
0x2db: {  	[sflag:s0] =	ssyncadd.s32 @!p0 $0xFFFFFC00  }
0x2dc: {  	_ =	swait.ge @!p0 [sflag:s0], $0x400  }
0x2dd: {  	[sflag:s0] =	ssyncset.done @!p0 $0x0  }
0x2de: {  	[sflag:s0] =	ssyncadd.s32 @!p0 $0xFFFFFC00  }
0x2df: {  	_ =	swait.ge @!p0 [sflag:s0], $0x400  }
0x2e0: {  	[sflag:s0] =	ssyncset.done @!p0 $0x0  }
0x2e1: {  	[sflag:s0] =	ssyncadd.s32 @!p0 $0xFFFFFC00  }
0x2e2: {  	_ =	swait.ge @!p0 [sflag:s0], $0x400  }
0x2e3: {  	v14 =	vmov v48;
	v40 =	vmov v42;
	[sflag:s0] =	ssyncset.done @!p0 $0x0;
	[tilespmem:$0x1FC40] =	vst v10  }
0x2e4: {  	v58 =	vmovc v49;
	v59 =	vmovc v61;
	v2 =	vmov v0;
	v12 =	vmov v62;
	v42 =	vmov v52;
	s6 =	sor.u32 $0x2, s1;
	s14 =	simm.s32 $0x0;
	v49 =	vld [tilespmem:$0x1FFB0];
	[tilespmem:$0x1FC50] =	vst v16;
	[sflag:s0] =	ssyncadd.s32 @!p0 $0xFFFFFC00  }
.LBB2_7:
0x2e5: {  	v6 =	vld [tilespmem:$0x1FD30];
	_ =	sdelay $0x4  }
0x2e6: {  	v17 =	vor.u32 s14, v6;
	_ =	sdelay $0x2  }
0x2e7: {  	v19 =	vmov s14  }
0x2e8: {  	s23 =	sadd.s32 $0x1, s14;
	v19 =	vshll.u32 v19, $0x7  }
0x2e9: {  	v23 =	vor.u32 v45, v19;
	v18 =	vor.u32 s23, v30;
	v22 =	vld.idx.msk [tilespmem:v17+s20+$0x0], $0xffff  }
0x2ea: {  	s0 =	sadd.s32 $0x3, s14;
	v24 =	vor.u32 s14, v34  }
0x2eb: {  	s15 =	sadd.s32 $0x2, s14;
	v4 =	vld [tilespmem:$0x1FF60];
	v21 =	vor.u32 s0, v29  }
0x2ec: {  	v60 =	vld [tilespmem:$0x1FDF0];
	v20 =	vor.u32 s15, v27;
	v17 =	vmov s23  }
0x2ed: {  	v53 =	vld [tilespmem:$0x1FDD0];
	v25 =	vshll.u32 v17, $0x7;
	v17 =	vmov s15  }
0x2ee: {  	v18 =	vld.idx.msk [tilespmem:v18+s20+$0x0], $0xffff;
	v26 =	vor.u32 v45, v25;
	v27 =	vshll.u32 v17, $0x7;
	v17 =	vmov s0;
	[tilespmem:v23+s30+$0x0] =	vst.idx.msk $0xffff, v22  }
0x2ef: {  	v17 =	vshll.u32 v17, $0x7;
	v23 =	vld.idx.msk [tilespmem:v24+s20+$0x0], $0xffff;
	v24 =	vor.u32 v3, v19  }
0x2f0: {  	v32 =	vor.u32 s14, v37;
	v21 =	vld.idx.msk [tilespmem:v21+s20+$0x0], $0xffff;
	v31 =	vor.u32 v45, v17  }
0x2f1: {  	v28 =	vor.u32 s23, v4;
	v20 =	vld.idx.msk [tilespmem:v20+s20+$0x0], $0xffff;
	v29 =	vor.u32 v45, v27  }
0x2f2: {  	v51 =	vld [tilespmem:$0x1FDC0];
	v30 =	vor.u32 s15, v47  }
0x2f3: {  	v1 =	vld [tilespmem:$0x1FFA0];
	v55 =	vor.u32 s0, v55;
	[tilespmem:v26+s30+$0x0] =	vst.idx.msk $0xffff, v18  }
0x2f4: {  	v0 =	vmov v42;
	v42 =	vld [tilespmem:$0x1FE90];
	[tilespmem:v24+s30+$0x0] =	vst.idx.msk $0xffff, v23  }
0x2f5: {  	[tilespmem:v31+s30+$0x0] =	vst.idx.msk $0xffff, v21;
	v31 =	vor.u32 v5, v19;
	v24 =	vld.idx.msk [tilespmem:v32+s20+$0x0], $0xffff  }
0x2f6: {  	v26 =	vor.u32 v3, v25;
	v18 =	vld.idx.msk [tilespmem:v28+s20+$0x0], $0xffff;
	[tilespmem:v29+s30+$0x0] =	vst.idx.msk $0xffff, v20  }
0x2f7: {  	v56 =	vor.u32 s23, v41;
	v29 =	vor.u32 v3, v27;
	v28 =	vld.idx.msk [tilespmem:v30+s20+$0x0], $0xffff  }
0x2f8: {  	v57 =	vor.u32 s15, v38;
	v30 =	vor.u32 v3, v17;
	v22 =	vld.idx.msk [tilespmem:v55+s20+$0x0], $0xffff  }
0x2f9: {  	v47 =	vld [tilespmem:$0x1FDA0];
	v62 =	vor.u32 s0, v60  }
0x2fa: {  	v63 =	vor.u32 s14, v33;
	[tilespmem:v31+s30+$0x0] =	vst.idx.msk $0xffff, v24;
	v24 =	vld [tilespmem:$0x1FE40]  }
0x2fb: {  	v55 =	vld [tilespmem:$0x1FDE0];
	[tilespmem:v26+s30+$0x0] =	vst.idx.msk $0xffff, v18  }
0x2fc: {  	v37 =	vor.u32 v5, v25;
	v18 =	vld.idx.msk [tilespmem:v56+s20+$0x0], $0xffff;
	[tilespmem:v29+s30+$0x0] =	vst.idx.msk $0xffff, v28  }
0x2fd: {  	v26 =	vor.u32 s23, v44;
	v21 =	vld.idx.msk [tilespmem:v57+s20+$0x0], $0xffff;
	[tilespmem:v30+s30+$0x0] =	vst.idx.msk $0xffff, v22  }
0x2fe: {  	v29 =	vor.u32 v5, v17;
	v23 =	vld.idx.msk [tilespmem:v62+s20+$0x0], $0xffff  }
0x2ff: {  	v28 =	vor.u32 v5, v27;
	v30 =	vld.idx.msk [tilespmem:v63+s20+$0x0], $0xffff;
	v24 =	vor.u32 s0, v24  }
0x300: {  	v38 =	vor.u32 s15, v55;
	v31 =	vor.u32 v7, v19;
	v63 =	vld [tilespmem:$0x1FE00]  }
0x301: {  	v16 =	vmov v49;
	v49 =	vld [tilespmem:$0x1FC80];
	v41 =	vor.u32 s14, v35;
	[tilespmem:v37+s30+$0x0] =	vst.idx.msk $0xffff, v18  }
0x302: {  	v48 =	vor.u32 v7, v25;
	v18 =	vld.idx.msk [tilespmem:v26+s20+$0x0], $0xffff  }
0x303: {  	v4 =	vld [tilespmem:$0x1FF20];
	v50 =	vor.u32 s23, v47;
	[tilespmem:v29+s30+$0x0] =	vst.idx.msk $0xffff, v23  }
0x304: {  	[tilespmem:v28+s30+$0x0] =	vst.idx.msk $0xffff, v21;
	v28 =	vor.u32 v7, v17;
	v24 =	vld.idx.msk [tilespmem:v24+s20+$0x0], $0xffff  }
0x305: {  	v26 =	vor.u32 v7, v27;
	v22 =	vld.idx.msk [tilespmem:v38+s20+$0x0], $0xffff;
	[tilespmem:v31+s30+$0x0] =	vst.idx.msk $0xffff, v30;
	v29 =	vor.u32 s0, v63  }
0x306: {  	v30 =	vld.idx.msk [tilespmem:v41+s20+$0x0], $0xffff  }
0x307: {  	v41 =	vld [tilespmem:$0x1FD70];
	[tilespmem:v48+s30+$0x0] =	vst.idx.msk $0xffff, v18  }
0x308: {  	v54 =	vor.u32 s15, v53;
	v57 =	vor.u32 v9, v25;
	v18 =	vld.idx.msk [tilespmem:v50+s20+$0x0], $0xffff  }
0x309: {  	v61 =	vor.u32 s23, v43;
	[tilespmem:v28+s30+$0x0] =	vst.idx.msk $0xffff, v24;
	v24 =	vld [tilespmem:$0x1FE70]  }
0x30a: {  	v31 =	vor.u32 v9, v19;
	[tilespmem:v26+s30+$0x0] =	vst.idx.msk $0xffff, v22;
	v26 =	vld.idx.msk [tilespmem:v29+s20+$0x0], $0xffff  }
0x30b: {  	v56 =	vor.u32 s14, v36;
	v29 =	vld [tilespmem:$0x1FE80]  }
0x30c: {  	v50 =	vld [tilespmem:$0x1FE60]  }
0x30d: {  	v62 =	vor.u32 v9, v27;
	v22 =	vld.idx.msk [tilespmem:v54+s20+$0x0], $0xffff;
	[tilespmem:v57+s30+$0x0] =	vst.idx.msk $0xffff, v18  }
0x30e: {  	v37 =	vor.u32 v11, v25;
	v18 =	vld.idx.msk [tilespmem:v61+s20+$0x0], $0xffff;
	v24 =	vor.u32 s15, v24  }
0x30f: {  	v44 =	vld [tilespmem:$0x1FD90];
	[tilespmem:v31+s30+$0x0] =	vst.idx.msk $0xffff, v30;
	v28 =	vor.u32 v9, v17  }
0x310: {  	s25 =	sadd.s32 $0x8, s14;
	v31 =	vor.u32 v11, v19;
	v30 =	vld.idx.msk [tilespmem:v56+s20+$0x0], $0xffff;
	v29 =	vor.u32 s0, v29  }
0x311: {  	s16 =	sadd.s32 $0x4, s14;
	v48 =	vor.u32 s25, v6;
	v6 =	vld [tilespmem:$0x1FCF0];
	v36 =	vor.u32 s14, v41  }
0x312: {  	v56 =	vld [tilespmem:$0x1FE30];
	v57 =	vor.u32 s16, v50;
	[tilespmem:v62+s30+$0x0] =	vst.idx.msk $0xffff, v22  }
0x313: {  	v43 =	vor.u32 v11, v27;
	[tilespmem:v37+s30+$0x0] =	vst.idx.msk $0xffff, v18;
	v22 =	vld.idx.msk [tilespmem:v24+s20+$0x0], $0xffff  }
0x314: {  	v18 =	vld [tilespmem:$0x1FEC0];
	[tilespmem:v28+s30+$0x0] =	vst.idx.msk $0xffff, v26;
	v24 =	vor.u32 s15, v51  }
0x315: {  	[tilespmem:v31+s30+$0x0] =	vst.idx.msk $0xffff, v30;
	v28 =	vor.u32 v11, v17;
	v26 =	vld.idx.msk [tilespmem:v29+s20+$0x0], $0xffff  }
0x316: {  	v30 =	vld.idx.msk [tilespmem:v36+s20+$0x0], $0xffff  }
0x317: {  	v38 =	vor.u32 s23, v44;
	v31 =	vor.u32 v13, v19;
	v37 =	vld.idx.msk [tilespmem:v57+s20+$0x0], $0xffff  }
0x318: {  	v52 =	vor.u32 s14, v39;
	[tilespmem:v43+s30+$0x0] =	vst.idx.msk $0xffff, v22;
	v43 =	vld [tilespmem:$0x1FD80]  }
0x319: {  	v29 =	vor.u32 s0, v56;
	v24 =	vld.idx.msk [tilespmem:v24+s20+$0x0], $0xffff  }
0x31a: {  	s29 =	sadd.s32 $0x9, s14;
	v62 =	vor.u32 v13, v27;
	[tilespmem:v28+s30+$0x0] =	vst.idx.msk $0xffff, v26;
	v26 =	vor.u32 s15, v18;
	v18 =	vld [tilespmem:$0x1FED0]  }
0x31b: {  	v57 =	vor.u32 s29, v4;
	v4 =	vld [tilespmem:$0x1FC60]  }
0x31c: {  	v20 =	vld.idx.msk [tilespmem:v38+s20+$0x0], $0xffff;
	[tilespmem:v31+s30+$0x0] =	vst.idx.msk $0xffff, v30  }
0x31d: {  	v54 =	vor.u32 v13, v25;
	v31 =	vld.idx.msk [tilespmem:v52+s20+$0x0], $0xffff  }
0x31e: {  	v28 =	vld.idx.msk [tilespmem:v29+s20+$0x0], $0xffff;
	v61 =	vor.u32 s23, v43  }
0x31f: {  	s15 =	sadd.s32 $0x6, s14;
	v29 =	vor.u32 v13, v17;
	v30 =	vor.u32 s0, v18;
	s0 =	sadd.s32 $0x5, s14;
	[tilespmem:v62+s30+$0x0] =	vst.idx.msk $0xffff, v24;
	v62 =	vmov v14;
	v14 =	vld [tilespmem:$0x1FF80]  }
0x320: {  	v52 =	vmov s15;
	v18 =	vmov s16;
	v36 =	vor.u32 s0, v1;
	v1 =	vld [tilespmem:$0x1FFF0]  }
0x321: {  	v21 =	vshll.u32 v52, $0x7;
	v52 =	vld [tilespmem:$0x1FE10];
	v18 =	vshll.u32 v18, $0x7  }
0x322: {  	[tilespmem:v54+s30+$0x0] =	vst.idx.msk $0xffff, v20;
	v26 =	vld.idx.msk [tilespmem:v26+s20+$0x0], $0xffff;
	v38 =	vor.u32 v45, v18  }
0x323: {  	v34 =	vor.u32 v15, v19;
	v27 =	vor.u32 v15, v27;
	s23 =	sadd.s32 $0x7, s14;
	v23 =	vld.idx.msk [tilespmem:v61+s20+$0x0], $0xffff  }
0x324: {  	v54 =	vmov s23;
	[tilespmem:v29+s30+$0x0] =	vst.idx.msk $0xffff, v28;
	v19 =	vmov s0;
	v61 =	vmovc v40;
	v40 =	vld [tilespmem:$0x1FC70];
	v28 =	vor.u32 s15, v14  }
0x325: {  	v22 =	vshll.u32 v54, $0x7;
	v54 =	vld.idx.msk [tilespmem:v57+s20+$0x0], $0xffff;
	v19 =	vshll.u32 v19, $0x7;
	v24 =	vor.u32 s16, v1  }
0x326: {  	v33 =	vor.u32 v45, v19;
	v32 =	vld.idx.msk [tilespmem:v36+s20+$0x0], $0xffff  }
0x327: {  	v25 =	vor.u32 v15, v25;
	v20 =	vld.idx.msk [tilespmem:v30+s20+$0x0], $0xffff;
	[tilespmem:v38+s30+$0x0] =	vst.idx.msk $0xffff, v37;
	v37 =	vor.u32 s0, v8  }
0x328: {  	v1 =	vmov v59;
	v59 =	vld [tilespmem:$0x1FF70]  }
0x329: {  	[tilespmem:v34+s30+$0x0] =	vst.idx.msk $0xffff, v31;
	v29 =	vor.u32 s23, v40;
	v28 =	vld.idx.msk [tilespmem:v28+s20+$0x0], $0xffff  }
0x32a: {  	v31 =	vor.u32 v45, v21;
	[tilespmem:v27+s30+$0x0] =	vst.idx.msk $0xffff, v26;
	v38 =	vld.idx.msk [tilespmem:v24+s20+$0x0], $0xffff  }
0x32b: {  	v30 =	vor.u32 v3, v18;
	v24 =	vmov s25;
	[tilespmem:v33+s30+$0x0] =	vst.idx.msk $0xffff, v32;
	v32 =	vor.u32 s23, v4;
	v4 =	vld [tilespmem:$0x1FF60]  }
0x32c: {  	v27 =	vor.u32 v3, v19;
	[tilespmem:v25+s30+$0x0] =	vst.idx.msk $0xffff, v23;
	v25 =	vor.u32 s15, v46;
	v23 =	vshll.u32 v24, $0x7;
	v26 =	vld.idx.msk [tilespmem:v37+s20+$0x0], $0xffff  }
0x32d: {  	v36 =	vor.u32 s16, v62;
	v33 =	vld.idx.msk [tilespmem:v48+s20+$0x0], $0xffff;
	v24 =	vmov s29;
	v48 =	vor.u32 v45, v23  }
0x32e: {  	v46 =	vor.u32 v45, v22;
	v37 =	vor.u32 s25, v52;
	v24 =	vshll.u32 v24, $0x7;
	v29 =	vld.idx.msk [tilespmem:v29+s20+$0x0], $0xffff  }
0x32f: {  	v8 =	vld [tilespmem:$0x1FD10];
	v57 =	vor.u32 v45, v24;
	[tilespmem:v31+s30+$0x0] =	vst.idx.msk $0xffff, v28  }
0x330: {  	[tilespmem:v30+s30+$0x0] =	vst.idx.msk $0xffff, v38;
	v31 =	vor.u32 s29, v4;
	v4 =	vld [tilespmem:$0x1FF10]  }
0x331: {  	v30 =	vor.u32 s0, v61;
	v25 =	vld.idx.msk [tilespmem:v25+s20+$0x0], $0xffff;
	[tilespmem:v27+s30+$0x0] =	vst.idx.msk $0xffff, v26  }
0x332: {  	v28 =	vor.u32 v5, v18;
	v36 =	vld.idx.msk [tilespmem:v36+s20+$0x0], $0xffff;
	[tilespmem:v48+s30+$0x0] =	vst.idx.msk $0xffff, v33  }
0x333: {  	[tilespmem:v46+s30+$0x0] =	vst.idx.msk $0xffff, v29;
	v29 =	vor.u32 s16, v42;
	v27 =	vld.idx.msk [tilespmem:v37+s20+$0x0], $0xffff  }
0x334: {  	v46 =	vor.u32 v3, v21;
	[tilespmem:v57+s30+$0x0] =	vst.idx.msk $0xffff, v54;
	v54 =	vld [tilespmem:$0x1FE20]  }
0x335: {  	v52 =	vor.u32 v3, v22;
	v32 =	vld.idx.msk [tilespmem:v32+s20+$0x0], $0xffff;
	v33 =	vor.u32 s15, v4  }
0x336: {  	v38 =	vor.u32 v5, v19;
	v26 =	vor.u32 s23, v49;
	v30 =	vld.idx.msk [tilespmem:v30+s20+$0x0], $0xffff  }
0x337: {  	v57 =	vor.u32 v3, v24;
	v31 =	vld.idx.msk [tilespmem:v31+s20+$0x0], $0xffff;
	[tilespmem:v28+s30+$0x0] =	vst.idx.msk $0xffff, v36  }
0x338: {  	v37 =	vor.u32 v3, v23;
	v28 =	vor.u32 s0, v59;
	v29 =	vld.idx.msk [tilespmem:v29+s20+$0x0], $0xffff  }
0x339: {  	v39 =	vor.u32 s25, v54;
	[tilespmem:v46+s30+$0x0] =	vst.idx.msk $0xffff, v25;
	v46 =	vld [tilespmem:$0x1FEA0]  }
0x33a: {  	v25 =	vor.u32 v7, v18;
	[tilespmem:v52+s30+$0x0] =	vst.idx.msk $0xffff, v32;
	v33 =	vld.idx.msk [tilespmem:v33+s20+$0x0], $0xffff  }
0x33b: {  	v48 =	vor.u32 s16, v0;
	v26 =	vld.idx.msk [tilespmem:v26+s20+$0x0], $0xffff;
	[tilespmem:v38+s30+$0x0] =	vst.idx.msk $0xffff, v30  }
0x33c: {  	v52 =	vor.u32 v5, v21;
	[tilespmem:v57+s30+$0x0] =	vst.idx.msk $0xffff, v31;
	v57 =	vld [tilespmem:$0x1FF30]  }
0x33d: {  	[tilespmem:v37+s30+$0x0] =	vst.idx.msk $0xffff, v27;
	v28 =	vld.idx.msk [tilespmem:v28+s20+$0x0], $0xffff  }
0x33e: {  	v27 =	vor.u32 s15, v16;
	v54 =	vor.u32 v5, v22;
	v38 =	vld.idx.msk [tilespmem:v39+s20+$0x0], $0xffff  }
0x33f: {  	v10 =	vmov v58;
	v30 =	vor.u32 s23, v2;
	[tilespmem:v25+s30+$0x0] =	vst.idx.msk $0xffff, v29;
	v25 =	vor.u32 s0, v58;
	v58 =	vld [tilespmem:$0x1FD00]  }
0x340: {  	v31 =	vor.u32 v7, v19;
	v34 =	vor.u32 s29, v46;
	v32 =	vld.idx.msk [tilespmem:v48+s20+$0x0], $0xffff  }
0x341: {  	[tilespmem:v52+s30+$0x0] =	vst.idx.msk $0xffff, v33;
	v52 =	vld [tilespmem:$0x1FEB0]  }
0x342: {  	v39 =	vor.u32 v5, v23;
	v36 =	vor.u32 s25, v57;
	v57 =	vld [tilespmem:$0x1FF40]  }
0x343: {  	[tilespmem:v54+s30+$0x0] =	vst.idx.msk $0xffff, v26;
	v27 =	vld.idx.msk [tilespmem:v27+s20+$0x0], $0xffff  }
0x344: {  	v37 =	vor.u32 v7, v21;
	v30 =	vld.idx.msk [tilespmem:v30+s20+$0x0], $0xffff  }
0x345: {  	v54 =	vor.u32 v7, v22;
	[tilespmem:v31+s30+$0x0] =	vst.idx.msk $0xffff, v28;
	v29 =	vld.idx.msk [tilespmem:v34+s20+$0x0], $0xffff  }
0x346: {  	v46 =	vor.u32 v5, v24;
	v28 =	vor.u32 s23, v1;
	v25 =	vld.idx.msk [tilespmem:v25+s20+$0x0], $0xffff  }
0x347: {  	[tilespmem:v39+s30+$0x0] =	vst.idx.msk $0xffff, v38;
	v35 =	vor.u32 s29, v52;
	v52 =	vld [tilespmem:$0x1FC90]  }
0x348: {  	v38 =	vor.u32 s15, v58;
	v31 =	vld.idx.msk [tilespmem:v36+s20+$0x0], $0xffff  }
0x349: {  	v48 =	vor.u32 v9, v18;
	[tilespmem:v37+s30+$0x0] =	vst.idx.msk $0xffff, v27;
	v37 =	vor.u32 s29, v47;
	v47 =	vld [tilespmem:$0x1FDB0]  }
0x34a: {  	v36 =	vor.u32 v7, v23;
	[tilespmem:v54+s30+$0x0] =	vst.idx.msk $0xffff, v30;
	v54 =	vmov v2;
	v2 =	vld [tilespmem:$0x1FCA0]  }
0x34b: {  	v34 =	vor.u32 s25, v57;
	v28 =	vld.idx.msk [tilespmem:v28+s20+$0x0], $0xffff;
	[tilespmem:v46+s30+$0x0] =	vst.idx.msk $0xffff, v29;
	v29 =	vor.u32 v9, v19  }
0x34c: {  	v46 =	vld [tilespmem:$0x1FCD0]  }
0x34d: {  	v57 =	vor.u32 v9, v21;
	v38 =	vld.idx.msk [tilespmem:v38+s20+$0x0], $0xffff  }
0x34e: {  	[tilespmem:v48+s30+$0x0] =	vst.idx.msk $0xffff, v32;
	v26 =	vor.u32 s16, v52;
	v33 =	vld.idx.msk [tilespmem:v35+s20+$0x0], $0xffff  }
0x34f: {  	v48 =	vor.u32 v7, v24;
	[tilespmem:v36+s30+$0x0] =	vst.idx.msk $0xffff, v31;
	v31 =	vor.u32 s15, v8;
	v8 =	vld [tilespmem:$0x1FD20]  }
0x350: {  	[tilespmem:v29+s30+$0x0] =	vst.idx.msk $0xffff, v25;
	v29 =	vld.idx.msk [tilespmem:v34+s20+$0x0], $0xffff  }
0x351: {  	v36 =	vor.u32 v9, v22;
	v32 =	vor.u32 s0, v46;
	v46 =	vld [tilespmem:$0x1FCE0]  }
0x352: {  	v25 =	vor.u32 s23, v12;
	[tilespmem:v57+s30+$0x0] =	vst.idx.msk $0xffff, v38;
	v57 =	vld [tilespmem:$0x1FEE0]  }
0x353: {  	v34 =	vor.u32 v9, v23;
	v26 =	vld.idx.msk [tilespmem:v26+s20+$0x0], $0xffff  }
0x354: {  	v27 =	vor.u32 v11, v18;
	[tilespmem:v48+s30+$0x0] =	vst.idx.msk $0xffff, v33;
	v48 =	vld [tilespmem:$0x1FF50]  }
0x355: {  	v31 =	vld.idx.msk [tilespmem:v31+s20+$0x0], $0xffff  }
0x356: {  	[tilespmem:v36+s30+$0x0] =	vst.idx.msk $0xffff, v28;
	v36 =	vor.u32 v11, v21;
	v32 =	vld.idx.msk [tilespmem:v32+s20+$0x0], $0xffff  }
0x357: {  	v25 =	vld.idx.msk [tilespmem:v25+s20+$0x0], $0xffff  }
0x358: {  	v30 =	vor.u32 s16, v2;
	v39 =	vor.u32 s29, v57;
	[tilespmem:v34+s30+$0x0] =	vst.idx.msk $0xffff, v29;
	v57 =	vld [tilespmem:$0x1FC40]  }
0x359: {  	v29 =	vor.u32 s15, v8;
	v34 =	vor.u32 v11, v22;
	[tilespmem:v27+s30+$0x0] =	vst.idx.msk $0xffff, v26;
	v27 =	vld.idx.msk [tilespmem:v37+s20+$0x0], $0xffff  }
0x35a: {  	v33 =	vor.u32 v11, v19;
	v35 =	vor.u32 s25, v48;
	v48 =	vmov v12;
	v12 =	vld [tilespmem:$0x1FCB0]  }
0x35b: {  	v26 =	vor.u32 s0, v46;
	[tilespmem:v36+s30+$0x0] =	vst.idx.msk $0xffff, v31;
	v31 =	vor.u32 s29, v44;
	v44 =	vld [tilespmem:$0x1FEB0]  }
0x35c: {  	v37 =	vor.u32 v9, v24;
	v36 =	vld [tilespmem:$0x1FD40]  }
0x35d: {  	v38 =	vor.u32 v13, v18;
	v30 =	vld.idx.msk [tilespmem:v30+s20+$0x0], $0xffff  }
0x35e: {  	[tilespmem:v34+s30+$0x0] =	vst.idx.msk $0xffff, v25;
	v25 =	vld.idx.msk [tilespmem:v29+s20+$0x0], $0xffff  }
0x35f: {  	[tilespmem:v33+s30+$0x0] =	vst.idx.msk $0xffff, v32;
	v32 =	vor.u32 s23, v57;
	v33 =	vld.idx.msk [tilespmem:v35+s20+$0x0], $0xffff  }
0x360: {  	v29 =	vor.u32 v13, v21;
	v26 =	vld.idx.msk [tilespmem:v26+s20+$0x0], $0xffff  }
0x361: {  	v28 =	vor.u32 s16, v12;
	v35 =	vor.u32 v11, v23;
	[tilespmem:v37+s30+$0x0] =	vst.idx.msk $0xffff, v27;
	v37 =	vor.u32 s25, v41;
	v41 =	vld [tilespmem:$0x1FEA0]  }
0x362: {  	v27 =	vor.u32 v13, v19;
	[tilespmem:v38+s30+$0x0] =	vst.idx.msk $0xffff, v30;
	v30 =	vor.u32 s0, v6;
	v6 =	vld [tilespmem:$0x1FFA0]  }
0x363: {  	v38 =	vld.idx.msk [tilespmem:v39+s20+$0x0], $0xffff  }
0x364: {  	v39 =	vor.u32 v11, v24;
	v32 =	vld.idx.msk [tilespmem:v32+s20+$0x0], $0xffff  }
0x365: {  	[tilespmem:v29+s30+$0x0] =	vst.idx.msk $0xffff, v25;
	v25 =	vor.u32 s29, v43;
	v43 =	vld [tilespmem:$0x1FEE0]  }
0x366: {  	v28 =	vld.idx.msk [tilespmem:v28+s20+$0x0], $0xffff;
	[tilespmem:v35+s30+$0x0] =	vst.idx.msk $0xffff, v33  }
0x367: {  	[tilespmem:v27+s30+$0x0] =	vst.idx.msk $0xffff, v26;
	v26 =	vld [tilespmem:$0x1FC50]  }
0x368: {  	v17 =	vor.u32 v15, v17;
	v33 =	vor.u32 s15, v36;
	v27 =	vld.idx.msk [tilespmem:v37+s20+$0x0], $0xffff  }
0x369: {  	v35 =	vor.u32 v13, v23;
	[tilespmem:v39+s30+$0x0] =	vst.idx.msk $0xffff, v38;
	v39 =	vld [tilespmem:$0x1FD60]  }
0x36a: {  	v34 =	vor.u32 v13, v22;
	v38 =	vld [tilespmem:$0x1FEF0]  }
0x36b: {  	v37 =	vld.idx.msk [tilespmem:v31+s20+$0x0], $0xffff;
	v31 =	vor.u32 v13, v24  }
0x36c: {  	v30 =	vld.idx.msk [tilespmem:v30+s20+$0x0], $0xffff  }
0x36d: {  	[tilespmem:v17+s30+$0x0] =	vst.idx.msk $0xffff, v20;
	v19 =	vor.u32 v15, v19;
	v26 =	vor.u32 s23, v26;
	v29 =	vld.idx.msk [tilespmem:v33+s20+$0x0], $0xffff  }
0x36e: {  	v18 =	vor.u32 v15, v18;
	v21 =	vor.u32 v15, v21;
	s15 =	sadd.s32 $0xA, s14;
	s23 =	sadd.s32 $0xC, s14;
	[tilespmem:v35+s30+$0x0] =	vst.idx.msk $0xffff, v27;
	v27 =	vld [tilespmem:$0x1FF00]  }
0x36f: {  	v22 =	vor.u32 v15, v22;
	s16 =	sadd.s32 $0xB, s14;
	[tilespmem:v34+s30+$0x0] =	vst.idx.msk $0xffff, v32;
	v32 =	vor.u32 s15, v38;
	v35 =	vor.u32 s23, v50;
	v50 =	vld [tilespmem:$0x1FFF0]  }
0x370: {  	v20 =	vmov s16;
	v17 =	vmov s15;
	v36 =	vor.u32 s25, v39;
	v38 =	vld [tilespmem:$0x1FE50];
	[tilespmem:v31+s30+$0x0] =	vst.idx.msk $0xffff, v37  }
0x371: {  	s29 =	sadd.s32 $0xF, s14;
	v17 =	vshll.u32 v17, $0x7;
	v24 =	vor.u32 v15, v24;
	s25 =	sadd.s32 $0xD, s14;
	v37 =	vmov s23;
	v25 =	vld.idx.msk [tilespmem:v25+s20+$0x0], $0xffff  }
0x372: {  	[tilespmem:v19+s30+$0x0] =	vst.idx.msk $0xffff, v30;
	v19 =	vshll.u32 v37, $0x7;
	v37 =	vor.u32 s29, v40;
	v40 =	vmov s25;
	v26 =	vld.idx.msk [tilespmem:v26+s20+$0x0], $0xffff  }
0x373: {  	[tilespmem:v18+s30+$0x0] =	vst.idx.msk $0xffff, v28;
	v18 =	vshll.u32 v20, $0x7;
	v20 =	vshll.u32 v40, $0x7;
	v40 =	vld [tilespmem:$0x1FC60];
	v27 =	vor.u32 s16, v27  }
0x374: {  	v34 =	vor.u32 v45, v17;
	v30 =	vld.idx.msk [tilespmem:v32+s20+$0x0], $0xffff  }
0x375: {  	s0 =	sadd.s32 $0xE, s14;
	v23 =	vor.u32 v15, v23;
	v33 =	vld.idx.msk [tilespmem:v36+s20+$0x0], $0xffff;
	v36 =	vor.u32 s25, v6  }
0x376: {  	v28 =	vor.u32 s0, v14;
	[tilespmem:v24+s30+$0x0] =	vst.idx.msk $0xffff, v25;
	v24 =	vld [tilespmem:$0x1FFD0]  }
0x377: {  	[tilespmem:v22+s30+$0x0] =	vst.idx.msk $0xffff, v26;
	v26 =	vld.idx.msk [tilespmem:v35+s20+$0x0], $0xffff  }
0x378: {  	v31 =	vor.u32 s15, v47;
	[tilespmem:v21+s30+$0x0] =	vst.idx.msk $0xffff, v29;
	v29 =	vor.u32 s16, v38;
	v38 =	vor.u32 v45, v19;
	v27 =	vld.idx.msk [tilespmem:v27+s20+$0x0], $0xffff  }
0x379: {  	v32 =	vor.u32 v45, v18;
	[tilespmem:v34+s30+$0x0] =	vst.idx.msk $0xffff, v30;
	v30 =	vld [tilespmem:$0x1FFE0]  }
0x37a: {  	v35 =	vor.u32 s23, v50;
	[tilespmem:v23+s30+$0x0] =	vst.idx.msk $0xffff, v33;
	v23 =	vld.idx.msk [tilespmem:v36+s20+$0x0], $0xffff;
	v33 =	vor.u32 v45, v20  }
0x37b: {  	v25 =	vld.idx.msk [tilespmem:v28+s20+$0x0], $0xffff;
	v50 =	vmov s0  }
0x37c: {  	v21 =	vshll.u32 v50, $0x7;
	v36 =	vmov s29;
	v34 =	vld.idx.msk [tilespmem:v37+s20+$0x0], $0xffff  }
0x37d: {  	v28 =	vor.u32 v45, v21;
	v22 =	vshll.u32 v36, $0x7;
	v31 =	vld.idx.msk [tilespmem:v31+s20+$0x0], $0xffff;
	v24 =	vor.u32 s25, v24;
	[tilespmem:v38+s30+$0x0] =	vst.idx.msk $0xffff, v26  }
0x37e: {  	v36 =	vor.u32 v45, v22;
	v38 =	vld [tilespmem:$0x1FD50];
	v30 =	vor.u32 s0, v30;
	[tilespmem:v32+s30+$0x0] =	vst.idx.msk $0xffff, v27  }
0x37f: {  	v27 =	vor.u32 v3, v17;
	v32 =	vor.u32 s29, v40;
	[tilespmem:v33+s30+$0x0] =	vst.idx.msk $0xffff, v23;
	v33 =	vld.idx.msk [tilespmem:v35+s20+$0x0], $0xffff  }
0x380: {  	v23 =	vor.u32 s16, v60;
	v60 =	vor.u32 v3, v19;
	v35 =	vld [tilespmem:$0x1FF40]  }
0x381: {  	v50 =	vor.u32 v3, v18;
	v29 =	vld.idx.msk [tilespmem:v29+s20+$0x0], $0xffff  }
0x382: {  	[tilespmem:v28+s30+$0x0] =	vst.idx.msk $0xffff, v25;
	v24 =	vld.idx.msk [tilespmem:v24+s20+$0x0], $0xffff  }
0x383: {  	v28 =	vor.u32 v3, v20;
	[tilespmem:v36+s30+$0x0] =	vst.idx.msk $0xffff, v34;
	v30 =	vld.idx.msk [tilespmem:v30+s20+$0x0], $0xffff  }
0x384: {  	v26 =	vor.u32 s15, v38;
	[tilespmem:v27+s30+$0x0] =	vst.idx.msk $0xffff, v31;
	v31 =	vld.idx.msk [tilespmem:v32+s20+$0x0], $0xffff  }
0x385: {  	v25 =	vor.u32 s23, v62;
	[tilespmem:v60+s30+$0x0] =	vst.idx.msk $0xffff, v33;
	v33 =	vor.u32 s15, v55;
	v55 =	vld [tilespmem:$0x1FE50]  }
0x386: {  	v34 =	vor.u32 s25, v61;
	v36 =	vor.u32 v3, v21;
	v27 =	vor.u32 s0, v4;
	v4 =	vld [tilespmem:$0x1FCD0];
	[tilespmem:v50+s30+$0x0] =	vst.idx.msk $0xffff, v29  }
0x387: {  	v32 =	vor.u32 v3, v22;
	v23 =	vld.idx.msk [tilespmem:v23+s20+$0x0], $0xffff  }
0x388: {  	v60 =	vor.u32 v5, v18;
	[tilespmem:v28+s30+$0x0] =	vst.idx.msk $0xffff, v24;
	v24 =	vld [tilespmem:$0x1FE40]  }
0x389: {  	v37 =	vor.u32 s29, v49;
	v29 =	vor.u32 v5, v17;
	v26 =	vld.idx.msk [tilespmem:v26+s20+$0x0], $0xffff  }
0x38a: {  	v25 =	vld.idx.msk [tilespmem:v25+s20+$0x0], $0xffff;
	v28 =	vor.u32 v5, v19  }
0x38b: {  	v50 =	vor.u32 v5, v20;
	v34 =	vld.idx.msk [tilespmem:v34+s20+$0x0], $0xffff;
	[tilespmem:v36+s30+$0x0] =	vst.idx.msk $0xffff, v30;
	v30 =	vor.u32 s23, v42  }
0x38c: {  	[tilespmem:v32+s30+$0x0] =	vst.idx.msk $0xffff, v31;
	v31 =	vor.u32 s25, v59;
	v36 =	vld [tilespmem:$0x1FF50]  }
0x38d: {  	v32 =	vor.u32 v5, v21;
	v27 =	vld.idx.msk [tilespmem:v27+s20+$0x0], $0xffff;
	v24 =	vor.u32 s16, v24;
	[tilespmem:v60+s30+$0x0] =	vst.idx.msk $0xffff, v23  }
0x38e: {  	[tilespmem:v29+s30+$0x0] =	vst.idx.msk $0xffff, v26;
	v26 =	vor.u32 s0, v16;
	v29 =	vld.idx.msk [tilespmem:v37+s20+$0x0], $0xffff  }
0x38f: {  	[tilespmem:v28+s30+$0x0] =	vst.idx.msk $0xffff, v25;
	v37 =	vor.u32 v5, v22;
	v33 =	vld.idx.msk [tilespmem:v33+s20+$0x0], $0xffff  }
0x390: {  	v60 =	vor.u32 s29, v54;
	[tilespmem:v50+s30+$0x0] =	vst.idx.msk $0xffff, v34;
	v30 =	vld.idx.msk [tilespmem:v30+s20+$0x0], $0xffff  }
0x391: {  	v50 =	vor.u32 v7, v19;
	v31 =	vld.idx.msk [tilespmem:v31+s20+$0x0], $0xffff  }
0x392: {  	v23 =	vor.u32 v7, v17;
	[tilespmem:v32+s30+$0x0] =	vst.idx.msk $0xffff, v27;
	v24 =	vld.idx.msk [tilespmem:v24+s20+$0x0], $0xffff  }
0x393: {  	v25 =	vor.u32 s15, v53;
	v32 =	vor.u32 v7, v20;
	v26 =	vld.idx.msk [tilespmem:v26+s20+$0x0], $0xffff  }
0x394: {  	v28 =	vor.u32 v7, v18;
	[tilespmem:v37+s30+$0x0] =	vst.idx.msk $0xffff, v29;
	v37 =	vld [tilespmem:$0x1FE20]  }
0x395: {  	v27 =	vor.u32 s23, v0;
	v60 =	vld.idx.msk [tilespmem:v60+s20+$0x0], $0xffff  }
0x396: {  	v53 =	vor.u32 v7, v21;
	v34 =	vor.u32 s16, v63;
	[tilespmem:v50+s30+$0x0] =	vst.idx.msk $0xffff, v30;
	v30 =	vld [tilespmem:$0x1FE70]  }
0x397: {  	v29 =	vor.u32 s25, v10;
	[tilespmem:v23+s30+$0x0] =	vst.idx.msk $0xffff, v33;
	v33 =	vor.u32 s25, v4;
	v4 =	vld [tilespmem:$0x1FD10]  }
0x398: {  	v63 =	vor.u32 v7, v22;
	v23 =	vor.u32 s0, v58;
	v25 =	vld.idx.msk [tilespmem:v25+s20+$0x0], $0xffff;
	[tilespmem:v32+s30+$0x0] =	vst.idx.msk $0xffff, v31  }
0x399: {  	v31 =	vld [tilespmem:$0x1FE80];
	[tilespmem:v28+s30+$0x0] =	vst.idx.msk $0xffff, v24;
	v24 =	vor.u32 v9, v17;
	v28 =	vor.u32 s29, v1  }
0x39a: {  	v27 =	vld.idx.msk [tilespmem:v27+s20+$0x0], $0xffff;
	v32 =	vor.u32 v9, v19  }
0x39b: {  	v34 =	vld.idx.msk [tilespmem:v34+s20+$0x0], $0xffff;
	[tilespmem:v53+s30+$0x0] =	vst.idx.msk $0xffff, v26;
	v26 =	vor.u32 s23, v52  }
0x39c: {  	v29 =	vld.idx.msk [tilespmem:v29+s20+$0x0], $0xffff;
	v53 =	vor.u32 v9, v20;
	v30 =	vor.u32 s15, v30  }
0x39d: {  	v50 =	vor.u32 v9, v18;
	[tilespmem:v63+s30+$0x0] =	vst.idx.msk $0xffff, v60;
	v23 =	vld.idx.msk [tilespmem:v23+s20+$0x0], $0xffff  }
0x39e: {  	v60 =	vor.u32 v9, v21;
	v31 =	vor.u32 s16, v31;
	[tilespmem:v24+s30+$0x0] =	vst.idx.msk $0xffff, v25;
	v25 =	vld.idx.msk [tilespmem:v28+s20+$0x0], $0xffff  }
0x39f: {  	[tilespmem:v32+s30+$0x0] =	vst.idx.msk $0xffff, v27;
	v24 =	vor.u32 s0, v4;
	v28 =	vor.u32 v9, v22;
	v4 =	vld [tilespmem:$0x1FCF0]  }
0x3a0: {  	v52 =	vor.u32 v11, v19;
	v26 =	vld.idx.msk [tilespmem:v26+s20+$0x0], $0xffff  }
0x3a1: {  	v63 =	vor.u32 v11, v17;
	[tilespmem:v53+s30+$0x0] =	vst.idx.msk $0xffff, v29;
	v30 =	vld.idx.msk [tilespmem:v30+s20+$0x0], $0xffff  }
0x3a2: {  	[tilespmem:v50+s30+$0x0] =	vst.idx.msk $0xffff, v34;
	v29 =	vor.u32 s16, v56;
	v56 =	vor.u32 v11, v20;
	v33 =	vld.idx.msk [tilespmem:v33+s20+$0x0], $0xffff  }
0x3a3: {  	v27 =	vor.u32 s15, v51;
	v51 =	vor.u32 v11, v18;
	[tilespmem:v60+s30+$0x0] =	vst.idx.msk $0xffff, v23;
	v31 =	vld.idx.msk [tilespmem:v31+s20+$0x0], $0xffff  }
0x3a4: {  	v50 =	vor.u32 s29, v48;
	v34 =	vld [tilespmem:$0x1FE10];
	[tilespmem:v28+s30+$0x0] =	vst.idx.msk $0xffff, v25  }
0x3a5: {  	v24 =	vld.idx.msk [tilespmem:v24+s20+$0x0], $0xffff;
	[tilespmem:v52+s30+$0x0] =	vst.idx.msk $0xffff, v26  }
0x3a6: {  	v53 =	vor.u32 s23, v2;
	v26 =	vld [tilespmem:$0x1FEC0];
	[tilespmem:v63+s30+$0x0] =	vst.idx.msk $0xffff, v30  }
0x3a7: {  	[tilespmem:v56+s30+$0x0] =	vst.idx.msk $0xffff, v33;
	v56 =	vor.u32 s25, v4;
	v4 =	vld [tilespmem:$0x1FD40]  }
0x3a8: {  	v27 =	vld.idx.msk [tilespmem:v27+s20+$0x0], $0xffff;
	[tilespmem:v51+s30+$0x0] =	vst.idx.msk $0xffff, v31;
	v31 =	vor.u32 v13, v17  }
0x3a9: {  	v25 =	vor.u32 s25, v46;
	v28 =	vor.u32 v11, v21;
	v60 =	vld.idx.msk [tilespmem:v50+s20+$0x0], $0xffff  }
0x3aa: {  	v52 =	vld [tilespmem:$0x1FED0]  }
0x3ab: {  	v30 =	vor.u32 s0, v8;
	v63 =	vor.u32 v11, v22;
	v23 =	vld.idx.msk [tilespmem:v53+s20+$0x0], $0xffff  }
0x3ac: {  	v50 =	vor.u32 s29, v57;
	v53 =	vor.u32 v13, v19;
	v29 =	vld.idx.msk [tilespmem:v29+s20+$0x0], $0xffff  }
0x3ad: {  	v51 =	vor.u32 v13, v18;
	v26 =	vor.u32 s15, v26;
	[tilespmem:v31+s30+$0x0] =	vst.idx.msk $0xffff, v27;
	v27 =	vor.u32 s0, v4;
	v4 =	vld [tilespmem:$0x1FC50]  }
0x3ae: {  	[tilespmem:v28+s30+$0x0] =	vst.idx.msk $0xffff, v24;
	v24 =	vor.u32 s23, v12;
	v25 =	vld.idx.msk [tilespmem:v25+s20+$0x0], $0xffff;
	v28 =	vor.u32 v13, v20  }
0x3af: {  	v46 =	vld [tilespmem:$0x1FFE0]  }
0x3b0: {  	v57 =	vor.u32 v13, v21;
	v33 =	vor.u32 s16, v52;
	[tilespmem:v63+s30+$0x0] =	vst.idx.msk $0xffff, v60;
	v30 =	vld.idx.msk [tilespmem:v30+s20+$0x0], $0xffff  }
0x3b1: {  	v60 =	vor.u32 v13, v22;
	[tilespmem:v53+s30+$0x0] =	vst.idx.msk $0xffff, v23;
	v31 =	vld.idx.msk [tilespmem:v50+s20+$0x0], $0xffff  }
0x3b2: {  	v17 =	vor.u32 v15, v17;
	[tilespmem:v51+s30+$0x0] =	vst.idx.msk $0xffff, v29;
	v26 =	vld.idx.msk [tilespmem:v26+s20+$0x0], $0xffff;
	v29 =	vor.u32 s29, v4  }
0x3b3: {  	v19 =	vor.u32 v15, v19;
	[tilespmem:v28+s30+$0x0] =	vst.idx.msk $0xffff, v25;
	v24 =	vld.idx.msk [tilespmem:v24+s20+$0x0], $0xffff  }
0x3b4: {  	v20 =	vor.u32 v15, v20;
	v25 =	vld.idx.msk [tilespmem:v56+s20+$0x0], $0xffff  }
0x3b5: {  	v18 =	vor.u32 v15, v18;
	v63 =	vld.idx.msk [tilespmem:v33+s20+$0x0], $0xffff;
	[tilespmem:v57+s30+$0x0] =	vst.idx.msk $0xffff, v30  }
0x3b6: {  	v21 =	vor.u32 v15, v21;
	[tilespmem:v60+s30+$0x0] =	vst.idx.msk $0xffff, v31;
	v27 =	vld.idx.msk [tilespmem:v27+s20+$0x0], $0xffff  }
0x3b7: {  	p2 =	slt.u32 s14, $0x30;
	v22 =	vor.u32 v15, v22;
	[tilespmem:v17+s30+$0x0] =	vst.idx.msk $0xffff, v26;
	v17 =	vld.idx.msk [tilespmem:v29+s20+$0x0], $0xffff  }
.Ltmp4:
0x3b8: {  	v8 =	vld [tilespmem:$0x1FFD0];
	[tilespmem:v19+s30+$0x0] =	vst.idx.msk $0xffff, v24;
	(pc) =	sbr.rel @p2 .LBB2_7-.Ltmp4, $4  }
0x3b9: {  	v33 =	vld [tilespmem:$0x1FF30];
	[tilespmem:v20+s30+$0x0] =	vst.idx.msk $0xffff, v25  }
0x3ba: {  	v30 =	vld [tilespmem:$0x1FF20];
	[tilespmem:v18+s30+$0x0] =	vst.idx.msk $0xffff, v63  }
0x3bb: {  	v14 =	vmov v62;
	v49 =	vmov v16;
	v40 =	vmov v61;
	v29 =	vld [tilespmem:$0x1FF00];
	[tilespmem:v21+s30+$0x0] =	vst.idx.msk $0xffff, v27  }
0x3bc: {  	s14 =	sadd.s32 $0x10, s14;
	v42 =	vmovc v0;
	v59 =	vmovc v1;
	v58 =	vmov v10;
	v2 =	vmov v54;
	v12 =	vmov v48;
	v27 =	vld [tilespmem:$0x1FEF0];
	[tilespmem:v22+s30+$0x0] =	vst.idx.msk $0xffff, v17  }
0x3bd: {  	s0 =	sadd.s32 s5, s6  }
0x3be: {  	s6 =	sshll.u32 s0, $0x3  }
0x3bf: {  	s0 =	sand.u32 $0x7E, s0;
	s6 =	sand.u32 $0x3FFC00, s6  }
0x3c0: {  	s0 =	sor.u32 s0, s6  }
0x3c1: {  	s0 =	sshll.u32 s0, $0x7  }
0x3c2: {  	s25 =	sadd.s32 s2, s0  }
0x3c3: {  	[hbm4b:s25+s3] =	stream.linear.scatter [tilespmem:s30], [sflag:$0x7], $0x400, $0x38;
	[tilespmem:$0x12800] =	vst v63  }
0x3c4: {  	s14 =	simm.s32 $0xEC00;
	s29 =	sadd.s32 s0, s7  }
0x3c5: {  	[hbm4b:s29+s3] =	stream.linear.scatter [tilespmem:s14], [sflag:$0x7], $0x400, $0x38;
	[tilespmem:$0x12800] =	vst v63  }
0x3c6: {  	s15 =	simm.s32 $0xF000;
	s14 =	sadd.s32 s0, s8  }
0x3c7: {  	[hbm4b:s14+s3] =	stream.linear.scatter [tilespmem:s15], [sflag:$0x7], $0x400, $0x38;
	[tilespmem:$0x12800] =	vst v63  }
0x3c8: {  	s23 =	simm.s32 $0xF400;
	s16 =	sadd.s32 s0, s9  }
0x3c9: {  	[hbm4b:s16+s3] =	stream.linear.scatter [tilespmem:s23], [sflag:$0x7], $0x400, $0x38;
	[tilespmem:$0x12800] =	vst v63  }
0x3ca: {  	s25 =	sadd.s32 s0, s10;
	s29 =	simm.s32 $0xF800  }
0x3cb: {  	[hbm4b:s25+s3] =	stream.linear.scatter [tilespmem:s29], [sflag:$0x7], $0x400, $0x38;
	[tilespmem:$0x12800] =	vst v63  }
0x3cc: {  	s15 =	sadd.s32 s0, s11;
	s16 =	simm.s32 $0xFC00  }
0x3cd: {  	[hbm4b:s15+s3] =	stream.linear.scatter [tilespmem:s16], [sflag:$0x7], $0x400, $0x38;
	[tilespmem:$0x12800] =	vst v63  }
0x3ce: {  	s23 =	sadd.s32 s0, s12;
	s25 =	simm.s32 $0x10000  }
0x3cf: {  	[hbm4b:s23+s3] =	stream.linear.scatter [tilespmem:s25], [sflag:$0x7], $0x400, $0x38;
	[tilespmem:$0x12800] =	vst v63  }
0x3d0: {  	s0 =	sadd.s32 s0, s13;
	s29 =	simm.s32 $0x10400  }
0x3d1: {  	[hbm4b:s0+s3] =	stream.linear.scatter [tilespmem:s29], [sflag:$0x7], $0x400, $0x38;
	[tilespmem:$0x12800] =	vst v63  }
0x3d2: {  	s6 =	simm.s32 @!p1 $0x80;
	s14 =	simm.s32 @!p1 $0x6800;
	s0 =	sadd.s32 @!p1 $0x300, s21  }
0x3d3: {  	[tilespmem:s14], [sflag:$0x3] =	stream.indirect.gather @!p1 [hbm4b:s4+s6], $0x40, s0, s6, $0xb8;
	[tilespmem:$0x12800] =	vst v63  }
0x3d4: {  	_ =	swait.ge [sflag:s26], $0x2000  }
0x3d5: {  	[sflag:s26] =	ssyncset.done $0x0  }
0x3d6: {  	s0 =	simm.s32 @!p0 $0x8;
	[sflag:s26] =	ssyncadd.s32 $0xFFFFE000  }
0x3d7: {  	_ =	swait.ge @!p0 [sflag:s0], $0x400  }
0x3d8: {  	[sflag:s0] =	ssyncset.done @!p0 $0x0  }
0x3d9: {  	[sflag:s0] =	ssyncadd.s32 @!p0 $0xFFFFFC00  }
0x3da: {  	_ =	swait.ge @!p0 [sflag:s0], $0x400  }
0x3db: {  	[sflag:s0] =	ssyncset.done @!p0 $0x0  }
0x3dc: {  	[sflag:s0] =	ssyncadd.s32 @!p0 $0xFFFFFC00  }
0x3dd: {  	_ =	swait.ge @!p0 [sflag:s0], $0x400  }
0x3de: {  	[sflag:s0] =	ssyncset.done @!p0 $0x0  }
0x3df: {  	[sflag:s0] =	ssyncadd.s32 @!p0 $0xFFFFFC00  }
0x3e0: {  	_ =	swait.ge @!p0 [sflag:s0], $0x400  }
0x3e1: {  	[sflag:s0] =	ssyncset.done @!p0 $0x0  }
0x3e2: {  	[sflag:s0] =	ssyncadd.s32 @!p0 $0xFFFFFC00  }
0x3e3: {  	_ =	swait.ge @!p0 [sflag:s0], $0x400  }
0x3e4: {  	[sflag:s0] =	ssyncset.done @!p0 $0x0  }
0x3e5: {  	[sflag:s0] =	ssyncadd.s32 @!p0 $0xFFFFFC00  }
0x3e6: {  	_ =	swait.ge @!p0 [sflag:s0], $0x400  }
0x3e7: {  	[sflag:s0] =	ssyncset.done @!p0 $0x0  }
0x3e8: {  	[sflag:s0] =	ssyncadd.s32 @!p0 $0xFFFFFC00  }
0x3e9: {  	_ =	swait.ge @!p0 [sflag:s0], $0x400  }
0x3ea: {  	[sflag:s0] =	ssyncset.done @!p0 $0x0  }
0x3eb: {  	[sflag:s0] =	ssyncadd.s32 @!p0 $0xFFFFFC00  }
0x3ec: {  	_ =	swait.ge @!p0 [sflag:s0], $0x400  }
0x3ed: {  	[sflag:s0] =	ssyncset.done @!p0 $0x0  }
0x3ee: {  	s1 =	sor.u32 $0x3, s1;
	s6 =	simm.s32 $0x0;
	[sflag:s0] =	ssyncadd.s32 @!p0 $0xFFFFFC00  }
.LBB2_9:
0x3ef: {  	v6 =	vld [tilespmem:$0x1FD30];
	_ =	sdelay $0x4  }
0x3f0: {  	v17 =	vor.u32 s6, v6;
	_ =	sdelay $0x2  }
0x3f1: {  	v19 =	vmov s6  }
0x3f2: {  	s16 =	sadd.s32 $0x1, s6;
	v19 =	vshll.u32 v19, $0x7  }
0x3f3: {  	v23 =	vor.u32 v45, v19;
	v18 =	vor.u32 s16, v30;
	v22 =	vld.idx.msk [tilespmem:v17+s22+$0x0], $0xffff  }
0x3f4: {  	s0 =	sadd.s32 $0x3, s6;
	v24 =	vor.u32 s6, v34  }
0x3f5: {  	s14 =	sadd.s32 $0x2, s6;
	v4 =	vld [tilespmem:$0x1FF60];
	v21 =	vor.u32 s0, v29  }
0x3f6: {  	v60 =	vld [tilespmem:$0x1FDF0];
	v20 =	vor.u32 s14, v27;
	v17 =	vmov s16  }
0x3f7: {  	v53 =	vld [tilespmem:$0x1FDD0];
	v25 =	vshll.u32 v17, $0x7;
	v17 =	vmov s14  }
0x3f8: {  	v18 =	vld.idx.msk [tilespmem:v18+s22+$0x0], $0xffff;
	v26 =	vor.u32 v45, v25;
	v27 =	vshll.u32 v17, $0x7;
	v17 =	vmov s0;
	[tilespmem:v23+s28+$0x0] =	vst.idx.msk $0xffff, v22  }
0x3f9: {  	v17 =	vshll.u32 v17, $0x7;
	v23 =	vld.idx.msk [tilespmem:v24+s22+$0x0], $0xffff;
	v24 =	vor.u32 v3, v19  }
0x3fa: {  	v32 =	vor.u32 s6, v37;
	v21 =	vld.idx.msk [tilespmem:v21+s22+$0x0], $0xffff;
	v31 =	vor.u32 v45, v17  }
0x3fb: {  	v28 =	vor.u32 s16, v4;
	v20 =	vld.idx.msk [tilespmem:v20+s22+$0x0], $0xffff;
	v29 =	vor.u32 v45, v27  }
0x3fc: {  	v63 =	vld [tilespmem:$0x1FE00];
	v30 =	vor.u32 s14, v47  }
0x3fd: {  	v51 =	vld [tilespmem:$0x1FDC0];
	v56 =	vor.u32 s0, v55;
	[tilespmem:v26+s28+$0x0] =	vst.idx.msk $0xffff, v18  }
0x3fe: {  	v14 =	vld [tilespmem:$0x1FF80];
	[tilespmem:v24+s28+$0x0] =	vst.idx.msk $0xffff, v23  }
0x3ff: {  	[tilespmem:v31+s28+$0x0] =	vst.idx.msk $0xffff, v21;
	v31 =	vor.u32 v5, v19;
	v24 =	vld.idx.msk [tilespmem:v32+s22+$0x0], $0xffff  }
0x400: {  	v26 =	vor.u32 v3, v25;
	v18 =	vld.idx.msk [tilespmem:v28+s22+$0x0], $0xffff;
	[tilespmem:v29+s28+$0x0] =	vst.idx.msk $0xffff, v20  }
0x401: {  	v57 =	vor.u32 s16, v41;
	v28 =	vld.idx.msk [tilespmem:v30+s22+$0x0], $0xffff  }
0x402: {  	v30 =	vor.u32 v3, v17;
	v22 =	vld.idx.msk [tilespmem:v56+s22+$0x0], $0xffff  }
0x403: {  	v55 =	vld [tilespmem:$0x1FDE0];
	v37 =	vor.u32 s0, v60;
	v29 =	vor.u32 v3, v27  }
0x404: {  	v59 =	vor.u32 s14, v38;
	[tilespmem:v31+s28+$0x0] =	vst.idx.msk $0xffff, v24;
	v24 =	vld [tilespmem:$0x1FE40]  }
0x405: {  	v38 =	vor.u32 s6, v33;
	v47 =	vld [tilespmem:$0x1FDA0];
	[tilespmem:v26+s28+$0x0] =	vst.idx.msk $0xffff, v18  }
0x406: {  	v40 =	vor.u32 v5, v25;
	v18 =	vld.idx.msk [tilespmem:v57+s22+$0x0], $0xffff  }
0x407: {  	v4 =	vld [tilespmem:$0x1FFA0];
	v26 =	vor.u32 s16, v44;
	[tilespmem:v30+s28+$0x0] =	vst.idx.msk $0xffff, v22  }
0x408: {  	[tilespmem:v29+s28+$0x0] =	vst.idx.msk $0xffff, v28;
	v29 =	vor.u32 v5, v17;
	v23 =	vld.idx.msk [tilespmem:v37+s22+$0x0], $0xffff  }
0x409: {  	v28 =	vor.u32 v5, v27;
	v21 =	vld.idx.msk [tilespmem:v59+s22+$0x0], $0xffff;
	v24 =	vor.u32 s0, v24  }
0x40a: {  	v41 =	vor.u32 s14, v55;
	v31 =	vor.u32 v7, v19;
	v30 =	vld.idx.msk [tilespmem:v38+s22+$0x0], $0xffff  }
0x40b: {  	v42 =	vor.u32 s6, v35;
	v44 =	vld [tilespmem:$0x1FD90];
	[tilespmem:v40+s28+$0x0] =	vst.idx.msk $0xffff, v18  }
0x40c: {  	v49 =	vor.u32 v7, v25;
	v18 =	vld.idx.msk [tilespmem:v26+s22+$0x0], $0xffff  }
0x40d: {  	v50 =	vor.u32 s16, v47;
	v57 =	vor.u32 s6, v36;
	v36 =	vor.u32 s16, v43;
	v43 =	vld [tilespmem:$0x1FD80];
	[tilespmem:v29+s28+$0x0] =	vst.idx.msk $0xffff, v23  }
0x40e: {  	[tilespmem:v28+s28+$0x0] =	vst.idx.msk $0xffff, v21;
	v28 =	vor.u32 v7, v17;
	v24 =	vld.idx.msk [tilespmem:v24+s22+$0x0], $0xffff  }
0x40f: {  	v26 =	vor.u32 v7, v27;
	v22 =	vld.idx.msk [tilespmem:v41+s22+$0x0], $0xffff;
	v29 =	vor.u32 s0, v63;
	[tilespmem:v31+s28+$0x0] =	vst.idx.msk $0xffff, v30  }
0x410: {  	v31 =	vor.u32 v9, v19;
	v30 =	vld.idx.msk [tilespmem:v42+s22+$0x0], $0xffff  }
0x411: {  	v41 =	vld [tilespmem:$0x1FD70];
	[tilespmem:v49+s28+$0x0] =	vst.idx.msk $0xffff, v18  }
0x412: {  	v56 =	vor.u32 s14, v53;
	v59 =	vor.u32 v9, v25;
	v18 =	vld.idx.msk [tilespmem:v50+s22+$0x0], $0xffff  }
0x413: {  	[tilespmem:v28+s28+$0x0] =	vst.idx.msk $0xffff, v24;
	v24 =	vld [tilespmem:$0x1FE70]  }
0x414: {  	[tilespmem:v26+s28+$0x0] =	vst.idx.msk $0xffff, v22;
	v26 =	vld.idx.msk [tilespmem:v29+s22+$0x0], $0xffff  }
0x415: {  	[tilespmem:v31+s28+$0x0] =	vst.idx.msk $0xffff, v30;
	v29 =	vld [tilespmem:$0x1FE80]  }
0x416: {  	v31 =	vor.u32 v11, v19;
	v30 =	vld.idx.msk [tilespmem:v57+s22+$0x0], $0xffff  }
0x417: {  	v37 =	vor.u32 v9, v27;
	v38 =	vor.u32 s6, v41;
	v22 =	vld.idx.msk [tilespmem:v56+s22+$0x0], $0xffff;
	[tilespmem:v59+s28+$0x0] =	vst.idx.msk $0xffff, v18  }
0x418: {  	s21 =	sadd.s32 $0x8, s6;
	v40 =	vor.u32 v11, v25;
	v18 =	vld.idx.msk [tilespmem:v36+s22+$0x0], $0xffff  }
0x419: {  	v49 =	vor.u32 s21, v6;
	v6 =	vld [tilespmem:$0x1FCF0];
	v28 =	vor.u32 v9, v17;
	v24 =	vor.u32 s14, v24  }
0x41a: {  	v50 =	vld [tilespmem:$0x1FE60];
	v29 =	vor.u32 s0, v29  }
0x41b: {  	v56 =	vld [tilespmem:$0x1FE30];
	[tilespmem:v31+s28+$0x0] =	vst.idx.msk $0xffff, v30  }
0x41c: {  	[tilespmem:v37+s28+$0x0] =	vst.idx.msk $0xffff, v22;
	v36 =	vor.u32 s16, v44;
	v30 =	vld.idx.msk [tilespmem:v38+s22+$0x0], $0xffff  }
0x41d: {  	v31 =	vor.u32 v13, v19;
	[tilespmem:v40+s28+$0x0] =	vst.idx.msk $0xffff, v18;
	v18 =	vld [tilespmem:$0x1FEC0]  }
0x41e: {  	v37 =	vor.u32 v11, v27;
	v38 =	vor.u32 s6, v39;
	[tilespmem:v28+s28+$0x0] =	vst.idx.msk $0xffff, v26;
	v22 =	vld.idx.msk [tilespmem:v24+s22+$0x0], $0xffff  }
0x41f: {  	v28 =	vor.u32 v11, v17;
	v26 =	vld.idx.msk [tilespmem:v29+s22+$0x0], $0xffff  }
0x420: {  	v40 =	vld [tilespmem:$0x1FC70];
	v24 =	vor.u32 s14, v51  }
0x421: {  	v57 =	vor.u32 s16, v43;
	s16 =	sadd.s32 $0x5, s6;
	v39 =	vor.u32 v13, v25;
	v20 =	vld.idx.msk [tilespmem:v36+s22+$0x0], $0xffff;
	v29 =	vor.u32 s0, v56  }
0x422: {  	v36 =	vor.u32 s16, v4;
	v4 =	vld [tilespmem:$0x1FFF0];
	[tilespmem:v31+s28+$0x0] =	vst.idx.msk $0xffff, v30  }
0x423: {  	s15 =	sadd.s32 $0x4, s6;
	v31 =	vld.idx.msk [tilespmem:v38+s22+$0x0], $0xffff;
	[tilespmem:v37+s28+$0x0] =	vst.idx.msk $0xffff, v22  }
0x424: {  	v52 =	vor.u32 s15, v50;
	[tilespmem:v28+s28+$0x0] =	vst.idx.msk $0xffff, v26;
	v26 =	vor.u32 s14, v18;
	v18 =	vld [tilespmem:$0x1FED0]  }
0x425: {  	v59 =	vor.u32 v13, v27;
	v24 =	vld.idx.msk [tilespmem:v24+s22+$0x0], $0xffff  }
0x426: {  	[tilespmem:v39+s28+$0x0] =	vst.idx.msk $0xffff, v20;
	v28 =	vld.idx.msk [tilespmem:v29+s22+$0x0], $0xffff;
	v29 =	vor.u32 v13, v17  }
0x427: {  	v25 =	vor.u32 v15, v25;
	v23 =	vld.idx.msk [tilespmem:v57+s22+$0x0], $0xffff  }
0x428: {  	v32 =	vld.idx.msk [tilespmem:v36+s22+$0x0], $0xffff  }
0x429: {  	s25 =	sadd.s32 $0x6, s6;
	v37 =	vld.idx.msk [tilespmem:v52+s22+$0x0], $0xffff;
	v30 =	vor.u32 s0, v18  }
0x42a: {  	v34 =	vor.u32 v15, v19;
	v52 =	vmov s25;
	[tilespmem:v59+s28+$0x0] =	vst.idx.msk $0xffff, v24;
	v24 =	vor.u32 s15, v4;
	v4 =	vld [tilespmem:$0x1FF20]  }
0x42b: {  	s29 =	sadd.s32 $0x7, s6;
	v21 =	vshll.u32 v52, $0x7;
	v52 =	vld [tilespmem:$0x1FE10];
	v18 =	vmov s15;
	[tilespmem:v29+s28+$0x0] =	vst.idx.msk $0xffff, v28;
	v28 =	vor.u32 s25, v14  }
0x42c: {  	[tilespmem:v25+s28+$0x0] =	vst.idx.msk $0xffff, v23;
	v25 =	vor.u32 s25, v46;
	v46 =	vld.idx.msk [tilespmem:v49+s22+$0x0], $0xffff;
	v18 =	vshll.u32 v18, $0x7;
	v29 =	vor.u32 s29, v40  }
0x42d: {  	v19 =	vmov s16;
	v26 =	vld.idx.msk [tilespmem:v26+s22+$0x0], $0xffff;
	v38 =	vor.u32 v45, v18  }
0x42e: {  	s23 =	sadd.s32 $0x9, s6;
	v19 =	vshll.u32 v19, $0x7;
	v20 =	vld.idx.msk [tilespmem:v30+s22+$0x0], $0xffff  }
0x42f: {  	v33 =	vor.u32 v45, v19;
	v57 =	vmov s29;
	v59 =	vor.u32 s23, v4;
	v4 =	vld [tilespmem:$0x1FC60]  }
0x430: {  	v27 =	vor.u32 v15, v27;
	v22 =	vshll.u32 v57, $0x7;
	v28 =	vld.idx.msk [tilespmem:v28+s22+$0x0], $0xffff  }
0x431: {  	[tilespmem:v34+s28+$0x0] =	vst.idx.msk $0xffff, v31;
	v42 =	vor.u32 v45, v22;
	v29 =	vld.idx.msk [tilespmem:v29+s22+$0x0], $0xffff  }
0x432: {  	v31 =	vor.u32 v45, v21;
	[tilespmem:v38+s28+$0x0] =	vst.idx.msk $0xffff, v37;
	v37 =	vor.u32 s16, v8;
	v8 =	vld [tilespmem:$0x1FD10]  }
0x433: {  	v38 =	vld.idx.msk [tilespmem:v24+s22+$0x0], $0xffff  }
0x434: {  	[tilespmem:v33+s28+$0x0] =	vst.idx.msk $0xffff, v32;
	v30 =	vor.u32 v3, v18;
	v57 =	vld.idx.msk [tilespmem:v59+s22+$0x0], $0xffff  }
0x435: {  	v36 =	vor.u32 s15, v62;
	[tilespmem:v27+s28+$0x0] =	vst.idx.msk $0xffff, v26;
	v24 =	vmov s21;
	v32 =	vor.u32 s29, v4;
	v4 =	vld [tilespmem:$0x1FF60]  }
0x436: {  	v23 =	vshll.u32 v24, $0x7;
	v24 =	vmov s23;
	[tilespmem:v42+s28+$0x0] =	vst.idx.msk $0xffff, v29;
	v42 =	vld [tilespmem:$0x1FE90]  }
0x437: {  	v49 =	vor.u32 v45, v23;
	v24 =	vshll.u32 v24, $0x7;
	[tilespmem:v31+s28+$0x0] =	vst.idx.msk $0xffff, v28;
	v26 =	vld.idx.msk [tilespmem:v37+s22+$0x0], $0xffff  }
0x438: {  	v59 =	vor.u32 v45, v24;
	v25 =	vld.idx.msk [tilespmem:v25+s22+$0x0], $0xffff  }
0x439: {  	v37 =	vor.u32 s21, v52;
	v52 =	vld [tilespmem:$0x1FE20];
	[tilespmem:v30+s28+$0x0] =	vst.idx.msk $0xffff, v38  }
0x43a: {  	v27 =	vor.u32 v3, v19;
	v36 =	vld.idx.msk [tilespmem:v36+s22+$0x0], $0xffff  }
0x43b: {  	v30 =	vor.u32 s16, v61;
	v31 =	vor.u32 s23, v4;
	v4 =	vld [tilespmem:$0x1FF10]  }
0x43c: {  	[tilespmem:v49+s28+$0x0] =	vst.idx.msk $0xffff, v46;
	v49 =	vld [tilespmem:$0x1FC80]  }
0x43d: {  	v28 =	vor.u32 v5, v18;
	[tilespmem:v59+s28+$0x0] =	vst.idx.msk $0xffff, v57;
	v59 =	vld [tilespmem:$0x1FF70]  }
0x43e: {  	v34 =	vor.u32 v3, v21;
	v29 =	vor.u32 s15, v42;
	v57 =	vld [tilespmem:$0x1FEA0]  }
0x43f: {  	[tilespmem:v27+s28+$0x0] =	vst.idx.msk $0xffff, v26;
	v27 =	vld.idx.msk [tilespmem:v37+s22+$0x0], $0xffff;
	v37 =	vor.u32 v3, v23  }
0x440: {  	v38 =	vor.u32 v5, v19;
	v39 =	vor.u32 s21, v52;
	v30 =	vld.idx.msk [tilespmem:v30+s22+$0x0], $0xffff  }
0x441: {  	v32 =	vld.idx.msk [tilespmem:v32+s22+$0x0], $0xffff  }
0x442: {  	v46 =	vor.u32 v3, v22;
	[tilespmem:v28+s28+$0x0] =	vst.idx.msk $0xffff, v36;
	v33 =	vor.u32 s25, v4;
	v31 =	vld.idx.msk [tilespmem:v31+s22+$0x0], $0xffff  }
0x443: {  	[tilespmem:v34+s28+$0x0] =	vst.idx.msk $0xffff, v25;
	v26 =	vor.u32 s29, v49;
	v29 =	vld.idx.msk [tilespmem:v29+s22+$0x0], $0xffff  }
0x444: {  	v36 =	vor.u32 v3, v24;
	v28 =	vor.u32 s16, v59;
	v34 =	vor.u32 s23, v57;
	v57 =	vld [tilespmem:$0x1FF30];
	[tilespmem:v37+s28+$0x0] =	vst.idx.msk $0xffff, v27  }
0x445: {  	v25 =	vor.u32 v7, v18;
	[tilespmem:v38+s28+$0x0] =	vst.idx.msk $0xffff, v30;
	v38 =	vld.idx.msk [tilespmem:v39+s22+$0x0], $0xffff  }
0x446: {  	v30 =	vor.u32 s29, v2;
	v2 =	vld [tilespmem:$0x1FCA0]  }
0x447: {  	[tilespmem:v46+s28+$0x0] =	vst.idx.msk $0xffff, v32;
	v33 =	vld.idx.msk [tilespmem:v33+s22+$0x0], $0xffff  }
0x448: {  	v46 =	vor.u32 s15, v0;
	v26 =	vld.idx.msk [tilespmem:v26+s22+$0x0], $0xffff  }
0x449: {  	v52 =	vor.u32 v5, v21;
	[tilespmem:v36+s28+$0x0] =	vst.idx.msk $0xffff, v31;
	v28 =	vld.idx.msk [tilespmem:v28+s22+$0x0], $0xffff  }
0x44a: {  	v27 =	vor.u32 s25, v16;
	v37 =	vor.u32 v5, v22;
	[tilespmem:v25+s28+$0x0] =	vst.idx.msk $0xffff, v29;
	v29 =	vld.idx.msk [tilespmem:v34+s22+$0x0], $0xffff  }
0x44b: {  	v39 =	vor.u32 v5, v23;
	v25 =	vor.u32 s16, v58;
	v58 =	vld [tilespmem:$0x1FD00]  }
0x44c: {  	v31 =	vor.u32 v7, v19;
	v36 =	vor.u32 s21, v57;
	v57 =	vld [tilespmem:$0x1FF40]  }
0x44d: {  	v32 =	vld.idx.msk [tilespmem:v46+s22+$0x0], $0xffff  }
0x44e: {  	v46 =	vor.u32 v9, v18;
	[tilespmem:v52+s28+$0x0] =	vst.idx.msk $0xffff, v33;
	v52 =	vld [tilespmem:$0x1FEB0]  }
0x44f: {  	v34 =	vor.u32 v5, v24;
	[tilespmem:v37+s28+$0x0] =	vst.idx.msk $0xffff, v26;
	v27 =	vld.idx.msk [tilespmem:v27+s22+$0x0], $0xffff  }
0x450: {  	[tilespmem:v39+s28+$0x0] =	vst.idx.msk $0xffff, v38;
	v37 =	vor.u32 v7, v21;
	v30 =	vld.idx.msk [tilespmem:v30+s22+$0x0], $0xffff  }
0x451: {  	[tilespmem:v31+s28+$0x0] =	vst.idx.msk $0xffff, v28;
	v31 =	vld.idx.msk [tilespmem:v36+s22+$0x0], $0xffff;
	v36 =	vor.u32 v7, v23  }
0x452: {  	v39 =	vor.u32 v7, v22;
	v38 =	vor.u32 s25, v58;
	v25 =	vld.idx.msk [tilespmem:v25+s22+$0x0], $0xffff  }
0x453: {  	v28 =	vor.u32 s29, v1;
	[tilespmem:v46+s28+$0x0] =	vst.idx.msk $0xffff, v32;
	v46 =	vld [tilespmem:$0x1FCD0]  }
0x454: {  	[tilespmem:v34+s28+$0x0] =	vst.idx.msk $0xffff, v29;
	v29 =	vor.u32 v9, v19;
	v34 =	vor.u32 s21, v57;
	v35 =	vor.u32 s23, v52;
	v52 =	vld [tilespmem:$0x1FC90]  }
0x455: {  	[tilespmem:v37+s28+$0x0] =	vst.idx.msk $0xffff, v27;
	v37 =	vor.u32 s23, v47;
	v47 =	vld [tilespmem:$0x1FDB0]  }
0x456: {  	[tilespmem:v36+s28+$0x0] =	vst.idx.msk $0xffff, v31;
	v31 =	vor.u32 s25, v8;
	v8 =	vld [tilespmem:$0x1FD20]  }
0x457: {  	[tilespmem:v39+s28+$0x0] =	vst.idx.msk $0xffff, v30;
	v38 =	vld.idx.msk [tilespmem:v38+s22+$0x0], $0xffff  }
0x458: {  	v57 =	vor.u32 v9, v21;
	v28 =	vld.idx.msk [tilespmem:v28+s22+$0x0], $0xffff  }
0x459: {  	v36 =	vor.u32 v9, v22;
	[tilespmem:v29+s28+$0x0] =	vst.idx.msk $0xffff, v25;
	v29 =	vld.idx.msk [tilespmem:v34+s22+$0x0], $0xffff  }
0x45a: {  	v32 =	vor.u32 s16, v46;
	v25 =	vor.u32 s29, v12;
	v46 =	vld [tilespmem:$0x1FF50]  }
0x45b: {  	v34 =	vor.u32 v9, v23;
	v12 =	vld [tilespmem:$0x1FCB0];
	v26 =	vor.u32 s15, v52  }
0x45c: {  	v33 =	vld.idx.msk [tilespmem:v35+s22+$0x0], $0xffff;
	v35 =	vor.u32 v7, v24  }
0x45d: {  	[tilespmem:v57+s28+$0x0] =	vst.idx.msk $0xffff, v38;
	v57 =	vld [tilespmem:$0x1FEE0]  }
0x45e: {  	[tilespmem:v36+s28+$0x0] =	vst.idx.msk $0xffff, v28;
	v31 =	vld.idx.msk [tilespmem:v31+s22+$0x0], $0xffff  }
0x45f: {  	v36 =	vor.u32 v11, v21;
	v25 =	vld.idx.msk [tilespmem:v25+s22+$0x0], $0xffff  }
0x460: {  	[tilespmem:v34+s28+$0x0] =	vst.idx.msk $0xffff, v29;
	v29 =	vor.u32 s25, v8;
	v34 =	vor.u32 v11, v22;
	v26 =	vld.idx.msk [tilespmem:v26+s22+$0x0], $0xffff  }
0x461: {  	v27 =	vor.u32 v11, v18;
	[tilespmem:v35+s28+$0x0] =	vst.idx.msk $0xffff, v33;
	v35 =	vor.u32 s21, v46;
	v46 =	vld [tilespmem:$0x1FCE0]  }
0x462: {  	v32 =	vld.idx.msk [tilespmem:v32+s22+$0x0], $0xffff  }
0x463: {  	v30 =	vor.u32 s15, v2;
	v39 =	vor.u32 s23, v57;
	v57 =	vld [tilespmem:$0x1FC40]  }
0x464: {  	v33 =	vor.u32 v11, v19;
	[tilespmem:v36+s28+$0x0] =	vst.idx.msk $0xffff, v31;
	v31 =	vor.u32 s23, v44;
	v44 =	vld [tilespmem:$0x1FEB0]  }
0x465: {  	[tilespmem:v34+s28+$0x0] =	vst.idx.msk $0xffff, v25;
	v25 =	vld.idx.msk [tilespmem:v29+s22+$0x0], $0xffff;
	v29 =	vor.u32 v13, v21  }
0x466: {  	v36 =	vld [tilespmem:$0x1FD40];
	[tilespmem:v27+s28+$0x0] =	vst.idx.msk $0xffff, v26;
	v26 =	vor.u32 s16, v46  }
0x467: {  	v27 =	vld.idx.msk [tilespmem:v37+s22+$0x0], $0xffff;
	v37 =	vor.u32 v9, v24  }
0x468: {  	v38 =	vor.u32 v13, v18;
	v30 =	vld.idx.msk [tilespmem:v30+s22+$0x0], $0xffff  }
0x469: {  	[tilespmem:v33+s28+$0x0] =	vst.idx.msk $0xffff, v32;
	v33 =	vld.idx.msk [tilespmem:v35+s22+$0x0], $0xffff  }
0x46a: {  	v28 =	vor.u32 s15, v12;
	[tilespmem:v29+s28+$0x0] =	vst.idx.msk $0xffff, v25;
	v25 =	vor.u32 s23, v43;
	v43 =	vld [tilespmem:$0x1FEE0]  }
0x46b: {  	v35 =	vor.u32 v11, v23;
	v32 =	vor.u32 s29, v57;
	v26 =	vld.idx.msk [tilespmem:v26+s22+$0x0], $0xffff  }
0x46c: {  	[tilespmem:v37+s28+$0x0] =	vst.idx.msk $0xffff, v27;
	v27 =	vor.u32 v13, v19;
	v37 =	vor.u32 s21, v41;
	v41 =	vld [tilespmem:$0x1FEA0]  }
0x46d: {  	[tilespmem:v38+s28+$0x0] =	vst.idx.msk $0xffff, v30;
	v30 =	vor.u32 s16, v6;
	v6 =	vld [tilespmem:$0x1FFA0]  }
0x46e: {  	v38 =	vld.idx.msk [tilespmem:v39+s22+$0x0], $0xffff;
	v39 =	vor.u32 v11, v24  }
0x46f: {  	v28 =	vld.idx.msk [tilespmem:v28+s22+$0x0], $0xffff  }
0x470: {  	[tilespmem:v35+s28+$0x0] =	vst.idx.msk $0xffff, v33;
	v32 =	vld.idx.msk [tilespmem:v32+s22+$0x0], $0xffff  }
0x471: {  	v17 =	vor.u32 v15, v17;
	[tilespmem:v27+s28+$0x0] =	vst.idx.msk $0xffff, v26;
	v26 =	vld [tilespmem:$0x1FC50]  }
0x472: {  	v34 =	vor.u32 v13, v22;
	v33 =	vor.u32 s25, v36;
	v27 =	vld.idx.msk [tilespmem:v37+s22+$0x0], $0xffff  }
0x473: {  	v35 =	vor.u32 v13, v23;
	[tilespmem:v39+s28+$0x0] =	vst.idx.msk $0xffff, v38;
	v39 =	vld [tilespmem:$0x1FD60]  }
0x474: {  	v18 =	vor.u32 v15, v18;
	v38 =	vld [tilespmem:$0x1FEF0]  }
0x475: {  	v37 =	vld.idx.msk [tilespmem:v31+s22+$0x0], $0xffff;
	v31 =	vor.u32 v13, v24  }
0x476: {  	[tilespmem:v17+s28+$0x0] =	vst.idx.msk $0xffff, v20;
	v19 =	vor.u32 v15, v19;
	v30 =	vld.idx.msk [tilespmem:v30+s22+$0x0], $0xffff  }
0x477: {  	s16 =	sadd.s32 $0xB, s6;
	v29 =	vld.idx.msk [tilespmem:v33+s22+$0x0], $0xffff;
	[tilespmem:v34+s28+$0x0] =	vst.idx.msk $0xffff, v32;
	v26 =	vor.u32 s29, v26  }
0x478: {  	s15 =	sadd.s32 $0xA, s6;
	v21 =	vor.u32 v15, v21;
	v20 =	vmov s16;
	[tilespmem:v35+s28+$0x0] =	vst.idx.msk $0xffff, v27;
	v27 =	vld [tilespmem:$0x1FF00]  }
0x479: {  	v24 =	vor.u32 v15, v24;
	[tilespmem:v18+s28+$0x0] =	vst.idx.msk $0xffff, v28;
	v36 =	vor.u32 s21, v39;
	v32 =	vor.u32 s15, v38;
	s21 =	sadd.s32 $0xC, s6;
	v38 =	vld [tilespmem:$0x1FE50]  }
0x47a: {  	s23 =	sadd.s32 $0xD, s6;
	v18 =	vshll.u32 v20, $0x7;
	s29 =	sadd.s32 $0xF, s6;
	v35 =	vor.u32 s21, v50;
	v50 =	vld [tilespmem:$0x1FFF0];
	[tilespmem:v31+s28+$0x0] =	vst.idx.msk $0xffff, v37;
	v37 =	vmov s21  }
0x47b: {  	s25 =	sadd.s32 $0xE, s6;
	[tilespmem:v19+s28+$0x0] =	vst.idx.msk $0xffff, v30;
	v25 =	vld.idx.msk [tilespmem:v25+s22+$0x0], $0xffff;
	v19 =	vshll.u32 v37, $0x7;
	v37 =	vor.u32 s29, v40;
	v40 =	vmov s23  }
0x47c: {  	v28 =	vor.u32 s25, v14;
	v20 =	vshll.u32 v40, $0x7;
	v40 =	vmov s25;
	v26 =	vld.idx.msk [tilespmem:v26+s22+$0x0], $0xffff  }
0x47d: {  	[tilespmem:v21+s28+$0x0] =	vst.idx.msk $0xffff, v29;
	v27 =	vor.u32 s16, v27;
	v21 =	vshll.u32 v40, $0x7;
	v40 =	vld [tilespmem:$0x1FC60]  }
0x47e: {  	v17 =	vmov s15;
	v22 =	vor.u32 v15, v22;
	v33 =	vld.idx.msk [tilespmem:v36+s22+$0x0], $0xffff  }
0x47f: {  	v17 =	vshll.u32 v17, $0x7;
	v23 =	vor.u32 v15, v23;
	v36 =	vor.u32 s23, v6;
	v30 =	vld.idx.msk [tilespmem:v32+s22+$0x0], $0xffff  }
0x480: {  	v34 =	vor.u32 v45, v17;
	[tilespmem:v24+s28+$0x0] =	vst.idx.msk $0xffff, v25;
	v24 =	vld [tilespmem:$0x1FFD0]  }
0x481: {  	v25 =	vld.idx.msk [tilespmem:v28+s22+$0x0], $0xffff  }
0x482: {  	v31 =	vor.u32 s15, v47;
	v32 =	vor.u32 v45, v18;
	v27 =	vld.idx.msk [tilespmem:v27+s22+$0x0], $0xffff  }
0x483: {  	v29 =	vor.u32 s16, v38;
	v38 =	vor.u32 v45, v19;
	[tilespmem:v22+s28+$0x0] =	vst.idx.msk $0xffff, v26;
	v26 =	vld.idx.msk [tilespmem:v35+s22+$0x0], $0xffff  }
0x484: {  	[tilespmem:v23+s28+$0x0] =	vst.idx.msk $0xffff, v33;
	v23 =	vld.idx.msk [tilespmem:v36+s22+$0x0], $0xffff  }
0x485: {  	v35 =	vor.u32 s21, v50;
	v50 =	vor.u32 v45, v20;
	[tilespmem:v34+s28+$0x0] =	vst.idx.msk $0xffff, v30;
	v30 =	vld [tilespmem:$0x1FFE0]  }
0x486: {  	v36 =	vmov s29;
	v34 =	vld.idx.msk [tilespmem:v37+s22+$0x0], $0xffff  }
0x487: {  	v28 =	vor.u32 v45, v21;
	v22 =	vshll.u32 v36, $0x7;
	v31 =	vld.idx.msk [tilespmem:v31+s22+$0x0], $0xffff;
	[tilespmem:v32+s28+$0x0] =	vst.idx.msk $0xffff, v27  }
0x488: {  	v24 =	vor.u32 s23, v24;
	v36 =	vor.u32 v45, v22;
	[tilespmem:v38+s28+$0x0] =	vst.idx.msk $0xffff, v26;
	v38 =	vld [tilespmem:$0x1FD50]  }
0x489: {  	v27 =	vor.u32 v3, v17;
	v32 =	vor.u32 s29, v40;
	v29 =	vld.idx.msk [tilespmem:v29+s22+$0x0], $0xffff  }
0x48a: {  	[tilespmem:v50+s28+$0x0] =	vst.idx.msk $0xffff, v23;
	v23 =	vor.u32 s16, v60;
	v60 =	vld [tilespmem:$0x1FE40]  }
0x48b: {  	v37 =	vor.u32 v3, v18;
	v30 =	vor.u32 s25, v30;
	v33 =	vld.idx.msk [tilespmem:v35+s22+$0x0], $0xffff  }
0x48c: {  	[tilespmem:v28+s28+$0x0] =	vst.idx.msk $0xffff, v25;
	v50 =	vor.u32 v3, v19;
	v35 =	vld [tilespmem:$0x1FF40]  }
0x48d: {  	v25 =	vor.u32 s21, v62;
	v28 =	vor.u32 v3, v20;
	v24 =	vld.idx.msk [tilespmem:v24+s22+$0x0], $0xffff;
	[tilespmem:v36+s28+$0x0] =	vst.idx.msk $0xffff, v34  }
0x48e: {  	[tilespmem:v27+s28+$0x0] =	vst.idx.msk $0xffff, v31;
	v31 =	vld.idx.msk [tilespmem:v32+s22+$0x0], $0xffff  }
0x48f: {  	v40 =	vor.u32 v3, v22;
	v34 =	vor.u32 s23, v61;
	v27 =	vor.u32 s25, v4;
	v4 =	vld [tilespmem:$0x1FCD0]  }
0x490: {  	v36 =	vor.u32 v3, v21;
	v26 =	vor.u32 s15, v38;
	v30 =	vld.idx.msk [tilespmem:v30+s22+$0x0], $0xffff;
	[tilespmem:v37+s28+$0x0] =	vst.idx.msk $0xffff, v29  }
0x491: {  	[tilespmem:v50+s28+$0x0] =	vst.idx.msk $0xffff, v33;
	v50 =	vor.u32 v5, v18;
	v23 =	vld.idx.msk [tilespmem:v23+s22+$0x0], $0xffff  }
0x492: {  	v25 =	vld.idx.msk [tilespmem:v25+s22+$0x0], $0xffff;
	[tilespmem:v28+s28+$0x0] =	vst.idx.msk $0xffff, v24;
	v28 =	vor.u32 v5, v19  }
0x493: {  	v37 =	vor.u32 s29, v49;
	v49 =	vor.u32 s15, v55;
	v55 =	vld [tilespmem:$0x1FE50];
	v24 =	vor.u32 s16, v60  }
0x494: {  	v60 =	vor.u32 v5, v20;
	v34 =	vld.idx.msk [tilespmem:v34+s22+$0x0], $0xffff;
	[tilespmem:v40+s28+$0x0] =	vst.idx.msk $0xffff, v31  }
0x495: {  	v29 =	vor.u32 v5, v17;
	v26 =	vld.idx.msk [tilespmem:v26+s22+$0x0], $0xffff;
	[tilespmem:v36+s28+$0x0] =	vst.idx.msk $0xffff, v30  }
0x496: {  	v31 =	vor.u32 s23, v59;
	v27 =	vld.idx.msk [tilespmem:v27+s22+$0x0], $0xffff;
	[tilespmem:v50+s28+$0x0] =	vst.idx.msk $0xffff, v23  }
0x497: {  	[tilespmem:v28+s28+$0x0] =	vst.idx.msk $0xffff, v25;
	v25 =	vor.u32 s15, v53;
	v53 =	vld [tilespmem:$0x1FE70]  }
0x498: {  	v24 =	vld.idx.msk [tilespmem:v24+s22+$0x0], $0xffff  }
0x499: {  	v30 =	vor.u32 s21, v42;
	v28 =	vor.u32 v7, v18;
	[tilespmem:v60+s28+$0x0] =	vst.idx.msk $0xffff, v34;
	v34 =	vor.u32 s16, v63;
	v63 =	vld [tilespmem:$0x1FE80]  }
0x49a: {  	v40 =	vor.u32 v5, v21;
	[tilespmem:v29+s28+$0x0] =	vst.idx.msk $0xffff, v26;
	v29 =	vld.idx.msk [tilespmem:v37+s22+$0x0], $0xffff  }
0x49b: {  	v42 =	vor.u32 v5, v22;
	v26 =	vor.u32 s25, v16;
	v31 =	vld.idx.msk [tilespmem:v31+s22+$0x0], $0xffff  }
0x49c: {  	v50 =	vor.u32 s29, v54;
	v33 =	vld.idx.msk [tilespmem:v49+s22+$0x0], $0xffff;
	v49 =	vor.u32 v7, v17  }
0x49d: {  	v60 =	vor.u32 v7, v20;
	v37 =	vld [tilespmem:$0x1FE20]  }
0x49e: {  	v36 =	vor.u32 v7, v19;
	v30 =	vld.idx.msk [tilespmem:v30+s22+$0x0], $0xffff;
	[tilespmem:v28+s28+$0x0] =	vst.idx.msk $0xffff, v24  }
0x49f: {  	[tilespmem:v40+s28+$0x0] =	vst.idx.msk $0xffff, v27;
	v34 =	vld.idx.msk [tilespmem:v34+s22+$0x0], $0xffff  }
0x4a0: {  	[tilespmem:v42+s28+$0x0] =	vst.idx.msk $0xffff, v29;
	v26 =	vld.idx.msk [tilespmem:v26+s22+$0x0], $0xffff  }
0x4a1: {  	v27 =	vor.u32 s21, v0;
	[tilespmem:v49+s28+$0x0] =	vst.idx.msk $0xffff, v33;
	v49 =	vld.idx.msk [tilespmem:v50+s22+$0x0], $0xffff  }
0x4a2: {  	v59 =	vor.u32 v9, v18;
	v29 =	vor.u32 s23, v10;
	[tilespmem:v60+s28+$0x0] =	vst.idx.msk $0xffff, v31;
	v33 =	vor.u32 s23, v4;
	v4 =	vld [tilespmem:$0x1FD10]  }
0x4a3: {  	v40 =	vor.u32 v7, v21;
	v31 =	vor.u32 s16, v63;
	[tilespmem:v36+s28+$0x0] =	vst.idx.msk $0xffff, v30;
	v30 =	vor.u32 s15, v53;
	v53 =	vld [tilespmem:$0x1FED0]  }
0x4a4: {  	v42 =	vor.u32 s25, v58;
	v50 =	vor.u32 v7, v22;
	v36 =	vld [tilespmem:$0x1FF50]  }
0x4a5: {  	v24 =	vor.u32 v9, v17;
	v28 =	vor.u32 s29, v1;
	v25 =	vld.idx.msk [tilespmem:v25+s22+$0x0], $0xffff  }
0x4a6: {  	v60 =	vor.u32 v9, v19;
	v27 =	vld.idx.msk [tilespmem:v27+s22+$0x0], $0xffff  }
0x4a7: {  	[tilespmem:v59+s28+$0x0] =	vst.idx.msk $0xffff, v34;
	v29 =	vld.idx.msk [tilespmem:v29+s22+$0x0], $0xffff  }
0x4a8: {  	[tilespmem:v40+s28+$0x0] =	vst.idx.msk $0xffff, v26;
	v31 =	vld.idx.msk [tilespmem:v31+s22+$0x0], $0xffff  }
0x4a9: {  	v63 =	vor.u32 v9, v20;
	v26 =	vor.u32 s21, v52;
	[tilespmem:v50+s28+$0x0] =	vst.idx.msk $0xffff, v49;
	v23 =	vld.idx.msk [tilespmem:v42+s22+$0x0], $0xffff  }
0x4aa: {  	v40 =	vor.u32 v9, v21;
	[tilespmem:v24+s28+$0x0] =	vst.idx.msk $0xffff, v25;
	v25 =	vld.idx.msk [tilespmem:v28+s22+$0x0], $0xffff  }
0x4ab: {  	v28 =	vor.u32 v9, v22;
	[tilespmem:v60+s28+$0x0] =	vst.idx.msk $0xffff, v27;
	v27 =	vor.u32 s15, v51;
	v51 =	vld [tilespmem:$0x1FEC0]  }
0x4ac: {  	v24 =	vor.u32 s25, v4;
	v4 =	vld [tilespmem:$0x1FCF0]  }
0x4ad: {  	v34 =	vor.u32 v11, v17;
	v30 =	vld.idx.msk [tilespmem:v30+s22+$0x0], $0xffff  }
0x4ae: {  	v52 =	vor.u32 v11, v18;
	[tilespmem:v63+s28+$0x0] =	vst.idx.msk $0xffff, v29;
	v26 =	vld.idx.msk [tilespmem:v26+s22+$0x0], $0xffff  }
0x4af: {  	[tilespmem:v40+s28+$0x0] =	vst.idx.msk $0xffff, v23;
	v33 =	vld.idx.msk [tilespmem:v33+s22+$0x0], $0xffff  }
0x4b0: {  	v42 =	vor.u32 s29, v48;
	[tilespmem:v28+s28+$0x0] =	vst.idx.msk $0xffff, v25;
	v25 =	vor.u32 s23, v46;
	v46 =	vld [tilespmem:$0x1FFE0]  }
0x4b1: {  	v50 =	vor.u32 s29, v57;
	v24 =	vld.idx.msk [tilespmem:v24+s22+$0x0], $0xffff  }
0x4b2: {  	v60 =	vor.u32 v11, v19;
	v29 =	vor.u32 s16, v56;
	v57 =	vor.u32 s23, v4;
	v4 =	vld [tilespmem:$0x1FD40];
	[tilespmem:v34+s28+$0x0] =	vst.idx.msk $0xffff, v30  }
0x4b3: {  	[tilespmem:v52+s28+$0x0] =	vst.idx.msk $0xffff, v31;
	v31 =	vor.u32 v13, v17;
	v27 =	vld.idx.msk [tilespmem:v27+s22+$0x0], $0xffff  }
0x4b4: {  	v63 =	vor.u32 s21, v2;
	v40 =	vor.u32 v11, v20;
	v30 =	vor.u32 s25, v8;
	v8 =	vld [tilespmem:$0x1FFD0]  }
0x4b5: {  	v28 =	vor.u32 v11, v21;
	v42 =	vld.idx.msk [tilespmem:v42+s22+$0x0], $0xffff  }
0x4b6: {  	v49 =	vor.u32 v11, v22;
	v34 =	vld [tilespmem:$0x1FE10]  }
0x4b7: {  	[tilespmem:v60+s28+$0x0] =	vst.idx.msk $0xffff, v26;
	v29 =	vld.idx.msk [tilespmem:v29+s22+$0x0], $0xffff  }
0x4b8: {  	v52 =	vor.u32 v13, v18;
	v26 =	vor.u32 s15, v51;
	[tilespmem:v31+s28+$0x0] =	vst.idx.msk $0xffff, v27;
	v27 =	vor.u32 s25, v4;
	v4 =	vld [tilespmem:$0x1FC50]  }
0x4b9: {  	v53 =	vor.u32 s16, v53;
	v56 =	vor.u32 v13, v19;
	[tilespmem:v40+s28+$0x0] =	vst.idx.msk $0xffff, v33;
	v23 =	vld.idx.msk [tilespmem:v63+s22+$0x0], $0xffff  }
0x4ba: {  	[tilespmem:v28+s28+$0x0] =	vst.idx.msk $0xffff, v24;
	v24 =	vor.u32 s21, v12;
	v25 =	vld.idx.msk [tilespmem:v25+s22+$0x0], $0xffff;
	v28 =	vor.u32 v13, v20  }
0x4bb: {  	v59 =	vor.u32 v13, v21;
	[tilespmem:v49+s28+$0x0] =	vst.idx.msk $0xffff, v42;
	v30 =	vld.idx.msk [tilespmem:v30+s22+$0x0], $0xffff  }
0x4bc: {  	v60 =	vor.u32 v13, v22;
	v31 =	vld.idx.msk [tilespmem:v50+s22+$0x0], $0xffff  }
0x4bd: {  	v17 =	vor.u32 v15, v17;
	[tilespmem:v52+s28+$0x0] =	vst.idx.msk $0xffff, v29;
	v26 =	vld.idx.msk [tilespmem:v26+s22+$0x0], $0xffff;
	v29 =	vor.u32 s29, v4  }
0x4be: {  	v18 =	vor.u32 v15, v18;
	[tilespmem:v56+s28+$0x0] =	vst.idx.msk $0xffff, v23;
	v63 =	vld.idx.msk [tilespmem:v53+s22+$0x0], $0xffff  }
0x4bf: {  	v19 =	vor.u32 v15, v19;
	[tilespmem:v28+s28+$0x0] =	vst.idx.msk $0xffff, v25;
	v24 =	vld.idx.msk [tilespmem:v24+s22+$0x0], $0xffff  }
0x4c0: {  	v20 =	vor.u32 v15, v20;
	[tilespmem:v59+s28+$0x0] =	vst.idx.msk $0xffff, v30;
	v25 =	vld.idx.msk [tilespmem:v57+s22+$0x0], $0xffff  }
0x4c1: {  	v21 =	vor.u32 v15, v21;
	[tilespmem:v60+s28+$0x0] =	vst.idx.msk $0xffff, v31;
	v27 =	vld.idx.msk [tilespmem:v27+s22+$0x0], $0xffff  }
0x4c2: {  	p0 =	slt.u32 s6, $0x30;
	v22 =	vor.u32 v15, v22;
	[tilespmem:v17+s28+$0x0] =	vst.idx.msk $0xffff, v26;
	v17 =	vld.idx.msk [tilespmem:v29+s22+$0x0], $0xffff  }
.Ltmp5:
0x4c3: {  	v33 =	vld [tilespmem:$0x1FF30];
	[tilespmem:v18+s28+$0x0] =	vst.idx.msk $0xffff, v63;
	(pc) =	sbr.rel @p0 .LBB2_9-.Ltmp5, $4  }
0x4c4: {  	v28 =	vld [tilespmem:$0x1FF60];
	[tilespmem:v19+s28+$0x0] =	vst.idx.msk $0xffff, v24  }
0x4c5: {  	v30 =	vld [tilespmem:$0x1FF20];
	[tilespmem:v20+s28+$0x0] =	vst.idx.msk $0xffff, v25  }
0x4c6: {  	v29 =	vld [tilespmem:$0x1FF00];
	[tilespmem:v21+s28+$0x0] =	vst.idx.msk $0xffff, v27  }
0x4c7: {  	s6 =	sadd.s32 $0x10, s6;
	v58 =	vmov v10;
	v2 =	vmov v54;
	v12 =	vmov v48;
	v27 =	vld [tilespmem:$0x1FEF0];
	[tilespmem:v22+s28+$0x0] =	vst.idx.msk $0xffff, v17  }
0x4c8: {  	s0 =	sadd.s32 s5, s1  }
0x4c9: {  	s1 =	sshll.u32 s0, $0x3  }
0x4ca: {  	s0 =	sand.u32 $0x7F, s0;
	s1 =	sand.u32 $0x3FFC00, s1  }
0x4cb: {  	s0 =	sor.u32 s0, s1  }
0x4cc: {  	s0 =	sshll.u32 s0, $0x7  }
0x4cd: {  	s15 =	sadd.s32 s2, s0  }
0x4ce: {  	[hbm4b:s15+s3] =	stream.linear.scatter [tilespmem:s28], [sflag:$0x8], $0x400, $0x38;
	[tilespmem:$0x12800] =	vst v63  }
0x4cf: {  	s6 =	simm.s32 $0x10C00;
	s16 =	sadd.s32 s0, s7  }
0x4d0: {  	[hbm4b:s16+s3] =	stream.linear.scatter [tilespmem:s6], [sflag:$0x8], $0x400, $0x38;
	[tilespmem:$0x12800] =	vst v63  }
0x4d1: {  	s23 =	simm.s32 $0x11000;
	s21 =	sadd.s32 s0, s8  }
0x4d2: {  	[hbm4b:s21+s3] =	stream.linear.scatter [tilespmem:s23], [sflag:$0x8], $0x400, $0x38;
	[tilespmem:$0x12800] =	vst v63  }
0x4d3: {  	s29 =	simm.s32 $0x11400;
	s25 =	sadd.s32 s0, s9  }
0x4d4: {  	[hbm4b:s25+s3] =	stream.linear.scatter [tilespmem:s29], [sflag:$0x8], $0x400, $0x38;
	[tilespmem:$0x12800] =	vst v63  }
0x4d5: {  	s14 =	sadd.s32 s0, s10;
	s15 =	simm.s32 $0x11800  }
0x4d6: {  	[hbm4b:s14+s3] =	stream.linear.scatter [tilespmem:s15], [sflag:$0x8], $0x400, $0x38;
	[tilespmem:$0x12800] =	vst v63  }
0x4d7: {  	s16 =	sadd.s32 s0, s11;
	s21 =	simm.s32 $0x11C00  }
0x4d8: {  	[hbm4b:s16+s3] =	stream.linear.scatter [tilespmem:s21], [sflag:$0x8], $0x400, $0x38;
	[tilespmem:$0x12800] =	vst v63  }
.Ltmp6:
0x4d9: {  	_ = 	snop;
	(pc) =	sbr.rel @p1 .LBB2_12-.Ltmp6, $4  }
0x4da: {  	v21 =	vmov v61;
	v20 =	vmov v8;
	v19 =	vmov v6;
	s23 =	sadd.s32 s0, s12;
	s25 =	simm.s32 $0x12000  }
0x4db: {  	v16 =	vmovc v62;
	v57 =	vmovc v55;
	v56 =	vmov v47;
	v52 =	vmov v43;
	v50 =	vmov v44;
	[hbm4b:s23+s3] =	stream.linear.scatter [tilespmem:s25], [sflag:$0x8], $0x400, $0x38;
	[tilespmem:$0x12800] =	vst v63  }
0x4dc: {  	v49 =	vmovc v41;
	v44 =	vmovc v36;
	v43 =	vmov v35;
	v42 =	vmov v33;
	v41 =	vmov v37;
	s0 =	sadd.s32 s0, s13;
	s29 =	simm.s32 $0x12400  }
0x4dd: {  	v40 =	vmovc v34;
	v48 =	vmovc v28;
	v47 =	vmov v30;
	v63 =	vmov v29;
	v55 =	vmov v27;
	[hbm4b:s0+s3] =	stream.linear.scatter [tilespmem:s29], [sflag:$0x8], $0x400, $0x38;
	[tilespmem:$0x12800] =	vst v63  }
.Ltmp7:
0x4de: {  	(pc) =	sbr.rel .LBB2_2-.Ltmp7, $4  }
0x4df: {  	s0 =	sshll.u32 s31, $0x9  }
0x4e0: {  	s0 =	sand.u32 $0x3FFFFE00, s0  }
0x4e1: {  	s1 =	simm.s32 $0x80;
	s31 =	sadd.s32 $0x1, s31;
	s0 =	sadd.s32 $0x380, s0  }
0x4e2: {  	[tilespmem:s22], [sflag:$0x4] =	stream.indirect.gather [hbm4b:s4+s1], $0x40, s0, s1, $0xb8;
	[tilespmem:$0x12800] =	vst v63  }
.LBB2_13:
0x4e3: {  	_ =	sfence.sel $0x180000  }
0x4e4: {  	[bflag:$0x0] =	sbarrier.arrive $0xFFFF  }
0x4e5: {  	_ =	strace $0x90000047  }
0x4e6: {  	s0 =	stileid.u32;
	[bflag:$0x2] =	sbarrier.arrive $0xFFFF  }
0x4e7: {  	p0 =	sne.s32 s0, $0x0;
	s0 =	rddreg [dreg:$0x2]  }
0x4e8: {  	s0 =	sadd.s32 @!p0 $0x100000, s0  }
0x4e9: {  	[sflag:s0] =	ssyncadd.tile.s32 @!p0 $0x1;
	_ =	shalt  }
.Lfunc_end2:
_tile_overlayer_lowered:
.L_overlay_start_2:
0x4ea: {  	(tag) =	ssettag $0x2  }
0x4eb: {  	s0 =	rddreg [dreg:$0x0];
	s2 =	stileid.u32  }
0x4ec: {  	s1 =	rddreg [dreg:$0x1];
	p0 =	sne.s32 s2, $0x0  }
0x4ed: {  	s3 =	rddreg [dreg:$0x2];
	[bflag:$0x3] =	sbarrier.arrive $0xFFFF;
	s2 =	simm.s32 @!p0 $0x1C09  }
0x4ee: {  	[timem:s3], [sflag:s2] =	dma.local @!p0 [hbm:s0], s1  }
0x4ef: {  	s0 =	simm.s32 @!p0 $0x9  }
0x4f0: {  	_ =	swait.ge @!p0 [sflag:s0], s1  }
0x4f1: {  	s1 =	ssub.s32 @!p0 $0x0, s1;
	[sflag:s0] =	ssyncset.done @!p0 $0x0  }
0x4f2: {  	[sflag:s0] =	ssyncadd.s32 @!p0 s1  }
0x4f3: {  	[bflag:$0x3] =	sbarrier.arrive $0xFFFF  }
0x4f4: {  	_ =	shalt  }

</sc_bundles>
